<compile_context>
chip_gen: v7x
topology: tpu7x:2x2x1
jax: 0.10.2.dev20260603
libtpu: 0.0.44.dev20260713+nightly
codegen_flags: <defaults>
</compile_context>

<pallas_src>
import functools

import jax
import jax.numpy as jnp
from jax import lax
from jax.experimental import pallas as pl
from jax.experimental.pallas import tpu as pltpu
from jax.experimental.pallas import tpu_sc as plsc

MAX_DEG = 10
N_PER = 10000
D = 128
N = 11 * N_PER

NUM_WORKERS = 32
SPAN = 328
STRIDE = 312
NCHUNK = SPAN // 16
TAIL = SPAN - NCHUNK * 16
SPLIT = 8
SUB0 = 168
SUB1 = SPAN - SUB0


def _sc_gather_sums(atom_features, adjs, d_lo, d_hi):
    degs = list(range(d_lo, d_hi + 1))
    nrows = sum(degs)
    loff = {d: sum(range(d_lo, d)) for d in degs}
    mesh = plsc.VectorSubcoreMesh(core_axis_name="c", subcore_axis_name="s")

    @functools.partial(
        pl.kernel,
        out_type=jax.ShapeDtypeStruct((len(degs) * N_PER, D), jnp.float32),
        mesh=mesh,
        compiler_params=pltpu.CompilerParams(needs_layout_passes=False),
        scratch_types=[
            pltpu.VMEM((nrows * SPAN,), jnp.int32),
            pltpu.VMEM((SPAN, D), jnp.float32),
            pltpu.VMEM((SPAN, D), jnp.float32),
            pltpu.SemaphoreType.DMA,
            pltpu.SemaphoreType.DMA,
            pltpu.SemaphoreType.DMA,
            pltpu.SemaphoreType.DMA,
            pltpu.SemaphoreType.DMA,
            pltpu.SemaphoreType.DMA,
        ],
    )
    def body(feats_hbm, *rest):
        adj_refs = rest[:len(degs)]
        out_hbm = rest[len(degs)]
        (idx_v, acc0, acc1,
         sg0, sg1, sa0, sa1, sw0, sw1) = rest[len(degs) + 1:]
        wid = lax.axis_index("s") * 2 + lax.axis_index("c")
        base = wid * STRIDE
        accs, sgs, sas, sws = [acc0, acc1], [sg0, sg1], [sa0, sa1], [sw0, sw1]
        iota = lax.iota(jnp.int32, 16)

        def gather0(k, p):
            return pltpu.async_copy(
                feats_hbm.at[idx_v.at[pl.ds(loff[degs[k]] * SPAN, SPAN)]],
                accs[p], sgs[p])

        def transpose_half(d, nat, soff, hrows):
            off = loff[d]
            full = hrows // 16

            def chunk(v, carry):
                rows = iota + v * 16
                for j in range(d):
                    colj = jnp.full((16,), j, jnp.int32)
                    g = plsc.load_gather(nat, [rows, colj])
                    idx_v[pl.ds((off + j) * SPAN + soff + v * 16, 16)] = g
                return carry

            lax.fori_loop(0, full, chunk, 0)
            tail = hrows - full * 16
            if tail:
                mask = iota < tail
                rows = jnp.minimum(iota + full * 16, hrows - 1)
                for j in range(d):
                    colj = jnp.full((16,), j, jnp.int32)
                    g = plsc.load_gather(nat, [rows, colj], mask=mask)
                    pos = iota + ((off + j) * SPAN + soff + full * 16)
                    plsc.store_scatter(idx_v, [pos], g, mask=mask)

        def stage_and_transpose(d):
            for soff, hrows in ((0, SUB0), (SUB0, SUB1)):
                def scoped(nat):
                    pltpu.sync_copy(
                        adj_refs[d - d_lo].at[pl.ds(base + soff, hrows)],
                        nat)
                    transpose_half(d, nat, soff, hrows)

                pl.run_scoped(scoped, pltpu.VMEM((hrows, d), jnp.int32))

        stage_and_transpose(degs[0])
        g0 = {0: gather0(0, 0)}
        if len(degs) > 1:
            stage_and_transpose(degs[1])
        writes = {}
        for k, d in enumerate(degs):
            p = k % 2
            q = (k + 1) % 2
            off = loff[d]
            g0[k].wait()
            if k + 1 < len(degs):
                if k >= 1:
                    writes[k - 1].wait()
                g0[k + 1] = gather0(k + 1, q)
            adds = [
                pltpu.async_copy(
                    feats_hbm.at[idx_v.at[pl.ds((off + j) * SPAN, SPAN)]],
                    accs[p], sas[p], add=True)
                for j in range(1, d)
            ]
            if k + 2 < len(degs):
                stage_and_transpose(degs[k + 2])
            for a in adds:
                a.wait()
            writes[k] = pltpu.async_copy(
                accs[p], out_hbm.at[pl.ds(k * N_PER + base, SPAN)],
                sws[p])
        if len(degs) >= 2:
            writes[len(degs) - 2].wait()
        writes[len(degs) - 1].wait()

    return body(atom_features, *adjs)


BR = 2000
RB = N_PER // BR


def _tc_bucket0(atom_features, W, b):
    b3 = b.reshape(b.shape[0], 1, D)
    w0 = 2 * MAX_DEG

    def body(feat_ref, w_ref, b_ref, out_ref):
        out_ref[...] = (
            jnp.dot(feat_ref[...], w_ref[0],
                    preferred_element_type=jnp.float32)
            + b_ref[0]
        )

    return pl.pallas_call(
        body,
        grid=(RB,),
        in_specs=[
            pl.BlockSpec((BR, D), lambda r: (r, 0)),
            pl.BlockSpec((1, D, D), lambda r: (w0, 0, 0)),
            pl.BlockSpec((1, 1, D), lambda r: (w0, 0, 0)),
        ],
        out_specs=pl.BlockSpec((BR, D), lambda r: (r, 0)),
        out_shape=jax.ShapeDtypeStruct((N, D), jnp.float32),
    )(atom_features, W, b3)


def _tc_combine(prev, atom_features, rel_sums, W, b, d_lo, d_hi):
    b3 = b.reshape(b.shape[0], 1, D)
    nb = d_hi - d_lo + 1

    def body(prev_ref, feat_ref, sums_ref, wself_ref, wrel_ref, bself_ref,
             brel_ref, out_ref):
        d = pl.program_id(0) + d_lo
        inv = 1.0 / d.astype(jnp.float32)
        out_ref[...] = (
            jnp.dot(feat_ref[...], wself_ref[0],
                    preferred_element_type=jnp.float32)
            + jnp.dot(sums_ref[...], wrel_ref[0],
                      preferred_element_type=jnp.float32) * inv
            + bself_ref[0] + brel_ref[0]
        )

    return pl.pallas_call(
        body,
        grid=(nb, RB),
        in_specs=[
            pl.BlockSpec(memory_space=pltpu.MemorySpace.HBM),
            pl.BlockSpec((BR, D), lambda i, r: ((d_lo + i) * RB + r, 0)),
            pl.BlockSpec((BR, D), lambda i, r: (i * RB + r, 0)),
            pl.BlockSpec((1, D, D), lambda i, r: (2 * (d_lo + i) - 1, 0, 0)),
            pl.BlockSpec((1, D, D), lambda i, r: (2 * (d_lo + i) - 2, 0, 0)),
            pl.BlockSpec((1, 1, D), lambda i, r: (2 * (d_lo + i) - 1, 0, 0)),
            pl.BlockSpec((1, 1, D), lambda i, r: (2 * (d_lo + i) - 2, 0, 0)),
        ],
        out_specs=pl.BlockSpec((BR, D), lambda i, r: ((d_lo + i) * RB + r, 0)),
        out_shape=jax.ShapeDtypeStruct((N, D), jnp.float32),
        input_output_aliases={0: 0},
    )(prev, atom_features, rel_sums, W, W, b3, b3)


def kernel(atom_features, deg_slice, membership, deg_adj_1, deg_adj_2,
           deg_adj_3, deg_adj_4, deg_adj_5, deg_adj_6, deg_adj_7, deg_adj_8,
           deg_adj_9, deg_adj_10, W, b):
    adjs = [deg_adj_1, deg_adj_2, deg_adj_3, deg_adj_4, deg_adj_5, deg_adj_6,
            deg_adj_7, deg_adj_8, deg_adj_9, deg_adj_10]
    sums_lo = _sc_gather_sums(atom_features, adjs[:SPLIT - 1], 1, SPLIT - 1)
    sums_hi = _sc_gather_sums(atom_features, adjs[SPLIT - 1:], SPLIT, MAX_DEG)
    buf = _tc_bucket0(atom_features, W, b)
    buf = _tc_combine(buf, atom_features, sums_lo, W, b, 1, SPLIT - 1)
    buf = _tc_combine(buf, atom_features, sums_hi, W, b, SPLIT, MAX_DEG)
    return buf

# --- scband reference (transcript-rebuilt; emitter-appended) ---
"""Pipeline reference for scband-graph-conv-87411174408939 (READ-ONLY COPY).

The authoritative reference and input builder live on the scoring server;
editing this copy changes nothing except your own understanding.
"""

import jax, jax.numpy as jnp
import numpy as np

MAX_DEG = 10
N_PER = 10000
D = 128
OUT = 128
N = 11 * N_PER
NUM_DEG = 2 * MAX_DEG + 1


def setup_inputs(seed: int = 0) -> dict:
    key = jax.random.key(seed)
    ks = jax.random.split(key, 16)
    atom_features = jax.random.normal(ks[0], (N, D), dtype=jnp.float32)
    starts = jnp.arange(11, dtype=jnp.int32) * N_PER
    counts = jnp.full((11,), N_PER, dtype=jnp.int32)
    deg_slice = jnp.stack([starts, counts], axis=1)
    membership = jax.random.randint(ks[1], (N,), 0, 11)
    inp = {"atom_features": atom_features, "deg_slice": deg_slice, "membership": membership}
    for d in range(1, MAX_DEG + 1):
        inp["deg_adj_%d" % d] = jax.random.randint(ks[1 + d], (N_PER, d), 0, N)
    inp["W"] = jax.random.normal(ks[12], (NUM_DEG, D, OUT), dtype=jnp.float32) * 0.05
    inp["b"] = jnp.zeros((NUM_DEG, OUT), dtype=jnp.float32)
    return inp


def reference(atom_features, deg_slice, membership, deg_adj_1, deg_adj_2, deg_adj_3, deg_adj_4, deg_adj_5, deg_adj_6, deg_adj_7, deg_adj_8, deg_adj_9, deg_adj_10, W, b):
    adj = [deg_adj_1, deg_adj_2, deg_adj_3, deg_adj_4, deg_adj_5, deg_adj_6, deg_adj_7, deg_adj_8, deg_adj_9, deg_adj_10]
    # nodes are laid out sorted by degree: bucket i holds the N_PER nodes of degree i
    split_features = [atom_features[i * N_PER:(i + 1) * N_PER] for i in range(11)]
    new_rel_atoms_collection = [None] * (MAX_DEG + 1)
    w = 0
    for deg in range(1, MAX_DEG + 1):
        # sum_neigh: gather neighbor features for this degree bucket and average
        gathered_atoms = jnp.take(atom_features, adj[deg - 1], axis=0)  # [N_PER, deg, D]
        rel_atoms = jnp.mean(gathered_atoms, axis=1)  # [N_PER, D]
        self_atoms = split_features[deg]
        rel_out = jnp.matmul(rel_atoms, W[w]) + b[w]
        w += 1
        self_out = jnp.matmul(self_atoms, W[w]) + b[w]
        w += 1
        new_rel_atoms_collection[deg] = rel_out + self_out
    # min_degree == 0: degree-0 nodes get only the self transform
    self_atoms0 = split_features[0]
    new_rel_atoms_collection[0] = jnp.matmul(self_atoms0, W[w]) + b[w]
    out = jnp.concatenate(new_rel_atoms_collection, axis=0)
    # activation_fn is None -> identity
    return out

if __name__ == "__main__":
    import jax
    _d = setup_inputs()
    print(jax.jit(kernel)(*tuple(_d.values())))

</pallas_src>

<mosaic_0001>
#map = affine_map<(d0, d1) -> (0, 0)>
module attributes {stable_mosaic.version = 14 : i64} {
  func.func @body(%arg0: i32, %arg1: i32, %arg2: memref<110000x128xf32, #tpu.memory_space<hbm>>, %arg3: memref<10000x1xi32, #tpu.memory_space<hbm>>, %arg4: memref<10000x2xi32, #tpu.memory_space<hbm>>, %arg5: memref<10000x3xi32, #tpu.memory_space<hbm>>, %arg6: memref<10000x4xi32, #tpu.memory_space<hbm>>, %arg7: memref<10000x5xi32, #tpu.memory_space<hbm>>, %arg8: memref<10000x6xi32, #tpu.memory_space<hbm>>, %arg9: memref<10000x7xi32, #tpu.memory_space<hbm>>, %arg10: memref<70000x128xf32, #tpu.memory_space<hbm>>, %arg11: memref<9184xi32, #tpu.memory_space<vmem>>, %arg12: memref<328x128xf32, #tpu.memory_space<vmem>>, %arg13: memref<328x128xf32, #tpu.memory_space<vmem>>, %arg14: memref<!tpu.dma_semaphore, #tpu.memory_space<semaphore_mem>>, %arg15: memref<!tpu.dma_semaphore, #tpu.memory_space<semaphore_mem>>, %arg16: memref<!tpu.dma_semaphore, #tpu.memory_space<semaphore_mem>>, %arg17: memref<!tpu.dma_semaphore, #tpu.memory_space<semaphore_mem>>, %arg18: memref<!tpu.dma_semaphore, #tpu.memory_space<semaphore_mem>>, %arg19: memref<!tpu.dma_semaphore, #tpu.memory_space<semaphore_mem>>) attributes {dimension_semantics = [#tpu.dimension_semantics<core_parallel>, #tpu.dimension_semantics<subcore_parallel>], iteration_bounds = array<i64: 2, 16>, scalar_prefetch = 0 : i64, scratch_operands = 9 : i64, tpu.core_type = #tpu.core_type<sc_vector_subcore>, window_params = [{transform_indices = #map}, {transform_indices = #map}, {transform_indices = #map}, {transform_indices = #map}, {transform_indices = #map}, {transform_indices = #map}, {transform_indices = #map}, {transform_indices = #map}, {transform_indices = #map}]} {
    %mul3A = arith.constant 2 : i32
    %mul3A_0 = arith.muli %arg1, %mul3A : i32
    %add3A = arith.addi %mul3A_0, %arg0 : i32
    %mul3A_1 = arith.constant 312 : i32
    %mul3A_2 = arith.muli %add3A, %mul3A_1 : i32
    %iota3A = tpu.iota {dimensions = array<i32: 0>} : vector<16xi32>
    "tpu.region"() ({
      %run_scoped3A = memref.alloca() : memref<168x1xi32, #tpu.memory_space<vmem>>
      %add3A_351 = arith.constant 0 : i32
      %add3A_352 = arith.addi %mul3A_2, %add3A_351 : i32
      "tpu.region"() ({
        %run_scoped3A_369 = tpu.sem_alloc : memref<!tpu.dma_semaphore, #tpu.memory_space<semaphore_mem>>
        %dma_start3A_370 = arith.constant 0 : i32
        %dma_start3A_371 = tpu.memref_slice %arg3[%add3A_352, %dma_start3A_370] : memref<10000x1xi32, #tpu.memory_space<hbm>> -> memref<168x1xi32, #tpu.memory_space<hbm>>
        %dma_start3A_372 = arith.constant 0 : i32
        %dma_start3A_373 = tpu.memref_slice %arg3[%add3A_352, %dma_start3A_372] : memref<10000x1xi32, #tpu.memory_space<hbm>> -> memref<168x1xi32, #tpu.memory_space<hbm>>
        tpu.enqueue_dma source(%dma_start3A_373 : memref<168x1xi32, #tpu.memory_space<hbm>>) target(%run_scoped3A : memref<168x1xi32, #tpu.memory_space<vmem>>) target_semaphore(%run_scoped3A_369 : memref<!tpu.dma_semaphore, #tpu.memory_space<semaphore_mem>>)
        %dma_wait3A_374 = arith.constant 0 : i32
        %dma_wait3A_375 = tpu.memref_slice %arg3[%add3A_352, %dma_wait3A_374] : memref<10000x1xi32, #tpu.memory_space<hbm>> -> memref<168x1xi32, #tpu.memory_space<hbm>>
        %dma_wait3A_376 = arith.constant 0 : i32
        %dma_wait3A_377 = tpu.memref_slice %arg3[%add3A_352, %dma_wait3A_376] : memref<10000x1xi32, #tpu.memory_space<hbm>> -> memref<168x1xi32, #tpu.memory_space<hbm>>
        tpu.wait_dma2 semaphore(%run_scoped3A_369 : memref<!tpu.dma_semaphore, #tpu.memory_space<semaphore_mem>>) src(%dma_wait3A_377 : memref<168x1xi32, #tpu.memory_space<hbm>>) dst(%run_scoped3A : memref<168x1xi32, #tpu.memory_space<vmem>>)
        tpu.yield
      }) : () -> ()
      %scan3A = arith.constant 0 : i32
      %scan3A_353 = arith.constant 0 : i32
      %scan3A_354 = arith.constant 10 : i32
      %scan3A_355 = arith.addi %scan3A_353, %scan3A_354 : i32
      %scan3A_356 = arith.constant 1 : i32
      scf.for %scan3A_369 = %scan3A_353 to %scan3A_355 step %scan3A_356  : i32 {
        %mul3A_370 = arith.constant 16 : i32
        %mul3A_371 = arith.muli %scan3A_369, %mul3A_370 : i32
        %add3A_372 = vector.broadcast %mul3A_371 : i32 to vector<16xi32>
        %add3A_373 = arith.addi %iota3A, %add3A_372 : vector<16xi32>
        %broadcast_in_dim3A_374 = arith.constant 0 : i32
        %broadcast_in_dim3A_375 = vector.broadcast %broadcast_in_dim3A_374 : i32 to vector<16xi32>
        %gather3A_376 = tpu.vector_load_idx %run_scoped3A[%add3A_373, %broadcast_in_dim3A_375] : memref<168x1xi32, #tpu.memory_space<vmem>>[vector<16xi32>, vector<16xi32>], vector<16xi32>,
        %mul3A_377 = arith.constant 16 : i32
        %mul3A_378 = arith.muli %scan3A_369, %mul3A_377 : i32
        %add3A_379 = arith.constant 0 : i32
        %add3A_380 = arith.addi %add3A_379, %mul3A_378 : i32
        %swap3A = arith.index_cast %add3A_380 : i32 to index
        %swap3A_381 = tpu.vector_load %arg11[%swap3A] {strides = array<i32>} : memref<9184xi32, #tpu.memory_space<vmem>>, vector<16xi32>,
        tpu.vector_store %arg11[%swap3A], %gather3A_376 {strides = array<i32>} : memref<9184xi32, #tpu.memory_space<vmem>>, vector<16xi32>,
      }
      %scan3A_357 = arith.constant 10 : i32
      %lt3A = arith.constant 8 : i32
      %lt3A_358 = vector.broadcast %lt3A : i32 to vector<16xi32>
      %lt3A_359 = arith.cmpi slt, %iota3A, %lt3A_358 : vector<16xi32>
      %add3A_360 = arith.constant 160 : i32
      %add3A_361 = vector.broadcast %add3A_360 : i32 to vector<16xi32>
      %add3A_362 = arith.addi %iota3A, %add3A_361 : vector<16xi32>
      %min3A = arith.constant 167 : i32
      %min3A_363 = vector.broadcast %min3A : i32 to vector<16xi32>
      %min3A_364 = arith.minsi %add3A_362, %min3A_363 : vector<16xi32>
      %broadcast_in_dim3A = arith.constant 0 : i32
      %broadcast_in_dim3A_365 = vector.broadcast %broadcast_in_dim3A : i32 to vector<16xi32>
      %gather3A = tpu.vector_load_idx %run_scoped3A[%min3A_364, %broadcast_in_dim3A_365] masked %lt3A_359 : memref<168x1xi32, #tpu.memory_space<vmem>>[vector<16xi32>, vector<16xi32>], vector<16xi32>, vector<16xi1>
      %add3A_366 = arith.constant 160 : i32
      %add3A_367 = vector.broadcast %add3A_366 : i32 to vector<16xi32>
      %add3A_368 = arith.addi %iota3A, %add3A_367 : vector<16xi32>
      tpu.vector_store_idx %arg11[%add3A_368], %gather3A masked %lt3A_359 : memref<9184xi32, #tpu.memory_space<vmem>>[vector<16xi32>], vector<16xi32>, vector<16xi1>
      tpu.yield
    }) : () -> ()
    "tpu.region"() ({
      %run_scoped3A = memref.alloca() : memref<160x1xi32, #tpu.memory_space<vmem>>
      %add3A_351 = arith.constant 168 : i32
      %add3A_352 = arith.addi %mul3A_2, %add3A_351 : i32
      "tpu.region"() ({
        %run_scoped3A_358 = tpu.sem_alloc : memref<!tpu.dma_semaphore, #tpu.memory_space<semaphore_mem>>
        %dma_start3A_359 = arith.constant 0 : i32
        %dma_start3A_360 = tpu.memref_slice %arg3[%add3A_352, %dma_start3A_359] : memref<10000x1xi32, #tpu.memory_space<hbm>> -> memref<160x1xi32, #tpu.memory_space<hbm>>
        %dma_start3A_361 = arith.constant 0 : i32
        %dma_start3A_362 = tpu.memref_slice %arg3[%add3A_352, %dma_start3A_361] : memref<10000x1xi32, #tpu.memory_space<hbm>> -> memref<160x1xi32, #tpu.memory_space<hbm>>
        tpu.enqueue_dma source(%dma_start3A_362 : memref<160x1xi32, #tpu.memory_space<hbm>>) target(%run_scoped3A : memref<160x1xi32, #tpu.memory_space<vmem>>) target_semaphore(%run_scoped3A_358 : memref<!tpu.dma_semaphore, #tpu.memory_space<semaphore_mem>>)
        %dma_wait3A_363 = arith.constant 0 : i32
        %dma_wait3A_364 = tpu.memref_slice %arg3[%add3A_352, %dma_wait3A_363] : memref<10000x1xi32, #tpu.memory_space<hbm>> -> memref<160x1xi32, #tpu.memory_space<hbm>>
        %dma_wait3A_365 = arith.constant 0 : i32
        %dma_wait3A_366 = tpu.memref_slice %arg3[%add3A_352, %dma_wait3A_365] : memref<10000x1xi32, #tpu.memory_space<hbm>> -> memref<160x1xi32, #tpu.memory_space<hbm>>
        tpu.wait_dma2 semaphore(%run_scoped3A_358 : memref<!tpu.dma_semaphore, #tpu.memory_space<semaphore_mem>>) src(%dma_wait3A_366 : memref<160x1xi32, #tpu.memory_space<hbm>>) dst(%run_scoped3A : memref<160x1xi32, #tpu.memory_space<vmem>>)
        tpu.yield
      }) : () -> ()
      %scan3A = arith.constant 0 : i32
      %scan3A_353 = arith.constant 0 : i32
      %scan3A_354 = arith.constant 10 : i32
      %scan3A_355 = arith.addi %scan3A_353, %scan3A_354 : i32
      %scan3A_356 = arith.constant 1 : i32
      scf.for %scan3A_358 = %scan3A_353 to %scan3A_355 step %scan3A_356  : i32 {
        %mul3A_359 = arith.constant 16 : i32
        %mul3A_360 = arith.muli %scan3A_358, %mul3A_359 : i32
        %add3A_361 = vector.broadcast %mul3A_360 : i32 to vector<16xi32>
        %add3A_362 = arith.addi %iota3A, %add3A_361 : vector<16xi32>
        %broadcast_in_dim3A = arith.constant 0 : i32
        %broadcast_in_dim3A_363 = vector.broadcast %broadcast_in_dim3A : i32 to vector<16xi32>
        %gather3A = tpu.vector_load_idx %run_scoped3A[%add3A_362, %broadcast_in_dim3A_363] : memref<160x1xi32, #tpu.memory_space<vmem>>[vector<16xi32>, vector<16xi32>], vector<16xi32>,
        %mul3A_364 = arith.constant 16 : i32
        %mul3A_365 = arith.muli %scan3A_358, %mul3A_364 : i32
        %add3A_366 = arith.constant 168 : i32
        %add3A_367 = arith.addi %add3A_366, %mul3A_365 : i32
        %swap3A = arith.index_cast %add3A_367 : i32 to index
        %swap3A_368 = tpu.vector_load %arg11[%swap3A] {strides = array<i32>} : memref<9184xi32, #tpu.memory_space<vmem>>, vector<16xi32>,
        tpu.vector_store %arg11[%swap3A], %gather3A {strides = array<i32>} : memref<9184xi32, #tpu.memory_space<vmem>>, vector<16xi32>,
      }
      %scan3A_357 = arith.constant 10 : i32
      tpu.yield
    }) : () -> ()
    %dma_start3A = arith.constant 0 : i32
    %dma_start3A_3 = tpu.memref_slice %arg11[%dma_start3A] : memref<9184xi32, #tpu.memory_space<vmem>> -> memref<328xi32, #tpu.memory_space<vmem>>
    %dma_start3A_4 = arith.constant 0 : i32
    %dma_start3A_5 = arith.constant 0 : i32
    %dma_start3A_6 = tpu.memref_slice %arg2[%dma_start3A_4, %dma_start3A_5] : memref<110000x128xf32, #tpu.memory_space<hbm>> -> memref<110000x128xf32, #tpu.memory_space<hbm>>
    tpu.enqueue_indirect_dma source(%dma_start3A_6 : memref<110000x128xf32, #tpu.memory_space<hbm>>) target(%arg12 : memref<328x128xf32, #tpu.memory_space<vmem>>) offsets(%dma_start3A_3 : memref<328xi32, #tpu.memory_space<vmem>>) semaphore(%arg14 : memref<!tpu.dma_semaphore, #tpu.memory_space<semaphore_mem>>)
    "tpu.region"() ({
      %run_scoped3A = memref.alloca() : memref<168x2xi32, #tpu.memory_space<vmem>>
      %add3A_351 = arith.constant 0 : i32
      %add3A_352 = arith.addi %mul3A_2, %add3A_351 : i32
      "tpu.region"() ({
        %run_scoped3A_375 = tpu.sem_alloc : memref<!tpu.dma_semaphore, #tpu.memory_space<semaphore_mem>>
        %dma_start3A_376 = arith.constant 0 : i32
        %dma_start3A_377 = tpu.memref_slice %arg4[%add3A_352, %dma_start3A_376] : memref<10000x2xi32, #tpu.memory_space<hbm>> -> memref<168x2xi32, #tpu.memory_space<hbm>>
        %dma_start3A_378 = arith.constant 0 : i32
        %dma_start3A_379 = tpu.memref_slice %arg4[%add3A_352, %dma_start3A_378] : memref<10000x2xi32, #tpu.memory_space<hbm>> -> memref<168x2xi32, #tpu.memory_space<hbm>>
        tpu.enqueue_dma source(%dma_start3A_379 : memref<168x2xi32, #tpu.memory_space<hbm>>) target(%run_scoped3A : memref<168x2xi32, #tpu.memory_space<vmem>>) target_semaphore(%run_scoped3A_375 : memref<!tpu.dma_semaphore, #tpu.memory_space<semaphore_mem>>)
        %dma_wait3A_380 = arith.constant 0 : i32
        %dma_wait3A_381 = tpu.memref_slice %arg4[%add3A_352, %dma_wait3A_380] : memref<10000x2xi32, #tpu.memory_space<hbm>> -> memref<168x2xi32, #tpu.memory_space<hbm>>
        %dma_wait3A_382 = arith.constant 0 : i32
        %dma_wait3A_383 = tpu.memref_slice %arg4[%add3A_352, %dma_wait3A_382] : memref<10000x2xi32, #tpu.memory_space<hbm>> -> memref<168x2xi32, #tpu.memory_space<hbm>>
        tpu.wait_dma2 semaphore(%run_scoped3A_375 : memref<!tpu.dma_semaphore, #tpu.memory_space<semaphore_mem>>) src(%dma_wait3A_383 : memref<168x2xi32, #tpu.memory_space<hbm>>) dst(%run_scoped3A : memref<168x2xi32, #tpu.memory_space<vmem>>)
        tpu.yield
      }) : () -> ()
      %scan3A = arith.constant 0 : i32
      %scan3A_353 = arith.constant 0 : i32
      %scan3A_354 = arith.constant 10 : i32
      %scan3A_355 = arith.addi %scan3A_353, %scan3A_354 : i32
      %scan3A_356 = arith.constant 1 : i32
      scf.for %scan3A_375 = %scan3A_353 to %scan3A_355 step %scan3A_356  : i32 {
        %mul3A_376 = arith.constant 16 : i32
        %mul3A_377 = arith.muli %scan3A_375, %mul3A_376 : i32
        %add3A_378 = vector.broadcast %mul3A_377 : i32 to vector<16xi32>
        %add3A_379 = arith.addi %iota3A, %add3A_378 : vector<16xi32>
        %broadcast_in_dim3A_380 = arith.constant 0 : i32
        %broadcast_in_dim3A_381 = vector.broadcast %broadcast_in_dim3A_380 : i32 to vector<16xi32>
        %gather3A_382 = tpu.vector_load_idx %run_scoped3A[%add3A_379, %broadcast_in_dim3A_381] : memref<168x2xi32, #tpu.memory_space<vmem>>[vector<16xi32>, vector<16xi32>], vector<16xi32>,
        %mul3A_383 = arith.constant 16 : i32
        %mul3A_384 = arith.muli %scan3A_375, %mul3A_383 : i32
        %add3A_385 = arith.constant 328 : i32
        %add3A_386 = arith.addi %add3A_385, %mul3A_384 : i32
        %swap3A = arith.index_cast %add3A_386 : i32 to index
        %swap3A_387 = tpu.vector_load %arg11[%swap3A] {strides = array<i32>} : memref<9184xi32, #tpu.memory_space<vmem>>, vector<16xi32>,
        tpu.vector_store %arg11[%swap3A], %gather3A_382 {strides = array<i32>} : memref<9184xi32, #tpu.memory_space<vmem>>, vector<16xi32>,
        %broadcast_in_dim3A_388 = arith.constant 1 : i32
        %broadcast_in_dim3A_389 = vector.broadcast %broadcast_in_dim3A_388 : i32 to vector<16xi32>
        %gather3A_390 = tpu.vector_load_idx %run_scoped3A[%add3A_379, %broadcast_in_dim3A_389] : memref<168x2xi32, #tpu.memory_space<vmem>>[vector<16xi32>, vector<16xi32>], vector<16xi32>,
        %mul3A_391 = arith.constant 16 : i32
        %mul3A_392 = arith.muli %scan3A_375, %mul3A_391 : i32
        %add3A_393 = arith.constant 656 : i32
        %add3A_394 = arith.addi %add3A_393, %mul3A_392 : i32
        %swap3A_395 = arith.index_cast %add3A_394 : i32 to index
        %swap3A_396 = tpu.vector_load %arg11[%swap3A_395] {strides = array<i32>} : memref<9184xi32, #tpu.memory_space<vmem>>, vector<16xi32>,
        tpu.vector_store %arg11[%swap3A_395], %gather3A_390 {strides = array<i32>} : memref<9184xi32, #tpu.memory_space<vmem>>, vector<16xi32>,
      }
      %scan3A_357 = arith.constant 10 : i32
      %lt3A = arith.constant 8 : i32
      %lt3A_358 = vector.broadcast %lt3A : i32 to vector<16xi32>
      %lt3A_359 = arith.cmpi slt, %iota3A, %lt3A_358 : vector<16xi32>
      %add3A_360 = arith.constant 160 : i32
      %add3A_361 = vector.broadcast %add3A_360 : i32 to vector<16xi32>
      %add3A_362 = arith.addi %iota3A, %add3A_361 : vector<16xi32>
      %min3A = arith.constant 167 : i32
      %min3A_363 = vector.broadcast %min3A : i32 to vector<16xi32>
      %min3A_364 = arith.minsi %add3A_362, %min3A_363 : vector<16xi32>
      %broadcast_in_dim3A = arith.constant 0 : i32
      %broadcast_in_dim3A_365 = vector.broadcast %broadcast_in_dim3A : i32 to vector<16xi32>
      %gather3A = tpu.vector_load_idx %run_scoped3A[%min3A_364, %broadcast_in_dim3A_365] masked %lt3A_359 : memref<168x2xi32, #tpu.memory_space<vmem>>[vector<16xi32>, vector<16xi32>], vector<16xi32>, vector<16xi1>
      %add3A_366 = arith.constant 488 : i32
      %add3A_367 = vector.broadcast %add3A_366 : i32 to vector<16xi32>
      %add3A_368 = arith.addi %iota3A, %add3A_367 : vector<16xi32>
      tpu.vector_store_idx %arg11[%add3A_368], %gather3A masked %lt3A_359 : memref<9184xi32, #tpu.memory_space<vmem>>[vector<16xi32>], vector<16xi32>, vector<16xi1>
      %broadcast_in_dim3A_369 = arith.constant 1 : i32
      %broadcast_in_dim3A_370 = vector.broadcast %broadcast_in_dim3A_369 : i32 to vector<16xi32>
      %gather3A_371 = tpu.vector_load_idx %run_scoped3A[%min3A_364, %broadcast_in_dim3A_370] masked %lt3A_359 : memref<168x2xi32, #tpu.memory_space<vmem>>[vector<16xi32>, vector<16xi32>], vector<16xi32>, vector<16xi1>
      %add3A_372 = arith.constant 816 : i32
      %add3A_373 = vector.broadcast %add3A_372 : i32 to vector<16xi32>
      %add3A_374 = arith.addi %iota3A, %add3A_373 : vector<16xi32>
      tpu.vector_store_idx %arg11[%add3A_374], %gather3A_371 masked %lt3A_359 : memref<9184xi32, #tpu.memory_space<vmem>>[vector<16xi32>], vector<16xi32>, vector<16xi1>
      tpu.yield
    }) : () -> ()
    "tpu.region"() ({
      %run_scoped3A = memref.alloca() : memref<160x2xi32, #tpu.memory_space<vmem>>
      %add3A_351 = arith.constant 168 : i32
      %add3A_352 = arith.addi %mul3A_2, %add3A_351 : i32
      "tpu.region"() ({
        %run_scoped3A_358 = tpu.sem_alloc : memref<!tpu.dma_semaphore, #tpu.memory_space<semaphore_mem>>
        %dma_start3A_359 = arith.constant 0 : i32
        %dma_start3A_360 = tpu.memref_slice %arg4[%add3A_352, %dma_start3A_359] : memref<10000x2xi32, #tpu.memory_space<hbm>> -> memref<160x2xi32, #tpu.memory_space<hbm>>
        %dma_start3A_361 = arith.constant 0 : i32
        %dma_start3A_362 = tpu.memref_slice %arg4[%add3A_352, %dma_start3A_361] : memref<10000x2xi32, #tpu.memory_space<hbm>> -> memref<160x2xi32, #tpu.memory_space<hbm>>
        tpu.enqueue_dma source(%dma_start3A_362 : memref<160x2xi32, #tpu.memory_space<hbm>>) target(%run_scoped3A : memref<160x2xi32, #tpu.memory_space<vmem>>) target_semaphore(%run_scoped3A_358 : memref<!tpu.dma_semaphore, #tpu.memory_space<semaphore_mem>>)
        %dma_wait3A_363 = arith.constant 0 : i32
        %dma_wait3A_364 = tpu.memref_slice %arg4[%add3A_352, %dma_wait3A_363] : memref<10000x2xi32, #tpu.memory_space<hbm>> -> memref<160x2xi32, #tpu.memory_space<hbm>>
        %dma_wait3A_365 = arith.constant 0 : i32
        %dma_wait3A_366 = tpu.memref_slice %arg4[%add3A_352, %dma_wait3A_365] : memref<10000x2xi32, #tpu.memory_space<hbm>> -> memref<160x2xi32, #tpu.memory_space<hbm>>
        tpu.wait_dma2 semaphore(%run_scoped3A_358 : memref<!tpu.dma_semaphore, #tpu.memory_space<semaphore_mem>>) src(%dma_wait3A_366 : memref<160x2xi32, #tpu.memory_space<hbm>>) dst(%run_scoped3A : memref<160x2xi32, #tpu.memory_space<vmem>>)
        tpu.yield
      }) : () -> ()
      %scan3A = arith.constant 0 : i32
      %scan3A_353 = arith.constant 0 : i32
      %scan3A_354 = arith.constant 10 : i32
      %scan3A_355 = arith.addi %scan3A_353, %scan3A_354 : i32
      %scan3A_356 = arith.constant 1 : i32
      scf.for %scan3A_358 = %scan3A_353 to %scan3A_355 step %scan3A_356  : i32 {
        %mul3A_359 = arith.constant 16 : i32
        %mul3A_360 = arith.muli %scan3A_358, %mul3A_359 : i32
        %add3A_361 = vector.broadcast %mul3A_360 : i32 to vector<16xi32>
        %add3A_362 = arith.addi %iota3A, %add3A_361 : vector<16xi32>
        %broadcast_in_dim3A = arith.constant 0 : i32
        %broadcast_in_dim3A_363 = vector.broadcast %broadcast_in_dim3A : i32 to vector<16xi32>
        %gather3A = tpu.vector_load_idx %run_scoped3A[%add3A_362, %broadcast_in_dim3A_363] : memref<160x2xi32, #tpu.memory_space<vmem>>[vector<16xi32>, vector<16xi32>], vector<16xi32>,
        %mul3A_364 = arith.constant 16 : i32
        %mul3A_365 = arith.muli %scan3A_358, %mul3A_364 : i32
        %add3A_366 = arith.constant 496 : i32
        %add3A_367 = arith.addi %add3A_366, %mul3A_365 : i32
        %swap3A = arith.index_cast %add3A_367 : i32 to index
        %swap3A_368 = tpu.vector_load %arg11[%swap3A] {strides = array<i32>} : memref<9184xi32, #tpu.memory_space<vmem>>, vector<16xi32>,
        tpu.vector_store %arg11[%swap3A], %gather3A {strides = array<i32>} : memref<9184xi32, #tpu.memory_space<vmem>>, vector<16xi32>,
        %broadcast_in_dim3A_369 = arith.constant 1 : i32
        %broadcast_in_dim3A_370 = vector.broadcast %broadcast_in_dim3A_369 : i32 to vector<16xi32>
        %gather3A_371 = tpu.vector_load_idx %run_scoped3A[%add3A_362, %broadcast_in_dim3A_370] : memref<160x2xi32, #tpu.memory_space<vmem>>[vector<16xi32>, vector<16xi32>], vector<16xi32>,
        %mul3A_372 = arith.constant 16 : i32
        %mul3A_373 = arith.muli %scan3A_358, %mul3A_372 : i32
        %add3A_374 = arith.constant 824 : i32
        %add3A_375 = arith.addi %add3A_374, %mul3A_373 : i32
        %swap3A_376 = arith.index_cast %add3A_375 : i32 to index
        %swap3A_377 = tpu.vector_load %arg11[%swap3A_376] {strides = array<i32>} : memref<9184xi32, #tpu.memory_space<vmem>>, vector<16xi32>,
        tpu.vector_store %arg11[%swap3A_376], %gather3A_371 {strides = array<i32>} : memref<9184xi32, #tpu.memory_space<vmem>>, vector<16xi32>,
      }
      %scan3A_357 = arith.constant 10 : i32
      tpu.yield
    }) : () -> ()
    %dma_wait3A = arith.constant 0 : i32
    %dma_wait3A_7 = tpu.memref_slice %arg11[%dma_wait3A] : memref<9184xi32, #tpu.memory_space<vmem>> -> memref<328xi32, #tpu.memory_space<vmem>>
    %dma_wait3A_8 = arith.constant 0 : i32
    %dma_wait3A_9 = arith.constant 0 : i32
    %dma_wait3A_10 = tpu.memref_slice %arg2[%dma_wait3A_8, %dma_wait3A_9] : memref<110000x128xf32, #tpu.memory_space<hbm>> -> memref<110000x128xf32, #tpu.memory_space<hbm>>
    tpu.wait_indirect_dma semaphore(%arg14 : memref<!tpu.dma_semaphore, #tpu.memory_space<semaphore_mem>>) src(%dma_wait3A_10 : memref<110000x128xf32, #tpu.memory_space<hbm>>) dst(%arg12 : memref<328x128xf32, #tpu.memory_space<vmem>>)
    %dma_start3A_11 = arith.constant 328 : i32
    %dma_start3A_12 = tpu.memref_slice %arg11[%dma_start3A_11] : memref<9184xi32, #tpu.memory_space<vmem>> -> memref<328xi32, #tpu.memory_space<vmem>>
    %dma_start3A_13 = arith.constant 0 : i32
    %dma_start3A_14 = arith.constant 0 : i32
    %dma_start3A_15 = tpu.memref_slice %arg2[%dma_start3A_13, %dma_start3A_14] : memref<110000x128xf32, #tpu.memory_space<hbm>> -> memref<110000x128xf32, #tpu.memory_space<hbm>>
    tpu.enqueue_indirect_dma source(%dma_start3A_15 : memref<110000x128xf32, #tpu.memory_space<hbm>>) target(%arg13 : memref<328x128xf32, #tpu.memory_space<vmem>>) offsets(%dma_start3A_12 : memref<328xi32, #tpu.memory_space<vmem>>) semaphore(%arg15 : memref<!tpu.dma_semaphore, #tpu.memory_space<semaphore_mem>>)
    "tpu.region"() ({
      %run_scoped3A = memref.alloca() : memref<168x3xi32, #tpu.memory_space<vmem>>
      %add3A_351 = arith.constant 0 : i32
      %add3A_352 = arith.addi %mul3A_2, %add3A_351 : i32
      "tpu.region"() ({
        %run_scoped3A_381 = tpu.sem_alloc : memref<!tpu.dma_semaphore, #tpu.memory_space<semaphore_mem>>
        %dma_start3A_382 = arith.constant 0 : i32
        %dma_start3A_383 = tpu.memref_slice %arg5[%add3A_352, %dma_start3A_382] : memref<10000x3xi32, #tpu.memory_space<hbm>> -> memref<168x3xi32, #tpu.memory_space<hbm>>
        %dma_start3A_384 = arith.constant 0 : i32
        %dma_start3A_385 = tpu.memref_slice %arg5[%add3A_352, %dma_start3A_384] : memref<10000x3xi32, #tpu.memory_space<hbm>> -> memref<168x3xi32, #tpu.memory_space<hbm>>
        tpu.enqueue_dma source(%dma_start3A_385 : memref<168x3xi32, #tpu.memory_space<hbm>>) target(%run_scoped3A : memref<168x3xi32, #tpu.memory_space<vmem>>) target_semaphore(%run_scoped3A_381 : memref<!tpu.dma_semaphore, #tpu.memory_space<semaphore_mem>>)
        %dma_wait3A_386 = arith.constant 0 : i32
        %dma_wait3A_387 = tpu.memref_slice %arg5[%add3A_352, %dma_wait3A_386] : memref<10000x3xi32, #tpu.memory_space<hbm>> -> memref<168x3xi32, #tpu.memory_space<hbm>>
        %dma_wait3A_388 = arith.constant 0 : i32
        %dma_wait3A_389 = tpu.memref_slice %arg5[%add3A_352, %dma_wait3A_388] : memref<10000x3xi32, #tpu.memory_space<hbm>> -> memref<168x3xi32, #tpu.memory_space<hbm>>
        tpu.wait_dma2 semaphore(%run_scoped3A_381 : memref<!tpu.dma_semaphore, #tpu.memory_space<semaphore_mem>>) src(%dma_wait3A_389 : memref<168x3xi32, #tpu.memory_space<hbm>>) dst(%run_scoped3A : memref<168x3xi32, #tpu.memory_space<vmem>>)
        tpu.yield
      }) : () -> ()
      %scan3A = arith.constant 0 : i32
      %scan3A_353 = arith.constant 0 : i32
      %scan3A_354 = arith.constant 10 : i32
      %scan3A_355 = arith.addi %scan3A_353, %scan3A_354 : i32
      %scan3A_356 = arith.constant 1 : i32
      scf.for %scan3A_381 = %scan3A_353 to %scan3A_355 step %scan3A_356  : i32 {
        %mul3A_382 = arith.constant 16 : i32
        %mul3A_383 = arith.muli %scan3A_381, %mul3A_382 : i32
        %add3A_384 = vector.broadcast %mul3A_383 : i32 to vector<16xi32>
        %add3A_385 = arith.addi %iota3A, %add3A_384 : vector<16xi32>
        %broadcast_in_dim3A_386 = arith.constant 0 : i32
        %broadcast_in_dim3A_387 = vector.broadcast %broadcast_in_dim3A_386 : i32 to vector<16xi32>
        %gather3A_388 = tpu.vector_load_idx %run_scoped3A[%add3A_385, %broadcast_in_dim3A_387] : memref<168x3xi32, #tpu.memory_space<vmem>>[vector<16xi32>, vector<16xi32>], vector<16xi32>,
        %mul3A_389 = arith.constant 16 : i32
        %mul3A_390 = arith.muli %scan3A_381, %mul3A_389 : i32
        %add3A_391 = arith.constant 984 : i32
        %add3A_392 = arith.addi %add3A_391, %mul3A_390 : i32
        %swap3A = arith.index_cast %add3A_392 : i32 to index
        %swap3A_393 = tpu.vector_load %arg11[%swap3A] {strides = array<i32>} : memref<9184xi32, #tpu.memory_space<vmem>>, vector<16xi32>,
        tpu.vector_store %arg11[%swap3A], %gather3A_388 {strides = array<i32>} : memref<9184xi32, #tpu.memory_space<vmem>>, vector<16xi32>,
        %broadcast_in_dim3A_394 = arith.constant 1 : i32
        %broadcast_in_dim3A_395 = vector.broadcast %broadcast_in_dim3A_394 : i32 to vector<16xi32>
        %gather3A_396 = tpu.vector_load_idx %run_scoped3A[%add3A_385, %broadcast_in_dim3A_395] : memref<168x3xi32, #tpu.memory_space<vmem>>[vector<16xi32>, vector<16xi32>], vector<16xi32>,
        %mul3A_397 = arith.constant 16 : i32
        %mul3A_398 = arith.muli %scan3A_381, %mul3A_397 : i32
        %add3A_399 = arith.constant 1312 : i32
        %add3A_400 = arith.addi %add3A_399, %mul3A_398 : i32
        %swap3A_401 = arith.index_cast %add3A_400 : i32 to index
        %swap3A_402 = tpu.vector_load %arg11[%swap3A_401] {strides = array<i32>} : memref<9184xi32, #tpu.memory_space<vmem>>, vector<16xi32>,
        tpu.vector_store %arg11[%swap3A_401], %gather3A_396 {strides = array<i32>} : memref<9184xi32, #tpu.memory_space<vmem>>, vector<16xi32>,
        %broadcast_in_dim3A_403 = arith.constant 2 : i32
        %broadcast_in_dim3A_404 = vector.broadcast %broadcast_in_dim3A_403 : i32 to vector<16xi32>
        %gather3A_405 = tpu.vector_load_idx %run_scoped3A[%add3A_385, %broadcast_in_dim3A_404] : memref<168x3xi32, #tpu.memory_space<vmem>>[vector<16xi32>, vector<16xi32>], vector<16xi32>,
        %mul3A_406 = arith.constant 16 : i32
        %mul3A_407 = arith.muli %scan3A_381, %mul3A_406 : i32
        %add3A_408 = arith.constant 1640 : i32
        %add3A_409 = arith.addi %add3A_408, %mul3A_407 : i32
        %swap3A_410 = arith.index_cast %add3A_409 : i32 to index
        %swap3A_411 = tpu.vector_load %arg11[%swap3A_410] {strides = array<i32>} : memref<9184xi32, #tpu.memory_space<vmem>>, vector<16xi32>,
        tpu.vector_store %arg11[%swap3A_410], %gather3A_405 {strides = array<i32>} : memref<9184xi32, #tpu.memory_space<vmem>>, vector<16xi32>,
      }
      %scan3A_357 = arith.constant 10 : i32
      %lt3A = arith.constant 8 : i32
      %lt3A_358 = vector.broadcast %lt3A : i32 to vector<16xi32>
      %lt3A_359 = arith.cmpi slt, %iota3A, %lt3A_358 : vector<16xi32>
      %add3A_360 = arith.constant 160 : i32
      %add3A_361 = vector.broadcast %add3A_360 : i32 to vector<16xi32>
      %add3A_362 = arith.addi %iota3A, %add3A_361 : vector<16xi32>
      %min3A = arith.constant 167 : i32
      %min3A_363 = vector.broadcast %min3A : i32 to vector<16xi32>
      %min3A_364 = arith.minsi %add3A_362, %min3A_363 : vector<16xi32>
      %broadcast_in_dim3A = arith.constant 0 : i32
      %broadcast_in_dim3A_365 = vector.broadcast %broadcast_in_dim3A : i32 to vector<16xi32>
      %gather3A = tpu.vector_load_idx %run_scoped3A[%min3A_364, %broadcast_in_dim3A_365] masked %lt3A_359 : memref<168x3xi32, #tpu.memory_space<vmem>>[vector<16xi32>, vector<16xi32>], vector<16xi32>, vector<16xi1>
      %add3A_366 = arith.constant 1144 : i32
      %add3A_367 = vector.broadcast %add3A_366 : i32 to vector<16xi32>
      %add3A_368 = arith.addi %iota3A, %add3A_367 : vector<16xi32>
      tpu.vector_store_idx %arg11[%add3A_368], %gather3A masked %lt3A_359 : memref<9184xi32, #tpu.memory_space<vmem>>[vector<16xi32>], vector<16xi32>, vector<16xi1>
      %broadcast_in_dim3A_369 = arith.constant 1 : i32
      %broadcast_in_dim3A_370 = vector.broadcast %broadcast_in_dim3A_369 : i32 to vector<16xi32>
      %gather3A_371 = tpu.vector_load_idx %run_scoped3A[%min3A_364, %broadcast_in_dim3A_370] masked %lt3A_359 : memref<168x3xi32, #tpu.memory_space<vmem>>[vector<16xi32>, vector<16xi32>], vector<16xi32>, vector<16xi1>
      %add3A_372 = arith.constant 1472 : i32
      %add3A_373 = vector.broadcast %add3A_372 : i32 to vector<16xi32>
      %add3A_374 = arith.addi %iota3A, %add3A_373 : vector<16xi32>
      tpu.vector_store_idx %arg11[%add3A_374], %gather3A_371 masked %lt3A_359 : memref<9184xi32, #tpu.memory_space<vmem>>[vector<16xi32>], vector<16xi32>, vector<16xi1>
      %broadcast_in_dim3A_375 = arith.constant 2 : i32
      %broadcast_in_dim3A_376 = vector.broadcast %broadcast_in_dim3A_375 : i32 to vector<16xi32>
      %gather3A_377 = tpu.vector_load_idx %run_scoped3A[%min3A_364, %broadcast_in_dim3A_376] masked %lt3A_359 : memref<168x3xi32, #tpu.memory_space<vmem>>[vector<16xi32>, vector<16xi32>], vector<16xi32>, vector<16xi1>
      %add3A_378 = arith.constant 1800 : i32
      %add3A_379 = vector.broadcast %add3A_378 : i32 to vector<16xi32>
      %add3A_380 = arith.addi %iota3A, %add3A_379 : vector<16xi32>
      tpu.vector_store_idx %arg11[%add3A_380], %gather3A_377 masked %lt3A_359 : memref<9184xi32, #tpu.memory_space<vmem>>[vector<16xi32>], vector<16xi32>, vector<16xi1>
      tpu.yield
    }) : () -> ()
    "tpu.region"() ({
      %run_scoped3A = memref.alloca() : memref<160x3xi32, #tpu.memory_space<vmem>>
      %add3A_351 = arith.constant 168 : i32
      %add3A_352 = arith.addi %mul3A_2, %add3A_351 : i32
      "tpu.region"() ({
        %run_scoped3A_358 = tpu.sem_alloc : memref<!tpu.dma_semaphore, #tpu.memory_space<semaphore_mem>>
        %dma_start3A_359 = arith.constant 0 : i32
        %dma_start3A_360 = tpu.memref_slice %arg5[%add3A_352, %dma_start3A_359] : memref<10000x3xi32, #tpu.memory_space<hbm>> -> memref<160x3xi32, #tpu.memory_space<hbm>>
        %dma_start3A_361 = arith.constant 0 : i32
        %dma_start3A_362 = tpu.memref_slice %arg5[%add3A_352, %dma_start3A_361] : memref<10000x3xi32, #tpu.memory_space<hbm>> -> memref<160x3xi32, #tpu.memory_space<hbm>>
        tpu.enqueue_dma source(%dma_start3A_362 : memref<160x3xi32, #tpu.memory_space<hbm>>) target(%run_scoped3A : memref<160x3xi32, #tpu.memory_space<vmem>>) target_semaphore(%run_scoped3A_358 : memref<!tpu.dma_semaphore, #tpu.memory_space<semaphore_mem>>)
        %dma_wait3A_363 = arith.constant 0 : i32
        %dma_wait3A_364 = tpu.memref_slice %arg5[%add3A_352, %dma_wait3A_363] : memref<10000x3xi32, #tpu.memory_space<hbm>> -> memref<160x3xi32, #tpu.memory_space<hbm>>
        %dma_wait3A_365 = arith.constant 0 : i32
        %dma_wait3A_366 = tpu.memref_slice %arg5[%add3A_352, %dma_wait3A_365] : memref<10000x3xi32, #tpu.memory_space<hbm>> -> memref<160x3xi32, #tpu.memory_space<hbm>>
        tpu.wait_dma2 semaphore(%run_scoped3A_358 : memref<!tpu.dma_semaphore, #tpu.memory_space<semaphore_mem>>) src(%dma_wait3A_366 : memref<160x3xi32, #tpu.memory_space<hbm>>) dst(%run_scoped3A : memref<160x3xi32, #tpu.memory_space<vmem>>)
        tpu.yield
      }) : () -> ()
      %scan3A = arith.constant 0 : i32
      %scan3A_353 = arith.constant 0 : i32
      %scan3A_354 = arith.constant 10 : i32
      %scan3A_355 = arith.addi %scan3A_353, %scan3A_354 : i32
      %scan3A_356 = arith.constant 1 : i32
      scf.for %scan3A_358 = %scan3A_353 to %scan3A_355 step %scan3A_356  : i32 {
        %mul3A_359 = arith.constant 16 : i32
        %mul3A_360 = arith.muli %scan3A_358, %mul3A_359 : i32
        %add3A_361 = vector.broadcast %mul3A_360 : i32 to vector<16xi32>
        %add3A_362 = arith.addi %iota3A, %add3A_361 : vector<16xi32>
        %broadcast_in_dim3A = arith.constant 0 : i32
        %broadcast_in_dim3A_363 = vector.broadcast %broadcast_in_dim3A : i32 to vector<16xi32>
        %gather3A = tpu.vector_load_idx %run_scoped3A[%add3A_362, %broadcast_in_dim3A_363] : memref<160x3xi32, #tpu.memory_space<vmem>>[vector<16xi32>, vector<16xi32>], vector<16xi32>,
        %mul3A_364 = arith.constant 16 : i32
        %mul3A_365 = arith.muli %scan3A_358, %mul3A_364 : i32
        %add3A_366 = arith.constant 1152 : i32
        %add3A_367 = arith.addi %add3A_366, %mul3A_365 : i32
        %swap3A = arith.index_cast %add3A_367 : i32 to index
        %swap3A_368 = tpu.vector_load %arg11[%swap3A] {strides = array<i32>} : memref<9184xi32, #tpu.memory_space<vmem>>, vector<16xi32>,
        tpu.vector_store %arg11[%swap3A], %gather3A {strides = array<i32>} : memref<9184xi32, #tpu.memory_space<vmem>>, vector<16xi32>,
        %broadcast_in_dim3A_369 = arith.constant 1 : i32
        %broadcast_in_dim3A_370 = vector.broadcast %broadcast_in_dim3A_369 : i32 to vector<16xi32>
        %gather3A_371 = tpu.vector_load_idx %run_scoped3A[%add3A_362, %broadcast_in_dim3A_370] : memref<160x3xi32, #tpu.memory_space<vmem>>[vector<16xi32>, vector<16xi32>], vector<16xi32>,
        %mul3A_372 = arith.constant 16 : i32
        %mul3A_373 = arith.muli %scan3A_358, %mul3A_372 : i32
        %add3A_374 = arith.constant 1480 : i32
        %add3A_375 = arith.addi %add3A_374, %mul3A_373 : i32
        %swap3A_376 = arith.index_cast %add3A_375 : i32 to index
        %swap3A_377 = tpu.vector_load %arg11[%swap3A_376] {strides = array<i32>} : memref<9184xi32, #tpu.memory_space<vmem>>, vector<16xi32>,
        tpu.vector_store %arg11[%swap3A_376], %gather3A_371 {strides = array<i32>} : memref<9184xi32, #tpu.memory_space<vmem>>, vector<16xi32>,
        %broadcast_in_dim3A_378 = arith.constant 2 : i32
        %broadcast_in_dim3A_379 = vector.broadcast %broadcast_in_dim3A_378 : i32 to vector<16xi32>
        %gather3A_380 = tpu.vector_load_idx %run_scoped3A[%add3A_362, %broadcast_in_dim3A_379] : memref<160x3xi32, #tpu.memory_space<vmem>>[vector<16xi32>, vector<16xi32>], vector<16xi32>,
        %mul3A_381 = arith.constant 16 : i32
        %mul3A_382 = arith.muli %scan3A_358, %mul3A_381 : i32
        %add3A_383 = arith.constant 1808 : i32
        %add3A_384 = arith.addi %add3A_383, %mul3A_382 : i32
        %swap3A_385 = arith.index_cast %add3A_384 : i32 to index
        %swap3A_386 = tpu.vector_load %arg11[%swap3A_385] {strides = array<i32>} : memref<9184xi32, #tpu.memory_space<vmem>>, vector<16xi32>,
        tpu.vector_store %arg11[%swap3A_385], %gather3A_380 {strides = array<i32>} : memref<9184xi32, #tpu.memory_space<vmem>>, vector<16xi32>,
      }
      %scan3A_357 = arith.constant 10 : i32
      tpu.yield
    }) : () -> ()
    %add3A_16 = arith.constant 0 : i32
    %add3A_17 = arith.addi %add3A_16, %mul3A_2 : i32
    %dma_start3A_18 = arith.constant 0 : i32
    %dma_start3A_19 = tpu.memref_slice %arg10[%add3A_17, %dma_start3A_18] : memref<70000x128xf32, #tpu.memory_space<hbm>> -> memref<328x128xf32, #tpu.memory_space<hbm>>
    %dma_start3A_20 = arith.constant 0 : i32
    %dma_start3A_21 = tpu.memref_slice %arg10[%add3A_17, %dma_start3A_20] : memref<70000x128xf32, #tpu.memory_space<hbm>> -> memref<328x128xf32, #tpu.memory_space<hbm>>
    tpu.enqueue_dma source(%arg12 : memref<328x128xf32, #tpu.memory_space<vmem>>) target(%dma_start3A_21 : memref<328x128xf32, #tpu.memory_space<hbm>>) target_semaphore(%arg18 : memref<!tpu.dma_semaphore, #tpu.memory_space<semaphore_mem>>)
    %dma_wait3A_22 = arith.constant 328 : i32
    %dma_wait3A_23 = tpu.memref_slice %arg11[%dma_wait3A_22] : memref<9184xi32, #tpu.memory_space<vmem>> -> memref<328xi32, #tpu.memory_space<vmem>>
    %dma_wait3A_24 = arith.constant 0 : i32
    %dma_wait3A_25 = arith.constant 0 : i32
    %dma_wait3A_26 = tpu.memref_slice %arg2[%dma_wait3A_24, %dma_wait3A_25] : memref<110000x128xf32, #tpu.memory_space<hbm>> -> memref<110000x128xf32, #tpu.memory_space<hbm>>
    tpu.wait_indirect_dma semaphore(%arg15 : memref<!tpu.dma_semaphore, #tpu.memory_space<semaphore_mem>>) src(%dma_wait3A_26 : memref<110000x128xf32, #tpu.memory_space<hbm>>) dst(%arg13 : memref<328x128xf32, #tpu.memory_space<vmem>>)
    %dma_wait3A_27 = arith.constant 0 : i32
    %dma_wait3A_28 = tpu.memref_slice %arg10[%add3A_17, %dma_wait3A_27] : memref<70000x128xf32, #tpu.memory_space<hbm>> -> memref<328x128xf32, #tpu.memory_space<hbm>>
    %dma_wait3A_29 = arith.constant 0 : i32
    %dma_wait3A_30 = tpu.memref_slice %arg10[%add3A_17, %dma_wait3A_29] : memref<70000x128xf32, #tpu.memory_space<hbm>> -> memref<328x128xf32, #tpu.memory_space<hbm>>
    tpu.wait_dma2 semaphore(%arg18 : memref<!tpu.dma_semaphore, #tpu.memory_space<semaphore_mem>>) src(%arg12 : memref<328x128xf32, #tpu.memory_space<vmem>>) dst(%dma_wait3A_30 : memref<328x128xf32, #tpu.memory_space<hbm>>)
    %dma_start3A_31 = arith.constant 984 : i32
    %dma_start3A_32 = tpu.memref_slice %arg11[%dma_start3A_31] : memref<9184xi32, #tpu.memory_space<vmem>> -> memref<328xi32, #tpu.memory_space<vmem>>
    %dma_start3A_33 = arith.constant 0 : i32
    %dma_start3A_34 = arith.constant 0 : i32
    %dma_start3A_35 = tpu.memref_slice %arg2[%dma_start3A_33, %dma_start3A_34] : memref<110000x128xf32, #tpu.memory_space<hbm>> -> memref<110000x128xf32, #tpu.memory_space<hbm>>
    tpu.enqueue_indirect_dma source(%dma_start3A_35 : memref<110000x128xf32, #tpu.memory_space<hbm>>) target(%arg12 : memref<328x128xf32, #tpu.memory_space<vmem>>) offsets(%dma_start3A_32 : memref<328xi32, #tpu.memory_space<vmem>>) semaphore(%arg14 : memref<!tpu.dma_semaphore, #tpu.memory_space<semaphore_mem>>)
    %dma_start3A_36 = arith.constant 656 : i32
    %dma_start3A_37 = tpu.memref_slice %arg11[%dma_start3A_36] : memref<9184xi32, #tpu.memory_space<vmem>> -> memref<328xi32, #tpu.memory_space<vmem>>
    %dma_start3A_38 = arith.constant 0 : i32
    %dma_start3A_39 = arith.constant 0 : i32
    %dma_start3A_40 = tpu.memref_slice %arg2[%dma_start3A_38, %dma_start3A_39] : memref<110000x128xf32, #tpu.memory_space<hbm>> -> memref<110000x128xf32, #tpu.memory_space<hbm>>
    tpu.enqueue_indirect_dma source(%dma_start3A_40 : memref<110000x128xf32, #tpu.memory_space<hbm>>) target(%arg13 : memref<328x128xf32, #tpu.memory_space<vmem>>) offsets(%dma_start3A_37 : memref<328xi32, #tpu.memory_space<vmem>>) semaphore(%arg17 : memref<!tpu.dma_semaphore, #tpu.memory_space<semaphore_mem>>) {add = true}
    "tpu.region"() ({
      %run_scoped3A = memref.alloca() : memref<168x4xi32, #tpu.memory_space<vmem>>
      %add3A_351 = arith.constant 0 : i32
      %add3A_352 = arith.addi %mul3A_2, %add3A_351 : i32
      "tpu.region"() ({
        %run_scoped3A_387 = tpu.sem_alloc : memref<!tpu.dma_semaphore, #tpu.memory_space<semaphore_mem>>
        %dma_start3A_388 = arith.constant 0 : i32
        %dma_start3A_389 = tpu.memref_slice %arg6[%add3A_352, %dma_start3A_388] : memref<10000x4xi32, #tpu.memory_space<hbm>> -> memref<168x4xi32, #tpu.memory_space<hbm>>
        %dma_start3A_390 = arith.constant 0 : i32
        %dma_start3A_391 = tpu.memref_slice %arg6[%add3A_352, %dma_start3A_390] : memref<10000x4xi32, #tpu.memory_space<hbm>> -> memref<168x4xi32, #tpu.memory_space<hbm>>
        tpu.enqueue_dma source(%dma_start3A_391 : memref<168x4xi32, #tpu.memory_space<hbm>>) target(%run_scoped3A : memref<168x4xi32, #tpu.memory_space<vmem>>) target_semaphore(%run_scoped3A_387 : memref<!tpu.dma_semaphore, #tpu.memory_space<semaphore_mem>>)
        %dma_wait3A_392 = arith.constant 0 : i32
        %dma_wait3A_393 = tpu.memref_slice %arg6[%add3A_352, %dma_wait3A_392] : memref<10000x4xi32, #tpu.memory_space<hbm>> -> memref<168x4xi32, #tpu.memory_space<hbm>>
        %dma_wait3A_394 = arith.constant 0 : i32
        %dma_wait3A_395 = tpu.memref_slice %arg6[%add3A_352, %dma_wait3A_394] : memref<10000x4xi32, #tpu.memory_space<hbm>> -> memref<168x4xi32, #tpu.memory_space<hbm>>
        tpu.wait_dma2 semaphore(%run_scoped3A_387 : memref<!tpu.dma_semaphore, #tpu.memory_space<semaphore_mem>>) src(%dma_wait3A_395 : memref<168x4xi32, #tpu.memory_space<hbm>>) dst(%run_scoped3A : memref<168x4xi32, #tpu.memory_space<vmem>>)
        tpu.yield
      }) : () -> ()
      %scan3A = arith.constant 0 : i32
      %scan3A_353 = arith.constant 0 : i32
      %scan3A_354 = arith.constant 10 : i32
      %scan3A_355 = arith.addi %scan3A_353, %scan3A_354 : i32
      %scan3A_356 = arith.constant 1 : i32
      scf.for %scan3A_387 = %scan3A_353 to %scan3A_355 step %scan3A_356  : i32 {
        %mul3A_388 = arith.constant 16 : i32
        %mul3A_389 = arith.muli %scan3A_387, %mul3A_388 : i32
        %add3A_390 = vector.broadcast %mul3A_389 : i32 to vector<16xi32>
        %add3A_391 = arith.addi %iota3A, %add3A_390 : vector<16xi32>
        %broadcast_in_dim3A_392 = arith.constant 0 : i32
        %broadcast_in_dim3A_393 = vector.broadcast %broadcast_in_dim3A_392 : i32 to vector<16xi32>
        %gather3A_394 = tpu.vector_load_idx %run_scoped3A[%add3A_391, %broadcast_in_dim3A_393] : memref<168x4xi32, #tpu.memory_space<vmem>>[vector<16xi32>, vector<16xi32>], vector<16xi32>,
        %mul3A_395 = arith.constant 16 : i32
        %mul3A_396 = arith.muli %scan3A_387, %mul3A_395 : i32
        %add3A_397 = arith.constant 1968 : i32
        %add3A_398 = arith.addi %add3A_397, %mul3A_396 : i32
        %swap3A = arith.index_cast %add3A_398 : i32 to index
        %swap3A_399 = tpu.vector_load %arg11[%swap3A] {strides = array<i32>} : memref<9184xi32, #tpu.memory_space<vmem>>, vector<16xi32>,
        tpu.vector_store %arg11[%swap3A], %gather3A_394 {strides = array<i32>} : memref<9184xi32, #tpu.memory_space<vmem>>, vector<16xi32>,
        %broadcast_in_dim3A_400 = arith.constant 1 : i32
        %broadcast_in_dim3A_401 = vector.broadcast %broadcast_in_dim3A_400 : i32 to vector<16xi32>
        %gather3A_402 = tpu.vector_load_idx %run_scoped3A[%add3A_391, %broadcast_in_dim3A_401] : memref<168x4xi32, #tpu.memory_space<vmem>>[vector<16xi32>, vector<16xi32>], vector<16xi32>,
        %mul3A_403 = arith.constant 16 : i32
        %mul3A_404 = arith.muli %scan3A_387, %mul3A_403 : i32
        %add3A_405 = arith.constant 2296 : i32
        %add3A_406 = arith.addi %add3A_405, %mul3A_404 : i32
        %swap3A_407 = arith.index_cast %add3A_406 : i32 to index
        %swap3A_408 = tpu.vector_load %arg11[%swap3A_407] {strides = array<i32>} : memref<9184xi32, #tpu.memory_space<vmem>>, vector<16xi32>,
        tpu.vector_store %arg11[%swap3A_407], %gather3A_402 {strides = array<i32>} : memref<9184xi32, #tpu.memory_space<vmem>>, vector<16xi32>,
        %broadcast_in_dim3A_409 = arith.constant 2 : i32
        %broadcast_in_dim3A_410 = vector.broadcast %broadcast_in_dim3A_409 : i32 to vector<16xi32>
        %gather3A_411 = tpu.vector_load_idx %run_scoped3A[%add3A_391, %broadcast_in_dim3A_410] : memref<168x4xi32, #tpu.memory_space<vmem>>[vector<16xi32>, vector<16xi32>], vector<16xi32>,
        %mul3A_412 = arith.constant 16 : i32
        %mul3A_413 = arith.muli %scan3A_387, %mul3A_412 : i32
        %add3A_414 = arith.constant 2624 : i32
        %add3A_415 = arith.addi %add3A_414, %mul3A_413 : i32
        %swap3A_416 = arith.index_cast %add3A_415 : i32 to index
        %swap3A_417 = tpu.vector_load %arg11[%swap3A_416] {strides = array<i32>} : memref<9184xi32, #tpu.memory_space<vmem>>, vector<16xi32>,
        tpu.vector_store %arg11[%swap3A_416], %gather3A_411 {strides = array<i32>} : memref<9184xi32, #tpu.memory_space<vmem>>, vector<16xi32>,
        %broadcast_in_dim3A_418 = arith.constant 3 : i32
        %broadcast_in_dim3A_419 = vector.broadcast %broadcast_in_dim3A_418 : i32 to vector<16xi32>
        %gather3A_420 = tpu.vector_load_idx %run_scoped3A[%add3A_391, %broadcast_in_dim3A_419] : memref<168x4xi32, #tpu.memory_space<vmem>>[vector<16xi32>, vector<16xi32>], vector<16xi32>,
        %mul3A_421 = arith.constant 16 : i32
        %mul3A_422 = arith.muli %scan3A_387, %mul3A_421 : i32
        %add3A_423 = arith.constant 2952 : i32
        %add3A_424 = arith.addi %add3A_423, %mul3A_422 : i32
        %swap3A_425 = arith.index_cast %add3A_424 : i32 to index
        %swap3A_426 = tpu.vector_load %arg11[%swap3A_425] {strides = array<i32>} : memref<9184xi32, #tpu.memory_space<vmem>>, vector<16xi32>,
        tpu.vector_store %arg11[%swap3A_425], %gather3A_420 {strides = array<i32>} : memref<9184xi32, #tpu.memory_space<vmem>>, vector<16xi32>,
      }
      %scan3A_357 = arith.constant 10 : i32
      %lt3A = arith.constant 8 : i32
      %lt3A_358 = vector.broadcast %lt3A : i32 to vector<16xi32>
      %lt3A_359 = arith.cmpi slt, %iota3A, %lt3A_358 : vector<16xi32>
      %add3A_360 = arith.constant 160 : i32
      %add3A_361 = vector.broadcast %add3A_360 : i32 to vector<16xi32>
      %add3A_362 = arith.addi %iota3A, %add3A_361 : vector<16xi32>
      %min3A = arith.constant 167 : i32
      %min3A_363 = vector.broadcast %min3A : i32 to vector<16xi32>
      %min3A_364 = arith.minsi %add3A_362, %min3A_363 : vector<16xi32>
      %broadcast_in_dim3A = arith.constant 0 : i32
      %broadcast_in_dim3A_365 = vector.broadcast %broadcast_in_dim3A : i32 to vector<16xi32>
      %gather3A = tpu.vector_load_idx %run_scoped3A[%min3A_364, %broadcast_in_dim3A_365] masked %lt3A_359 : memref<168x4xi32, #tpu.memory_space<vmem>>[vector<16xi32>, vector<16xi32>], vector<16xi32>, vector<16xi1>
      %add3A_366 = arith.constant 2128 : i32
      %add3A_367 = vector.broadcast %add3A_366 : i32 to vector<16xi32>
      %add3A_368 = arith.addi %iota3A, %add3A_367 : vector<16xi32>
      tpu.vector_store_idx %arg11[%add3A_368], %gather3A masked %lt3A_359 : memref<9184xi32, #tpu.memory_space<vmem>>[vector<16xi32>], vector<16xi32>, vector<16xi1>
      %broadcast_in_dim3A_369 = arith.constant 1 : i32
      %broadcast_in_dim3A_370 = vector.broadcast %broadcast_in_dim3A_369 : i32 to vector<16xi32>
      %gather3A_371 = tpu.vector_load_idx %run_scoped3A[%min3A_364, %broadcast_in_dim3A_370] masked %lt3A_359 : memref<168x4xi32, #tpu.memory_space<vmem>>[vector<16xi32>, vector<16xi32>], vector<16xi32>, vector<16xi1>
      %add3A_372 = arith.constant 2456 : i32
      %add3A_373 = vector.broadcast %add3A_372 : i32 to vector<16xi32>
      %add3A_374 = arith.addi %iota3A, %add3A_373 : vector<16xi32>
      tpu.vector_store_idx %arg11[%add3A_374], %gather3A_371 masked %lt3A_359 : memref<9184xi32, #tpu.memory_space<vmem>>[vector<16xi32>], vector<16xi32>, vector<16xi1>
      %broadcast_in_dim3A_375 = arith.constant 2 : i32
      %broadcast_in_dim3A_376 = vector.broadcast %broadcast_in_dim3A_375 : i32 to vector<16xi32>
      %gather3A_377 = tpu.vector_load_idx %run_scoped3A[%min3A_364, %broadcast_in_dim3A_376] masked %lt3A_359 : memref<168x4xi32, #tpu.memory_space<vmem>>[vector<16xi32>, vector<16xi32>], vector<16xi32>, vector<16xi1>
      %add3A_378 = arith.constant 2784 : i32
      %add3A_379 = vector.broadcast %add3A_378 : i32 to vector<16xi32>
      %add3A_380 = arith.addi %iota3A, %add3A_379 : vector<16xi32>
      tpu.vector_store_idx %arg11[%add3A_380], %gather3A_377 masked %lt3A_359 : memref<9184xi32, #tpu.memory_space<vmem>>[vector<16xi32>], vector<16xi32>, vector<16xi1>
      %broadcast_in_dim3A_381 = arith.constant 3 : i32
      %broadcast_in_dim3A_382 = vector.broadcast %broadcast_in_dim3A_381 : i32 to vector<16xi32>
      %gather3A_383 = tpu.vector_load_idx %run_scoped3A[%min3A_364, %broadcast_in_dim3A_382] masked %lt3A_359 : memref<168x4xi32, #tpu.memory_space<vmem>>[vector<16xi32>, vector<16xi32>], vector<16xi32>, vector<16xi1>
      %add3A_384 = arith.constant 3112 : i32
      %add3A_385 = vector.broadcast %add3A_384 : i32 to vector<16xi32>
      %add3A_386 = arith.addi %iota3A, %add3A_385 : vector<16xi32>
      tpu.vector_store_idx %arg11[%add3A_386], %gather3A_383 masked %lt3A_359 : memref<9184xi32, #tpu.memory_space<vmem>>[vector<16xi32>], vector<16xi32>, vector<16xi1>
      tpu.yield
    }) : () -> ()
    "tpu.region"() ({
      %run_scoped3A = memref.alloca() : memref<160x4xi32, #tpu.memory_space<vmem>>
      %add3A_351 = arith.constant 168 : i32
      %add3A_352 = arith.addi %mul3A_2, %add3A_351 : i32
      "tpu.region"() ({
        %run_scoped3A_358 = tpu.sem_alloc : memref<!tpu.dma_semaphore, #tpu.memory_space<semaphore_mem>>
        %dma_start3A_359 = arith.constant 0 : i32
        %dma_start3A_360 = tpu.memref_slice %arg6[%add3A_352, %dma_start3A_359] : memref<10000x4xi32, #tpu.memory_space<hbm>> -> memref<160x4xi32, #tpu.memory_space<hbm>>
        %dma_start3A_361 = arith.constant 0 : i32
        %dma_start3A_362 = tpu.memref_slice %arg6[%add3A_352, %dma_start3A_361] : memref<10000x4xi32, #tpu.memory_space<hbm>> -> memref<160x4xi32, #tpu.memory_space<hbm>>
        tpu.enqueue_dma source(%dma_start3A_362 : memref<160x4xi32, #tpu.memory_space<hbm>>) target(%run_scoped3A : memref<160x4xi32, #tpu.memory_space<vmem>>) target_semaphore(%run_scoped3A_358 : memref<!tpu.dma_semaphore, #tpu.memory_space<semaphore_mem>>)
        %dma_wait3A_363 = arith.constant 0 : i32
        %dma_wait3A_364 = tpu.memref_slice %arg6[%add3A_352, %dma_wait3A_363] : memref<10000x4xi32, #tpu.memory_space<hbm>> -> memref<160x4xi32, #tpu.memory_space<hbm>>
        %dma_wait3A_365 = arith.constant 0 : i32
        %dma_wait3A_366 = tpu.memref_slice %arg6[%add3A_352, %dma_wait3A_365] : memref<10000x4xi32, #tpu.memory_space<hbm>> -> memref<160x4xi32, #tpu.memory_space<hbm>>
        tpu.wait_dma2 semaphore(%run_scoped3A_358 : memref<!tpu.dma_semaphore, #tpu.memory_space<semaphore_mem>>) src(%dma_wait3A_366 : memref<160x4xi32, #tpu.memory_space<hbm>>) dst(%run_scoped3A : memref<160x4xi32, #tpu.memory_space<vmem>>)
        tpu.yield
      }) : () -> ()
      %scan3A = arith.constant 0 : i32
      %scan3A_353 = arith.constant 0 : i32
      %scan3A_354 = arith.constant 10 : i32
      %scan3A_355 = arith.addi %scan3A_353, %scan3A_354 : i32
      %scan3A_356 = arith.constant 1 : i32
      scf.for %scan3A_358 = %scan3A_353 to %scan3A_355 step %scan3A_356  : i32 {
        %mul3A_359 = arith.constant 16 : i32
        %mul3A_360 = arith.muli %scan3A_358, %mul3A_359 : i32
        %add3A_361 = vector.broadcast %mul3A_360 : i32 to vector<16xi32>
        %add3A_362 = arith.addi %iota3A, %add3A_361 : vector<16xi32>
        %broadcast_in_dim3A = arith.constant 0 : i32
        %broadcast_in_dim3A_363 = vector.broadcast %broadcast_in_dim3A : i32 to vector<16xi32>
        %gather3A = tpu.vector_load_idx %run_scoped3A[%add3A_362, %broadcast_in_dim3A_363] : memref<160x4xi32, #tpu.memory_space<vmem>>[vector<16xi32>, vector<16xi32>], vector<16xi32>,
        %mul3A_364 = arith.constant 16 : i32
        %mul3A_365 = arith.muli %scan3A_358, %mul3A_364 : i32
        %add3A_366 = arith.constant 2136 : i32
        %add3A_367 = arith.addi %add3A_366, %mul3A_365 : i32
        %swap3A = arith.index_cast %add3A_367 : i32 to index
        %swap3A_368 = tpu.vector_load %arg11[%swap3A] {strides = array<i32>} : memref<9184xi32, #tpu.memory_space<vmem>>, vector<16xi32>,
        tpu.vector_store %arg11[%swap3A], %gather3A {strides = array<i32>} : memref<9184xi32, #tpu.memory_space<vmem>>, vector<16xi32>,
        %broadcast_in_dim3A_369 = arith.constant 1 : i32
        %broadcast_in_dim3A_370 = vector.broadcast %broadcast_in_dim3A_369 : i32 to vector<16xi32>
        %gather3A_371 = tpu.vector_load_idx %run_scoped3A[%add3A_362, %broadcast_in_dim3A_370] : memref<160x4xi32, #tpu.memory_space<vmem>>[vector<16xi32>, vector<16xi32>], vector<16xi32>,
        %mul3A_372 = arith.constant 16 : i32
        %mul3A_373 = arith.muli %scan3A_358, %mul3A_372 : i32
        %add3A_374 = arith.constant 2464 : i32
        %add3A_375 = arith.addi %add3A_374, %mul3A_373 : i32
        %swap3A_376 = arith.index_cast %add3A_375 : i32 to index
        %swap3A_377 = tpu.vector_load %arg11[%swap3A_376] {strides = array<i32>} : memref<9184xi32, #tpu.memory_space<vmem>>, vector<16xi32>,
        tpu.vector_store %arg11[%swap3A_376], %gather3A_371 {strides = array<i32>} : memref<9184xi32, #tpu.memory_space<vmem>>, vector<16xi32>,
        %broadcast_in_dim3A_378 = arith.constant 2 : i32
        %broadcast_in_dim3A_379 = vector.broadcast %broadcast_in_dim3A_378 : i32 to vector<16xi32>
        %gather3A_380 = tpu.vector_load_idx %run_scoped3A[%add3A_362, %broadcast_in_dim3A_379] : memref<160x4xi32, #tpu.memory_space<vmem>>[vector<16xi32>, vector<16xi32>], vector<16xi32>,
        %mul3A_381 = arith.constant 16 : i32
        %mul3A_382 = arith.muli %scan3A_358, %mul3A_381 : i32
        %add3A_383 = arith.constant 2792 : i32
        %add3A_384 = arith.addi %add3A_383, %mul3A_382 : i32
        %swap3A_385 = arith.index_cast %add3A_384 : i32 to index
        %swap3A_386 = tpu.vector_load %arg11[%swap3A_385] {strides = array<i32>} : memref<9184xi32, #tpu.memory_space<vmem>>, vector<16xi32>,
        tpu.vector_store %arg11[%swap3A_385], %gather3A_380 {strides = array<i32>} : memref<9184xi32, #tpu.memory_space<vmem>>, vector<16xi32>,
        %broadcast_in_dim3A_387 = arith.constant 3 : i32
        %broadcast_in_dim3A_388 = vector.broadcast %broadcast_in_dim3A_387 : i32 to vector<16xi32>
        %gather3A_389 = tpu.vector_load_idx %run_scoped3A[%add3A_362, %broadcast_in_dim3A_388] : memref<160x4xi32, #tpu.memory_space<vmem>>[vector<16xi32>, vector<16xi32>], vector<16xi32>,
        %mul3A_390 = arith.constant 16 : i32
        %mul3A_391 = arith.muli %scan3A_358, %mul3A_390 : i32
        %add3A_392 = arith.constant 3120 : i32
        %add3A_393 = arith.addi %add3A_392, %mul3A_391 : i32
        %swap3A_394 = arith.index_cast %add3A_393 : i32 to index
        %swap3A_395 = tpu.vector_load %arg11[%swap3A_394] {strides = array<i32>} : memref<9184xi32, #tpu.memory_space<vmem>>, vector<16xi32>,
        tpu.vector_store %arg11[%swap3A_394], %gather3A_389 {strides = array<i32>} : memref<9184xi32, #tpu.memory_space<vmem>>, vector<16xi32>,
      }
      %scan3A_357 = arith.constant 10 : i32
      tpu.yield
    }) : () -> ()
    %dma_wait3A_41 = arith.constant 656 : i32
    %dma_wait3A_42 = tpu.memref_slice %arg11[%dma_wait3A_41] : memref<9184xi32, #tpu.memory_space<vmem>> -> memref<328xi32, #tpu.memory_space<vmem>>
    %dma_wait3A_43 = arith.constant 0 : i32
    %dma_wait3A_44 = arith.constant 0 : i32
    %dma_wait3A_45 = tpu.memref_slice %arg2[%dma_wait3A_43, %dma_wait3A_44] : memref<110000x128xf32, #tpu.memory_space<hbm>> -> memref<110000x128xf32, #tpu.memory_space<hbm>>
    tpu.wait_indirect_dma semaphore(%arg17 : memref<!tpu.dma_semaphore, #tpu.memory_space<semaphore_mem>>) src(%dma_wait3A_45 : memref<110000x128xf32, #tpu.memory_space<hbm>>) dst(%arg13 : memref<328x128xf32, #tpu.memory_space<vmem>>)
    %add3A_46 = arith.constant 10000 : i32
    %add3A_47 = arith.addi %add3A_46, %mul3A_2 : i32
    %dma_start3A_48 = arith.constant 0 : i32
    %dma_start3A_49 = tpu.memref_slice %arg10[%add3A_47, %dma_start3A_48] : memref<70000x128xf32, #tpu.memory_space<hbm>> -> memref<328x128xf32, #tpu.memory_space<hbm>>
    %dma_start3A_50 = arith.constant 0 : i32
    %dma_start3A_51 = tpu.memref_slice %arg10[%add3A_47, %dma_start3A_50] : memref<70000x128xf32, #tpu.memory_space<hbm>> -> memref<328x128xf32, #tpu.memory_space<hbm>>
    tpu.enqueue_dma source(%arg13 : memref<328x128xf32, #tpu.memory_space<vmem>>) target(%dma_start3A_51 : memref<328x128xf32, #tpu.memory_space<hbm>>) target_semaphore(%arg19 : memref<!tpu.dma_semaphore, #tpu.memory_space<semaphore_mem>>)
    %dma_wait3A_52 = arith.constant 984 : i32
    %dma_wait3A_53 = tpu.memref_slice %arg11[%dma_wait3A_52] : memref<9184xi32, #tpu.memory_space<vmem>> -> memref<328xi32, #tpu.memory_space<vmem>>
    %dma_wait3A_54 = arith.constant 0 : i32
    %dma_wait3A_55 = arith.constant 0 : i32
    %dma_wait3A_56 = tpu.memref_slice %arg2[%dma_wait3A_54, %dma_wait3A_55] : memref<110000x128xf32, #tpu.memory_space<hbm>> -> memref<110000x128xf32, #tpu.memory_space<hbm>>
    tpu.wait_indirect_dma semaphore(%arg14 : memref<!tpu.dma_semaphore, #tpu.memory_space<semaphore_mem>>) src(%dma_wait3A_56 : memref<110000x128xf32, #tpu.memory_space<hbm>>) dst(%arg12 : memref<328x128xf32, #tpu.memory_space<vmem>>)
    %dma_wait3A_57 = arith.constant 0 : i32
    %dma_wait3A_58 = tpu.memref_slice %arg10[%add3A_47, %dma_wait3A_57] : memref<70000x128xf32, #tpu.memory_space<hbm>> -> memref<328x128xf32, #tpu.memory_space<hbm>>
    %dma_wait3A_59 = arith.constant 0 : i32
    %dma_wait3A_60 = tpu.memref_slice %arg10[%add3A_47, %dma_wait3A_59] : memref<70000x128xf32, #tpu.memory_space<hbm>> -> memref<328x128xf32, #tpu.memory_space<hbm>>
    tpu.wait_dma2 semaphore(%arg19 : memref<!tpu.dma_semaphore, #tpu.memory_space<semaphore_mem>>) src(%arg13 : memref<328x128xf32, #tpu.memory_space<vmem>>) dst(%dma_wait3A_60 : memref<328x128xf32, #tpu.memory_space<hbm>>)
    %dma_start3A_61 = arith.constant 1968 : i32
    %dma_start3A_62 = tpu.memref_slice %arg11[%dma_start3A_61] : memref<9184xi32, #tpu.memory_space<vmem>> -> memref<328xi32, #tpu.memory_space<vmem>>
    %dma_start3A_63 = arith.constant 0 : i32
    %dma_start3A_64 = arith.constant 0 : i32
    %dma_start3A_65 = tpu.memref_slice %arg2[%dma_start3A_63, %dma_start3A_64] : memref<110000x128xf32, #tpu.memory_space<hbm>> -> memref<110000x128xf32, #tpu.memory_space<hbm>>
    tpu.enqueue_indirect_dma source(%dma_start3A_65 : memref<110000x128xf32, #tpu.memory_space<hbm>>) target(%arg13 : memref<328x128xf32, #tpu.memory_space<vmem>>) offsets(%dma_start3A_62 : memref<328xi32, #tpu.memory_space<vmem>>) semaphore(%arg15 : memref<!tpu.dma_semaphore, #tpu.memory_space<semaphore_mem>>)
    %dma_start3A_66 = arith.constant 1312 : i32
    %dma_start3A_67 = tpu.memref_slice %arg11[%dma_start3A_66] : memref<9184xi32, #tpu.memory_space<vmem>> -> memref<328xi32, #tpu.memory_space<vmem>>
    %dma_start3A_68 = arith.constant 0 : i32
    %dma_start3A_69 = arith.constant 0 : i32
    %dma_start3A_70 = tpu.memref_slice %arg2[%dma_start3A_68, %dma_start3A_69] : memref<110000x128xf32, #tpu.memory_space<hbm>> -> memref<110000x128xf32, #tpu.memory_space<hbm>>
    tpu.enqueue_indirect_dma source(%dma_start3A_70 : memref<110000x128xf32, #tpu.memory_space<hbm>>) target(%arg12 : memref<328x128xf32, #tpu.memory_space<vmem>>) offsets(%dma_start3A_67 : memref<328xi32, #tpu.memory_space<vmem>>) semaphore(%arg16 : memref<!tpu.dma_semaphore, #tpu.memory_space<semaphore_mem>>) {add = true}
    %dma_start3A_71 = arith.constant 1640 : i32
    %dma_start3A_72 = tpu.memref_slice %arg11[%dma_start3A_71] : memref<9184xi32, #tpu.memory_space<vmem>> -> memref<328xi32, #tpu.memory_space<vmem>>
    %dma_start3A_73 = arith.constant 0 : i32
    %dma_start3A_74 = arith.constant 0 : i32
    %dma_start3A_75 = tpu.memref_slice %arg2[%dma_start3A_73, %dma_start3A_74] : memref<110000x128xf32, #tpu.memory_space<hbm>> -> memref<110000x128xf32, #tpu.memory_space<hbm>>
    tpu.enqueue_indirect_dma source(%dma_start3A_75 : memref<110000x128xf32, #tpu.memory_space<hbm>>) target(%arg12 : memref<328x128xf32, #tpu.memory_space<vmem>>) offsets(%dma_start3A_72 : memref<328xi32, #tpu.memory_space<vmem>>) semaphore(%arg16 : memref<!tpu.dma_semaphore, #tpu.memory_space<semaphore_mem>>) {add = true}
    "tpu.region"() ({
      %run_scoped3A = memref.alloca() : memref<168x5xi32, #tpu.memory_space<vmem>>
      %add3A_351 = arith.constant 0 : i32
      %add3A_352 = arith.addi %mul3A_2, %add3A_351 : i32
      "tpu.region"() ({
        %run_scoped3A_393 = tpu.sem_alloc : memref<!tpu.dma_semaphore, #tpu.memory_space<semaphore_mem>>
        %dma_start3A_394 = arith.constant 0 : i32
        %dma_start3A_395 = tpu.memref_slice %arg7[%add3A_352, %dma_start3A_394] : memref<10000x5xi32, #tpu.memory_space<hbm>> -> memref<168x5xi32, #tpu.memory_space<hbm>>
        %dma_start3A_396 = arith.constant 0 : i32
        %dma_start3A_397 = tpu.memref_slice %arg7[%add3A_352, %dma_start3A_396] : memref<10000x5xi32, #tpu.memory_space<hbm>> -> memref<168x5xi32, #tpu.memory_space<hbm>>
        tpu.enqueue_dma source(%dma_start3A_397 : memref<168x5xi32, #tpu.memory_space<hbm>>) target(%run_scoped3A : memref<168x5xi32, #tpu.memory_space<vmem>>) target_semaphore(%run_scoped3A_393 : memref<!tpu.dma_semaphore, #tpu.memory_space<semaphore_mem>>)
        %dma_wait3A_398 = arith.constant 0 : i32
        %dma_wait3A_399 = tpu.memref_slice %arg7[%add3A_352, %dma_wait3A_398] : memref<10000x5xi32, #tpu.memory_space<hbm>> -> memref<168x5xi32, #tpu.memory_space<hbm>>
        %dma_wait3A_400 = arith.constant 0 : i32
        %dma_wait3A_401 = tpu.memref_slice %arg7[%add3A_352, %dma_wait3A_400] : memref<10000x5xi32, #tpu.memory_space<hbm>> -> memref<168x5xi32, #tpu.memory_space<hbm>>
        tpu.wait_dma2 semaphore(%run_scoped3A_393 : memref<!tpu.dma_semaphore, #tpu.memory_space<semaphore_mem>>) src(%dma_wait3A_401 : memref<168x5xi32, #tpu.memory_space<hbm>>) dst(%run_scoped3A : memref<168x5xi32, #tpu.memory_space<vmem>>)
        tpu.yield
      }) : () -> ()
      %scan3A = arith.constant 0 : i32
      %scan3A_353 = arith.constant 0 : i32
      %scan3A_354 = arith.constant 10 : i32
      %scan3A_355 = arith.addi %scan3A_353, %scan3A_354 : i32
      %scan3A_356 = arith.constant 1 : i32
      scf.for %scan3A_393 = %scan3A_353 to %scan3A_355 step %scan3A_356  : i32 {
        %mul3A_394 = arith.constant 16 : i32
        %mul3A_395 = arith.muli %scan3A_393, %mul3A_394 : i32
        %add3A_396 = vector.broadcast %mul3A_395 : i32 to vector<16xi32>
        %add3A_397 = arith.addi %iota3A, %add3A_396 : vector<16xi32>
        %broadcast_in_dim3A_398 = arith.constant 0 : i32
        %broadcast_in_dim3A_399 = vector.broadcast %broadcast_in_dim3A_398 : i32 to vector<16xi32>
        %gather3A_400 = tpu.vector_load_idx %run_scoped3A[%add3A_397, %broadcast_in_dim3A_399] : memref<168x5xi32, #tpu.memory_space<vmem>>[vector<16xi32>, vector<16xi32>], vector<16xi32>,
        %mul3A_401 = arith.constant 16 : i32
        %mul3A_402 = arith.muli %scan3A_393, %mul3A_401 : i32
        %add3A_403 = arith.constant 3280 : i32
        %add3A_404 = arith.addi %add3A_403, %mul3A_402 : i32
        %swap3A = arith.index_cast %add3A_404 : i32 to index
        %swap3A_405 = tpu.vector_load %arg11[%swap3A] {strides = array<i32>} : memref<9184xi32, #tpu.memory_space<vmem>>, vector<16xi32>,
        tpu.vector_store %arg11[%swap3A], %gather3A_400 {strides = array<i32>} : memref<9184xi32, #tpu.memory_space<vmem>>, vector<16xi32>,
        %broadcast_in_dim3A_406 = arith.constant 1 : i32
        %broadcast_in_dim3A_407 = vector.broadcast %broadcast_in_dim3A_406 : i32 to vector<16xi32>
        %gather3A_408 = tpu.vector_load_idx %run_scoped3A[%add3A_397, %broadcast_in_dim3A_407] : memref<168x5xi32, #tpu.memory_space<vmem>>[vector<16xi32>, vector<16xi32>], vector<16xi32>,
        %mul3A_409 = arith.constant 16 : i32
        %mul3A_410 = arith.muli %scan3A_393, %mul3A_409 : i32
        %add3A_411 = arith.constant 3608 : i32
        %add3A_412 = arith.addi %add3A_411, %mul3A_410 : i32
        %swap3A_413 = arith.index_cast %add3A_412 : i32 to index
        %swap3A_414 = tpu.vector_load %arg11[%swap3A_413] {strides = array<i32>} : memref<9184xi32, #tpu.memory_space<vmem>>, vector<16xi32>,
        tpu.vector_store %arg11[%swap3A_413], %gather3A_408 {strides = array<i32>} : memref<9184xi32, #tpu.memory_space<vmem>>, vector<16xi32>,
        %broadcast_in_dim3A_415 = arith.constant 2 : i32
        %broadcast_in_dim3A_416 = vector.broadcast %broadcast_in_dim3A_415 : i32 to vector<16xi32>
        %gather3A_417 = tpu.vector_load_idx %run_scoped3A[%add3A_397, %broadcast_in_dim3A_416] : memref<168x5xi32, #tpu.memory_space<vmem>>[vector<16xi32>, vector<16xi32>], vector<16xi32>,
        %mul3A_418 = arith.constant 16 : i32
        %mul3A_419 = arith.muli %scan3A_393, %mul3A_418 : i32
        %add3A_420 = arith.constant 3936 : i32
        %add3A_421 = arith.addi %add3A_420, %mul3A_419 : i32
        %swap3A_422 = arith.index_cast %add3A_421 : i32 to index
        %swap3A_423 = tpu.vector_load %arg11[%swap3A_422] {strides = array<i32>} : memref<9184xi32, #tpu.memory_space<vmem>>, vector<16xi32>,
        tpu.vector_store %arg11[%swap3A_422], %gather3A_417 {strides = array<i32>} : memref<9184xi32, #tpu.memory_space<vmem>>, vector<16xi32>,
        %broadcast_in_dim3A_424 = arith.constant 3 : i32
        %broadcast_in_dim3A_425 = vector.broadcast %broadcast_in_dim3A_424 : i32 to vector<16xi32>
        %gather3A_426 = tpu.vector_load_idx %run_scoped3A[%add3A_397, %broadcast_in_dim3A_425] : memref<168x5xi32, #tpu.memory_space<vmem>>[vector<16xi32>, vector<16xi32>], vector<16xi32>,
        %mul3A_427 = arith.constant 16 : i32
        %mul3A_428 = arith.muli %scan3A_393, %mul3A_427 : i32
        %add3A_429 = arith.constant 4264 : i32
        %add3A_430 = arith.addi %add3A_429, %mul3A_428 : i32
        %swap3A_431 = arith.index_cast %add3A_430 : i32 to index
        %swap3A_432 = tpu.vector_load %arg11[%swap3A_431] {strides = array<i32>} : memref<9184xi32, #tpu.memory_space<vmem>>, vector<16xi32>,
        tpu.vector_store %arg11[%swap3A_431], %gather3A_426 {strides = array<i32>} : memref<9184xi32, #tpu.memory_space<vmem>>, vector<16xi32>,
        %broadcast_in_dim3A_433 = arith.constant 4 : i32
        %broadcast_in_dim3A_434 = vector.broadcast %broadcast_in_dim3A_433 : i32 to vector<16xi32>
        %gather3A_435 = tpu.vector_load_idx %run_scoped3A[%add3A_397, %broadcast_in_dim3A_434] : memref<168x5xi32, #tpu.memory_space<vmem>>[vector<16xi32>, vector<16xi32>], vector<16xi32>,
        %mul3A_436 = arith.constant 16 : i32
        %mul3A_437 = arith.muli %scan3A_393, %mul3A_436 : i32
        %add3A_438 = arith.constant 4592 : i32
        %add3A_439 = arith.addi %add3A_438, %mul3A_437 : i32
        %swap3A_440 = arith.index_cast %add3A_439 : i32 to index
        %swap3A_441 = tpu.vector_load %arg11[%swap3A_440] {strides = array<i32>} : memref<9184xi32, #tpu.memory_space<vmem>>, vector<16xi32>,
        tpu.vector_store %arg11[%swap3A_440], %gather3A_435 {strides = array<i32>} : memref<9184xi32, #tpu.memory_space<vmem>>, vector<16xi32>,
      }
      %scan3A_357 = arith.constant 10 : i32
      %lt3A = arith.constant 8 : i32
      %lt3A_358 = vector.broadcast %lt3A : i32 to vector<16xi32>
      %lt3A_359 = arith.cmpi slt, %iota3A, %lt3A_358 : vector<16xi32>
      %add3A_360 = arith.constant 160 : i32
      %add3A_361 = vector.broadcast %add3A_360 : i32 to vector<16xi32>
      %add3A_362 = arith.addi %iota3A, %add3A_361 : vector<16xi32>
      %min3A = arith.constant 167 : i32
      %min3A_363 = vector.broadcast %min3A : i32 to vector<16xi32>
      %min3A_364 = arith.minsi %add3A_362, %min3A_363 : vector<16xi32>
      %broadcast_in_dim3A = arith.constant 0 : i32
      %broadcast_in_dim3A_365 = vector.broadcast %broadcast_in_dim3A : i32 to vector<16xi32>
      %gather3A = tpu.vector_load_idx %run_scoped3A[%min3A_364, %broadcast_in_dim3A_365] masked %lt3A_359 : memref<168x5xi32, #tpu.memory_space<vmem>>[vector<16xi32>, vector<16xi32>], vector<16xi32>, vector<16xi1>
      %add3A_366 = arith.constant 3440 : i32
      %add3A_367 = vector.broadcast %add3A_366 : i32 to vector<16xi32>
      %add3A_368 = arith.addi %iota3A, %add3A_367 : vector<16xi32>
      tpu.vector_store_idx %arg11[%add3A_368], %gather3A masked %lt3A_359 : memref<9184xi32, #tpu.memory_space<vmem>>[vector<16xi32>], vector<16xi32>, vector<16xi1>
      %broadcast_in_dim3A_369 = arith.constant 1 : i32
      %broadcast_in_dim3A_370 = vector.broadcast %broadcast_in_dim3A_369 : i32 to vector<16xi32>
      %gather3A_371 = tpu.vector_load_idx %run_scoped3A[%min3A_364, %broadcast_in_dim3A_370] masked %lt3A_359 : memref<168x5xi32, #tpu.memory_space<vmem>>[vector<16xi32>, vector<16xi32>], vector<16xi32>, vector<16xi1>
      %add3A_372 = arith.constant 3768 : i32
      %add3A_373 = vector.broadcast %add3A_372 : i32 to vector<16xi32>
      %add3A_374 = arith.addi %iota3A, %add3A_373 : vector<16xi32>
      tpu.vector_store_idx %arg11[%add3A_374], %gather3A_371 masked %lt3A_359 : memref<9184xi32, #tpu.memory_space<vmem>>[vector<16xi32>], vector<16xi32>, vector<16xi1>
      %broadcast_in_dim3A_375 = arith.constant 2 : i32
      %broadcast_in_dim3A_376 = vector.broadcast %broadcast_in_dim3A_375 : i32 to vector<16xi32>
      %gather3A_377 = tpu.vector_load_idx %run_scoped3A[%min3A_364, %broadcast_in_dim3A_376] masked %lt3A_359 : memref<168x5xi32, #tpu.memory_space<vmem>>[vector<16xi32>, vector<16xi32>], vector<16xi32>, vector<16xi1>
      %add3A_378 = arith.constant 4096 : i32
      %add3A_379 = vector.broadcast %add3A_378 : i32 to vector<16xi32>
      %add3A_380 = arith.addi %iota3A, %add3A_379 : vector<16xi32>
      tpu.vector_store_idx %arg11[%add3A_380], %gather3A_377 masked %lt3A_359 : memref<9184xi32, #tpu.memory_space<vmem>>[vector<16xi32>], vector<16xi32>, vector<16xi1>
      %broadcast_in_dim3A_381 = arith.constant 3 : i32
      %broadcast_in_dim3A_382 = vector.broadcast %broadcast_in_dim3A_381 : i32 to vector<16xi32>
      %gather3A_383 = tpu.vector_load_idx %run_scoped3A[%min3A_364, %broadcast_in_dim3A_382] masked %lt3A_359 : memref<168x5xi32, #tpu.memory_space<vmem>>[vector<16xi32>, vector<16xi32>], vector<16xi32>, vector<16xi1>
      %add3A_384 = arith.constant 4424 : i32
      %add3A_385 = vector.broadcast %add3A_384 : i32 to vector<16xi32>
      %add3A_386 = arith.addi %iota3A, %add3A_385 : vector<16xi32>
      tpu.vector_store_idx %arg11[%add3A_386], %gather3A_383 masked %lt3A_359 : memref<9184xi32, #tpu.memory_space<vmem>>[vector<16xi32>], vector<16xi32>, vector<16xi1>
      %broadcast_in_dim3A_387 = arith.constant 4 : i32
      %broadcast_in_dim3A_388 = vector.broadcast %broadcast_in_dim3A_387 : i32 to vector<16xi32>
      %gather3A_389 = tpu.vector_load_idx %run_scoped3A[%min3A_364, %broadcast_in_dim3A_388] masked %lt3A_359 : memref<168x5xi32, #tpu.memory_space<vmem>>[vector<16xi32>, vector<16xi32>], vector<16xi32>, vector<16xi1>
      %add3A_390 = arith.constant 4752 : i32
      %add3A_391 = vector.broadcast %add3A_390 : i32 to vector<16xi32>
      %add3A_392 = arith.addi %iota3A, %add3A_391 : vector<16xi32>
      tpu.vector_store_idx %arg11[%add3A_392], %gather3A_389 masked %lt3A_359 : memref<9184xi32, #tpu.memory_space<vmem>>[vector<16xi32>], vector<16xi32>, vector<16xi1>
      tpu.yield
    }) : () -> ()
    "tpu.region"() ({
      %run_scoped3A = memref.alloca() : memref<160x5xi32, #tpu.memory_space<vmem>>
      %add3A_351 = arith.constant 168 : i32
      %add3A_352 = arith.addi %mul3A_2, %add3A_351 : i32
      "tpu.region"() ({
        %run_scoped3A_358 = tpu.sem_alloc : memref<!tpu.dma_semaphore, #tpu.memory_space<semaphore_mem>>
        %dma_start3A_359 = arith.constant 0 : i32
        %dma_start3A_360 = tpu.memref_slice %arg7[%add3A_352, %dma_start3A_359] : memref<10000x5xi32, #tpu.memory_space<hbm>> -> memref<160x5xi32, #tpu.memory_space<hbm>>
        %dma_start3A_361 = arith.constant 0 : i32
        %dma_start3A_362 = tpu.memref_slice %arg7[%add3A_352, %dma_start3A_361] : memref<10000x5xi32, #tpu.memory_space<hbm>> -> memref<160x5xi32, #tpu.memory_space<hbm>>
        tpu.enqueue_dma source(%dma_start3A_362 : memref<160x5xi32, #tpu.memory_space<hbm>>) target(%run_scoped3A : memref<160x5xi32, #tpu.memory_space<vmem>>) target_semaphore(%run_scoped3A_358 : memref<!tpu.dma_semaphore, #tpu.memory_space<semaphore_mem>>)
        %dma_wait3A_363 = arith.constant 0 : i32
        %dma_wait3A_364 = tpu.memref_slice %arg7[%add3A_352, %dma_wait3A_363] : memref<10000x5xi32, #tpu.memory_space<hbm>> -> memref<160x5xi32, #tpu.memory_space<hbm>>
        %dma_wait3A_365 = arith.constant 0 : i32
        %dma_wait3A_366 = tpu.memref_slice %arg7[%add3A_352, %dma_wait3A_365] : memref<10000x5xi32, #tpu.memory_space<hbm>> -> memref<160x5xi32, #tpu.memory_space<hbm>>
        tpu.wait_dma2 semaphore(%run_scoped3A_358 : memref<!tpu.dma_semaphore, #tpu.memory_space<semaphore_mem>>) src(%dma_wait3A_366 : memref<160x5xi32, #tpu.memory_space<hbm>>) dst(%run_scoped3A : memref<160x5xi32, #tpu.memory_space<vmem>>)
        tpu.yield
      }) : () -> ()
      %scan3A = arith.constant 0 : i32
      %scan3A_353 = arith.constant 0 : i32
      %scan3A_354 = arith.constant 10 : i32
      %scan3A_355 = arith.addi %scan3A_353, %scan3A_354 : i32
      %scan3A_356 = arith.constant 1 : i32
      scf.for %scan3A_358 = %scan3A_353 to %scan3A_355 step %scan3A_356  : i32 {
        %mul3A_359 = arith.constant 16 : i32
        %mul3A_360 = arith.muli %scan3A_358, %mul3A_359 : i32
        %add3A_361 = vector.broadcast %mul3A_360 : i32 to vector<16xi32>
        %add3A_362 = arith.addi %iota3A, %add3A_361 : vector<16xi32>
        %broadcast_in_dim3A = arith.constant 0 : i32
        %broadcast_in_dim3A_363 = vector.broadcast %broadcast_in_dim3A : i32 to vector<16xi32>
        %gather3A = tpu.vector_load_idx %run_scoped3A[%add3A_362, %broadcast_in_dim3A_363] : memref<160x5xi32, #tpu.memory_space<vmem>>[vector<16xi32>, vector<16xi32>], vector<16xi32>,
        %mul3A_364 = arith.constant 16 : i32
        %mul3A_365 = arith.muli %scan3A_358, %mul3A_364 : i32
        %add3A_366 = arith.constant 3448 : i32
        %add3A_367 = arith.addi %add3A_366, %mul3A_365 : i32
        %swap3A = arith.index_cast %add3A_367 : i32 to index
        %swap3A_368 = tpu.vector_load %arg11[%swap3A] {strides = array<i32>} : memref<9184xi32, #tpu.memory_space<vmem>>, vector<16xi32>,
        tpu.vector_store %arg11[%swap3A], %gather3A {strides = array<i32>} : memref<9184xi32, #tpu.memory_space<vmem>>, vector<16xi32>,
        %broadcast_in_dim3A_369 = arith.constant 1 : i32
        %broadcast_in_dim3A_370 = vector.broadcast %broadcast_in_dim3A_369 : i32 to vector<16xi32>
        %gather3A_371 = tpu.vector_load_idx %run_scoped3A[%add3A_362, %broadcast_in_dim3A_370] : memref<160x5xi32, #tpu.memory_space<vmem>>[vector<16xi32>, vector<16xi32>], vector<16xi32>,
        %mul3A_372 = arith.constant 16 : i32
        %mul3A_373 = arith.muli %scan3A_358, %mul3A_372 : i32
        %add3A_374 = arith.constant 3776 : i32
        %add3A_375 = arith.addi %add3A_374, %mul3A_373 : i32
        %swap3A_376 = arith.index_cast %add3A_375 : i32 to index
        %swap3A_377 = tpu.vector_load %arg11[%swap3A_376] {strides = array<i32>} : memref<9184xi32, #tpu.memory_space<vmem>>, vector<16xi32>,
        tpu.vector_store %arg11[%swap3A_376], %gather3A_371 {strides = array<i32>} : memref<9184xi32, #tpu.memory_space<vmem>>, vector<16xi32>,
        %broadcast_in_dim3A_378 = arith.constant 2 : i32
        %broadcast_in_dim3A_379 = vector.broadcast %broadcast_in_dim3A_378 : i32 to vector<16xi32>
        %gather3A_380 = tpu.vector_load_idx %run_scoped3A[%add3A_362, %broadcast_in_dim3A_379] : memref<160x5xi32, #tpu.memory_space<vmem>>[vector<16xi32>, vector<16xi32>], vector<16xi32>,
        %mul3A_381 = arith.constant 16 : i32
        %mul3A_382 = arith.muli %scan3A_358, %mul3A_381 : i32
        %add3A_383 = arith.constant 4104 : i32
        %add3A_384 = arith.addi %add3A_383, %mul3A_382 : i32
        %swap3A_385 = arith.index_cast %add3A_384 : i32 to index
        %swap3A_386 = tpu.vector_load %arg11[%swap3A_385] {strides = array<i32>} : memref<9184xi32, #tpu.memory_space<vmem>>, vector<16xi32>,
        tpu.vector_store %arg11[%swap3A_385], %gather3A_380 {strides = array<i32>} : memref<9184xi32, #tpu.memory_space<vmem>>, vector<16xi32>,
        %broadcast_in_dim3A_387 = arith.constant 3 : i32
        %broadcast_in_dim3A_388 = vector.broadcast %broadcast_in_dim3A_387 : i32 to vector<16xi32>
        %gather3A_389 = tpu.vector_load_idx %run_scoped3A[%add3A_362, %broadcast_in_dim3A_388] : memref<160x5xi32, #tpu.memory_space<vmem>>[vector<16xi32>, vector<16xi32>], vector<16xi32>,
        %mul3A_390 = arith.constant 16 : i32
        %mul3A_391 = arith.muli %scan3A_358, %mul3A_390 : i32
        %add3A_392 = arith.constant 4432 : i32
        %add3A_393 = arith.addi %add3A_392, %mul3A_391 : i32
        %swap3A_394 = arith.index_cast %add3A_393 : i32 to index
        %swap3A_395 = tpu.vector_load %arg11[%swap3A_394] {strides = array<i32>} : memref<9184xi32, #tpu.memory_space<vmem>>, vector<16xi32>,
        tpu.vector_store %arg11[%swap3A_394], %gather3A_389 {strides = array<i32>} : memref<9184xi32, #tpu.memory_space<vmem>>, vector<16xi32>,
        %broadcast_in_dim3A_396 = arith.constant 4 : i32
        %broadcast_in_dim3A_397 = vector.broadcast %broadcast_in_dim3A_396 : i32 to vector<16xi32>
        %gather3A_398 = tpu.vector_load_idx %run_scoped3A[%add3A_362, %broadcast_in_dim3A_397] : memref<160x5xi32, #tpu.memory_space<vmem>>[vector<16xi32>, vector<16xi32>], vector<16xi32>,
        %mul3A_399 = arith.constant 16 : i32
        %mul3A_400 = arith.muli %scan3A_358, %mul3A_399 : i32
        %add3A_401 = arith.constant 4760 : i32
        %add3A_402 = arith.addi %add3A_401, %mul3A_400 : i32
        %swap3A_403 = arith.index_cast %add3A_402 : i32 to index
        %swap3A_404 = tpu.vector_load %arg11[%swap3A_403] {strides = array<i32>} : memref<9184xi32, #tpu.memory_space<vmem>>, vector<16xi32>,
        tpu.vector_store %arg11[%swap3A_403], %gather3A_398 {strides = array<i32>} : memref<9184xi32, #tpu.memory_space<vmem>>, vector<16xi32>,
      }
      %scan3A_357 = arith.constant 10 : i32
      tpu.yield
    }) : () -> ()
    %dma_wait3A_76 = arith.constant 1312 : i32
    %dma_wait3A_77 = tpu.memref_slice %arg11[%dma_wait3A_76] : memref<9184xi32, #tpu.memory_space<vmem>> -> memref<328xi32, #tpu.memory_space<vmem>>
    %dma_wait3A_78 = arith.constant 0 : i32
    %dma_wait3A_79 = arith.constant 0 : i32
    %dma_wait3A_80 = tpu.memref_slice %arg2[%dma_wait3A_78, %dma_wait3A_79] : memref<110000x128xf32, #tpu.memory_space<hbm>> -> memref<110000x128xf32, #tpu.memory_space<hbm>>
    tpu.wait_indirect_dma semaphore(%arg16 : memref<!tpu.dma_semaphore, #tpu.memory_space<semaphore_mem>>) src(%dma_wait3A_80 : memref<110000x128xf32, #tpu.memory_space<hbm>>) dst(%arg12 : memref<328x128xf32, #tpu.memory_space<vmem>>)
    %dma_wait3A_81 = arith.constant 1640 : i32
    %dma_wait3A_82 = tpu.memref_slice %arg11[%dma_wait3A_81] : memref<9184xi32, #tpu.memory_space<vmem>> -> memref<328xi32, #tpu.memory_space<vmem>>
    %dma_wait3A_83 = arith.constant 0 : i32
    %dma_wait3A_84 = arith.constant 0 : i32
    %dma_wait3A_85 = tpu.memref_slice %arg2[%dma_wait3A_83, %dma_wait3A_84] : memref<110000x128xf32, #tpu.memory_space<hbm>> -> memref<110000x128xf32, #tpu.memory_space<hbm>>
    tpu.wait_indirect_dma semaphore(%arg16 : memref<!tpu.dma_semaphore, #tpu.memory_space<semaphore_mem>>) src(%dma_wait3A_85 : memref<110000x128xf32, #tpu.memory_space<hbm>>) dst(%arg12 : memref<328x128xf32, #tpu.memory_space<vmem>>)
    %add3A_86 = arith.constant 20000 : i32
    %add3A_87 = arith.addi %add3A_86, %mul3A_2 : i32
    %dma_start3A_88 = arith.constant 0 : i32
    %dma_start3A_89 = tpu.memref_slice %arg10[%add3A_87, %dma_start3A_88] : memref<70000x128xf32, #tpu.memory_space<hbm>> -> memref<328x128xf32, #tpu.memory_space<hbm>>
    %dma_start3A_90 = arith.constant 0 : i32
    %dma_start3A_91 = tpu.memref_slice %arg10[%add3A_87, %dma_start3A_90] : memref<70000x128xf32, #tpu.memory_space<hbm>> -> memref<328x128xf32, #tpu.memory_space<hbm>>
    tpu.enqueue_dma source(%arg12 : memref<328x128xf32, #tpu.memory_space<vmem>>) target(%dma_start3A_91 : memref<328x128xf32, #tpu.memory_space<hbm>>) target_semaphore(%arg18 : memref<!tpu.dma_semaphore, #tpu.memory_space<semaphore_mem>>)
    %dma_wait3A_92 = arith.constant 1968 : i32
    %dma_wait3A_93 = tpu.memref_slice %arg11[%dma_wait3A_92] : memref<9184xi32, #tpu.memory_space<vmem>> -> memref<328xi32, #tpu.memory_space<vmem>>
    %dma_wait3A_94 = arith.constant 0 : i32
    %dma_wait3A_95 = arith.constant 0 : i32
    %dma_wait3A_96 = tpu.memref_slice %arg2[%dma_wait3A_94, %dma_wait3A_95] : memref<110000x128xf32, #tpu.memory_space<hbm>> -> memref<110000x128xf32, #tpu.memory_space<hbm>>
    tpu.wait_indirect_dma semaphore(%arg15 : memref<!tpu.dma_semaphore, #tpu.memory_space<semaphore_mem>>) src(%dma_wait3A_96 : memref<110000x128xf32, #tpu.memory_space<hbm>>) dst(%arg13 : memref<328x128xf32, #tpu.memory_space<vmem>>)
    %dma_wait3A_97 = arith.constant 0 : i32
    %dma_wait3A_98 = tpu.memref_slice %arg10[%add3A_87, %dma_wait3A_97] : memref<70000x128xf32, #tpu.memory_space<hbm>> -> memref<328x128xf32, #tpu.memory_space<hbm>>
    %dma_wait3A_99 = arith.constant 0 : i32
    %dma_wait3A_100 = tpu.memref_slice %arg10[%add3A_87, %dma_wait3A_99] : memref<70000x128xf32, #tpu.memory_space<hbm>> -> memref<328x128xf32, #tpu.memory_space<hbm>>
    tpu.wait_dma2 semaphore(%arg18 : memref<!tpu.dma_semaphore, #tpu.memory_space<semaphore_mem>>) src(%arg12 : memref<328x128xf32, #tpu.memory_space<vmem>>) dst(%dma_wait3A_100 : memref<328x128xf32, #tpu.memory_space<hbm>>)
    %dma_start3A_101 = arith.constant 3280 : i32
    %dma_start3A_102 = tpu.memref_slice %arg11[%dma_start3A_101] : memref<9184xi32, #tpu.memory_space<vmem>> -> memref<328xi32, #tpu.memory_space<vmem>>
    %dma_start3A_103 = arith.constant 0 : i32
    %dma_start3A_104 = arith.constant 0 : i32
    %dma_start3A_105 = tpu.memref_slice %arg2[%dma_start3A_103, %dma_start3A_104] : memref<110000x128xf32, #tpu.memory_space<hbm>> -> memref<110000x128xf32, #tpu.memory_space<hbm>>
    tpu.enqueue_indirect_dma source(%dma_start3A_105 : memref<110000x128xf32, #tpu.memory_space<hbm>>) target(%arg12 : memref<328x128xf32, #tpu.memory_space<vmem>>) offsets(%dma_start3A_102 : memref<328xi32, #tpu.memory_space<vmem>>) semaphore(%arg14 : memref<!tpu.dma_semaphore, #tpu.memory_space<semaphore_mem>>)
    %dma_start3A_106 = arith.constant 2296 : i32
    %dma_start3A_107 = tpu.memref_slice %arg11[%dma_start3A_106] : memref<9184xi32, #tpu.memory_space<vmem>> -> memref<328xi32, #tpu.memory_space<vmem>>
    %dma_start3A_108 = arith.constant 0 : i32
    %dma_start3A_109 = arith.constant 0 : i32
    %dma_start3A_110 = tpu.memref_slice %arg2[%dma_start3A_108, %dma_start3A_109] : memref<110000x128xf32, #tpu.memory_space<hbm>> -> memref<110000x128xf32, #tpu.memory_space<hbm>>
    tpu.enqueue_indirect_dma source(%dma_start3A_110 : memref<110000x128xf32, #tpu.memory_space<hbm>>) target(%arg13 : memref<328x128xf32, #tpu.memory_space<vmem>>) offsets(%dma_start3A_107 : memref<328xi32, #tpu.memory_space<vmem>>) semaphore(%arg17 : memref<!tpu.dma_semaphore, #tpu.memory_space<semaphore_mem>>) {add = true}
    %dma_start3A_111 = arith.constant 2624 : i32
    %dma_start3A_112 = tpu.memref_slice %arg11[%dma_start3A_111] : memref<9184xi32, #tpu.memory_space<vmem>> -> memref<328xi32, #tpu.memory_space<vmem>>
    %dma_start3A_113 = arith.constant 0 : i32
    %dma_start3A_114 = arith.constant 0 : i32
    %dma_start3A_115 = tpu.memref_slice %arg2[%dma_start3A_113, %dma_start3A_114] : memref<110000x128xf32, #tpu.memory_space<hbm>> -> memref<110000x128xf32, #tpu.memory_space<hbm>>
    tpu.enqueue_indirect_dma source(%dma_start3A_115 : memref<110000x128xf32, #tpu.memory_space<hbm>>) target(%arg13 : memref<328x128xf32, #tpu.memory_space<vmem>>) offsets(%dma_start3A_112 : memref<328xi32, #tpu.memory_space<vmem>>) semaphore(%arg17 : memref<!tpu.dma_semaphore, #tpu.memory_space<semaphore_mem>>) {add = true}
    %dma_start3A_116 = arith.constant 2952 : i32
    %dma_start3A_117 = tpu.memref_slice %arg11[%dma_start3A_116] : memref<9184xi32, #tpu.memory_space<vmem>> -> memref<328xi32, #tpu.memory_space<vmem>>
    %dma_start3A_118 = arith.constant 0 : i32
    %dma_start3A_119 = arith.constant 0 : i32
    %dma_start3A_120 = tpu.memref_slice %arg2[%dma_start3A_118, %dma_start3A_119] : memref<110000x128xf32, #tpu.memory_space<hbm>> -> memref<110000x128xf32, #tpu.memory_space<hbm>>
    tpu.enqueue_indirect_dma source(%dma_start3A_120 : memref<110000x128xf32, #tpu.memory_space<hbm>>) target(%arg13 : memref<328x128xf32, #tpu.memory_space<vmem>>) offsets(%dma_start3A_117 : memref<328xi32, #tpu.memory_space<vmem>>) semaphore(%arg17 : memref<!tpu.dma_semaphore, #tpu.memory_space<semaphore_mem>>) {add = true}
    "tpu.region"() ({
      %run_scoped3A = memref.alloca() : memref<168x6xi32, #tpu.memory_space<vmem>>
      %add3A_351 = arith.constant 0 : i32
      %add3A_352 = arith.addi %mul3A_2, %add3A_351 : i32
      "tpu.region"() ({
        %run_scoped3A_399 = tpu.sem_alloc : memref<!tpu.dma_semaphore, #tpu.memory_space<semaphore_mem>>
        %dma_start3A_400 = arith.constant 0 : i32
        %dma_start3A_401 = tpu.memref_slice %arg8[%add3A_352, %dma_start3A_400] : memref<10000x6xi32, #tpu.memory_space<hbm>> -> memref<168x6xi32, #tpu.memory_space<hbm>>
        %dma_start3A_402 = arith.constant 0 : i32
        %dma_start3A_403 = tpu.memref_slice %arg8[%add3A_352, %dma_start3A_402] : memref<10000x6xi32, #tpu.memory_space<hbm>> -> memref<168x6xi32, #tpu.memory_space<hbm>>
        tpu.enqueue_dma source(%dma_start3A_403 : memref<168x6xi32, #tpu.memory_space<hbm>>) target(%run_scoped3A : memref<168x6xi32, #tpu.memory_space<vmem>>) target_semaphore(%run_scoped3A_399 : memref<!tpu.dma_semaphore, #tpu.memory_space<semaphore_mem>>)
        %dma_wait3A_404 = arith.constant 0 : i32
        %dma_wait3A_405 = tpu.memref_slice %arg8[%add3A_352, %dma_wait3A_404] : memref<10000x6xi32, #tpu.memory_space<hbm>> -> memref<168x6xi32, #tpu.memory_space<hbm>>
        %dma_wait3A_406 = arith.constant 0 : i32
        %dma_wait3A_407 = tpu.memref_slice %arg8[%add3A_352, %dma_wait3A_406] : memref<10000x6xi32, #tpu.memory_space<hbm>> -> memref<168x6xi32, #tpu.memory_space<hbm>>
        tpu.wait_dma2 semaphore(%run_scoped3A_399 : memref<!tpu.dma_semaphore, #tpu.memory_space<semaphore_mem>>) src(%dma_wait3A_407 : memref<168x6xi32, #tpu.memory_space<hbm>>) dst(%run_scoped3A : memref<168x6xi32, #tpu.memory_space<vmem>>)
        tpu.yield
      }) : () -> ()
      %scan3A = arith.constant 0 : i32
      %scan3A_353 = arith.constant 0 : i32
      %scan3A_354 = arith.constant 10 : i32
      %scan3A_355 = arith.addi %scan3A_353, %scan3A_354 : i32
      %scan3A_356 = arith.constant 1 : i32
      scf.for %scan3A_399 = %scan3A_353 to %scan3A_355 step %scan3A_356  : i32 {
        %mul3A_400 = arith.constant 16 : i32
        %mul3A_401 = arith.muli %scan3A_399, %mul3A_400 : i32
        %add3A_402 = vector.broadcast %mul3A_401 : i32 to vector<16xi32>
        %add3A_403 = arith.addi %iota3A, %add3A_402 : vector<16xi32>
        %broadcast_in_dim3A_404 = arith.constant 0 : i32
        %broadcast_in_dim3A_405 = vector.broadcast %broadcast_in_dim3A_404 : i32 to vector<16xi32>
        %gather3A_406 = tpu.vector_load_idx %run_scoped3A[%add3A_403, %broadcast_in_dim3A_405] : memref<168x6xi32, #tpu.memory_space<vmem>>[vector<16xi32>, vector<16xi32>], vector<16xi32>,
        %mul3A_407 = arith.constant 16 : i32
        %mul3A_408 = arith.muli %scan3A_399, %mul3A_407 : i32
        %add3A_409 = arith.constant 4920 : i32
        %add3A_410 = arith.addi %add3A_409, %mul3A_408 : i32
        %swap3A = arith.index_cast %add3A_410 : i32 to index
        %swap3A_411 = tpu.vector_load %arg11[%swap3A] {strides = array<i32>} : memref<9184xi32, #tpu.memory_space<vmem>>, vector<16xi32>,
        tpu.vector_store %arg11[%swap3A], %gather3A_406 {strides = array<i32>} : memref<9184xi32, #tpu.memory_space<vmem>>, vector<16xi32>,
        %broadcast_in_dim3A_412 = arith.constant 1 : i32
        %broadcast_in_dim3A_413 = vector.broadcast %broadcast_in_dim3A_412 : i32 to vector<16xi32>
        %gather3A_414 = tpu.vector_load_idx %run_scoped3A[%add3A_403, %broadcast_in_dim3A_413] : memref<168x6xi32, #tpu.memory_space<vmem>>[vector<16xi32>, vector<16xi32>], vector<16xi32>,
        %mul3A_415 = arith.constant 16 : i32
        %mul3A_416 = arith.muli %scan3A_399, %mul3A_415 : i32
        %add3A_417 = arith.constant 5248 : i32
        %add3A_418 = arith.addi %add3A_417, %mul3A_416 : i32
        %swap3A_419 = arith.index_cast %add3A_418 : i32 to index
        %swap3A_420 = tpu.vector_load %arg11[%swap3A_419] {strides = array<i32>} : memref<9184xi32, #tpu.memory_space<vmem>>, vector<16xi32>,
        tpu.vector_store %arg11[%swap3A_419], %gather3A_414 {strides = array<i32>} : memref<9184xi32, #tpu.memory_space<vmem>>, vector<16xi32>,
        %broadcast_in_dim3A_421 = arith.constant 2 : i32
        %broadcast_in_dim3A_422 = vector.broadcast %broadcast_in_dim3A_421 : i32 to vector<16xi32>
        %gather3A_423 = tpu.vector_load_idx %run_scoped3A[%add3A_403, %broadcast_in_dim3A_422] : memref<168x6xi32, #tpu.memory_space<vmem>>[vector<16xi32>, vector<16xi32>], vector<16xi32>,
        %mul3A_424 = arith.constant 16 : i32
        %mul3A_425 = arith.muli %scan3A_399, %mul3A_424 : i32
        %add3A_426 = arith.constant 5576 : i32
        %add3A_427 = arith.addi %add3A_426, %mul3A_425 : i32
        %swap3A_428 = arith.index_cast %add3A_427 : i32 to index
        %swap3A_429 = tpu.vector_load %arg11[%swap3A_428] {strides = array<i32>} : memref<9184xi32, #tpu.memory_space<vmem>>, vector<16xi32>,
        tpu.vector_store %arg11[%swap3A_428], %gather3A_423 {strides = array<i32>} : memref<9184xi32, #tpu.memory_space<vmem>>, vector<16xi32>,
        %broadcast_in_dim3A_430 = arith.constant 3 : i32
        %broadcast_in_dim3A_431 = vector.broadcast %broadcast_in_dim3A_430 : i32 to vector<16xi32>
        %gather3A_432 = tpu.vector_load_idx %run_scoped3A[%add3A_403, %broadcast_in_dim3A_431] : memref<168x6xi32, #tpu.memory_space<vmem>>[vector<16xi32>, vector<16xi32>], vector<16xi32>,
        %mul3A_433 = arith.constant 16 : i32
        %mul3A_434 = arith.muli %scan3A_399, %mul3A_433 : i32
        %add3A_435 = arith.constant 5904 : i32
        %add3A_436 = arith.addi %add3A_435, %mul3A_434 : i32
        %swap3A_437 = arith.index_cast %add3A_436 : i32 to index
        %swap3A_438 = tpu.vector_load %arg11[%swap3A_437] {strides = array<i32>} : memref<9184xi32, #tpu.memory_space<vmem>>, vector<16xi32>,
        tpu.vector_store %arg11[%swap3A_437], %gather3A_432 {strides = array<i32>} : memref<9184xi32, #tpu.memory_space<vmem>>, vector<16xi32>,
        %broadcast_in_dim3A_439 = arith.constant 4 : i32
        %broadcast_in_dim3A_440 = vector.broadcast %broadcast_in_dim3A_439 : i32 to vector<16xi32>
        %gather3A_441 = tpu.vector_load_idx %run_scoped3A[%add3A_403, %broadcast_in_dim3A_440] : memref<168x6xi32, #tpu.memory_space<vmem>>[vector<16xi32>, vector<16xi32>], vector<16xi32>,
        %mul3A_442 = arith.constant 16 : i32
        %mul3A_443 = arith.muli %scan3A_399, %mul3A_442 : i32
        %add3A_444 = arith.constant 6232 : i32
        %add3A_445 = arith.addi %add3A_444, %mul3A_443 : i32
        %swap3A_446 = arith.index_cast %add3A_445 : i32 to index
        %swap3A_447 = tpu.vector_load %arg11[%swap3A_446] {strides = array<i32>} : memref<9184xi32, #tpu.memory_space<vmem>>, vector<16xi32>,
        tpu.vector_store %arg11[%swap3A_446], %gather3A_441 {strides = array<i32>} : memref<9184xi32, #tpu.memory_space<vmem>>, vector<16xi32>,
        %broadcast_in_dim3A_448 = arith.constant 5 : i32
        %broadcast_in_dim3A_449 = vector.broadcast %broadcast_in_dim3A_448 : i32 to vector<16xi32>
        %gather3A_450 = tpu.vector_load_idx %run_scoped3A[%add3A_403, %broadcast_in_dim3A_449] : memref<168x6xi32, #tpu.memory_space<vmem>>[vector<16xi32>, vector<16xi32>], vector<16xi32>,
        %mul3A_451 = arith.constant 16 : i32
        %mul3A_452 = arith.muli %scan3A_399, %mul3A_451 : i32
        %add3A_453 = arith.constant 6560 : i32
        %add3A_454 = arith.addi %add3A_453, %mul3A_452 : i32
        %swap3A_455 = arith.index_cast %add3A_454 : i32 to index
        %swap3A_456 = tpu.vector_load %arg11[%swap3A_455] {strides = array<i32>} : memref<9184xi32, #tpu.memory_space<vmem>>, vector<16xi32>,
        tpu.vector_store %arg11[%swap3A_455], %gather3A_450 {strides = array<i32>} : memref<9184xi32, #tpu.memory_space<vmem>>, vector<16xi32>,
      }
      %scan3A_357 = arith.constant 10 : i32
      %lt3A = arith.constant 8 : i32
      %lt3A_358 = vector.broadcast %lt3A : i32 to vector<16xi32>
      %lt3A_359 = arith.cmpi slt, %iota3A, %lt3A_358 : vector<16xi32>
      %add3A_360 = arith.constant 160 : i32
      %add3A_361 = vector.broadcast %add3A_360 : i32 to vector<16xi32>
      %add3A_362 = arith.addi %iota3A, %add3A_361 : vector<16xi32>
      %min3A = arith.constant 167 : i32
      %min3A_363 = vector.broadcast %min3A : i32 to vector<16xi32>
      %min3A_364 = arith.minsi %add3A_362, %min3A_363 : vector<16xi32>
      %broadcast_in_dim3A = arith.constant 0 : i32
      %broadcast_in_dim3A_365 = vector.broadcast %broadcast_in_dim3A : i32 to vector<16xi32>
      %gather3A = tpu.vector_load_idx %run_scoped3A[%min3A_364, %broadcast_in_dim3A_365] masked %lt3A_359 : memref<168x6xi32, #tpu.memory_space<vmem>>[vector<16xi32>, vector<16xi32>], vector<16xi32>, vector<16xi1>
      %add3A_366 = arith.constant 5080 : i32
      %add3A_367 = vector.broadcast %add3A_366 : i32 to vector<16xi32>
      %add3A_368 = arith.addi %iota3A, %add3A_367 : vector<16xi32>
      tpu.vector_store_idx %arg11[%add3A_368], %gather3A masked %lt3A_359 : memref<9184xi32, #tpu.memory_space<vmem>>[vector<16xi32>], vector<16xi32>, vector<16xi1>
      %broadcast_in_dim3A_369 = arith.constant 1 : i32
      %broadcast_in_dim3A_370 = vector.broadcast %broadcast_in_dim3A_369 : i32 to vector<16xi32>
      %gather3A_371 = tpu.vector_load_idx %run_scoped3A[%min3A_364, %broadcast_in_dim3A_370] masked %lt3A_359 : memref<168x6xi32, #tpu.memory_space<vmem>>[vector<16xi32>, vector<16xi32>], vector<16xi32>, vector<16xi1>
      %add3A_372 = arith.constant 5408 : i32
      %add3A_373 = vector.broadcast %add3A_372 : i32 to vector<16xi32>
      %add3A_374 = arith.addi %iota3A, %add3A_373 : vector<16xi32>
      tpu.vector_store_idx %arg11[%add3A_374], %gather3A_371 masked %lt3A_359 : memref<9184xi32, #tpu.memory_space<vmem>>[vector<16xi32>], vector<16xi32>, vector<16xi1>
      %broadcast_in_dim3A_375 = arith.constant 2 : i32
      %broadcast_in_dim3A_376 = vector.broadcast %broadcast_in_dim3A_375 : i32 to vector<16xi32>
      %gather3A_377 = tpu.vector_load_idx %run_scoped3A[%min3A_364, %broadcast_in_dim3A_376] masked %lt3A_359 : memref<168x6xi32, #tpu.memory_space<vmem>>[vector<16xi32>, vector<16xi32>], vector<16xi32>, vector<16xi1>
      %add3A_378 = arith.constant 5736 : i32
      %add3A_379 = vector.broadcast %add3A_378 : i32 to vector<16xi32>
      %add3A_380 = arith.addi %iota3A, %add3A_379 : vector<16xi32>
      tpu.vector_store_idx %arg11[%add3A_380], %gather3A_377 masked %lt3A_359 : memref<9184xi32, #tpu.memory_space<vmem>>[vector<16xi32>], vector<16xi32>, vector<16xi1>
      %broadcast_in_dim3A_381 = arith.constant 3 : i32
      %broadcast_in_dim3A_382 = vector.broadcast %broadcast_in_dim3A_381 : i32 to vector<16xi32>
      %gather3A_383 = tpu.vector_load_idx %run_scoped3A[%min3A_364, %broadcast_in_dim3A_382] masked %lt3A_359 : memref<168x6xi32, #tpu.memory_space<vmem>>[vector<16xi32>, vector<16xi32>], vector<16xi32>, vector<16xi1>
      %add3A_384 = arith.constant 6064 : i32
      %add3A_385 = vector.broadcast %add3A_384 : i32 to vector<16xi32>
      %add3A_386 = arith.addi %iota3A, %add3A_385 : vector<16xi32>
      tpu.vector_store_idx %arg11[%add3A_386], %gather3A_383 masked %lt3A_359 : memref<9184xi32, #tpu.memory_space<vmem>>[vector<16xi32>], vector<16xi32>, vector<16xi1>
      %broadcast_in_dim3A_387 = arith.constant 4 : i32
      %broadcast_in_dim3A_388 = vector.broadcast %broadcast_in_dim3A_387 : i32 to vector<16xi32>
      %gather3A_389 = tpu.vector_load_idx %run_scoped3A[%min3A_364, %broadcast_in_dim3A_388] masked %lt3A_359 : memref<168x6xi32, #tpu.memory_space<vmem>>[vector<16xi32>, vector<16xi32>], vector<16xi32>, vector<16xi1>
      %add3A_390 = arith.constant 6392 : i32
      %add3A_391 = vector.broadcast %add3A_390 : i32 to vector<16xi32>
      %add3A_392 = arith.addi %iota3A, %add3A_391 : vector<16xi32>
      tpu.vector_store_idx %arg11[%add3A_392], %gather3A_389 masked %lt3A_359 : memref<9184xi32, #tpu.memory_space<vmem>>[vector<16xi32>], vector<16xi32>, vector<16xi1>
      %broadcast_in_dim3A_393 = arith.constant 5 : i32
      %broadcast_in_dim3A_394 = vector.broadcast %broadcast_in_dim3A_393 : i32 to vector<16xi32>
      %gather3A_395 = tpu.vector_load_idx %run_scoped3A[%min3A_364, %broadcast_in_dim3A_394] masked %lt3A_359 : memref<168x6xi32, #tpu.memory_space<vmem>>[vector<16xi32>, vector<16xi32>], vector<16xi32>, vector<16xi1>
      %add3A_396 = arith.constant 6720 : i32
      %add3A_397 = vector.broadcast %add3A_396 : i32 to vector<16xi32>
      %add3A_398 = arith.addi %iota3A, %add3A_397 : vector<16xi32>
      tpu.vector_store_idx %arg11[%add3A_398], %gather3A_395 masked %lt3A_359 : memref<9184xi32, #tpu.memory_space<vmem>>[vector<16xi32>], vector<16xi32>, vector<16xi1>
      tpu.yield
    }) : () -> ()
    "tpu.region"() ({
      %run_scoped3A = memref.alloca() : memref<160x6xi32, #tpu.memory_space<vmem>>
      %add3A_351 = arith.constant 168 : i32
      %add3A_352 = arith.addi %mul3A_2, %add3A_351 : i32
      "tpu.region"() ({
        %run_scoped3A_358 = tpu.sem_alloc : memref<!tpu.dma_semaphore, #tpu.memory_space<semaphore_mem>>
        %dma_start3A_359 = arith.constant 0 : i32
        %dma_start3A_360 = tpu.memref_slice %arg8[%add3A_352, %dma_start3A_359] : memref<10000x6xi32, #tpu.memory_space<hbm>> -> memref<160x6xi32, #tpu.memory_space<hbm>>
        %dma_start3A_361 = arith.constant 0 : i32
        %dma_start3A_362 = tpu.memref_slice %arg8[%add3A_352, %dma_start3A_361] : memref<10000x6xi32, #tpu.memory_space<hbm>> -> memref<160x6xi32, #tpu.memory_space<hbm>>
        tpu.enqueue_dma source(%dma_start3A_362 : memref<160x6xi32, #tpu.memory_space<hbm>>) target(%run_scoped3A : memref<160x6xi32, #tpu.memory_space<vmem>>) target_semaphore(%run_scoped3A_358 : memref<!tpu.dma_semaphore, #tpu.memory_space<semaphore_mem>>)
        %dma_wait3A_363 = arith.constant 0 : i32
        %dma_wait3A_364 = tpu.memref_slice %arg8[%add3A_352, %dma_wait3A_363] : memref<10000x6xi32, #tpu.memory_space<hbm>> -> memref<160x6xi32, #tpu.memory_space<hbm>>
        %dma_wait3A_365 = arith.constant 0 : i32
        %dma_wait3A_366 = tpu.memref_slice %arg8[%add3A_352, %dma_wait3A_365] : memref<10000x6xi32, #tpu.memory_space<hbm>> -> memref<160x6xi32, #tpu.memory_space<hbm>>
        tpu.wait_dma2 semaphore(%run_scoped3A_358 : memref<!tpu.dma_semaphore, #tpu.memory_space<semaphore_mem>>) src(%dma_wait3A_366 : memref<160x6xi32, #tpu.memory_space<hbm>>) dst(%run_scoped3A : memref<160x6xi32, #tpu.memory_space<vmem>>)
        tpu.yield
      }) : () -> ()
      %scan3A = arith.constant 0 : i32
      %scan3A_353 = arith.constant 0 : i32
      %scan3A_354 = arith.constant 10 : i32
      %scan3A_355 = arith.addi %scan3A_353, %scan3A_354 : i32
      %scan3A_356 = arith.constant 1 : i32
      scf.for %scan3A_358 = %scan3A_353 to %scan3A_355 step %scan3A_356  : i32 {
        %mul3A_359 = arith.constant 16 : i32
        %mul3A_360 = arith.muli %scan3A_358, %mul3A_359 : i32
        %add3A_361 = vector.broadcast %mul3A_360 : i32 to vector<16xi32>
        %add3A_362 = arith.addi %iota3A, %add3A_361 : vector<16xi32>
        %broadcast_in_dim3A = arith.constant 0 : i32
        %broadcast_in_dim3A_363 = vector.broadcast %broadcast_in_dim3A : i32 to vector<16xi32>
        %gather3A = tpu.vector_load_idx %run_scoped3A[%add3A_362, %broadcast_in_dim3A_363] : memref<160x6xi32, #tpu.memory_space<vmem>>[vector<16xi32>, vector<16xi32>], vector<16xi32>,
        %mul3A_364 = arith.constant 16 : i32
        %mul3A_365 = arith.muli %scan3A_358, %mul3A_364 : i32
        %add3A_366 = arith.constant 5088 : i32
        %add3A_367 = arith.addi %add3A_366, %mul3A_365 : i32
        %swap3A = arith.index_cast %add3A_367 : i32 to index
        %swap3A_368 = tpu.vector_load %arg11[%swap3A] {strides = array<i32>} : memref<9184xi32, #tpu.memory_space<vmem>>, vector<16xi32>,
        tpu.vector_store %arg11[%swap3A], %gather3A {strides = array<i32>} : memref<9184xi32, #tpu.memory_space<vmem>>, vector<16xi32>,
        %broadcast_in_dim3A_369 = arith.constant 1 : i32
        %broadcast_in_dim3A_370 = vector.broadcast %broadcast_in_dim3A_369 : i32 to vector<16xi32>
        %gather3A_371 = tpu.vector_load_idx %run_scoped3A[%add3A_362, %broadcast_in_dim3A_370] : memref<160x6xi32, #tpu.memory_space<vmem>>[vector<16xi32>, vector<16xi32>], vector<16xi32>,
        %mul3A_372 = arith.constant 16 : i32
        %mul3A_373 = arith.muli %scan3A_358, %mul3A_372 : i32
        %add3A_374 = arith.constant 5416 : i32
        %add3A_375 = arith.addi %add3A_374, %mul3A_373 : i32
        %swap3A_376 = arith.index_cast %add3A_375 : i32 to index
        %swap3A_377 = tpu.vector_load %arg11[%swap3A_376] {strides = array<i32>} : memref<9184xi32, #tpu.memory_space<vmem>>, vector<16xi32>,
        tpu.vector_store %arg11[%swap3A_376], %gather3A_371 {strides = array<i32>} : memref<9184xi32, #tpu.memory_space<vmem>>, vector<16xi32>,
        %broadcast_in_dim3A_378 = arith.constant 2 : i32
        %broadcast_in_dim3A_379 = vector.broadcast %broadcast_in_dim3A_378 : i32 to vector<16xi32>
        %gather3A_380 = tpu.vector_load_idx %run_scoped3A[%add3A_362, %broadcast_in_dim3A_379] : memref<160x6xi32, #tpu.memory_space<vmem>>[vector<16xi32>, vector<16xi32>], vector<16xi32>,
        %mul3A_381 = arith.constant 16 : i32
        %mul3A_382 = arith.muli %scan3A_358, %mul3A_381 : i32
        %add3A_383 = arith.constant 5744 : i32
        %add3A_384 = arith.addi %add3A_383, %mul3A_382 : i32
        %swap3A_385 = arith.index_cast %add3A_384 : i32 to index
        %swap3A_386 = tpu.vector_load %arg11[%swap3A_385] {strides = array<i32>} : memref<9184xi32, #tpu.memory_space<vmem>>, vector<16xi32>,
        tpu.vector_store %arg11[%swap3A_385], %gather3A_380 {strides = array<i32>} : memref<9184xi32, #tpu.memory_space<vmem>>, vector<16xi32>,
        %broadcast_in_dim3A_387 = arith.constant 3 : i32
        %broadcast_in_dim3A_388 = vector.broadcast %broadcast_in_dim3A_387 : i32 to vector<16xi32>
        %gather3A_389 = tpu.vector_load_idx %run_scoped3A[%add3A_362, %broadcast_in_dim3A_388] : memref<160x6xi32, #tpu.memory_space<vmem>>[vector<16xi32>, vector<16xi32>], vector<16xi32>,
        %mul3A_390 = arith.constant 16 : i32
        %mul3A_391 = arith.muli %scan3A_358, %mul3A_390 : i32
        %add3A_392 = arith.constant 6072 : i32
        %add3A_393 = arith.addi %add3A_392, %mul3A_391 : i32
        %swap3A_394 = arith.index_cast %add3A_393 : i32 to index
        %swap3A_395 = tpu.vector_load %arg11[%swap3A_394] {strides = array<i32>} : memref<9184xi32, #tpu.memory_space<vmem>>, vector<16xi32>,
        tpu.vector_store %arg11[%swap3A_394], %gather3A_389 {strides = array<i32>} : memref<9184xi32, #tpu.memory_space<vmem>>, vector<16xi32>,
        %broadcast_in_dim3A_396 = arith.constant 4 : i32
        %broadcast_in_dim3A_397 = vector.broadcast %broadcast_in_dim3A_396 : i32 to vector<16xi32>
        %gather3A_398 = tpu.vector_load_idx %run_scoped3A[%add3A_362, %broadcast_in_dim3A_397] : memref<160x6xi32, #tpu.memory_space<vmem>>[vector<16xi32>, vector<16xi32>], vector<16xi32>,
        %mul3A_399 = arith.constant 16 : i32
        %mul3A_400 = arith.muli %scan3A_358, %mul3A_399 : i32
        %add3A_401 = arith.constant 6400 : i32
        %add3A_402 = arith.addi %add3A_401, %mul3A_400 : i32
        %swap3A_403 = arith.index_cast %add3A_402 : i32 to index
        %swap3A_404 = tpu.vector_load %arg11[%swap3A_403] {strides = array<i32>} : memref<9184xi32, #tpu.memory_space<vmem>>, vector<16xi32>,
        tpu.vector_store %arg11[%swap3A_403], %gather3A_398 {strides = array<i32>} : memref<9184xi32, #tpu.memory_space<vmem>>, vector<16xi32>,
        %broadcast_in_dim3A_405 = arith.constant 5 : i32
        %broadcast_in_dim3A_406 = vector.broadcast %broadcast_in_dim3A_405 : i32 to vector<16xi32>
        %gather3A_407 = tpu.vector_load_idx %run_scoped3A[%add3A_362, %broadcast_in_dim3A_406] : memref<160x6xi32, #tpu.memory_space<vmem>>[vector<16xi32>, vector<16xi32>], vector<16xi32>,
        %mul3A_408 = arith.constant 16 : i32
        %mul3A_409 = arith.muli %scan3A_358, %mul3A_408 : i32
        %add3A_410 = arith.constant 6728 : i32
        %add3A_411 = arith.addi %add3A_410, %mul3A_409 : i32
        %swap3A_412 = arith.index_cast %add3A_411 : i32 to index
        %swap3A_413 = tpu.vector_load %arg11[%swap3A_412] {strides = array<i32>} : memref<9184xi32, #tpu.memory_space<vmem>>, vector<16xi32>,
        tpu.vector_store %arg11[%swap3A_412], %gather3A_407 {strides = array<i32>} : memref<9184xi32, #tpu.memory_space<vmem>>, vector<16xi32>,
      }
      %scan3A_357 = arith.constant 10 : i32
      tpu.yield
    }) : () -> ()
    %dma_wait3A_121 = arith.constant 2296 : i32
    %dma_wait3A_122 = tpu.memref_slice %arg11[%dma_wait3A_121] : memref<9184xi32, #tpu.memory_space<vmem>> -> memref<328xi32, #tpu.memory_space<vmem>>
    %dma_wait3A_123 = arith.constant 0 : i32
    %dma_wait3A_124 = arith.constant 0 : i32
    %dma_wait3A_125 = tpu.memref_slice %arg2[%dma_wait3A_123, %dma_wait3A_124] : memref<110000x128xf32, #tpu.memory_space<hbm>> -> memref<110000x128xf32, #tpu.memory_space<hbm>>
    tpu.wait_indirect_dma semaphore(%arg17 : memref<!tpu.dma_semaphore, #tpu.memory_space<semaphore_mem>>) src(%dma_wait3A_125 : memref<110000x128xf32, #tpu.memory_space<hbm>>) dst(%arg13 : memref<328x128xf32, #tpu.memory_space<vmem>>)
    %dma_wait3A_126 = arith.constant 2624 : i32
    %dma_wait3A_127 = tpu.memref_slice %arg11[%dma_wait3A_126] : memref<9184xi32, #tpu.memory_space<vmem>> -> memref<328xi32, #tpu.memory_space<vmem>>
    %dma_wait3A_128 = arith.constant 0 : i32
    %dma_wait3A_129 = arith.constant 0 : i32
    %dma_wait3A_130 = tpu.memref_slice %arg2[%dma_wait3A_128, %dma_wait3A_129] : memref<110000x128xf32, #tpu.memory_space<hbm>> -> memref<110000x128xf32, #tpu.memory_space<hbm>>
    tpu.wait_indirect_dma semaphore(%arg17 : memref<!tpu.dma_semaphore, #tpu.memory_space<semaphore_mem>>) src(%dma_wait3A_130 : memref<110000x128xf32, #tpu.memory_space<hbm>>) dst(%arg13 : memref<328x128xf32, #tpu.memory_space<vmem>>)
    %dma_wait3A_131 = arith.constant 2952 : i32
    %dma_wait3A_132 = tpu.memref_slice %arg11[%dma_wait3A_131] : memref<9184xi32, #tpu.memory_space<vmem>> -> memref<328xi32, #tpu.memory_space<vmem>>
    %dma_wait3A_133 = arith.constant 0 : i32
    %dma_wait3A_134 = arith.constant 0 : i32
    %dma_wait3A_135 = tpu.memref_slice %arg2[%dma_wait3A_133, %dma_wait3A_134] : memref<110000x128xf32, #tpu.memory_space<hbm>> -> memref<110000x128xf32, #tpu.memory_space<hbm>>
    tpu.wait_indirect_dma semaphore(%arg17 : memref<!tpu.dma_semaphore, #tpu.memory_space<semaphore_mem>>) src(%dma_wait3A_135 : memref<110000x128xf32, #tpu.memory_space<hbm>>) dst(%arg13 : memref<328x128xf32, #tpu.memory_space<vmem>>)
    %add3A_136 = arith.constant 30000 : i32
    %add3A_137 = arith.addi %add3A_136, %mul3A_2 : i32
    %dma_start3A_138 = arith.constant 0 : i32
    %dma_start3A_139 = tpu.memref_slice %arg10[%add3A_137, %dma_start3A_138] : memref<70000x128xf32, #tpu.memory_space<hbm>> -> memref<328x128xf32, #tpu.memory_space<hbm>>
    %dma_start3A_140 = arith.constant 0 : i32
    %dma_start3A_141 = tpu.memref_slice %arg10[%add3A_137, %dma_start3A_140] : memref<70000x128xf32, #tpu.memory_space<hbm>> -> memref<328x128xf32, #tpu.memory_space<hbm>>
    tpu.enqueue_dma source(%arg13 : memref<328x128xf32, #tpu.memory_space<vmem>>) target(%dma_start3A_141 : memref<328x128xf32, #tpu.memory_space<hbm>>) target_semaphore(%arg19 : memref<!tpu.dma_semaphore, #tpu.memory_space<semaphore_mem>>)
    %dma_wait3A_142 = arith.constant 3280 : i32
    %dma_wait3A_143 = tpu.memref_slice %arg11[%dma_wait3A_142] : memref<9184xi32, #tpu.memory_space<vmem>> -> memref<328xi32, #tpu.memory_space<vmem>>
    %dma_wait3A_144 = arith.constant 0 : i32
    %dma_wait3A_145 = arith.constant 0 : i32
    %dma_wait3A_146 = tpu.memref_slice %arg2[%dma_wait3A_144, %dma_wait3A_145] : memref<110000x128xf32, #tpu.memory_space<hbm>> -> memref<110000x128xf32, #tpu.memory_space<hbm>>
    tpu.wait_indirect_dma semaphore(%arg14 : memref<!tpu.dma_semaphore, #tpu.memory_space<semaphore_mem>>) src(%dma_wait3A_146 : memref<110000x128xf32, #tpu.memory_space<hbm>>) dst(%arg12 : memref<328x128xf32, #tpu.memory_space<vmem>>)
    %dma_wait3A_147 = arith.constant 0 : i32
    %dma_wait3A_148 = tpu.memref_slice %arg10[%add3A_137, %dma_wait3A_147] : memref<70000x128xf32, #tpu.memory_space<hbm>> -> memref<328x128xf32, #tpu.memory_space<hbm>>
    %dma_wait3A_149 = arith.constant 0 : i32
    %dma_wait3A_150 = tpu.memref_slice %arg10[%add3A_137, %dma_wait3A_149] : memref<70000x128xf32, #tpu.memory_space<hbm>> -> memref<328x128xf32, #tpu.memory_space<hbm>>
    tpu.wait_dma2 semaphore(%arg19 : memref<!tpu.dma_semaphore, #tpu.memory_space<semaphore_mem>>) src(%arg13 : memref<328x128xf32, #tpu.memory_space<vmem>>) dst(%dma_wait3A_150 : memref<328x128xf32, #tpu.memory_space<hbm>>)
    %dma_start3A_151 = arith.constant 4920 : i32
    %dma_start3A_152 = tpu.memref_slice %arg11[%dma_start3A_151] : memref<9184xi32, #tpu.memory_space<vmem>> -> memref<328xi32, #tpu.memory_space<vmem>>
    %dma_start3A_153 = arith.constant 0 : i32
    %dma_start3A_154 = arith.constant 0 : i32
    %dma_start3A_155 = tpu.memref_slice %arg2[%dma_start3A_153, %dma_start3A_154] : memref<110000x128xf32, #tpu.memory_space<hbm>> -> memref<110000x128xf32, #tpu.memory_space<hbm>>
    tpu.enqueue_indirect_dma source(%dma_start3A_155 : memref<110000x128xf32, #tpu.memory_space<hbm>>) target(%arg13 : memref<328x128xf32, #tpu.memory_space<vmem>>) offsets(%dma_start3A_152 : memref<328xi32, #tpu.memory_space<vmem>>) semaphore(%arg15 : memref<!tpu.dma_semaphore, #tpu.memory_space<semaphore_mem>>)
    %dma_start3A_156 = arith.constant 3608 : i32
    %dma_start3A_157 = tpu.memref_slice %arg11[%dma_start3A_156] : memref<9184xi32, #tpu.memory_space<vmem>> -> memref<328xi32, #tpu.memory_space<vmem>>
    %dma_start3A_158 = arith.constant 0 : i32
    %dma_start3A_159 = arith.constant 0 : i32
    %dma_start3A_160 = tpu.memref_slice %arg2[%dma_start3A_158, %dma_start3A_159] : memref<110000x128xf32, #tpu.memory_space<hbm>> -> memref<110000x128xf32, #tpu.memory_space<hbm>>
    tpu.enqueue_indirect_dma source(%dma_start3A_160 : memref<110000x128xf32, #tpu.memory_space<hbm>>) target(%arg12 : memref<328x128xf32, #tpu.memory_space<vmem>>) offsets(%dma_start3A_157 : memref<328xi32, #tpu.memory_space<vmem>>) semaphore(%arg16 : memref<!tpu.dma_semaphore, #tpu.memory_space<semaphore_mem>>) {add = true}
    %dma_start3A_161 = arith.constant 3936 : i32
    %dma_start3A_162 = tpu.memref_slice %arg11[%dma_start3A_161] : memref<9184xi32, #tpu.memory_space<vmem>> -> memref<328xi32, #tpu.memory_space<vmem>>
    %dma_start3A_163 = arith.constant 0 : i32
    %dma_start3A_164 = arith.constant 0 : i32
    %dma_start3A_165 = tpu.memref_slice %arg2[%dma_start3A_163, %dma_start3A_164] : memref<110000x128xf32, #tpu.memory_space<hbm>> -> memref<110000x128xf32, #tpu.memory_space<hbm>>
    tpu.enqueue_indirect_dma source(%dma_start3A_165 : memref<110000x128xf32, #tpu.memory_space<hbm>>) target(%arg12 : memref<328x128xf32, #tpu.memory_space<vmem>>) offsets(%dma_start3A_162 : memref<328xi32, #tpu.memory_space<vmem>>) semaphore(%arg16 : memref<!tpu.dma_semaphore, #tpu.memory_space<semaphore_mem>>) {add = true}
    %dma_start3A_166 = arith.constant 4264 : i32
    %dma_start3A_167 = tpu.memref_slice %arg11[%dma_start3A_166] : memref<9184xi32, #tpu.memory_space<vmem>> -> memref<328xi32, #tpu.memory_space<vmem>>
    %dma_start3A_168 = arith.constant 0 : i32
    %dma_start3A_169 = arith.constant 0 : i32
    %dma_start3A_170 = tpu.memref_slice %arg2[%dma_start3A_168, %dma_start3A_169] : memref<110000x128xf32, #tpu.memory_space<hbm>> -> memref<110000x128xf32, #tpu.memory_space<hbm>>
    tpu.enqueue_indirect_dma source(%dma_start3A_170 : memref<110000x128xf32, #tpu.memory_space<hbm>>) target(%arg12 : memref<328x128xf32, #tpu.memory_space<vmem>>) offsets(%dma_start3A_167 : memref<328xi32, #tpu.memory_space<vmem>>) semaphore(%arg16 : memref<!tpu.dma_semaphore, #tpu.memory_space<semaphore_mem>>) {add = true}
    %dma_start3A_171 = arith.constant 4592 : i32
    %dma_start3A_172 = tpu.memref_slice %arg11[%dma_start3A_171] : memref<9184xi32, #tpu.memory_space<vmem>> -> memref<328xi32, #tpu.memory_space<vmem>>
    %dma_start3A_173 = arith.constant 0 : i32
    %dma_start3A_174 = arith.constant 0 : i32
    %dma_start3A_175 = tpu.memref_slice %arg2[%dma_start3A_173, %dma_start3A_174] : memref<110000x128xf32, #tpu.memory_space<hbm>> -> memref<110000x128xf32, #tpu.memory_space<hbm>>
    tpu.enqueue_indirect_dma source(%dma_start3A_175 : memref<110000x128xf32, #tpu.memory_space<hbm>>) target(%arg12 : memref<328x128xf32, #tpu.memory_space<vmem>>) offsets(%dma_start3A_172 : memref<328xi32, #tpu.memory_space<vmem>>) semaphore(%arg16 : memref<!tpu.dma_semaphore, #tpu.memory_space<semaphore_mem>>) {add = true}
    "tpu.region"() ({
      %run_scoped3A = memref.alloca() : memref<168x7xi32, #tpu.memory_space<vmem>>
      %add3A_351 = arith.constant 0 : i32
      %add3A_352 = arith.addi %mul3A_2, %add3A_351 : i32
      "tpu.region"() ({
        %run_scoped3A_405 = tpu.sem_alloc : memref<!tpu.dma_semaphore, #tpu.memory_space<semaphore_mem>>
        %dma_start3A_406 = arith.constant 0 : i32
        %dma_start3A_407 = tpu.memref_slice %arg9[%add3A_352, %dma_start3A_406] : memref<10000x7xi32, #tpu.memory_space<hbm>> -> memref<168x7xi32, #tpu.memory_space<hbm>>
        %dma_start3A_408 = arith.constant 0 : i32
        %dma_start3A_409 = tpu.memref_slice %arg9[%add3A_352, %dma_start3A_408] : memref<10000x7xi32, #tpu.memory_space<hbm>> -> memref<168x7xi32, #tpu.memory_space<hbm>>
        tpu.enqueue_dma source(%dma_start3A_409 : memref<168x7xi32, #tpu.memory_space<hbm>>) target(%run_scoped3A : memref<168x7xi32, #tpu.memory_space<vmem>>) target_semaphore(%run_scoped3A_405 : memref<!tpu.dma_semaphore, #tpu.memory_space<semaphore_mem>>)
        %dma_wait3A_410 = arith.constant 0 : i32
        %dma_wait3A_411 = tpu.memref_slice %arg9[%add3A_352, %dma_wait3A_410] : memref<10000x7xi32, #tpu.memory_space<hbm>> -> memref<168x7xi32, #tpu.memory_space<hbm>>
        %dma_wait3A_412 = arith.constant 0 : i32
        %dma_wait3A_413 = tpu.memref_slice %arg9[%add3A_352, %dma_wait3A_412] : memref<10000x7xi32, #tpu.memory_space<hbm>> -> memref<168x7xi32, #tpu.memory_space<hbm>>
        tpu.wait_dma2 semaphore(%run_scoped3A_405 : memref<!tpu.dma_semaphore, #tpu.memory_space<semaphore_mem>>) src(%dma_wait3A_413 : memref<168x7xi32, #tpu.memory_space<hbm>>) dst(%run_scoped3A : memref<168x7xi32, #tpu.memory_space<vmem>>)
        tpu.yield
      }) : () -> ()
      %scan3A = arith.constant 0 : i32
      %scan3A_353 = arith.constant 0 : i32
      %scan3A_354 = arith.constant 10 : i32
      %scan3A_355 = arith.addi %scan3A_353, %scan3A_354 : i32
      %scan3A_356 = arith.constant 1 : i32
      scf.for %scan3A_405 = %scan3A_353 to %scan3A_355 step %scan3A_356  : i32 {
        %mul3A_406 = arith.constant 16 : i32
        %mul3A_407 = arith.muli %scan3A_405, %mul3A_406 : i32
        %add3A_408 = vector.broadcast %mul3A_407 : i32 to vector<16xi32>
        %add3A_409 = arith.addi %iota3A, %add3A_408 : vector<16xi32>
        %broadcast_in_dim3A_410 = arith.constant 0 : i32
        %broadcast_in_dim3A_411 = vector.broadcast %broadcast_in_dim3A_410 : i32 to vector<16xi32>
        %gather3A_412 = tpu.vector_load_idx %run_scoped3A[%add3A_409, %broadcast_in_dim3A_411] : memref<168x7xi32, #tpu.memory_space<vmem>>[vector<16xi32>, vector<16xi32>], vector<16xi32>,
        %mul3A_413 = arith.constant 16 : i32
        %mul3A_414 = arith.muli %scan3A_405, %mul3A_413 : i32
        %add3A_415 = arith.constant 6888 : i32
        %add3A_416 = arith.addi %add3A_415, %mul3A_414 : i32
        %swap3A = arith.index_cast %add3A_416 : i32 to index
        %swap3A_417 = tpu.vector_load %arg11[%swap3A] {strides = array<i32>} : memref<9184xi32, #tpu.memory_space<vmem>>, vector<16xi32>,
        tpu.vector_store %arg11[%swap3A], %gather3A_412 {strides = array<i32>} : memref<9184xi32, #tpu.memory_space<vmem>>, vector<16xi32>,
        %broadcast_in_dim3A_418 = arith.constant 1 : i32
        %broadcast_in_dim3A_419 = vector.broadcast %broadcast_in_dim3A_418 : i32 to vector<16xi32>
        %gather3A_420 = tpu.vector_load_idx %run_scoped3A[%add3A_409, %broadcast_in_dim3A_419] : memref<168x7xi32, #tpu.memory_space<vmem>>[vector<16xi32>, vector<16xi32>], vector<16xi32>,
        %mul3A_421 = arith.constant 16 : i32
        %mul3A_422 = arith.muli %scan3A_405, %mul3A_421 : i32
        %add3A_423 = arith.constant 7216 : i32
        %add3A_424 = arith.addi %add3A_423, %mul3A_422 : i32
        %swap3A_425 = arith.index_cast %add3A_424 : i32 to index
        %swap3A_426 = tpu.vector_load %arg11[%swap3A_425] {strides = array<i32>} : memref<9184xi32, #tpu.memory_space<vmem>>, vector<16xi32>,
        tpu.vector_store %arg11[%swap3A_425], %gather3A_420 {strides = array<i32>} : memref<9184xi32, #tpu.memory_space<vmem>>, vector<16xi32>,
        %broadcast_in_dim3A_427 = arith.constant 2 : i32
        %broadcast_in_dim3A_428 = vector.broadcast %broadcast_in_dim3A_427 : i32 to vector<16xi32>
        %gather3A_429 = tpu.vector_load_idx %run_scoped3A[%add3A_409, %broadcast_in_dim3A_428] : memref<168x7xi32, #tpu.memory_space<vmem>>[vector<16xi32>, vector<16xi32>], vector<16xi32>,
        %mul3A_430 = arith.constant 16 : i32
        %mul3A_431 = arith.muli %scan3A_405, %mul3A_430 : i32
        %add3A_432 = arith.constant 7544 : i32
        %add3A_433 = arith.addi %add3A_432, %mul3A_431 : i32
        %swap3A_434 = arith.index_cast %add3A_433 : i32 to index
        %swap3A_435 = tpu.vector_load %arg11[%swap3A_434] {strides = array<i32>} : memref<9184xi32, #tpu.memory_space<vmem>>, vector<16xi32>,
        tpu.vector_store %arg11[%swap3A_434], %gather3A_429 {strides = array<i32>} : memref<9184xi32, #tpu.memory_space<vmem>>, vector<16xi32>,
        %broadcast_in_dim3A_436 = arith.constant 3 : i32
        %broadcast_in_dim3A_437 = vector.broadcast %broadcast_in_dim3A_436 : i32 to vector<16xi32>
        %gather3A_438 = tpu.vector_load_idx %run_scoped3A[%add3A_409, %broadcast_in_dim3A_437] : memref<168x7xi32, #tpu.memory_space<vmem>>[vector<16xi32>, vector<16xi32>], vector<16xi32>,
        %mul3A_439 = arith.constant 16 : i32
        %mul3A_440 = arith.muli %scan3A_405, %mul3A_439 : i32
        %add3A_441 = arith.constant 7872 : i32
        %add3A_442 = arith.addi %add3A_441, %mul3A_440 : i32
        %swap3A_443 = arith.index_cast %add3A_442 : i32 to index
        %swap3A_444 = tpu.vector_load %arg11[%swap3A_443] {strides = array<i32>} : memref<9184xi32, #tpu.memory_space<vmem>>, vector<16xi32>,
        tpu.vector_store %arg11[%swap3A_443], %gather3A_438 {strides = array<i32>} : memref<9184xi32, #tpu.memory_space<vmem>>, vector<16xi32>,
        %broadcast_in_dim3A_445 = arith.constant 4 : i32
        %broadcast_in_dim3A_446 = vector.broadcast %broadcast_in_dim3A_445 : i32 to vector<16xi32>
        %gather3A_447 = tpu.vector_load_idx %run_scoped3A[%add3A_409, %broadcast_in_dim3A_446] : memref<168x7xi32, #tpu.memory_space<vmem>>[vector<16xi32>, vector<16xi32>], vector<16xi32>,
        %mul3A_448 = arith.constant 16 : i32
        %mul3A_449 = arith.muli %scan3A_405, %mul3A_448 : i32
        %add3A_450 = arith.constant 8200 : i32
        %add3A_451 = arith.addi %add3A_450, %mul3A_449 : i32
        %swap3A_452 = arith.index_cast %add3A_451 : i32 to index
        %swap3A_453 = tpu.vector_load %arg11[%swap3A_452] {strides = array<i32>} : memref<9184xi32, #tpu.memory_space<vmem>>, vector<16xi32>,
        tpu.vector_store %arg11[%swap3A_452], %gather3A_447 {strides = array<i32>} : memref<9184xi32, #tpu.memory_space<vmem>>, vector<16xi32>,
        %broadcast_in_dim3A_454 = arith.constant 5 : i32
        %broadcast_in_dim3A_455 = vector.broadcast %broadcast_in_dim3A_454 : i32 to vector<16xi32>
        %gather3A_456 = tpu.vector_load_idx %run_scoped3A[%add3A_409, %broadcast_in_dim3A_455] : memref<168x7xi32, #tpu.memory_space<vmem>>[vector<16xi32>, vector<16xi32>], vector<16xi32>,
        %mul3A_457 = arith.constant 16 : i32
        %mul3A_458 = arith.muli %scan3A_405, %mul3A_457 : i32
        %add3A_459 = arith.constant 8528 : i32
        %add3A_460 = arith.addi %add3A_459, %mul3A_458 : i32
        %swap3A_461 = arith.index_cast %add3A_460 : i32 to index
        %swap3A_462 = tpu.vector_load %arg11[%swap3A_461] {strides = array<i32>} : memref<9184xi32, #tpu.memory_space<vmem>>, vector<16xi32>,
        tpu.vector_store %arg11[%swap3A_461], %gather3A_456 {strides = array<i32>} : memref<9184xi32, #tpu.memory_space<vmem>>, vector<16xi32>,
        %broadcast_in_dim3A_463 = arith.constant 6 : i32
        %broadcast_in_dim3A_464 = vector.broadcast %broadcast_in_dim3A_463 : i32 to vector<16xi32>
        %gather3A_465 = tpu.vector_load_idx %run_scoped3A[%add3A_409, %broadcast_in_dim3A_464] : memref<168x7xi32, #tpu.memory_space<vmem>>[vector<16xi32>, vector<16xi32>], vector<16xi32>,
        %mul3A_466 = arith.constant 16 : i32
        %mul3A_467 = arith.muli %scan3A_405, %mul3A_466 : i32
        %add3A_468 = arith.constant 8856 : i32
        %add3A_469 = arith.addi %add3A_468, %mul3A_467 : i32
        %swap3A_470 = arith.index_cast %add3A_469 : i32 to index
        %swap3A_471 = tpu.vector_load %arg11[%swap3A_470] {strides = array<i32>} : memref<9184xi32, #tpu.memory_space<vmem>>, vector<16xi32>,
        tpu.vector_store %arg11[%swap3A_470], %gather3A_465 {strides = array<i32>} : memref<9184xi32, #tpu.memory_space<vmem>>, vector<16xi32>,
      }
      %scan3A_357 = arith.constant 10 : i32
      %lt3A = arith.constant 8 : i32
      %lt3A_358 = vector.broadcast %lt3A : i32 to vector<16xi32>
      %lt3A_359 = arith.cmpi slt, %iota3A, %lt3A_358 : vector<16xi32>
      %add3A_360 = arith.constant 160 : i32
      %add3A_361 = vector.broadcast %add3A_360 : i32 to vector<16xi32>
      %add3A_362 = arith.addi %iota3A, %add3A_361 : vector<16xi32>
      %min3A = arith.constant 167 : i32
      %min3A_363 = vector.broadcast %min3A : i32 to vector<16xi32>
      %min3A_364 = arith.minsi %add3A_362, %min3A_363 : vector<16xi32>
      %broadcast_in_dim3A = arith.constant 0 : i32
      %broadcast_in_dim3A_365 = vector.broadcast %broadcast_in_dim3A : i32 to vector<16xi32>
      %gather3A = tpu.vector_load_idx %run_scoped3A[%min3A_364, %broadcast_in_dim3A_365] masked %lt3A_359 : memref<168x7xi32, #tpu.memory_space<vmem>>[vector<16xi32>, vector<16xi32>], vector<16xi32>, vector<16xi1>
      %add3A_366 = arith.constant 7048 : i32
      %add3A_367 = vector.broadcast %add3A_366 : i32 to vector<16xi32>
      %add3A_368 = arith.addi %iota3A, %add3A_367 : vector<16xi32>
      tpu.vector_store_idx %arg11[%add3A_368], %gather3A masked %lt3A_359 : memref<9184xi32, #tpu.memory_space<vmem>>[vector<16xi32>], vector<16xi32>, vector<16xi1>
      %broadcast_in_dim3A_369 = arith.constant 1 : i32
      %broadcast_in_dim3A_370 = vector.broadcast %broadcast_in_dim3A_369 : i32 to vector<16xi32>
      %gather3A_371 = tpu.vector_load_idx %run_scoped3A[%min3A_364, %broadcast_in_dim3A_370] masked %lt3A_359 : memref<168x7xi32, #tpu.memory_space<vmem>>[vector<16xi32>, vector<16xi32>], vector<16xi32>, vector<16xi1>
      %add3A_372 = arith.constant 7376 : i32
      %add3A_373 = vector.broadcast %add3A_372 : i32 to vector<16xi32>
      %add3A_374 = arith.addi %iota3A, %add3A_373 : vector<16xi32>
      tpu.vector_store_idx %arg11[%add3A_374], %gather3A_371 masked %lt3A_359 : memref<9184xi32, #tpu.memory_space<vmem>>[vector<16xi32>], vector<16xi32>, vector<16xi1>
      %broadcast_in_dim3A_375 = arith.constant 2 : i32
      %broadcast_in_dim3A_376 = vector.broadcast %broadcast_in_dim3A_375 : i32 to vector<16xi32>
      %gather3A_377 = tpu.vector_load_idx %run_scoped3A[%min3A_364, %broadcast_in_dim3A_376] masked %lt3A_359 : memref<168x7xi32, #tpu.memory_space<vmem>>[vector<16xi32>, vector<16xi32>], vector<16xi32>, vector<16xi1>
      %add3A_378 = arith.constant 7704 : i32
      %add3A_379 = vector.broadcast %add3A_378 : i32 to vector<16xi32>
      %add3A_380 = arith.addi %iota3A, %add3A_379 : vector<16xi32>
      tpu.vector_store_idx %arg11[%add3A_380], %gather3A_377 masked %lt3A_359 : memref<9184xi32, #tpu.memory_space<vmem>>[vector<16xi32>], vector<16xi32>, vector<16xi1>
      %broadcast_in_dim3A_381 = arith.constant 3 : i32
      %broadcast_in_dim3A_382 = vector.broadcast %broadcast_in_dim3A_381 : i32 to vector<16xi32>
      %gather3A_383 = tpu.vector_load_idx %run_scoped3A[%min3A_364, %broadcast_in_dim3A_382] masked %lt3A_359 : memref<168x7xi32, #tpu.memory_space<vmem>>[vector<16xi32>, vector<16xi32>], vector<16xi32>, vector<16xi1>
      %add3A_384 = arith.constant 8032 : i32
      %add3A_385 = vector.broadcast %add3A_384 : i32 to vector<16xi32>
      %add3A_386 = arith.addi %iota3A, %add3A_385 : vector<16xi32>
      tpu.vector_store_idx %arg11[%add3A_386], %gather3A_383 masked %lt3A_359 : memref<9184xi32, #tpu.memory_space<vmem>>[vector<16xi32>], vector<16xi32>, vector<16xi1>
      %broadcast_in_dim3A_387 = arith.constant 4 : i32
      %broadcast_in_dim3A_388 = vector.broadcast %broadcast_in_dim3A_387 : i32 to vector<16xi32>
      %gather3A_389 = tpu.vector_load_idx %run_scoped3A[%min3A_364, %broadcast_in_dim3A_388] masked %lt3A_359 : memref<168x7xi32, #tpu.memory_space<vmem>>[vector<16xi32>, vector<16xi32>], vector<16xi32>, vector<16xi1>
      %add3A_390 = arith.constant 8360 : i32
      %add3A_391 = vector.broadcast %add3A_390 : i32 to vector<16xi32>
      %add3A_392 = arith.addi %iota3A, %add3A_391 : vector<16xi32>
      tpu.vector_store_idx %arg11[%add3A_392], %gather3A_389 masked %lt3A_359 : memref<9184xi32, #tpu.memory_space<vmem>>[vector<16xi32>], vector<16xi32>, vector<16xi1>
      %broadcast_in_dim3A_393 = arith.constant 5 : i32
      %broadcast_in_dim3A_394 = vector.broadcast %broadcast_in_dim3A_393 : i32 to vector<16xi32>
      %gather3A_395 = tpu.vector_load_idx %run_scoped3A[%min3A_364, %broadcast_in_dim3A_394] masked %lt3A_359 : memref<168x7xi32, #tpu.memory_space<vmem>>[vector<16xi32>, vector<16xi32>], vector<16xi32>, vector<16xi1>
      %add3A_396 = arith.constant 8688 : i32
      %add3A_397 = vector.broadcast %add3A_396 : i32 to vector<16xi32>
      %add3A_398 = arith.addi %iota3A, %add3A_397 : vector<16xi32>
      tpu.vector_store_idx %arg11[%add3A_398], %gather3A_395 masked %lt3A_359 : memref<9184xi32, #tpu.memory_space<vmem>>[vector<16xi32>], vector<16xi32>, vector<16xi1>
      %broadcast_in_dim3A_399 = arith.constant 6 : i32
      %broadcast_in_dim3A_400 = vector.broadcast %broadcast_in_dim3A_399 : i32 to vector<16xi32>
      %gather3A_401 = tpu.vector_load_idx %run_scoped3A[%min3A_364, %broadcast_in_dim3A_400] masked %lt3A_359 : memref<168x7xi32, #tpu.memory_space<vmem>>[vector<16xi32>, vector<16xi32>], vector<16xi32>, vector<16xi1>
      %add3A_402 = arith.constant 9016 : i32
      %add3A_403 = vector.broadcast %add3A_402 : i32 to vector<16xi32>
      %add3A_404 = arith.addi %iota3A, %add3A_403 : vector<16xi32>
      tpu.vector_store_idx %arg11[%add3A_404], %gather3A_401 masked %lt3A_359 : memref<9184xi32, #tpu.memory_space<vmem>>[vector<16xi32>], vector<16xi32>, vector<16xi1>
      tpu.yield
    }) : () -> ()
    "tpu.region"() ({
      %run_scoped3A = memref.alloca() : memref<160x7xi32, #tpu.memory_space<vmem>>
      %add3A_351 = arith.constant 168 : i32
      %add3A_352 = arith.addi %mul3A_2, %add3A_351 : i32
      "tpu.region"() ({
        %run_scoped3A_358 = tpu.sem_alloc : memref<!tpu.dma_semaphore, #tpu.memory_space<semaphore_mem>>
        %dma_start3A_359 = arith.constant 0 : i32
        %dma_start3A_360 = tpu.memref_slice %arg9[%add3A_352, %dma_start3A_359] : memref<10000x7xi32, #tpu.memory_space<hbm>> -> memref<160x7xi32, #tpu.memory_space<hbm>>
        %dma_start3A_361 = arith.constant 0 : i32
        %dma_start3A_362 = tpu.memref_slice %arg9[%add3A_352, %dma_start3A_361] : memref<10000x7xi32, #tpu.memory_space<hbm>> -> memref<160x7xi32, #tpu.memory_space<hbm>>
        tpu.enqueue_dma source(%dma_start3A_362 : memref<160x7xi32, #tpu.memory_space<hbm>>) target(%run_scoped3A : memref<160x7xi32, #tpu.memory_space<vmem>>) target_semaphore(%run_scoped3A_358 : memref<!tpu.dma_semaphore, #tpu.memory_space<semaphore_mem>>)
        %dma_wait3A_363 = arith.constant 0 : i32
        %dma_wait3A_364 = tpu.memref_slice %arg9[%add3A_352, %dma_wait3A_363] : memref<10000x7xi32, #tpu.memory_space<hbm>> -> memref<160x7xi32, #tpu.memory_space<hbm>>
        %dma_wait3A_365 = arith.constant 0 : i32
        %dma_wait3A_366 = tpu.memref_slice %arg9[%add3A_352, %dma_wait3A_365] : memref<10000x7xi32, #tpu.memory_space<hbm>> -> memref<160x7xi32, #tpu.memory_space<hbm>>
        tpu.wait_dma2 semaphore(%run_scoped3A_358 : memref<!tpu.dma_semaphore, #tpu.memory_space<semaphore_mem>>) src(%dma_wait3A_366 : memref<160x7xi32, #tpu.memory_space<hbm>>) dst(%run_scoped3A : memref<160x7xi32, #tpu.memory_space<vmem>>)
        tpu.yield
      }) : () -> ()
      %scan3A = arith.constant 0 : i32
      %scan3A_353 = arith.constant 0 : i32
      %scan3A_354 = arith.constant 10 : i32
      %scan3A_355 = arith.addi %scan3A_353, %scan3A_354 : i32
      %scan3A_356 = arith.constant 1 : i32
      scf.for %scan3A_358 = %scan3A_353 to %scan3A_355 step %scan3A_356  : i32 {
        %mul3A_359 = arith.constant 16 : i32
        %mul3A_360 = arith.muli %scan3A_358, %mul3A_359 : i32
        %add3A_361 = vector.broadcast %mul3A_360 : i32 to vector<16xi32>
        %add3A_362 = arith.addi %iota3A, %add3A_361 : vector<16xi32>
        %broadcast_in_dim3A = arith.constant 0 : i32
        %broadcast_in_dim3A_363 = vector.broadcast %broadcast_in_dim3A : i32 to vector<16xi32>
        %gather3A = tpu.vector_load_idx %run_scoped3A[%add3A_362, %broadcast_in_dim3A_363] : memref<160x7xi32, #tpu.memory_space<vmem>>[vector<16xi32>, vector<16xi32>], vector<16xi32>,
        %mul3A_364 = arith.constant 16 : i32
        %mul3A_365 = arith.muli %scan3A_358, %mul3A_364 : i32
        %add3A_366 = arith.constant 7056 : i32
        %add3A_367 = arith.addi %add3A_366, %mul3A_365 : i32
        %swap3A = arith.index_cast %add3A_367 : i32 to index
        %swap3A_368 = tpu.vector_load %arg11[%swap3A] {strides = array<i32>} : memref<9184xi32, #tpu.memory_space<vmem>>, vector<16xi32>,
        tpu.vector_store %arg11[%swap3A], %gather3A {strides = array<i32>} : memref<9184xi32, #tpu.memory_space<vmem>>, vector<16xi32>,
        %broadcast_in_dim3A_369 = arith.constant 1 : i32
        %broadcast_in_dim3A_370 = vector.broadcast %broadcast_in_dim3A_369 : i32 to vector<16xi32>
        %gather3A_371 = tpu.vector_load_idx %run_scoped3A[%add3A_362, %broadcast_in_dim3A_370] : memref<160x7xi32, #tpu.memory_space<vmem>>[vector<16xi32>, vector<16xi32>], vector<16xi32>,
        %mul3A_372 = arith.constant 16 : i32
        %mul3A_373 = arith.muli %scan3A_358, %mul3A_372 : i32
        %add3A_374 = arith.constant 7384 : i32
        %add3A_375 = arith.addi %add3A_374, %mul3A_373 : i32
        %swap3A_376 = arith.index_cast %add3A_375 : i32 to index
        %swap3A_377 = tpu.vector_load %arg11[%swap3A_376] {strides = array<i32>} : memref<9184xi32, #tpu.memory_space<vmem>>, vector<16xi32>,
        tpu.vector_store %arg11[%swap3A_376], %gather3A_371 {strides = array<i32>} : memref<9184xi32, #tpu.memory_space<vmem>>, vector<16xi32>,
        %broadcast_in_dim3A_378 = arith.constant 2 : i32
        %broadcast_in_dim3A_379 = vector.broadcast %broadcast_in_dim3A_378 : i32 to vector<16xi32>
        %gather3A_380 = tpu.vector_load_idx %run_scoped3A[%add3A_362, %broadcast_in_dim3A_379] : memref<160x7xi32, #tpu.memory_space<vmem>>[vector<16xi32>, vector<16xi32>], vector<16xi32>,
        %mul3A_381 = arith.constant 16 : i32
        %mul3A_382 = arith.muli %scan3A_358, %mul3A_381 : i32
        %add3A_383 = arith.constant 7712 : i32
        %add3A_384 = arith.addi %add3A_383, %mul3A_382 : i32
        %swap3A_385 = arith.index_cast %add3A_384 : i32 to index
        %swap3A_386 = tpu.vector_load %arg11[%swap3A_385] {strides = array<i32>} : memref<9184xi32, #tpu.memory_space<vmem>>, vector<16xi32>,
        tpu.vector_store %arg11[%swap3A_385], %gather3A_380 {strides = array<i32>} : memref<9184xi32, #tpu.memory_space<vmem>>, vector<16xi32>,
        %broadcast_in_dim3A_387 = arith.constant 3 : i32
        %broadcast_in_dim3A_388 = vector.broadcast %broadcast_in_dim3A_387 : i32 to vector<16xi32>
        %gather3A_389 = tpu.vector_load_idx %run_scoped3A[%add3A_362, %broadcast_in_dim3A_388] : memref<160x7xi32, #tpu.memory_space<vmem>>[vector<16xi32>, vector<16xi32>], vector<16xi32>,
        %mul3A_390 = arith.constant 16 : i32
        %mul3A_391 = arith.muli %scan3A_358, %mul3A_390 : i32
        %add3A_392 = arith.constant 8040 : i32
        %add3A_393 = arith.addi %add3A_392, %mul3A_391 : i32
        %swap3A_394 = arith.index_cast %add3A_393 : i32 to index
        %swap3A_395 = tpu.vector_load %arg11[%swap3A_394] {strides = array<i32>} : memref<9184xi32, #tpu.memory_space<vmem>>, vector<16xi32>,
        tpu.vector_store %arg11[%swap3A_394], %gather3A_389 {strides = array<i32>} : memref<9184xi32, #tpu.memory_space<vmem>>, vector<16xi32>,
        %broadcast_in_dim3A_396 = arith.constant 4 : i32
        %broadcast_in_dim3A_397 = vector.broadcast %broadcast_in_dim3A_396 : i32 to vector<16xi32>
        %gather3A_398 = tpu.vector_load_idx %run_scoped3A[%add3A_362, %broadcast_in_dim3A_397] : memref<160x7xi32, #tpu.memory_space<vmem>>[vector<16xi32>, vector<16xi32>], vector<16xi32>,
        %mul3A_399 = arith.constant 16 : i32
        %mul3A_400 = arith.muli %scan3A_358, %mul3A_399 : i32
        %add3A_401 = arith.constant 8368 : i32
        %add3A_402 = arith.addi %add3A_401, %mul3A_400 : i32
        %swap3A_403 = arith.index_cast %add3A_402 : i32 to index
        %swap3A_404 = tpu.vector_load %arg11[%swap3A_403] {strides = array<i32>} : memref<9184xi32, #tpu.memory_space<vmem>>, vector<16xi32>,
        tpu.vector_store %arg11[%swap3A_403], %gather3A_398 {strides = array<i32>} : memref<9184xi32, #tpu.memory_space<vmem>>, vector<16xi32>,
        %broadcast_in_dim3A_405 = arith.constant 5 : i32
        %broadcast_in_dim3A_406 = vector.broadcast %broadcast_in_dim3A_405 : i32 to vector<16xi32>
        %gather3A_407 = tpu.vector_load_idx %run_scoped3A[%add3A_362, %broadcast_in_dim3A_406] : memref<160x7xi32, #tpu.memory_space<vmem>>[vector<16xi32>, vector<16xi32>], vector<16xi32>,
        %mul3A_408 = arith.constant 16 : i32
        %mul3A_409 = arith.muli %scan3A_358, %mul3A_408 : i32
        %add3A_410 = arith.constant 8696 : i32
        %add3A_411 = arith.addi %add3A_410, %mul3A_409 : i32
        %swap3A_412 = arith.index_cast %add3A_411 : i32 to index
        %swap3A_413 = tpu.vector_load %arg11[%swap3A_412] {strides = array<i32>} : memref<9184xi32, #tpu.memory_space<vmem>>, vector<16xi32>,
        tpu.vector_store %arg11[%swap3A_412], %gather3A_407 {strides = array<i32>} : memref<9184xi32, #tpu.memory_space<vmem>>, vector<16xi32>,
        %broadcast_in_dim3A_414 = arith.constant 6 : i32
        %broadcast_in_dim3A_415 = vector.broadcast %broadcast_in_dim3A_414 : i32 to vector<16xi32>
        %gather3A_416 = tpu.vector_load_idx %run_scoped3A[%add3A_362, %broadcast_in_dim3A_415] : memref<160x7xi32, #tpu.memory_space<vmem>>[vector<16xi32>, vector<16xi32>], vector<16xi32>,
        %mul3A_417 = arith.constant 16 : i32
        %mul3A_418 = arith.muli %scan3A_358, %mul3A_417 : i32
        %add3A_419 = arith.constant 9024 : i32
        %add3A_420 = arith.addi %add3A_419, %mul3A_418 : i32
        %swap3A_421 = arith.index_cast %add3A_420 : i32 to index
        %swap3A_422 = tpu.vector_load %arg11[%swap3A_421] {strides = array<i32>} : memref<9184xi32, #tpu.memory_space<vmem>>, vector<16xi32>,
        tpu.vector_store %arg11[%swap3A_421], %gather3A_416 {strides = array<i32>} : memref<9184xi32, #tpu.memory_space<vmem>>, vector<16xi32>,
      }
      %scan3A_357 = arith.constant 10 : i32
      tpu.yield
    }) : () -> ()
    %dma_wait3A_176 = arith.constant 3608 : i32
    %dma_wait3A_177 = tpu.memref_slice %arg11[%dma_wait3A_176] : memref<9184xi32, #tpu.memory_space<vmem>> -> memref<328xi32, #tpu.memory_space<vmem>>
    %dma_wait3A_178 = arith.constant 0 : i32
    %dma_wait3A_179 = arith.constant 0 : i32
    %dma_wait3A_180 = tpu.memref_slice %arg2[%dma_wait3A_178, %dma_wait3A_179] : memref<110000x128xf32, #tpu.memory_space<hbm>> -> memref<110000x128xf32, #tpu.memory_space<hbm>>
    tpu.wait_indirect_dma semaphore(%arg16 : memref<!tpu.dma_semaphore, #tpu.memory_space<semaphore_mem>>) src(%dma_wait3A_180 : memref<110000x128xf32, #tpu.memory_space<hbm>>) dst(%arg12 : memref<328x128xf32, #tpu.memory_space<vmem>>)
    %dma_wait3A_181 = arith.constant 3936 : i32
    %dma_wait3A_182 = tpu.memref_slice %arg11[%dma_wait3A_181] : memref<9184xi32, #tpu.memory_space<vmem>> -> memref<328xi32, #tpu.memory_space<vmem>>
    %dma_wait3A_183 = arith.constant 0 : i32
    %dma_wait3A_184 = arith.constant 0 : i32
    %dma_wait3A_185 = tpu.memref_slice %arg2[%dma_wait3A_183, %dma_wait3A_184] : memref<110000x128xf32, #tpu.memory_space<hbm>> -> memref<110000x128xf32, #tpu.memory_space<hbm>>
    tpu.wait_indirect_dma semaphore(%arg16 : memref<!tpu.dma_semaphore, #tpu.memory_space<semaphore_mem>>) src(%dma_wait3A_185 : memref<110000x128xf32, #tpu.memory_space<hbm>>) dst(%arg12 : memref<328x128xf32, #tpu.memory_space<vmem>>)
    %dma_wait3A_186 = arith.constant 4264 : i32
    %dma_wait3A_187 = tpu.memref_slice %arg11[%dma_wait3A_186] : memref<9184xi32, #tpu.memory_space<vmem>> -> memref<328xi32, #tpu.memory_space<vmem>>
    %dma_wait3A_188 = arith.constant 0 : i32
    %dma_wait3A_189 = arith.constant 0 : i32
    %dma_wait3A_190 = tpu.memref_slice %arg2[%dma_wait3A_188, %dma_wait3A_189] : memref<110000x128xf32, #tpu.memory_space<hbm>> -> memref<110000x128xf32, #tpu.memory_space<hbm>>
    tpu.wait_indirect_dma semaphore(%arg16 : memref<!tpu.dma_semaphore, #tpu.memory_space<semaphore_mem>>) src(%dma_wait3A_190 : memref<110000x128xf32, #tpu.memory_space<hbm>>) dst(%arg12 : memref<328x128xf32, #tpu.memory_space<vmem>>)
    %dma_wait3A_191 = arith.constant 4592 : i32
    %dma_wait3A_192 = tpu.memref_slice %arg11[%dma_wait3A_191] : memref<9184xi32, #tpu.memory_space<vmem>> -> memref<328xi32, #tpu.memory_space<vmem>>
    %dma_wait3A_193 = arith.constant 0 : i32
    %dma_wait3A_194 = arith.constant 0 : i32
    %dma_wait3A_195 = tpu.memref_slice %arg2[%dma_wait3A_193, %dma_wait3A_194] : memref<110000x128xf32, #tpu.memory_space<hbm>> -> memref<110000x128xf32, #tpu.memory_space<hbm>>
    tpu.wait_indirect_dma semaphore(%arg16 : memref<!tpu.dma_semaphore, #tpu.memory_space<semaphore_mem>>) src(%dma_wait3A_195 : memref<110000x128xf32, #tpu.memory_space<hbm>>) dst(%arg12 : memref<328x128xf32, #tpu.memory_space<vmem>>)
    %add3A_196 = arith.constant 40000 : i32
    %add3A_197 = arith.addi %add3A_196, %mul3A_2 : i32
    %dma_start3A_198 = arith.constant 0 : i32
    %dma_start3A_199 = tpu.memref_slice %arg10[%add3A_197, %dma_start3A_198] : memref<70000x128xf32, #tpu.memory_space<hbm>> -> memref<328x128xf32, #tpu.memory_space<hbm>>
    %dma_start3A_200 = arith.constant 0 : i32
    %dma_start3A_201 = tpu.memref_slice %arg10[%add3A_197, %dma_start3A_200] : memref<70000x128xf32, #tpu.memory_space<hbm>> -> memref<328x128xf32, #tpu.memory_space<hbm>>
    tpu.enqueue_dma source(%arg12 : memref<328x128xf32, #tpu.memory_space<vmem>>) target(%dma_start3A_201 : memref<328x128xf32, #tpu.memory_space<hbm>>) target_semaphore(%arg18 : memref<!tpu.dma_semaphore, #tpu.memory_space<semaphore_mem>>)
    %dma_wait3A_202 = arith.constant 4920 : i32
    %dma_wait3A_203 = tpu.memref_slice %arg11[%dma_wait3A_202] : memref<9184xi32, #tpu.memory_space<vmem>> -> memref<328xi32, #tpu.memory_space<vmem>>
    %dma_wait3A_204 = arith.constant 0 : i32
    %dma_wait3A_205 = arith.constant 0 : i32
    %dma_wait3A_206 = tpu.memref_slice %arg2[%dma_wait3A_204, %dma_wait3A_205] : memref<110000x128xf32, #tpu.memory_space<hbm>> -> memref<110000x128xf32, #tpu.memory_space<hbm>>
    tpu.wait_indirect_dma semaphore(%arg15 : memref<!tpu.dma_semaphore, #tpu.memory_space<semaphore_mem>>) src(%dma_wait3A_206 : memref<110000x128xf32, #tpu.memory_space<hbm>>) dst(%arg13 : memref<328x128xf32, #tpu.memory_space<vmem>>)
    %dma_wait3A_207 = arith.constant 0 : i32
    %dma_wait3A_208 = tpu.memref_slice %arg10[%add3A_197, %dma_wait3A_207] : memref<70000x128xf32, #tpu.memory_space<hbm>> -> memref<328x128xf32, #tpu.memory_space<hbm>>
    %dma_wait3A_209 = arith.constant 0 : i32
    %dma_wait3A_210 = tpu.memref_slice %arg10[%add3A_197, %dma_wait3A_209] : memref<70000x128xf32, #tpu.memory_space<hbm>> -> memref<328x128xf32, #tpu.memory_space<hbm>>
    tpu.wait_dma2 semaphore(%arg18 : memref<!tpu.dma_semaphore, #tpu.memory_space<semaphore_mem>>) src(%arg12 : memref<328x128xf32, #tpu.memory_space<vmem>>) dst(%dma_wait3A_210 : memref<328x128xf32, #tpu.memory_space<hbm>>)
    %dma_start3A_211 = arith.constant 6888 : i32
    %dma_start3A_212 = tpu.memref_slice %arg11[%dma_start3A_211] : memref<9184xi32, #tpu.memory_space<vmem>> -> memref<328xi32, #tpu.memory_space<vmem>>
    %dma_start3A_213 = arith.constant 0 : i32
    %dma_start3A_214 = arith.constant 0 : i32
    %dma_start3A_215 = tpu.memref_slice %arg2[%dma_start3A_213, %dma_start3A_214] : memref<110000x128xf32, #tpu.memory_space<hbm>> -> memref<110000x128xf32, #tpu.memory_space<hbm>>
    tpu.enqueue_indirect_dma source(%dma_start3A_215 : memref<110000x128xf32, #tpu.memory_space<hbm>>) target(%arg12 : memref<328x128xf32, #tpu.memory_space<vmem>>) offsets(%dma_start3A_212 : memref<328xi32, #tpu.memory_space<vmem>>) semaphore(%arg14 : memref<!tpu.dma_semaphore, #tpu.memory_space<semaphore_mem>>)
    %dma_start3A_216 = arith.constant 5248 : i32
    %dma_start3A_217 = tpu.memref_slice %arg11[%dma_start3A_216] : memref<9184xi32, #tpu.memory_space<vmem>> -> memref<328xi32, #tpu.memory_space<vmem>>
    %dma_start3A_218 = arith.constant 0 : i32
    %dma_start3A_219 = arith.constant 0 : i32
    %dma_start3A_220 = tpu.memref_slice %arg2[%dma_start3A_218, %dma_start3A_219] : memref<110000x128xf32, #tpu.memory_space<hbm>> -> memref<110000x128xf32, #tpu.memory_space<hbm>>
    tpu.enqueue_indirect_dma source(%dma_start3A_220 : memref<110000x128xf32, #tpu.memory_space<hbm>>) target(%arg13 : memref<328x128xf32, #tpu.memory_space<vmem>>) offsets(%dma_start3A_217 : memref<328xi32, #tpu.memory_space<vmem>>) semaphore(%arg17 : memref<!tpu.dma_semaphore, #tpu.memory_space<semaphore_mem>>) {add = true}
    %dma_start3A_221 = arith.constant 5576 : i32
    %dma_start3A_222 = tpu.memref_slice %arg11[%dma_start3A_221] : memref<9184xi32, #tpu.memory_space<vmem>> -> memref<328xi32, #tpu.memory_space<vmem>>
    %dma_start3A_223 = arith.constant 0 : i32
    %dma_start3A_224 = arith.constant 0 : i32
    %dma_start3A_225 = tpu.memref_slice %arg2[%dma_start3A_223, %dma_start3A_224] : memref<110000x128xf32, #tpu.memory_space<hbm>> -> memref<110000x128xf32, #tpu.memory_space<hbm>>
    tpu.enqueue_indirect_dma source(%dma_start3A_225 : memref<110000x128xf32, #tpu.memory_space<hbm>>) target(%arg13 : memref<328x128xf32, #tpu.memory_space<vmem>>) offsets(%dma_start3A_222 : memref<328xi32, #tpu.memory_space<vmem>>) semaphore(%arg17 : memref<!tpu.dma_semaphore, #tpu.memory_space<semaphore_mem>>) {add = true}
    %dma_start3A_226 = arith.constant 5904 : i32
    %dma_start3A_227 = tpu.memref_slice %arg11[%dma_start3A_226] : memref<9184xi32, #tpu.memory_space<vmem>> -> memref<328xi32, #tpu.memory_space<vmem>>
    %dma_start3A_228 = arith.constant 0 : i32
    %dma_start3A_229 = arith.constant 0 : i32
    %dma_start3A_230 = tpu.memref_slice %arg2[%dma_start3A_228, %dma_start3A_229] : memref<110000x128xf32, #tpu.memory_space<hbm>> -> memref<110000x128xf32, #tpu.memory_space<hbm>>
    tpu.enqueue_indirect_dma source(%dma_start3A_230 : memref<110000x128xf32, #tpu.memory_space<hbm>>) target(%arg13 : memref<328x128xf32, #tpu.memory_space<vmem>>) offsets(%dma_start3A_227 : memref<328xi32, #tpu.memory_space<vmem>>) semaphore(%arg17 : memref<!tpu.dma_semaphore, #tpu.memory_space<semaphore_mem>>) {add = true}
    %dma_start3A_231 = arith.constant 6232 : i32
    %dma_start3A_232 = tpu.memref_slice %arg11[%dma_start3A_231] : memref<9184xi32, #tpu.memory_space<vmem>> -> memref<328xi32, #tpu.memory_space<vmem>>
    %dma_start3A_233 = arith.constant 0 : i32
    %dma_start3A_234 = arith.constant 0 : i32
    %dma_start3A_235 = tpu.memref_slice %arg2[%dma_start3A_233, %dma_start3A_234] : memref<110000x128xf32, #tpu.memory_space<hbm>> -> memref<110000x128xf32, #tpu.memory_space<hbm>>
    tpu.enqueue_indirect_dma source(%dma_start3A_235 : memref<110000x128xf32, #tpu.memory_space<hbm>>) target(%arg13 : memref<328x128xf32, #tpu.memory_space<vmem>>) offsets(%dma_start3A_232 : memref<328xi32, #tpu.memory_space<vmem>>) semaphore(%arg17 : memref<!tpu.dma_semaphore, #tpu.memory_space<semaphore_mem>>) {add = true}
    %dma_start3A_236 = arith.constant 6560 : i32
    %dma_start3A_237 = tpu.memref_slice %arg11[%dma_start3A_236] : memref<9184xi32, #tpu.memory_space<vmem>> -> memref<328xi32, #tpu.memory_space<vmem>>
    %dma_start3A_238 = arith.constant 0 : i32
    %dma_start3A_239 = arith.constant 0 : i32
    %dma_start3A_240 = tpu.memref_slice %arg2[%dma_start3A_238, %dma_start3A_239] : memref<110000x128xf32, #tpu.memory_space<hbm>> -> memref<110000x128xf32, #tpu.memory_space<hbm>>
    tpu.enqueue_indirect_dma source(%dma_start3A_240 : memref<110000x128xf32, #tpu.memory_space<hbm>>) target(%arg13 : memref<328x128xf32, #tpu.memory_space<vmem>>) offsets(%dma_start3A_237 : memref<328xi32, #tpu.memory_space<vmem>>) semaphore(%arg17 : memref<!tpu.dma_semaphore, #tpu.memory_space<semaphore_mem>>) {add = true}
    %dma_wait3A_241 = arith.constant 5248 : i32
    %dma_wait3A_242 = tpu.memref_slice %arg11[%dma_wait3A_241] : memref<9184xi32, #tpu.memory_space<vmem>> -> memref<328xi32, #tpu.memory_space<vmem>>
    %dma_wait3A_243 = arith.constant 0 : i32
    %dma_wait3A_244 = arith.constant 0 : i32
    %dma_wait3A_245 = tpu.memref_slice %arg2[%dma_wait3A_243, %dma_wait3A_244] : memref<110000x128xf32, #tpu.memory_space<hbm>> -> memref<110000x128xf32, #tpu.memory_space<hbm>>
    tpu.wait_indirect_dma semaphore(%arg17 : memref<!tpu.dma_semaphore, #tpu.memory_space<semaphore_mem>>) src(%dma_wait3A_245 : memref<110000x128xf32, #tpu.memory_space<hbm>>) dst(%arg13 : memref<328x128xf32, #tpu.memory_space<vmem>>)
    %dma_wait3A_246 = arith.constant 5576 : i32
    %dma_wait3A_247 = tpu.memref_slice %arg11[%dma_wait3A_246] : memref<9184xi32, #tpu.memory_space<vmem>> -> memref<328xi32, #tpu.memory_space<vmem>>
    %dma_wait3A_248 = arith.constant 0 : i32
    %dma_wait3A_249 = arith.constant 0 : i32
    %dma_wait3A_250 = tpu.memref_slice %arg2[%dma_wait3A_248, %dma_wait3A_249] : memref<110000x128xf32, #tpu.memory_space<hbm>> -> memref<110000x128xf32, #tpu.memory_space<hbm>>
    tpu.wait_indirect_dma semaphore(%arg17 : memref<!tpu.dma_semaphore, #tpu.memory_space<semaphore_mem>>) src(%dma_wait3A_250 : memref<110000x128xf32, #tpu.memory_space<hbm>>) dst(%arg13 : memref<328x128xf32, #tpu.memory_space<vmem>>)
    %dma_wait3A_251 = arith.constant 5904 : i32
    %dma_wait3A_252 = tpu.memref_slice %arg11[%dma_wait3A_251] : memref<9184xi32, #tpu.memory_space<vmem>> -> memref<328xi32, #tpu.memory_space<vmem>>
    %dma_wait3A_253 = arith.constant 0 : i32
    %dma_wait3A_254 = arith.constant 0 : i32
    %dma_wait3A_255 = tpu.memref_slice %arg2[%dma_wait3A_253, %dma_wait3A_254] : memref<110000x128xf32, #tpu.memory_space<hbm>> -> memref<110000x128xf32, #tpu.memory_space<hbm>>
    tpu.wait_indirect_dma semaphore(%arg17 : memref<!tpu.dma_semaphore, #tpu.memory_space<semaphore_mem>>) src(%dma_wait3A_255 : memref<110000x128xf32, #tpu.memory_space<hbm>>) dst(%arg13 : memref<328x128xf32, #tpu.memory_space<vmem>>)
    %dma_wait3A_256 = arith.constant 6232 : i32
    %dma_wait3A_257 = tpu.memref_slice %arg11[%dma_wait3A_256] : memref<9184xi32, #tpu.memory_space<vmem>> -> memref<328xi32, #tpu.memory_space<vmem>>
    %dma_wait3A_258 = arith.constant 0 : i32
    %dma_wait3A_259 = arith.constant 0 : i32
    %dma_wait3A_260 = tpu.memref_slice %arg2[%dma_wait3A_258, %dma_wait3A_259] : memref<110000x128xf32, #tpu.memory_space<hbm>> -> memref<110000x128xf32, #tpu.memory_space<hbm>>
    tpu.wait_indirect_dma semaphore(%arg17 : memref<!tpu.dma_semaphore, #tpu.memory_space<semaphore_mem>>) src(%dma_wait3A_260 : memref<110000x128xf32, #tpu.memory_space<hbm>>) dst(%arg13 : memref<328x128xf32, #tpu.memory_space<vmem>>)
    %dma_wait3A_261 = arith.constant 6560 : i32
    %dma_wait3A_262 = tpu.memref_slice %arg11[%dma_wait3A_261] : memref<9184xi32, #tpu.memory_space<vmem>> -> memref<328xi32, #tpu.memory_space<vmem>>
    %dma_wait3A_263 = arith.constant 0 : i32
    %dma_wait3A_264 = arith.constant 0 : i32
    %dma_wait3A_265 = tpu.memref_slice %arg2[%dma_wait3A_263, %dma_wait3A_264] : memref<110000x128xf32, #tpu.memory_space<hbm>> -> memref<110000x128xf32, #tpu.memory_space<hbm>>
    tpu.wait_indirect_dma semaphore(%arg17 : memref<!tpu.dma_semaphore, #tpu.memory_space<semaphore_mem>>) src(%dma_wait3A_265 : memref<110000x128xf32, #tpu.memory_space<hbm>>) dst(%arg13 : memref<328x128xf32, #tpu.memory_space<vmem>>)
    %add3A_266 = arith.constant 50000 : i32
    %add3A_267 = arith.addi %add3A_266, %mul3A_2 : i32
    %dma_start3A_268 = arith.constant 0 : i32
    %dma_start3A_269 = tpu.memref_slice %arg10[%add3A_267, %dma_start3A_268] : memref<70000x128xf32, #tpu.memory_space<hbm>> -> memref<328x128xf32, #tpu.memory_space<hbm>>
    %dma_start3A_270 = arith.constant 0 : i32
    %dma_start3A_271 = tpu.memref_slice %arg10[%add3A_267, %dma_start3A_270] : memref<70000x128xf32, #tpu.memory_space<hbm>> -> memref<328x128xf32, #tpu.memory_space<hbm>>
    tpu.enqueue_dma source(%arg13 : memref<328x128xf32, #tpu.memory_space<vmem>>) target(%dma_start3A_271 : memref<328x128xf32, #tpu.memory_space<hbm>>) target_semaphore(%arg19 : memref<!tpu.dma_semaphore, #tpu.memory_space<semaphore_mem>>)
    %dma_wait3A_272 = arith.constant 6888 : i32
    %dma_wait3A_273 = tpu.memref_slice %arg11[%dma_wait3A_272] : memref<9184xi32, #tpu.memory_space<vmem>> -> memref<328xi32, #tpu.memory_space<vmem>>
    %dma_wait3A_274 = arith.constant 0 : i32
    %dma_wait3A_275 = arith.constant 0 : i32
    %dma_wait3A_276 = tpu.memref_slice %arg2[%dma_wait3A_274, %dma_wait3A_275] : memref<110000x128xf32, #tpu.memory_space<hbm>> -> memref<110000x128xf32, #tpu.memory_space<hbm>>
    tpu.wait_indirect_dma semaphore(%arg14 : memref<!tpu.dma_semaphore, #tpu.memory_space<semaphore_mem>>) src(%dma_wait3A_276 : memref<110000x128xf32, #tpu.memory_space<hbm>>) dst(%arg12 : memref<328x128xf32, #tpu.memory_space<vmem>>)
    %dma_start3A_277 = arith.constant 7216 : i32
    %dma_start3A_278 = tpu.memref_slice %arg11[%dma_start3A_277] : memref<9184xi32, #tpu.memory_space<vmem>> -> memref<328xi32, #tpu.memory_space<vmem>>
    %dma_start3A_279 = arith.constant 0 : i32
    %dma_start3A_280 = arith.constant 0 : i32
    %dma_start3A_281 = tpu.memref_slice %arg2[%dma_start3A_279, %dma_start3A_280] : memref<110000x128xf32, #tpu.memory_space<hbm>> -> memref<110000x128xf32, #tpu.memory_space<hbm>>
    tpu.enqueue_indirect_dma source(%dma_start3A_281 : memref<110000x128xf32, #tpu.memory_space<hbm>>) target(%arg12 : memref<328x128xf32, #tpu.memory_space<vmem>>) offsets(%dma_start3A_278 : memref<328xi32, #tpu.memory_space<vmem>>) semaphore(%arg16 : memref<!tpu.dma_semaphore, #tpu.memory_space<semaphore_mem>>) {add = true}
    %dma_start3A_282 = arith.constant 7544 : i32
    %dma_start3A_283 = tpu.memref_slice %arg11[%dma_start3A_282] : memref<9184xi32, #tpu.memory_space<vmem>> -> memref<328xi32, #tpu.memory_space<vmem>>
    %dma_start3A_284 = arith.constant 0 : i32
    %dma_start3A_285 = arith.constant 0 : i32
    %dma_start3A_286 = tpu.memref_slice %arg2[%dma_start3A_284, %dma_start3A_285] : memref<110000x128xf32, #tpu.memory_space<hbm>> -> memref<110000x128xf32, #tpu.memory_space<hbm>>
    tpu.enqueue_indirect_dma source(%dma_start3A_286 : memref<110000x128xf32, #tpu.memory_space<hbm>>) target(%arg12 : memref<328x128xf32, #tpu.memory_space<vmem>>) offsets(%dma_start3A_283 : memref<328xi32, #tpu.memory_space<vmem>>) semaphore(%arg16 : memref<!tpu.dma_semaphore, #tpu.memory_space<semaphore_mem>>) {add = true}
    %dma_start3A_287 = arith.constant 7872 : i32
    %dma_start3A_288 = tpu.memref_slice %arg11[%dma_start3A_287] : memref<9184xi32, #tpu.memory_space<vmem>> -> memref<328xi32, #tpu.memory_space<vmem>>
    %dma_start3A_289 = arith.constant 0 : i32
    %dma_start3A_290 = arith.constant 0 : i32
    %dma_start3A_291 = tpu.memref_slice %arg2[%dma_start3A_289, %dma_start3A_290] : memref<110000x128xf32, #tpu.memory_space<hbm>> -> memref<110000x128xf32, #tpu.memory_space<hbm>>
    tpu.enqueue_indirect_dma source(%dma_start3A_291 : memref<110000x128xf32, #tpu.memory_space<hbm>>) target(%arg12 : memref<328x128xf32, #tpu.memory_space<vmem>>) offsets(%dma_start3A_288 : memref<328xi32, #tpu.memory_space<vmem>>) semaphore(%arg16 : memref<!tpu.dma_semaphore, #tpu.memory_space<semaphore_mem>>) {add = true}
    %dma_start3A_292 = arith.constant 8200 : i32
    %dma_start3A_293 = tpu.memref_slice %arg11[%dma_start3A_292] : memref<9184xi32, #tpu.memory_space<vmem>> -> memref<328xi32, #tpu.memory_space<vmem>>
    %dma_start3A_294 = arith.constant 0 : i32
    %dma_start3A_295 = arith.constant 0 : i32
    %dma_start3A_296 = tpu.memref_slice %arg2[%dma_start3A_294, %dma_start3A_295] : memref<110000x128xf32, #tpu.memory_space<hbm>> -> memref<110000x128xf32, #tpu.memory_space<hbm>>
    tpu.enqueue_indirect_dma source(%dma_start3A_296 : memref<110000x128xf32, #tpu.memory_space<hbm>>) target(%arg12 : memref<328x128xf32, #tpu.memory_space<vmem>>) offsets(%dma_start3A_293 : memref<328xi32, #tpu.memory_space<vmem>>) semaphore(%arg16 : memref<!tpu.dma_semaphore, #tpu.memory_space<semaphore_mem>>) {add = true}
    %dma_start3A_297 = arith.constant 8528 : i32
    %dma_start3A_298 = tpu.memref_slice %arg11[%dma_start3A_297] : memref<9184xi32, #tpu.memory_space<vmem>> -> memref<328xi32, #tpu.memory_space<vmem>>
    %dma_start3A_299 = arith.constant 0 : i32
    %dma_start3A_300 = arith.constant 0 : i32
    %dma_start3A_301 = tpu.memref_slice %arg2[%dma_start3A_299, %dma_start3A_300] : memref<110000x128xf32, #tpu.memory_space<hbm>> -> memref<110000x128xf32, #tpu.memory_space<hbm>>
    tpu.enqueue_indirect_dma source(%dma_start3A_301 : memref<110000x128xf32, #tpu.memory_space<hbm>>) target(%arg12 : memref<328x128xf32, #tpu.memory_space<vmem>>) offsets(%dma_start3A_298 : memref<328xi32, #tpu.memory_space<vmem>>) semaphore(%arg16 : memref<!tpu.dma_semaphore, #tpu.memory_space<semaphore_mem>>) {add = true}
    %dma_start3A_302 = arith.constant 8856 : i32
    %dma_start3A_303 = tpu.memref_slice %arg11[%dma_start3A_302] : memref<9184xi32, #tpu.memory_space<vmem>> -> memref<328xi32, #tpu.memory_space<vmem>>
    %dma_start3A_304 = arith.constant 0 : i32
    %dma_start3A_305 = arith.constant 0 : i32
    %dma_start3A_306 = tpu.memref_slice %arg2[%dma_start3A_304, %dma_start3A_305] : memref<110000x128xf32, #tpu.memory_space<hbm>> -> memref<110000x128xf32, #tpu.memory_space<hbm>>
    tpu.enqueue_indirect_dma source(%dma_start3A_306 : memref<110000x128xf32, #tpu.memory_space<hbm>>) target(%arg12 : memref<328x128xf32, #tpu.memory_space<vmem>>) offsets(%dma_start3A_303 : memref<328xi32, #tpu.memory_space<vmem>>) semaphore(%arg16 : memref<!tpu.dma_semaphore, #tpu.memory_space<semaphore_mem>>) {add = true}
    %dma_wait3A_307 = arith.constant 7216 : i32
    %dma_wait3A_308 = tpu.memref_slice %arg11[%dma_wait3A_307] : memref<9184xi32, #tpu.memory_space<vmem>> -> memref<328xi32, #tpu.memory_space<vmem>>
    %dma_wait3A_309 = arith.constant 0 : i32
    %dma_wait3A_310 = arith.constant 0 : i32
    %dma_wait3A_311 = tpu.memref_slice %arg2[%dma_wait3A_309, %dma_wait3A_310] : memref<110000x128xf32, #tpu.memory_space<hbm>> -> memref<110000x128xf32, #tpu.memory_space<hbm>>
    tpu.wait_indirect_dma semaphore(%arg16 : memref<!tpu.dma_semaphore, #tpu.memory_space<semaphore_mem>>) src(%dma_wait3A_311 : memref<110000x128xf32, #tpu.memory_space<hbm>>) dst(%arg12 : memref<328x128xf32, #tpu.memory_space<vmem>>)
    %dma_wait3A_312 = arith.constant 7544 : i32
    %dma_wait3A_313 = tpu.memref_slice %arg11[%dma_wait3A_312] : memref<9184xi32, #tpu.memory_space<vmem>> -> memref<328xi32, #tpu.memory_space<vmem>>
    %dma_wait3A_314 = arith.constant 0 : i32
    %dma_wait3A_315 = arith.constant 0 : i32
    %dma_wait3A_316 = tpu.memref_slice %arg2[%dma_wait3A_314, %dma_wait3A_315] : memref<110000x128xf32, #tpu.memory_space<hbm>> -> memref<110000x128xf32, #tpu.memory_space<hbm>>
    tpu.wait_indirect_dma semaphore(%arg16 : memref<!tpu.dma_semaphore, #tpu.memory_space<semaphore_mem>>) src(%dma_wait3A_316 : memref<110000x128xf32, #tpu.memory_space<hbm>>) dst(%arg12 : memref<328x128xf32, #tpu.memory_space<vmem>>)
    %dma_wait3A_317 = arith.constant 7872 : i32
    %dma_wait3A_318 = tpu.memref_slice %arg11[%dma_wait3A_317] : memref<9184xi32, #tpu.memory_space<vmem>> -> memref<328xi32, #tpu.memory_space<vmem>>
    %dma_wait3A_319 = arith.constant 0 : i32
    %dma_wait3A_320 = arith.constant 0 : i32
    %dma_wait3A_321 = tpu.memref_slice %arg2[%dma_wait3A_319, %dma_wait3A_320] : memref<110000x128xf32, #tpu.memory_space<hbm>> -> memref<110000x128xf32, #tpu.memory_space<hbm>>
    tpu.wait_indirect_dma semaphore(%arg16 : memref<!tpu.dma_semaphore, #tpu.memory_space<semaphore_mem>>) src(%dma_wait3A_321 : memref<110000x128xf32, #tpu.memory_space<hbm>>) dst(%arg12 : memref<328x128xf32, #tpu.memory_space<vmem>>)
    %dma_wait3A_322 = arith.constant 8200 : i32
    %dma_wait3A_323 = tpu.memref_slice %arg11[%dma_wait3A_322] : memref<9184xi32, #tpu.memory_space<vmem>> -> memref<328xi32, #tpu.memory_space<vmem>>
    %dma_wait3A_324 = arith.constant 0 : i32
    %dma_wait3A_325 = arith.constant 0 : i32
    %dma_wait3A_326 = tpu.memref_slice %arg2[%dma_wait3A_324, %dma_wait3A_325] : memref<110000x128xf32, #tpu.memory_space<hbm>> -> memref<110000x128xf32, #tpu.memory_space<hbm>>
    tpu.wait_indirect_dma semaphore(%arg16 : memref<!tpu.dma_semaphore, #tpu.memory_space<semaphore_mem>>) src(%dma_wait3A_326 : memref<110000x128xf32, #tpu.memory_space<hbm>>) dst(%arg12 : memref<328x128xf32, #tpu.memory_space<vmem>>)
    %dma_wait3A_327 = arith.constant 8528 : i32
    %dma_wait3A_328 = tpu.memref_slice %arg11[%dma_wait3A_327] : memref<9184xi32, #tpu.memory_space<vmem>> -> memref<328xi32, #tpu.memory_space<vmem>>
    %dma_wait3A_329 = arith.constant 0 : i32
    %dma_wait3A_330 = arith.constant 0 : i32
    %dma_wait3A_331 = tpu.memref_slice %arg2[%dma_wait3A_329, %dma_wait3A_330] : memref<110000x128xf32, #tpu.memory_space<hbm>> -> memref<110000x128xf32, #tpu.memory_space<hbm>>
    tpu.wait_indirect_dma semaphore(%arg16 : memref<!tpu.dma_semaphore, #tpu.memory_space<semaphore_mem>>) src(%dma_wait3A_331 : memref<110000x128xf32, #tpu.memory_space<hbm>>) dst(%arg12 : memref<328x128xf32, #tpu.memory_space<vmem>>)
    %dma_wait3A_332 = arith.constant 8856 : i32
    %dma_wait3A_333 = tpu.memref_slice %arg11[%dma_wait3A_332] : memref<9184xi32, #tpu.memory_space<vmem>> -> memref<328xi32, #tpu.memory_space<vmem>>
    %dma_wait3A_334 = arith.constant 0 : i32
    %dma_wait3A_335 = arith.constant 0 : i32
    %dma_wait3A_336 = tpu.memref_slice %arg2[%dma_wait3A_334, %dma_wait3A_335] : memref<110000x128xf32, #tpu.memory_space<hbm>> -> memref<110000x128xf32, #tpu.memory_space<hbm>>
    tpu.wait_indirect_dma semaphore(%arg16 : memref<!tpu.dma_semaphore, #tpu.memory_space<semaphore_mem>>) src(%dma_wait3A_336 : memref<110000x128xf32, #tpu.memory_space<hbm>>) dst(%arg12 : memref<328x128xf32, #tpu.memory_space<vmem>>)
    %add3A_337 = arith.constant 60000 : i32
    %add3A_338 = arith.addi %add3A_337, %mul3A_2 : i32
    %dma_start3A_339 = arith.constant 0 : i32
    %dma_start3A_340 = tpu.memref_slice %arg10[%add3A_338, %dma_start3A_339] : memref<70000x128xf32, #tpu.memory_space<hbm>> -> memref<328x128xf32, #tpu.memory_space<hbm>>
    %dma_start3A_341 = arith.constant 0 : i32
    %dma_start3A_342 = tpu.memref_slice %arg10[%add3A_338, %dma_start3A_341] : memref<70000x128xf32, #tpu.memory_space<hbm>> -> memref<328x128xf32, #tpu.memory_space<hbm>>
    tpu.enqueue_dma source(%arg12 : memref<328x128xf32, #tpu.memory_space<vmem>>) target(%dma_start3A_342 : memref<328x128xf32, #tpu.memory_space<hbm>>) target_semaphore(%arg18 : memref<!tpu.dma_semaphore, #tpu.memory_space<semaphore_mem>>)
    %dma_wait3A_343 = arith.constant 0 : i32
    %dma_wait3A_344 = tpu.memref_slice %arg10[%add3A_267, %dma_wait3A_343] : memref<70000x128xf32, #tpu.memory_space<hbm>> -> memref<328x128xf32, #tpu.memory_space<hbm>>
    %dma_wait3A_345 = arith.constant 0 : i32
    %dma_wait3A_346 = tpu.memref_slice %arg10[%add3A_267, %dma_wait3A_345] : memref<70000x128xf32, #tpu.memory_space<hbm>> -> memref<328x128xf32, #tpu.memory_space<hbm>>
    tpu.wait_dma2 semaphore(%arg19 : memref<!tpu.dma_semaphore, #tpu.memory_space<semaphore_mem>>) src(%arg13 : memref<328x128xf32, #tpu.memory_space<vmem>>) dst(%dma_wait3A_346 : memref<328x128xf32, #tpu.memory_space<hbm>>)
    %dma_wait3A_347 = arith.constant 0 : i32
    %dma_wait3A_348 = tpu.memref_slice %arg10[%add3A_338, %dma_wait3A_347] : memref<70000x128xf32, #tpu.memory_space<hbm>> -> memref<328x128xf32, #tpu.memory_space<hbm>>
    %dma_wait3A_349 = arith.constant 0 : i32
    %dma_wait3A_350 = tpu.memref_slice %arg10[%add3A_338, %dma_wait3A_349] : memref<70000x128xf32, #tpu.memory_space<hbm>> -> memref<328x128xf32, #tpu.memory_space<hbm>>
    tpu.wait_dma2 semaphore(%arg18 : memref<!tpu.dma_semaphore, #tpu.memory_space<semaphore_mem>>) src(%arg12 : memref<328x128xf32, #tpu.memory_space<vmem>>) dst(%dma_wait3A_350 : memref<328x128xf32, #tpu.memory_space<hbm>>)
    return
  }
}

#map = affine_map<(d0, d1) -> (0, 0)>
module attributes {stable_mosaic.version = 14 : i64} {
  func.func @body(%arg0: i32, %arg1: i32, %arg2: memref<110000x128xf32, #tpu.memory_space<hbm>>, %arg3: memref<10000x8xi32, #tpu.memory_space<hbm>>, %arg4: memref<10000x9xi32, #tpu.memory_space<hbm>>, %arg5: memref<10000x10xi32, #tpu.memory_space<hbm>>, %arg6: memref<30000x128xf32, #tpu.memory_space<hbm>>, %arg7: memref<8856xi32, #tpu.memory_space<vmem>>, %arg8: memref<328x128xf32, #tpu.memory_space<vmem>>, %arg9: memref<328x128xf32, #tpu.memory_space<vmem>>, %arg10: memref<!tpu.dma_semaphore, #tpu.memory_space<semaphore_mem>>, %arg11: memref<!tpu.dma_semaphore, #tpu.memory_space<semaphore_mem>>, %arg12: memref<!tpu.dma_semaphore, #tpu.memory_space<semaphore_mem>>, %arg13: memref<!tpu.dma_semaphore, #tpu.memory_space<semaphore_mem>>, %arg14: memref<!tpu.dma_semaphore, #tpu.memory_space<semaphore_mem>>, %arg15: memref<!tpu.dma_semaphore, #tpu.memory_space<semaphore_mem>>) attributes {dimension_semantics = [#tpu.dimension_semantics<core_parallel>, #tpu.dimension_semantics<subcore_parallel>], iteration_bounds = array<i64: 2, 16>, scalar_prefetch = 0 : i64, scratch_operands = 9 : i64, tpu.core_type = #tpu.core_type<sc_vector_subcore>, window_params = [{transform_indices = #map}, {transform_indices = #map}, {transform_indices = #map}, {transform_indices = #map}, {transform_indices = #map}]} {
    %mul3A = arith.constant 2 : i32
    %mul3A_0 = arith.muli %arg1, %mul3A : i32
    %add3A = arith.addi %mul3A_0, %arg0 : i32
    %mul3A_1 = arith.constant 312 : i32
    %mul3A_2 = arith.muli %add3A, %mul3A_1 : i32
    %iota3A = tpu.iota {dimensions = array<i32: 0>} : vector<16xi32>
    "tpu.region"() ({
      %run_scoped3A = memref.alloca() : memref<168x8xi32, #tpu.memory_space<vmem>>
      %add3A_301 = arith.constant 0 : i32
      %add3A_302 = arith.addi %mul3A_2, %add3A_301 : i32
      "tpu.region"() ({
        %run_scoped3A_361 = tpu.sem_alloc : memref<!tpu.dma_semaphore, #tpu.memory_space<semaphore_mem>>
        %dma_start3A_362 = arith.constant 0 : i32
        %dma_start3A_363 = tpu.memref_slice %arg3[%add3A_302, %dma_start3A_362] : memref<10000x8xi32, #tpu.memory_space<hbm>> -> memref<168x8xi32, #tpu.memory_space<hbm>>
        %dma_start3A_364 = arith.constant 0 : i32
        %dma_start3A_365 = tpu.memref_slice %arg3[%add3A_302, %dma_start3A_364] : memref<10000x8xi32, #tpu.memory_space<hbm>> -> memref<168x8xi32, #tpu.memory_space<hbm>>
        tpu.enqueue_dma source(%dma_start3A_365 : memref<168x8xi32, #tpu.memory_space<hbm>>) target(%run_scoped3A : memref<168x8xi32, #tpu.memory_space<vmem>>) target_semaphore(%run_scoped3A_361 : memref<!tpu.dma_semaphore, #tpu.memory_space<semaphore_mem>>)
        %dma_wait3A_366 = arith.constant 0 : i32
        %dma_wait3A_367 = tpu.memref_slice %arg3[%add3A_302, %dma_wait3A_366] : memref<10000x8xi32, #tpu.memory_space<hbm>> -> memref<168x8xi32, #tpu.memory_space<hbm>>
        %dma_wait3A_368 = arith.constant 0 : i32
        %dma_wait3A_369 = tpu.memref_slice %arg3[%add3A_302, %dma_wait3A_368] : memref<10000x8xi32, #tpu.memory_space<hbm>> -> memref<168x8xi32, #tpu.memory_space<hbm>>
        tpu.wait_dma2 semaphore(%run_scoped3A_361 : memref<!tpu.dma_semaphore, #tpu.memory_space<semaphore_mem>>) src(%dma_wait3A_369 : memref<168x8xi32, #tpu.memory_space<hbm>>) dst(%run_scoped3A : memref<168x8xi32, #tpu.memory_space<vmem>>)
        tpu.yield
      }) : () -> ()
      %scan3A = arith.constant 0 : i32
      %scan3A_303 = arith.constant 0 : i32
      %scan3A_304 = arith.constant 10 : i32
      %scan3A_305 = arith.addi %scan3A_303, %scan3A_304 : i32
      %scan3A_306 = arith.constant 1 : i32
      scf.for %scan3A_361 = %scan3A_303 to %scan3A_305 step %scan3A_306  : i32 {
        %mul3A_362 = arith.constant 16 : i32
        %mul3A_363 = arith.muli %scan3A_361, %mul3A_362 : i32
        %add3A_364 = vector.broadcast %mul3A_363 : i32 to vector<16xi32>
        %add3A_365 = arith.addi %iota3A, %add3A_364 : vector<16xi32>
        %broadcast_in_dim3A_366 = arith.constant 0 : i32
        %broadcast_in_dim3A_367 = vector.broadcast %broadcast_in_dim3A_366 : i32 to vector<16xi32>
        %gather3A_368 = tpu.vector_load_idx %run_scoped3A[%add3A_365, %broadcast_in_dim3A_367] : memref<168x8xi32, #tpu.memory_space<vmem>>[vector<16xi32>, vector<16xi32>], vector<16xi32>,
        %mul3A_369 = arith.constant 16 : i32
        %mul3A_370 = arith.muli %scan3A_361, %mul3A_369 : i32
        %add3A_371 = arith.constant 0 : i32
        %add3A_372 = arith.addi %add3A_371, %mul3A_370 : i32
        %swap3A = arith.index_cast %add3A_372 : i32 to index
        %swap3A_373 = tpu.vector_load %arg7[%swap3A] {strides = array<i32>} : memref<8856xi32, #tpu.memory_space<vmem>>, vector<16xi32>,
        tpu.vector_store %arg7[%swap3A], %gather3A_368 {strides = array<i32>} : memref<8856xi32, #tpu.memory_space<vmem>>, vector<16xi32>,
        %broadcast_in_dim3A_374 = arith.constant 1 : i32
        %broadcast_in_dim3A_375 = vector.broadcast %broadcast_in_dim3A_374 : i32 to vector<16xi32>
        %gather3A_376 = tpu.vector_load_idx %run_scoped3A[%add3A_365, %broadcast_in_dim3A_375] : memref<168x8xi32, #tpu.memory_space<vmem>>[vector<16xi32>, vector<16xi32>], vector<16xi32>,
        %mul3A_377 = arith.constant 16 : i32
        %mul3A_378 = arith.muli %scan3A_361, %mul3A_377 : i32
        %add3A_379 = arith.constant 328 : i32
        %add3A_380 = arith.addi %add3A_379, %mul3A_378 : i32
        %swap3A_381 = arith.index_cast %add3A_380 : i32 to index
        %swap3A_382 = tpu.vector_load %arg7[%swap3A_381] {strides = array<i32>} : memref<8856xi32, #tpu.memory_space<vmem>>, vector<16xi32>,
        tpu.vector_store %arg7[%swap3A_381], %gather3A_376 {strides = array<i32>} : memref<8856xi32, #tpu.memory_space<vmem>>, vector<16xi32>,
        %broadcast_in_dim3A_383 = arith.constant 2 : i32
        %broadcast_in_dim3A_384 = vector.broadcast %broadcast_in_dim3A_383 : i32 to vector<16xi32>
        %gather3A_385 = tpu.vector_load_idx %run_scoped3A[%add3A_365, %broadcast_in_dim3A_384] : memref<168x8xi32, #tpu.memory_space<vmem>>[vector<16xi32>, vector<16xi32>], vector<16xi32>,
        %mul3A_386 = arith.constant 16 : i32
        %mul3A_387 = arith.muli %scan3A_361, %mul3A_386 : i32
        %add3A_388 = arith.constant 656 : i32
        %add3A_389 = arith.addi %add3A_388, %mul3A_387 : i32
        %swap3A_390 = arith.index_cast %add3A_389 : i32 to index
        %swap3A_391 = tpu.vector_load %arg7[%swap3A_390] {strides = array<i32>} : memref<8856xi32, #tpu.memory_space<vmem>>, vector<16xi32>,
        tpu.vector_store %arg7[%swap3A_390], %gather3A_385 {strides = array<i32>} : memref<8856xi32, #tpu.memory_space<vmem>>, vector<16xi32>,
        %broadcast_in_dim3A_392 = arith.constant 3 : i32
        %broadcast_in_dim3A_393 = vector.broadcast %broadcast_in_dim3A_392 : i32 to vector<16xi32>
        %gather3A_394 = tpu.vector_load_idx %run_scoped3A[%add3A_365, %broadcast_in_dim3A_393] : memref<168x8xi32, #tpu.memory_space<vmem>>[vector<16xi32>, vector<16xi32>], vector<16xi32>,
        %mul3A_395 = arith.constant 16 : i32
        %mul3A_396 = arith.muli %scan3A_361, %mul3A_395 : i32
        %add3A_397 = arith.constant 984 : i32
        %add3A_398 = arith.addi %add3A_397, %mul3A_396 : i32
        %swap3A_399 = arith.index_cast %add3A_398 : i32 to index
        %swap3A_400 = tpu.vector_load %arg7[%swap3A_399] {strides = array<i32>} : memref<8856xi32, #tpu.memory_space<vmem>>, vector<16xi32>,
        tpu.vector_store %arg7[%swap3A_399], %gather3A_394 {strides = array<i32>} : memref<8856xi32, #tpu.memory_space<vmem>>, vector<16xi32>,
        %broadcast_in_dim3A_401 = arith.constant 4 : i32
        %broadcast_in_dim3A_402 = vector.broadcast %broadcast_in_dim3A_401 : i32 to vector<16xi32>
        %gather3A_403 = tpu.vector_load_idx %run_scoped3A[%add3A_365, %broadcast_in_dim3A_402] : memref<168x8xi32, #tpu.memory_space<vmem>>[vector<16xi32>, vector<16xi32>], vector<16xi32>,
        %mul3A_404 = arith.constant 16 : i32
        %mul3A_405 = arith.muli %scan3A_361, %mul3A_404 : i32
        %add3A_406 = arith.constant 1312 : i32
        %add3A_407 = arith.addi %add3A_406, %mul3A_405 : i32
        %swap3A_408 = arith.index_cast %add3A_407 : i32 to index
        %swap3A_409 = tpu.vector_load %arg7[%swap3A_408] {strides = array<i32>} : memref<8856xi32, #tpu.memory_space<vmem>>, vector<16xi32>,
        tpu.vector_store %arg7[%swap3A_408], %gather3A_403 {strides = array<i32>} : memref<8856xi32, #tpu.memory_space<vmem>>, vector<16xi32>,
        %broadcast_in_dim3A_410 = arith.constant 5 : i32
        %broadcast_in_dim3A_411 = vector.broadcast %broadcast_in_dim3A_410 : i32 to vector<16xi32>
        %gather3A_412 = tpu.vector_load_idx %run_scoped3A[%add3A_365, %broadcast_in_dim3A_411] : memref<168x8xi32, #tpu.memory_space<vmem>>[vector<16xi32>, vector<16xi32>], vector<16xi32>,
        %mul3A_413 = arith.constant 16 : i32
        %mul3A_414 = arith.muli %scan3A_361, %mul3A_413 : i32
        %add3A_415 = arith.constant 1640 : i32
        %add3A_416 = arith.addi %add3A_415, %mul3A_414 : i32
        %swap3A_417 = arith.index_cast %add3A_416 : i32 to index
        %swap3A_418 = tpu.vector_load %arg7[%swap3A_417] {strides = array<i32>} : memref<8856xi32, #tpu.memory_space<vmem>>, vector<16xi32>,
        tpu.vector_store %arg7[%swap3A_417], %gather3A_412 {strides = array<i32>} : memref<8856xi32, #tpu.memory_space<vmem>>, vector<16xi32>,
        %broadcast_in_dim3A_419 = arith.constant 6 : i32
        %broadcast_in_dim3A_420 = vector.broadcast %broadcast_in_dim3A_419 : i32 to vector<16xi32>
        %gather3A_421 = tpu.vector_load_idx %run_scoped3A[%add3A_365, %broadcast_in_dim3A_420] : memref<168x8xi32, #tpu.memory_space<vmem>>[vector<16xi32>, vector<16xi32>], vector<16xi32>,
        %mul3A_422 = arith.constant 16 : i32
        %mul3A_423 = arith.muli %scan3A_361, %mul3A_422 : i32
        %add3A_424 = arith.constant 1968 : i32
        %add3A_425 = arith.addi %add3A_424, %mul3A_423 : i32
        %swap3A_426 = arith.index_cast %add3A_425 : i32 to index
        %swap3A_427 = tpu.vector_load %arg7[%swap3A_426] {strides = array<i32>} : memref<8856xi32, #tpu.memory_space<vmem>>, vector<16xi32>,
        tpu.vector_store %arg7[%swap3A_426], %gather3A_421 {strides = array<i32>} : memref<8856xi32, #tpu.memory_space<vmem>>, vector<16xi32>,
        %broadcast_in_dim3A_428 = arith.constant 7 : i32
        %broadcast_in_dim3A_429 = vector.broadcast %broadcast_in_dim3A_428 : i32 to vector<16xi32>
        %gather3A_430 = tpu.vector_load_idx %run_scoped3A[%add3A_365, %broadcast_in_dim3A_429] : memref<168x8xi32, #tpu.memory_space<vmem>>[vector<16xi32>, vector<16xi32>], vector<16xi32>,
        %mul3A_431 = arith.constant 16 : i32
        %mul3A_432 = arith.muli %scan3A_361, %mul3A_431 : i32
        %add3A_433 = arith.constant 2296 : i32
        %add3A_434 = arith.addi %add3A_433, %mul3A_432 : i32
        %swap3A_435 = arith.index_cast %add3A_434 : i32 to index
        %swap3A_436 = tpu.vector_load %arg7[%swap3A_435] {strides = array<i32>} : memref<8856xi32, #tpu.memory_space<vmem>>, vector<16xi32>,
        tpu.vector_store %arg7[%swap3A_435], %gather3A_430 {strides = array<i32>} : memref<8856xi32, #tpu.memory_space<vmem>>, vector<16xi32>,
      }
      %scan3A_307 = arith.constant 10 : i32
      %lt3A = arith.constant 8 : i32
      %lt3A_308 = vector.broadcast %lt3A : i32 to vector<16xi32>
      %lt3A_309 = arith.cmpi slt, %iota3A, %lt3A_308 : vector<16xi32>
      %add3A_310 = arith.constant 160 : i32
      %add3A_311 = vector.broadcast %add3A_310 : i32 to vector<16xi32>
      %add3A_312 = arith.addi %iota3A, %add3A_311 : vector<16xi32>
      %min3A = arith.constant 167 : i32
      %min3A_313 = vector.broadcast %min3A : i32 to vector<16xi32>
      %min3A_314 = arith.minsi %add3A_312, %min3A_313 : vector<16xi32>
      %broadcast_in_dim3A = arith.constant 0 : i32
      %broadcast_in_dim3A_315 = vector.broadcast %broadcast_in_dim3A : i32 to vector<16xi32>
      %gather3A = tpu.vector_load_idx %run_scoped3A[%min3A_314, %broadcast_in_dim3A_315] masked %lt3A_309 : memref<168x8xi32, #tpu.memory_space<vmem>>[vector<16xi32>, vector<16xi32>], vector<16xi32>, vector<16xi1>
      %add3A_316 = arith.constant 160 : i32
      %add3A_317 = vector.broadcast %add3A_316 : i32 to vector<16xi32>
      %add3A_318 = arith.addi %iota3A, %add3A_317 : vector<16xi32>
      tpu.vector_store_idx %arg7[%add3A_318], %gather3A masked %lt3A_309 : memref<8856xi32, #tpu.memory_space<vmem>>[vector<16xi32>], vector<16xi32>, vector<16xi1>
      %broadcast_in_dim3A_319 = arith.constant 1 : i32
      %broadcast_in_dim3A_320 = vector.broadcast %broadcast_in_dim3A_319 : i32 to vector<16xi32>
      %gather3A_321 = tpu.vector_load_idx %run_scoped3A[%min3A_314, %broadcast_in_dim3A_320] masked %lt3A_309 : memref<168x8xi32, #tpu.memory_space<vmem>>[vector<16xi32>, vector<16xi32>], vector<16xi32>, vector<16xi1>
      %add3A_322 = arith.constant 488 : i32
      %add3A_323 = vector.broadcast %add3A_322 : i32 to vector<16xi32>
      %add3A_324 = arith.addi %iota3A, %add3A_323 : vector<16xi32>
      tpu.vector_store_idx %arg7[%add3A_324], %gather3A_321 masked %lt3A_309 : memref<8856xi32, #tpu.memory_space<vmem>>[vector<16xi32>], vector<16xi32>, vector<16xi1>
      %broadcast_in_dim3A_325 = arith.constant 2 : i32
      %broadcast_in_dim3A_326 = vector.broadcast %broadcast_in_dim3A_325 : i32 to vector<16xi32>
      %gather3A_327 = tpu.vector_load_idx %run_scoped3A[%min3A_314, %broadcast_in_dim3A_326] masked %lt3A_309 : memref<168x8xi32, #tpu.memory_space<vmem>>[vector<16xi32>, vector<16xi32>], vector<16xi32>, vector<16xi1>
      %add3A_328 = arith.constant 816 : i32
      %add3A_329 = vector.broadcast %add3A_328 : i32 to vector<16xi32>
      %add3A_330 = arith.addi %iota3A, %add3A_329 : vector<16xi32>
      tpu.vector_store_idx %arg7[%add3A_330], %gather3A_327 masked %lt3A_309 : memref<8856xi32, #tpu.memory_space<vmem>>[vector<16xi32>], vector<16xi32>, vector<16xi1>
      %broadcast_in_dim3A_331 = arith.constant 3 : i32
      %broadcast_in_dim3A_332 = vector.broadcast %broadcast_in_dim3A_331 : i32 to vector<16xi32>
      %gather3A_333 = tpu.vector_load_idx %run_scoped3A[%min3A_314, %broadcast_in_dim3A_332] masked %lt3A_309 : memref<168x8xi32, #tpu.memory_space<vmem>>[vector<16xi32>, vector<16xi32>], vector<16xi32>, vector<16xi1>
      %add3A_334 = arith.constant 1144 : i32
      %add3A_335 = vector.broadcast %add3A_334 : i32 to vector<16xi32>
      %add3A_336 = arith.addi %iota3A, %add3A_335 : vector<16xi32>
      tpu.vector_store_idx %arg7[%add3A_336], %gather3A_333 masked %lt3A_309 : memref<8856xi32, #tpu.memory_space<vmem>>[vector<16xi32>], vector<16xi32>, vector<16xi1>
      %broadcast_in_dim3A_337 = arith.constant 4 : i32
      %broadcast_in_dim3A_338 = vector.broadcast %broadcast_in_dim3A_337 : i32 to vector<16xi32>
      %gather3A_339 = tpu.vector_load_idx %run_scoped3A[%min3A_314, %broadcast_in_dim3A_338] masked %lt3A_309 : memref<168x8xi32, #tpu.memory_space<vmem>>[vector<16xi32>, vector<16xi32>], vector<16xi32>, vector<16xi1>
      %add3A_340 = arith.constant 1472 : i32
      %add3A_341 = vector.broadcast %add3A_340 : i32 to vector<16xi32>
      %add3A_342 = arith.addi %iota3A, %add3A_341 : vector<16xi32>
      tpu.vector_store_idx %arg7[%add3A_342], %gather3A_339 masked %lt3A_309 : memref<8856xi32, #tpu.memory_space<vmem>>[vector<16xi32>], vector<16xi32>, vector<16xi1>
      %broadcast_in_dim3A_343 = arith.constant 5 : i32
      %broadcast_in_dim3A_344 = vector.broadcast %broadcast_in_dim3A_343 : i32 to vector<16xi32>
      %gather3A_345 = tpu.vector_load_idx %run_scoped3A[%min3A_314, %broadcast_in_dim3A_344] masked %lt3A_309 : memref<168x8xi32, #tpu.memory_space<vmem>>[vector<16xi32>, vector<16xi32>], vector<16xi32>, vector<16xi1>
      %add3A_346 = arith.constant 1800 : i32
      %add3A_347 = vector.broadcast %add3A_346 : i32 to vector<16xi32>
      %add3A_348 = arith.addi %iota3A, %add3A_347 : vector<16xi32>
      tpu.vector_store_idx %arg7[%add3A_348], %gather3A_345 masked %lt3A_309 : memref<8856xi32, #tpu.memory_space<vmem>>[vector<16xi32>], vector<16xi32>, vector<16xi1>
      %broadcast_in_dim3A_349 = arith.constant 6 : i32
      %broadcast_in_dim3A_350 = vector.broadcast %broadcast_in_dim3A_349 : i32 to vector<16xi32>
      %gather3A_351 = tpu.vector_load_idx %run_scoped3A[%min3A_314, %broadcast_in_dim3A_350] masked %lt3A_309 : memref<168x8xi32, #tpu.memory_space<vmem>>[vector<16xi32>, vector<16xi32>], vector<16xi32>, vector<16xi1>
      %add3A_352 = arith.constant 2128 : i32
      %add3A_353 = vector.broadcast %add3A_352 : i32 to vector<16xi32>
      %add3A_354 = arith.addi %iota3A, %add3A_353 : vector<16xi32>
      tpu.vector_store_idx %arg7[%add3A_354], %gather3A_351 masked %lt3A_309 : memref<8856xi32, #tpu.memory_space<vmem>>[vector<16xi32>], vector<16xi32>, vector<16xi1>
      %broadcast_in_dim3A_355 = arith.constant 7 : i32
      %broadcast_in_dim3A_356 = vector.broadcast %broadcast_in_dim3A_355 : i32 to vector<16xi32>
      %gather3A_357 = tpu.vector_load_idx %run_scoped3A[%min3A_314, %broadcast_in_dim3A_356] masked %lt3A_309 : memref<168x8xi32, #tpu.memory_space<vmem>>[vector<16xi32>, vector<16xi32>], vector<16xi32>, vector<16xi1>
      %add3A_358 = arith.constant 2456 : i32
      %add3A_359 = vector.broadcast %add3A_358 : i32 to vector<16xi32>
      %add3A_360 = arith.addi %iota3A, %add3A_359 : vector<16xi32>
      tpu.vector_store_idx %arg7[%add3A_360], %gather3A_357 masked %lt3A_309 : memref<8856xi32, #tpu.memory_space<vmem>>[vector<16xi32>], vector<16xi32>, vector<16xi1>
      tpu.yield
    }) : () -> ()
    "tpu.region"() ({
      %run_scoped3A = memref.alloca() : memref<160x8xi32, #tpu.memory_space<vmem>>
      %add3A_301 = arith.constant 168 : i32
      %add3A_302 = arith.addi %mul3A_2, %add3A_301 : i32
      "tpu.region"() ({
        %run_scoped3A_308 = tpu.sem_alloc : memref<!tpu.dma_semaphore, #tpu.memory_space<semaphore_mem>>
        %dma_start3A_309 = arith.constant 0 : i32
        %dma_start3A_310 = tpu.memref_slice %arg3[%add3A_302, %dma_start3A_309] : memref<10000x8xi32, #tpu.memory_space<hbm>> -> memref<160x8xi32, #tpu.memory_space<hbm>>
        %dma_start3A_311 = arith.constant 0 : i32
        %dma_start3A_312 = tpu.memref_slice %arg3[%add3A_302, %dma_start3A_311] : memref<10000x8xi32, #tpu.memory_space<hbm>> -> memref<160x8xi32, #tpu.memory_space<hbm>>
        tpu.enqueue_dma source(%dma_start3A_312 : memref<160x8xi32, #tpu.memory_space<hbm>>) target(%run_scoped3A : memref<160x8xi32, #tpu.memory_space<vmem>>) target_semaphore(%run_scoped3A_308 : memref<!tpu.dma_semaphore, #tpu.memory_space<semaphore_mem>>)
        %dma_wait3A_313 = arith.constant 0 : i32
        %dma_wait3A_314 = tpu.memref_slice %arg3[%add3A_302, %dma_wait3A_313] : memref<10000x8xi32, #tpu.memory_space<hbm>> -> memref<160x8xi32, #tpu.memory_space<hbm>>
        %dma_wait3A_315 = arith.constant 0 : i32
        %dma_wait3A_316 = tpu.memref_slice %arg3[%add3A_302, %dma_wait3A_315] : memref<10000x8xi32, #tpu.memory_space<hbm>> -> memref<160x8xi32, #tpu.memory_space<hbm>>
        tpu.wait_dma2 semaphore(%run_scoped3A_308 : memref<!tpu.dma_semaphore, #tpu.memory_space<semaphore_mem>>) src(%dma_wait3A_316 : memref<160x8xi32, #tpu.memory_space<hbm>>) dst(%run_scoped3A : memref<160x8xi32, #tpu.memory_space<vmem>>)
        tpu.yield
      }) : () -> ()
      %scan3A = arith.constant 0 : i32
      %scan3A_303 = arith.constant 0 : i32
      %scan3A_304 = arith.constant 10 : i32
      %scan3A_305 = arith.addi %scan3A_303, %scan3A_304 : i32
      %scan3A_306 = arith.constant 1 : i32
      scf.for %scan3A_308 = %scan3A_303 to %scan3A_305 step %scan3A_306  : i32 {
        %mul3A_309 = arith.constant 16 : i32
        %mul3A_310 = arith.muli %scan3A_308, %mul3A_309 : i32
        %add3A_311 = vector.broadcast %mul3A_310 : i32 to vector<16xi32>
        %add3A_312 = arith.addi %iota3A, %add3A_311 : vector<16xi32>
        %broadcast_in_dim3A = arith.constant 0 : i32
        %broadcast_in_dim3A_313 = vector.broadcast %broadcast_in_dim3A : i32 to vector<16xi32>
        %gather3A = tpu.vector_load_idx %run_scoped3A[%add3A_312, %broadcast_in_dim3A_313] : memref<160x8xi32, #tpu.memory_space<vmem>>[vector<16xi32>, vector<16xi32>], vector<16xi32>,
        %mul3A_314 = arith.constant 16 : i32
        %mul3A_315 = arith.muli %scan3A_308, %mul3A_314 : i32
        %add3A_316 = arith.constant 168 : i32
        %add3A_317 = arith.addi %add3A_316, %mul3A_315 : i32
        %swap3A = arith.index_cast %add3A_317 : i32 to index
        %swap3A_318 = tpu.vector_load %arg7[%swap3A] {strides = array<i32>} : memref<8856xi32, #tpu.memory_space<vmem>>, vector<16xi32>,
        tpu.vector_store %arg7[%swap3A], %gather3A {strides = array<i32>} : memref<8856xi32, #tpu.memory_space<vmem>>, vector<16xi32>,
        %broadcast_in_dim3A_319 = arith.constant 1 : i32
        %broadcast_in_dim3A_320 = vector.broadcast %broadcast_in_dim3A_319 : i32 to vector<16xi32>
        %gather3A_321 = tpu.vector_load_idx %run_scoped3A[%add3A_312, %broadcast_in_dim3A_320] : memref<160x8xi32, #tpu.memory_space<vmem>>[vector<16xi32>, vector<16xi32>], vector<16xi32>,
        %mul3A_322 = arith.constant 16 : i32
        %mul3A_323 = arith.muli %scan3A_308, %mul3A_322 : i32
        %add3A_324 = arith.constant 496 : i32
        %add3A_325 = arith.addi %add3A_324, %mul3A_323 : i32
        %swap3A_326 = arith.index_cast %add3A_325 : i32 to index
        %swap3A_327 = tpu.vector_load %arg7[%swap3A_326] {strides = array<i32>} : memref<8856xi32, #tpu.memory_space<vmem>>, vector<16xi32>,
        tpu.vector_store %arg7[%swap3A_326], %gather3A_321 {strides = array<i32>} : memref<8856xi32, #tpu.memory_space<vmem>>, vector<16xi32>,
        %broadcast_in_dim3A_328 = arith.constant 2 : i32
        %broadcast_in_dim3A_329 = vector.broadcast %broadcast_in_dim3A_328 : i32 to vector<16xi32>
        %gather3A_330 = tpu.vector_load_idx %run_scoped3A[%add3A_312, %broadcast_in_dim3A_329] : memref<160x8xi32, #tpu.memory_space<vmem>>[vector<16xi32>, vector<16xi32>], vector<16xi32>,
        %mul3A_331 = arith.constant 16 : i32
        %mul3A_332 = arith.muli %scan3A_308, %mul3A_331 : i32
        %add3A_333 = arith.constant 824 : i32
        %add3A_334 = arith.addi %add3A_333, %mul3A_332 : i32
        %swap3A_335 = arith.index_cast %add3A_334 : i32 to index
        %swap3A_336 = tpu.vector_load %arg7[%swap3A_335] {strides = array<i32>} : memref<8856xi32, #tpu.memory_space<vmem>>, vector<16xi32>,
        tpu.vector_store %arg7[%swap3A_335], %gather3A_330 {strides = array<i32>} : memref<8856xi32, #tpu.memory_space<vmem>>, vector<16xi32>,
        %broadcast_in_dim3A_337 = arith.constant 3 : i32
        %broadcast_in_dim3A_338 = vector.broadcast %broadcast_in_dim3A_337 : i32 to vector<16xi32>
        %gather3A_339 = tpu.vector_load_idx %run_scoped3A[%add3A_312, %broadcast_in_dim3A_338] : memref<160x8xi32, #tpu.memory_space<vmem>>[vector<16xi32>, vector<16xi32>], vector<16xi32>,
        %mul3A_340 = arith.constant 16 : i32
        %mul3A_341 = arith.muli %scan3A_308, %mul3A_340 : i32
        %add3A_342 = arith.constant 1152 : i32
        %add3A_343 = arith.addi %add3A_342, %mul3A_341 : i32
        %swap3A_344 = arith.index_cast %add3A_343 : i32 to index
        %swap3A_345 = tpu.vector_load %arg7[%swap3A_344] {strides = array<i32>} : memref<8856xi32, #tpu.memory_space<vmem>>, vector<16xi32>,
        tpu.vector_store %arg7[%swap3A_344], %gather3A_339 {strides = array<i32>} : memref<8856xi32, #tpu.memory_space<vmem>>, vector<16xi32>,
        %broadcast_in_dim3A_346 = arith.constant 4 : i32
        %broadcast_in_dim3A_347 = vector.broadcast %broadcast_in_dim3A_346 : i32 to vector<16xi32>
        %gather3A_348 = tpu.vector_load_idx %run_scoped3A[%add3A_312, %broadcast_in_dim3A_347] : memref<160x8xi32, #tpu.memory_space<vmem>>[vector<16xi32>, vector<16xi32>], vector<16xi32>,
        %mul3A_349 = arith.constant 16 : i32
        %mul3A_350 = arith.muli %scan3A_308, %mul3A_349 : i32
        %add3A_351 = arith.constant 1480 : i32
        %add3A_352 = arith.addi %add3A_351, %mul3A_350 : i32
        %swap3A_353 = arith.index_cast %add3A_352 : i32 to index
        %swap3A_354 = tpu.vector_load %arg7[%swap3A_353] {strides = array<i32>} : memref<8856xi32, #tpu.memory_space<vmem>>, vector<16xi32>,
        tpu.vector_store %arg7[%swap3A_353], %gather3A_348 {strides = array<i32>} : memref<8856xi32, #tpu.memory_space<vmem>>, vector<16xi32>,
        %broadcast_in_dim3A_355 = arith.constant 5 : i32
        %broadcast_in_dim3A_356 = vector.broadcast %broadcast_in_dim3A_355 : i32 to vector<16xi32>
        %gather3A_357 = tpu.vector_load_idx %run_scoped3A[%add3A_312, %broadcast_in_dim3A_356] : memref<160x8xi32, #tpu.memory_space<vmem>>[vector<16xi32>, vector<16xi32>], vector<16xi32>,
        %mul3A_358 = arith.constant 16 : i32
        %mul3A_359 = arith.muli %scan3A_308, %mul3A_358 : i32
        %add3A_360 = arith.constant 1808 : i32
        %add3A_361 = arith.addi %add3A_360, %mul3A_359 : i32
        %swap3A_362 = arith.index_cast %add3A_361 : i32 to index
        %swap3A_363 = tpu.vector_load %arg7[%swap3A_362] {strides = array<i32>} : memref<8856xi32, #tpu.memory_space<vmem>>, vector<16xi32>,
        tpu.vector_store %arg7[%swap3A_362], %gather3A_357 {strides = array<i32>} : memref<8856xi32, #tpu.memory_space<vmem>>, vector<16xi32>,
        %broadcast_in_dim3A_364 = arith.constant 6 : i32
        %broadcast_in_dim3A_365 = vector.broadcast %broadcast_in_dim3A_364 : i32 to vector<16xi32>
        %gather3A_366 = tpu.vector_load_idx %run_scoped3A[%add3A_312, %broadcast_in_dim3A_365] : memref<160x8xi32, #tpu.memory_space<vmem>>[vector<16xi32>, vector<16xi32>], vector<16xi32>,
        %mul3A_367 = arith.constant 16 : i32
        %mul3A_368 = arith.muli %scan3A_308, %mul3A_367 : i32
        %add3A_369 = arith.constant 2136 : i32
        %add3A_370 = arith.addi %add3A_369, %mul3A_368 : i32
        %swap3A_371 = arith.index_cast %add3A_370 : i32 to index
        %swap3A_372 = tpu.vector_load %arg7[%swap3A_371] {strides = array<i32>} : memref<8856xi32, #tpu.memory_space<vmem>>, vector<16xi32>,
        tpu.vector_store %arg7[%swap3A_371], %gather3A_366 {strides = array<i32>} : memref<8856xi32, #tpu.memory_space<vmem>>, vector<16xi32>,
        %broadcast_in_dim3A_373 = arith.constant 7 : i32
        %broadcast_in_dim3A_374 = vector.broadcast %broadcast_in_dim3A_373 : i32 to vector<16xi32>
        %gather3A_375 = tpu.vector_load_idx %run_scoped3A[%add3A_312, %broadcast_in_dim3A_374] : memref<160x8xi32, #tpu.memory_space<vmem>>[vector<16xi32>, vector<16xi32>], vector<16xi32>,
        %mul3A_376 = arith.constant 16 : i32
        %mul3A_377 = arith.muli %scan3A_308, %mul3A_376 : i32
        %add3A_378 = arith.constant 2464 : i32
        %add3A_379 = arith.addi %add3A_378, %mul3A_377 : i32
        %swap3A_380 = arith.index_cast %add3A_379 : i32 to index
        %swap3A_381 = tpu.vector_load %arg7[%swap3A_380] {strides = array<i32>} : memref<8856xi32, #tpu.memory_space<vmem>>, vector<16xi32>,
        tpu.vector_store %arg7[%swap3A_380], %gather3A_375 {strides = array<i32>} : memref<8856xi32, #tpu.memory_space<vmem>>, vector<16xi32>,
      }
      %scan3A_307 = arith.constant 10 : i32
      tpu.yield
    }) : () -> ()
    %dma_start3A = arith.constant 0 : i32
    %dma_start3A_3 = tpu.memref_slice %arg7[%dma_start3A] : memref<8856xi32, #tpu.memory_space<vmem>> -> memref<328xi32, #tpu.memory_space<vmem>>
    %dma_start3A_4 = arith.constant 0 : i32
    %dma_start3A_5 = arith.constant 0 : i32
    %dma_start3A_6 = tpu.memref_slice %arg2[%dma_start3A_4, %dma_start3A_5] : memref<110000x128xf32, #tpu.memory_space<hbm>> -> memref<110000x128xf32, #tpu.memory_space<hbm>>
    tpu.enqueue_indirect_dma source(%dma_start3A_6 : memref<110000x128xf32, #tpu.memory_space<hbm>>) target(%arg8 : memref<328x128xf32, #tpu.memory_space<vmem>>) offsets(%dma_start3A_3 : memref<328xi32, #tpu.memory_space<vmem>>) semaphore(%arg10 : memref<!tpu.dma_semaphore, #tpu.memory_space<semaphore_mem>>)
    "tpu.region"() ({
      %run_scoped3A = memref.alloca() : memref<168x9xi32, #tpu.memory_space<vmem>>
      %add3A_301 = arith.constant 0 : i32
      %add3A_302 = arith.addi %mul3A_2, %add3A_301 : i32
      "tpu.region"() ({
        %run_scoped3A_367 = tpu.sem_alloc : memref<!tpu.dma_semaphore, #tpu.memory_space<semaphore_mem>>
        %dma_start3A_368 = arith.constant 0 : i32
        %dma_start3A_369 = tpu.memref_slice %arg4[%add3A_302, %dma_start3A_368] : memref<10000x9xi32, #tpu.memory_space<hbm>> -> memref<168x9xi32, #tpu.memory_space<hbm>>
        %dma_start3A_370 = arith.constant 0 : i32
        %dma_start3A_371 = tpu.memref_slice %arg4[%add3A_302, %dma_start3A_370] : memref<10000x9xi32, #tpu.memory_space<hbm>> -> memref<168x9xi32, #tpu.memory_space<hbm>>
        tpu.enqueue_dma source(%dma_start3A_371 : memref<168x9xi32, #tpu.memory_space<hbm>>) target(%run_scoped3A : memref<168x9xi32, #tpu.memory_space<vmem>>) target_semaphore(%run_scoped3A_367 : memref<!tpu.dma_semaphore, #tpu.memory_space<semaphore_mem>>)
        %dma_wait3A_372 = arith.constant 0 : i32
        %dma_wait3A_373 = tpu.memref_slice %arg4[%add3A_302, %dma_wait3A_372] : memref<10000x9xi32, #tpu.memory_space<hbm>> -> memref<168x9xi32, #tpu.memory_space<hbm>>
        %dma_wait3A_374 = arith.constant 0 : i32
        %dma_wait3A_375 = tpu.memref_slice %arg4[%add3A_302, %dma_wait3A_374] : memref<10000x9xi32, #tpu.memory_space<hbm>> -> memref<168x9xi32, #tpu.memory_space<hbm>>
        tpu.wait_dma2 semaphore(%run_scoped3A_367 : memref<!tpu.dma_semaphore, #tpu.memory_space<semaphore_mem>>) src(%dma_wait3A_375 : memref<168x9xi32, #tpu.memory_space<hbm>>) dst(%run_scoped3A : memref<168x9xi32, #tpu.memory_space<vmem>>)
        tpu.yield
      }) : () -> ()
      %scan3A = arith.constant 0 : i32
      %scan3A_303 = arith.constant 0 : i32
      %scan3A_304 = arith.constant 10 : i32
      %scan3A_305 = arith.addi %scan3A_303, %scan3A_304 : i32
      %scan3A_306 = arith.constant 1 : i32
      scf.for %scan3A_367 = %scan3A_303 to %scan3A_305 step %scan3A_306  : i32 {
        %mul3A_368 = arith.constant 16 : i32
        %mul3A_369 = arith.muli %scan3A_367, %mul3A_368 : i32
        %add3A_370 = vector.broadcast %mul3A_369 : i32 to vector<16xi32>
        %add3A_371 = arith.addi %iota3A, %add3A_370 : vector<16xi32>
        %broadcast_in_dim3A_372 = arith.constant 0 : i32
        %broadcast_in_dim3A_373 = vector.broadcast %broadcast_in_dim3A_372 : i32 to vector<16xi32>
        %gather3A_374 = tpu.vector_load_idx %run_scoped3A[%add3A_371, %broadcast_in_dim3A_373] : memref<168x9xi32, #tpu.memory_space<vmem>>[vector<16xi32>, vector<16xi32>], vector<16xi32>,
        %mul3A_375 = arith.constant 16 : i32
        %mul3A_376 = arith.muli %scan3A_367, %mul3A_375 : i32
        %add3A_377 = arith.constant 2624 : i32
        %add3A_378 = arith.addi %add3A_377, %mul3A_376 : i32
        %swap3A = arith.index_cast %add3A_378 : i32 to index
        %swap3A_379 = tpu.vector_load %arg7[%swap3A] {strides = array<i32>} : memref<8856xi32, #tpu.memory_space<vmem>>, vector<16xi32>,
        tpu.vector_store %arg7[%swap3A], %gather3A_374 {strides = array<i32>} : memref<8856xi32, #tpu.memory_space<vmem>>, vector<16xi32>,
        %broadcast_in_dim3A_380 = arith.constant 1 : i32
        %broadcast_in_dim3A_381 = vector.broadcast %broadcast_in_dim3A_380 : i32 to vector<16xi32>
        %gather3A_382 = tpu.vector_load_idx %run_scoped3A[%add3A_371, %broadcast_in_dim3A_381] : memref<168x9xi32, #tpu.memory_space<vmem>>[vector<16xi32>, vector<16xi32>], vector<16xi32>,
        %mul3A_383 = arith.constant 16 : i32
        %mul3A_384 = arith.muli %scan3A_367, %mul3A_383 : i32
        %add3A_385 = arith.constant 2952 : i32
        %add3A_386 = arith.addi %add3A_385, %mul3A_384 : i32
        %swap3A_387 = arith.index_cast %add3A_386 : i32 to index
        %swap3A_388 = tpu.vector_load %arg7[%swap3A_387] {strides = array<i32>} : memref<8856xi32, #tpu.memory_space<vmem>>, vector<16xi32>,
        tpu.vector_store %arg7[%swap3A_387], %gather3A_382 {strides = array<i32>} : memref<8856xi32, #tpu.memory_space<vmem>>, vector<16xi32>,
        %broadcast_in_dim3A_389 = arith.constant 2 : i32
        %broadcast_in_dim3A_390 = vector.broadcast %broadcast_in_dim3A_389 : i32 to vector<16xi32>
        %gather3A_391 = tpu.vector_load_idx %run_scoped3A[%add3A_371, %broadcast_in_dim3A_390] : memref<168x9xi32, #tpu.memory_space<vmem>>[vector<16xi32>, vector<16xi32>], vector<16xi32>,
        %mul3A_392 = arith.constant 16 : i32
        %mul3A_393 = arith.muli %scan3A_367, %mul3A_392 : i32
        %add3A_394 = arith.constant 3280 : i32
        %add3A_395 = arith.addi %add3A_394, %mul3A_393 : i32
        %swap3A_396 = arith.index_cast %add3A_395 : i32 to index
        %swap3A_397 = tpu.vector_load %arg7[%swap3A_396] {strides = array<i32>} : memref<8856xi32, #tpu.memory_space<vmem>>, vector<16xi32>,
        tpu.vector_store %arg7[%swap3A_396], %gather3A_391 {strides = array<i32>} : memref<8856xi32, #tpu.memory_space<vmem>>, vector<16xi32>,
        %broadcast_in_dim3A_398 = arith.constant 3 : i32
        %broadcast_in_dim3A_399 = vector.broadcast %broadcast_in_dim3A_398 : i32 to vector<16xi32>
        %gather3A_400 = tpu.vector_load_idx %run_scoped3A[%add3A_371, %broadcast_in_dim3A_399] : memref<168x9xi32, #tpu.memory_space<vmem>>[vector<16xi32>, vector<16xi32>], vector<16xi32>,
        %mul3A_401 = arith.constant 16 : i32
        %mul3A_402 = arith.muli %scan3A_367, %mul3A_401 : i32
        %add3A_403 = arith.constant 3608 : i32
        %add3A_404 = arith.addi %add3A_403, %mul3A_402 : i32
        %swap3A_405 = arith.index_cast %add3A_404 : i32 to index
        %swap3A_406 = tpu.vector_load %arg7[%swap3A_405] {strides = array<i32>} : memref<8856xi32, #tpu.memory_space<vmem>>, vector<16xi32>,
        tpu.vector_store %arg7[%swap3A_405], %gather3A_400 {strides = array<i32>} : memref<8856xi32, #tpu.memory_space<vmem>>, vector<16xi32>,
        %broadcast_in_dim3A_407 = arith.constant 4 : i32
        %broadcast_in_dim3A_408 = vector.broadcast %broadcast_in_dim3A_407 : i32 to vector<16xi32>
        %gather3A_409 = tpu.vector_load_idx %run_scoped3A[%add3A_371, %broadcast_in_dim3A_408] : memref<168x9xi32, #tpu.memory_space<vmem>>[vector<16xi32>, vector<16xi32>], vector<16xi32>,
        %mul3A_410 = arith.constant 16 : i32
        %mul3A_411 = arith.muli %scan3A_367, %mul3A_410 : i32
        %add3A_412 = arith.constant 3936 : i32
        %add3A_413 = arith.addi %add3A_412, %mul3A_411 : i32
        %swap3A_414 = arith.index_cast %add3A_413 : i32 to index
        %swap3A_415 = tpu.vector_load %arg7[%swap3A_414] {strides = array<i32>} : memref<8856xi32, #tpu.memory_space<vmem>>, vector<16xi32>,
        tpu.vector_store %arg7[%swap3A_414], %gather3A_409 {strides = array<i32>} : memref<8856xi32, #tpu.memory_space<vmem>>, vector<16xi32>,
        %broadcast_in_dim3A_416 = arith.constant 5 : i32
        %broadcast_in_dim3A_417 = vector.broadcast %broadcast_in_dim3A_416 : i32 to vector<16xi32>
        %gather3A_418 = tpu.vector_load_idx %run_scoped3A[%add3A_371, %broadcast_in_dim3A_417] : memref<168x9xi32, #tpu.memory_space<vmem>>[vector<16xi32>, vector<16xi32>], vector<16xi32>,
        %mul3A_419 = arith.constant 16 : i32
        %mul3A_420 = arith.muli %scan3A_367, %mul3A_419 : i32
        %add3A_421 = arith.constant 4264 : i32
        %add3A_422 = arith.addi %add3A_421, %mul3A_420 : i32
        %swap3A_423 = arith.index_cast %add3A_422 : i32 to index
        %swap3A_424 = tpu.vector_load %arg7[%swap3A_423] {strides = array<i32>} : memref<8856xi32, #tpu.memory_space<vmem>>, vector<16xi32>,
        tpu.vector_store %arg7[%swap3A_423], %gather3A_418 {strides = array<i32>} : memref<8856xi32, #tpu.memory_space<vmem>>, vector<16xi32>,
        %broadcast_in_dim3A_425 = arith.constant 6 : i32
        %broadcast_in_dim3A_426 = vector.broadcast %broadcast_in_dim3A_425 : i32 to vector<16xi32>
        %gather3A_427 = tpu.vector_load_idx %run_scoped3A[%add3A_371, %broadcast_in_dim3A_426] : memref<168x9xi32, #tpu.memory_space<vmem>>[vector<16xi32>, vector<16xi32>], vector<16xi32>,
        %mul3A_428 = arith.constant 16 : i32
        %mul3A_429 = arith.muli %scan3A_367, %mul3A_428 : i32
        %add3A_430 = arith.constant 4592 : i32
        %add3A_431 = arith.addi %add3A_430, %mul3A_429 : i32
        %swap3A_432 = arith.index_cast %add3A_431 : i32 to index
        %swap3A_433 = tpu.vector_load %arg7[%swap3A_432] {strides = array<i32>} : memref<8856xi32, #tpu.memory_space<vmem>>, vector<16xi32>,
        tpu.vector_store %arg7[%swap3A_432], %gather3A_427 {strides = array<i32>} : memref<8856xi32, #tpu.memory_space<vmem>>, vector<16xi32>,
        %broadcast_in_dim3A_434 = arith.constant 7 : i32
        %broadcast_in_dim3A_435 = vector.broadcast %broadcast_in_dim3A_434 : i32 to vector<16xi32>
        %gather3A_436 = tpu.vector_load_idx %run_scoped3A[%add3A_371, %broadcast_in_dim3A_435] : memref<168x9xi32, #tpu.memory_space<vmem>>[vector<16xi32>, vector<16xi32>], vector<16xi32>,
        %mul3A_437 = arith.constant 16 : i32
        %mul3A_438 = arith.muli %scan3A_367, %mul3A_437 : i32
        %add3A_439 = arith.constant 4920 : i32
        %add3A_440 = arith.addi %add3A_439, %mul3A_438 : i32
        %swap3A_441 = arith.index_cast %add3A_440 : i32 to index
        %swap3A_442 = tpu.vector_load %arg7[%swap3A_441] {strides = array<i32>} : memref<8856xi32, #tpu.memory_space<vmem>>, vector<16xi32>,
        tpu.vector_store %arg7[%swap3A_441], %gather3A_436 {strides = array<i32>} : memref<8856xi32, #tpu.memory_space<vmem>>, vector<16xi32>,
        %broadcast_in_dim3A_443 = arith.constant 8 : i32
        %broadcast_in_dim3A_444 = vector.broadcast %broadcast_in_dim3A_443 : i32 to vector<16xi32>
        %gather3A_445 = tpu.vector_load_idx %run_scoped3A[%add3A_371, %broadcast_in_dim3A_444] : memref<168x9xi32, #tpu.memory_space<vmem>>[vector<16xi32>, vector<16xi32>], vector<16xi32>,
        %mul3A_446 = arith.constant 16 : i32
        %mul3A_447 = arith.muli %scan3A_367, %mul3A_446 : i32
        %add3A_448 = arith.constant 5248 : i32
        %add3A_449 = arith.addi %add3A_448, %mul3A_447 : i32
        %swap3A_450 = arith.index_cast %add3A_449 : i32 to index
        %swap3A_451 = tpu.vector_load %arg7[%swap3A_450] {strides = array<i32>} : memref<8856xi32, #tpu.memory_space<vmem>>, vector<16xi32>,
        tpu.vector_store %arg7[%swap3A_450], %gather3A_445 {strides = array<i32>} : memref<8856xi32, #tpu.memory_space<vmem>>, vector<16xi32>,
      }
      %scan3A_307 = arith.constant 10 : i32
      %lt3A = arith.constant 8 : i32
      %lt3A_308 = vector.broadcast %lt3A : i32 to vector<16xi32>
      %lt3A_309 = arith.cmpi slt, %iota3A, %lt3A_308 : vector<16xi32>
      %add3A_310 = arith.constant 160 : i32
      %add3A_311 = vector.broadcast %add3A_310 : i32 to vector<16xi32>
      %add3A_312 = arith.addi %iota3A, %add3A_311 : vector<16xi32>
      %min3A = arith.constant 167 : i32
      %min3A_313 = vector.broadcast %min3A : i32 to vector<16xi32>
      %min3A_314 = arith.minsi %add3A_312, %min3A_313 : vector<16xi32>
      %broadcast_in_dim3A = arith.constant 0 : i32
      %broadcast_in_dim3A_315 = vector.broadcast %broadcast_in_dim3A : i32 to vector<16xi32>
      %gather3A = tpu.vector_load_idx %run_scoped3A[%min3A_314, %broadcast_in_dim3A_315] masked %lt3A_309 : memref<168x9xi32, #tpu.memory_space<vmem>>[vector<16xi32>, vector<16xi32>], vector<16xi32>, vector<16xi1>
      %add3A_316 = arith.constant 2784 : i32
      %add3A_317 = vector.broadcast %add3A_316 : i32 to vector<16xi32>
      %add3A_318 = arith.addi %iota3A, %add3A_317 : vector<16xi32>
      tpu.vector_store_idx %arg7[%add3A_318], %gather3A masked %lt3A_309 : memref<8856xi32, #tpu.memory_space<vmem>>[vector<16xi32>], vector<16xi32>, vector<16xi1>
      %broadcast_in_dim3A_319 = arith.constant 1 : i32
      %broadcast_in_dim3A_320 = vector.broadcast %broadcast_in_dim3A_319 : i32 to vector<16xi32>
      %gather3A_321 = tpu.vector_load_idx %run_scoped3A[%min3A_314, %broadcast_in_dim3A_320] masked %lt3A_309 : memref<168x9xi32, #tpu.memory_space<vmem>>[vector<16xi32>, vector<16xi32>], vector<16xi32>, vector<16xi1>
      %add3A_322 = arith.constant 3112 : i32
      %add3A_323 = vector.broadcast %add3A_322 : i32 to vector<16xi32>
      %add3A_324 = arith.addi %iota3A, %add3A_323 : vector<16xi32>
      tpu.vector_store_idx %arg7[%add3A_324], %gather3A_321 masked %lt3A_309 : memref<8856xi32, #tpu.memory_space<vmem>>[vector<16xi32>], vector<16xi32>, vector<16xi1>
      %broadcast_in_dim3A_325 = arith.constant 2 : i32
      %broadcast_in_dim3A_326 = vector.broadcast %broadcast_in_dim3A_325 : i32 to vector<16xi32>
      %gather3A_327 = tpu.vector_load_idx %run_scoped3A[%min3A_314, %broadcast_in_dim3A_326] masked %lt3A_309 : memref<168x9xi32, #tpu.memory_space<vmem>>[vector<16xi32>, vector<16xi32>], vector<16xi32>, vector<16xi1>
      %add3A_328 = arith.constant 3440 : i32
      %add3A_329 = vector.broadcast %add3A_328 : i32 to vector<16xi32>
      %add3A_330 = arith.addi %iota3A, %add3A_329 : vector<16xi32>
      tpu.vector_store_idx %arg7[%add3A_330], %gather3A_327 masked %lt3A_309 : memref<8856xi32, #tpu.memory_space<vmem>>[vector<16xi32>], vector<16xi32>, vector<16xi1>
      %broadcast_in_dim3A_331 = arith.constant 3 : i32
      %broadcast_in_dim3A_332 = vector.broadcast %broadcast_in_dim3A_331 : i32 to vector<16xi32>
      %gather3A_333 = tpu.vector_load_idx %run_scoped3A[%min3A_314, %broadcast_in_dim3A_332] masked %lt3A_309 : memref<168x9xi32, #tpu.memory_space<vmem>>[vector<16xi32>, vector<16xi32>], vector<16xi32>, vector<16xi1>
      %add3A_334 = arith.constant 3768 : i32
      %add3A_335 = vector.broadcast %add3A_334 : i32 to vector<16xi32>
      %add3A_336 = arith.addi %iota3A, %add3A_335 : vector<16xi32>
      tpu.vector_store_idx %arg7[%add3A_336], %gather3A_333 masked %lt3A_309 : memref<8856xi32, #tpu.memory_space<vmem>>[vector<16xi32>], vector<16xi32>, vector<16xi1>
      %broadcast_in_dim3A_337 = arith.constant 4 : i32
      %broadcast_in_dim3A_338 = vector.broadcast %broadcast_in_dim3A_337 : i32 to vector<16xi32>
      %gather3A_339 = tpu.vector_load_idx %run_scoped3A[%min3A_314, %broadcast_in_dim3A_338] masked %lt3A_309 : memref<168x9xi32, #tpu.memory_space<vmem>>[vector<16xi32>, vector<16xi32>], vector<16xi32>, vector<16xi1>
      %add3A_340 = arith.constant 4096 : i32
      %add3A_341 = vector.broadcast %add3A_340 : i32 to vector<16xi32>
      %add3A_342 = arith.addi %iota3A, %add3A_341 : vector<16xi32>
      tpu.vector_store_idx %arg7[%add3A_342], %gather3A_339 masked %lt3A_309 : memref<8856xi32, #tpu.memory_space<vmem>>[vector<16xi32>], vector<16xi32>, vector<16xi1>
      %broadcast_in_dim3A_343 = arith.constant 5 : i32
      %broadcast_in_dim3A_344 = vector.broadcast %broadcast_in_dim3A_343 : i32 to vector<16xi32>
      %gather3A_345 = tpu.vector_load_idx %run_scoped3A[%min3A_314, %broadcast_in_dim3A_344] masked %lt3A_309 : memref<168x9xi32, #tpu.memory_space<vmem>>[vector<16xi32>, vector<16xi32>], vector<16xi32>, vector<16xi1>
      %add3A_346 = arith.constant 4424 : i32
      %add3A_347 = vector.broadcast %add3A_346 : i32 to vector<16xi32>
      %add3A_348 = arith.addi %iota3A, %add3A_347 : vector<16xi32>
      tpu.vector_store_idx %arg7[%add3A_348], %gather3A_345 masked %lt3A_309 : memref<8856xi32, #tpu.memory_space<vmem>>[vector<16xi32>], vector<16xi32>, vector<16xi1>
      %broadcast_in_dim3A_349 = arith.constant 6 : i32
      %broadcast_in_dim3A_350 = vector.broadcast %broadcast_in_dim3A_349 : i32 to vector<16xi32>
      %gather3A_351 = tpu.vector_load_idx %run_scoped3A[%min3A_314, %broadcast_in_dim3A_350] masked %lt3A_309 : memref<168x9xi32, #tpu.memory_space<vmem>>[vector<16xi32>, vector<16xi32>], vector<16xi32>, vector<16xi1>
      %add3A_352 = arith.constant 4752 : i32
      %add3A_353 = vector.broadcast %add3A_352 : i32 to vector<16xi32>
      %add3A_354 = arith.addi %iota3A, %add3A_353 : vector<16xi32>
      tpu.vector_store_idx %arg7[%add3A_354], %gather3A_351 masked %lt3A_309 : memref<8856xi32, #tpu.memory_space<vmem>>[vector<16xi32>], vector<16xi32>, vector<16xi1>
      %broadcast_in_dim3A_355 = arith.constant 7 : i32
      %broadcast_in_dim3A_356 = vector.broadcast %broadcast_in_dim3A_355 : i32 to vector<16xi32>
      %gather3A_357 = tpu.vector_load_idx %run_scoped3A[%min3A_314, %broadcast_in_dim3A_356] masked %lt3A_309 : memref<168x9xi32, #tpu.memory_space<vmem>>[vector<16xi32>, vector<16xi32>], vector<16xi32>, vector<16xi1>
      %add3A_358 = arith.constant 5080 : i32
      %add3A_359 = vector.broadcast %add3A_358 : i32 to vector<16xi32>
      %add3A_360 = arith.addi %iota3A, %add3A_359 : vector<16xi32>
      tpu.vector_store_idx %arg7[%add3A_360], %gather3A_357 masked %lt3A_309 : memref<8856xi32, #tpu.memory_space<vmem>>[vector<16xi32>], vector<16xi32>, vector<16xi1>
      %broadcast_in_dim3A_361 = arith.constant 8 : i32
      %broadcast_in_dim3A_362 = vector.broadcast %broadcast_in_dim3A_361 : i32 to vector<16xi32>
      %gather3A_363 = tpu.vector_load_idx %run_scoped3A[%min3A_314, %broadcast_in_dim3A_362] masked %lt3A_309 : memref<168x9xi32, #tpu.memory_space<vmem>>[vector<16xi32>, vector<16xi32>], vector<16xi32>, vector<16xi1>
      %add3A_364 = arith.constant 5408 : i32
      %add3A_365 = vector.broadcast %add3A_364 : i32 to vector<16xi32>
      %add3A_366 = arith.addi %iota3A, %add3A_365 : vector<16xi32>
      tpu.vector_store_idx %arg7[%add3A_366], %gather3A_363 masked %lt3A_309 : memref<8856xi32, #tpu.memory_space<vmem>>[vector<16xi32>], vector<16xi32>, vector<16xi1>
      tpu.yield
    }) : () -> ()
    "tpu.region"() ({
      %run_scoped3A = memref.alloca() : memref<160x9xi32, #tpu.memory_space<vmem>>
      %add3A_301 = arith.constant 168 : i32
      %add3A_302 = arith.addi %mul3A_2, %add3A_301 : i32
      "tpu.region"() ({
        %run_scoped3A_308 = tpu.sem_alloc : memref<!tpu.dma_semaphore, #tpu.memory_space<semaphore_mem>>
        %dma_start3A_309 = arith.constant 0 : i32
        %dma_start3A_310 = tpu.memref_slice %arg4[%add3A_302, %dma_start3A_309] : memref<10000x9xi32, #tpu.memory_space<hbm>> -> memref<160x9xi32, #tpu.memory_space<hbm>>
        %dma_start3A_311 = arith.constant 0 : i32
        %dma_start3A_312 = tpu.memref_slice %arg4[%add3A_302, %dma_start3A_311] : memref<10000x9xi32, #tpu.memory_space<hbm>> -> memref<160x9xi32, #tpu.memory_space<hbm>>
        tpu.enqueue_dma source(%dma_start3A_312 : memref<160x9xi32, #tpu.memory_space<hbm>>) target(%run_scoped3A : memref<160x9xi32, #tpu.memory_space<vmem>>) target_semaphore(%run_scoped3A_308 : memref<!tpu.dma_semaphore, #tpu.memory_space<semaphore_mem>>)
        %dma_wait3A_313 = arith.constant 0 : i32
        %dma_wait3A_314 = tpu.memref_slice %arg4[%add3A_302, %dma_wait3A_313] : memref<10000x9xi32, #tpu.memory_space<hbm>> -> memref<160x9xi32, #tpu.memory_space<hbm>>
        %dma_wait3A_315 = arith.constant 0 : i32
        %dma_wait3A_316 = tpu.memref_slice %arg4[%add3A_302, %dma_wait3A_315] : memref<10000x9xi32, #tpu.memory_space<hbm>> -> memref<160x9xi32, #tpu.memory_space<hbm>>
        tpu.wait_dma2 semaphore(%run_scoped3A_308 : memref<!tpu.dma_semaphore, #tpu.memory_space<semaphore_mem>>) src(%dma_wait3A_316 : memref<160x9xi32, #tpu.memory_space<hbm>>) dst(%run_scoped3A : memref<160x9xi32, #tpu.memory_space<vmem>>)
        tpu.yield
      }) : () -> ()
      %scan3A = arith.constant 0 : i32
      %scan3A_303 = arith.constant 0 : i32
      %scan3A_304 = arith.constant 10 : i32
      %scan3A_305 = arith.addi %scan3A_303, %scan3A_304 : i32
      %scan3A_306 = arith.constant 1 : i32
      scf.for %scan3A_308 = %scan3A_303 to %scan3A_305 step %scan3A_306  : i32 {
        %mul3A_309 = arith.constant 16 : i32
        %mul3A_310 = arith.muli %scan3A_308, %mul3A_309 : i32
        %add3A_311 = vector.broadcast %mul3A_310 : i32 to vector<16xi32>
        %add3A_312 = arith.addi %iota3A, %add3A_311 : vector<16xi32>
        %broadcast_in_dim3A = arith.constant 0 : i32
        %broadcast_in_dim3A_313 = vector.broadcast %broadcast_in_dim3A : i32 to vector<16xi32>
        %gather3A = tpu.vector_load_idx %run_scoped3A[%add3A_312, %broadcast_in_dim3A_313] : memref<160x9xi32, #tpu.memory_space<vmem>>[vector<16xi32>, vector<16xi32>], vector<16xi32>,
        %mul3A_314 = arith.constant 16 : i32
        %mul3A_315 = arith.muli %scan3A_308, %mul3A_314 : i32
        %add3A_316 = arith.constant 2792 : i32
        %add3A_317 = arith.addi %add3A_316, %mul3A_315 : i32
        %swap3A = arith.index_cast %add3A_317 : i32 to index
        %swap3A_318 = tpu.vector_load %arg7[%swap3A] {strides = array<i32>} : memref<8856xi32, #tpu.memory_space<vmem>>, vector<16xi32>,
        tpu.vector_store %arg7[%swap3A], %gather3A {strides = array<i32>} : memref<8856xi32, #tpu.memory_space<vmem>>, vector<16xi32>,
        %broadcast_in_dim3A_319 = arith.constant 1 : i32
        %broadcast_in_dim3A_320 = vector.broadcast %broadcast_in_dim3A_319 : i32 to vector<16xi32>
        %gather3A_321 = tpu.vector_load_idx %run_scoped3A[%add3A_312, %broadcast_in_dim3A_320] : memref<160x9xi32, #tpu.memory_space<vmem>>[vector<16xi32>, vector<16xi32>], vector<16xi32>,
        %mul3A_322 = arith.constant 16 : i32
        %mul3A_323 = arith.muli %scan3A_308, %mul3A_322 : i32
        %add3A_324 = arith.constant 3120 : i32
        %add3A_325 = arith.addi %add3A_324, %mul3A_323 : i32
        %swap3A_326 = arith.index_cast %add3A_325 : i32 to index
        %swap3A_327 = tpu.vector_load %arg7[%swap3A_326] {strides = array<i32>} : memref<8856xi32, #tpu.memory_space<vmem>>, vector<16xi32>,
        tpu.vector_store %arg7[%swap3A_326], %gather3A_321 {strides = array<i32>} : memref<8856xi32, #tpu.memory_space<vmem>>, vector<16xi32>,
        %broadcast_in_dim3A_328 = arith.constant 2 : i32
        %broadcast_in_dim3A_329 = vector.broadcast %broadcast_in_dim3A_328 : i32 to vector<16xi32>
        %gather3A_330 = tpu.vector_load_idx %run_scoped3A[%add3A_312, %broadcast_in_dim3A_329] : memref<160x9xi32, #tpu.memory_space<vmem>>[vector<16xi32>, vector<16xi32>], vector<16xi32>,
        %mul3A_331 = arith.constant 16 : i32
        %mul3A_332 = arith.muli %scan3A_308, %mul3A_331 : i32
        %add3A_333 = arith.constant 3448 : i32
        %add3A_334 = arith.addi %add3A_333, %mul3A_332 : i32
        %swap3A_335 = arith.index_cast %add3A_334 : i32 to index
        %swap3A_336 = tpu.vector_load %arg7[%swap3A_335] {strides = array<i32>} : memref<8856xi32, #tpu.memory_space<vmem>>, vector<16xi32>,
        tpu.vector_store %arg7[%swap3A_335], %gather3A_330 {strides = array<i32>} : memref<8856xi32, #tpu.memory_space<vmem>>, vector<16xi32>,
        %broadcast_in_dim3A_337 = arith.constant 3 : i32
        %broadcast_in_dim3A_338 = vector.broadcast %broadcast_in_dim3A_337 : i32 to vector<16xi32>
        %gather3A_339 = tpu.vector_load_idx %run_scoped3A[%add3A_312, %broadcast_in_dim3A_338] : memref<160x9xi32, #tpu.memory_space<vmem>>[vector<16xi32>, vector<16xi32>], vector<16xi32>,
        %mul3A_340 = arith.constant 16 : i32
        %mul3A_341 = arith.muli %scan3A_308, %mul3A_340 : i32
        %add3A_342 = arith.constant 3776 : i32
        %add3A_343 = arith.addi %add3A_342, %mul3A_341 : i32
        %swap3A_344 = arith.index_cast %add3A_343 : i32 to index
        %swap3A_345 = tpu.vector_load %arg7[%swap3A_344] {strides = array<i32>} : memref<8856xi32, #tpu.memory_space<vmem>>, vector<16xi32>,
        tpu.vector_store %arg7[%swap3A_344], %gather3A_339 {strides = array<i32>} : memref<8856xi32, #tpu.memory_space<vmem>>, vector<16xi32>,
        %broadcast_in_dim3A_346 = arith.constant 4 : i32
        %broadcast_in_dim3A_347 = vector.broadcast %broadcast_in_dim3A_346 : i32 to vector<16xi32>
        %gather3A_348 = tpu.vector_load_idx %run_scoped3A[%add3A_312, %broadcast_in_dim3A_347] : memref<160x9xi32, #tpu.memory_space<vmem>>[vector<16xi32>, vector<16xi32>], vector<16xi32>,
        %mul3A_349 = arith.constant 16 : i32
        %mul3A_350 = arith.muli %scan3A_308, %mul3A_349 : i32
        %add3A_351 = arith.constant 4104 : i32
        %add3A_352 = arith.addi %add3A_351, %mul3A_350 : i32
        %swap3A_353 = arith.index_cast %add3A_352 : i32 to index
        %swap3A_354 = tpu.vector_load %arg7[%swap3A_353] {strides = array<i32>} : memref<8856xi32, #tpu.memory_space<vmem>>, vector<16xi32>,
        tpu.vector_store %arg7[%swap3A_353], %gather3A_348 {strides = array<i32>} : memref<8856xi32, #tpu.memory_space<vmem>>, vector<16xi32>,
        %broadcast_in_dim3A_355 = arith.constant 5 : i32
        %broadcast_in_dim3A_356 = vector.broadcast %broadcast_in_dim3A_355 : i32 to vector<16xi32>
        %gather3A_357 = tpu.vector_load_idx %run_scoped3A[%add3A_312, %broadcast_in_dim3A_356] : memref<160x9xi32, #tpu.memory_space<vmem>>[vector<16xi32>, vector<16xi32>], vector<16xi32>,
        %mul3A_358 = arith.constant 16 : i32
        %mul3A_359 = arith.muli %scan3A_308, %mul3A_358 : i32
        %add3A_360 = arith.constant 4432 : i32
        %add3A_361 = arith.addi %add3A_360, %mul3A_359 : i32
        %swap3A_362 = arith.index_cast %add3A_361 : i32 to index
        %swap3A_363 = tpu.vector_load %arg7[%swap3A_362] {strides = array<i32>} : memref<8856xi32, #tpu.memory_space<vmem>>, vector<16xi32>,
        tpu.vector_store %arg7[%swap3A_362], %gather3A_357 {strides = array<i32>} : memref<8856xi32, #tpu.memory_space<vmem>>, vector<16xi32>,
        %broadcast_in_dim3A_364 = arith.constant 6 : i32
        %broadcast_in_dim3A_365 = vector.broadcast %broadcast_in_dim3A_364 : i32 to vector<16xi32>
        %gather3A_366 = tpu.vector_load_idx %run_scoped3A[%add3A_312, %broadcast_in_dim3A_365] : memref<160x9xi32, #tpu.memory_space<vmem>>[vector<16xi32>, vector<16xi32>], vector<16xi32>,
        %mul3A_367 = arith.constant 16 : i32
        %mul3A_368 = arith.muli %scan3A_308, %mul3A_367 : i32
        %add3A_369 = arith.constant 4760 : i32
        %add3A_370 = arith.addi %add3A_369, %mul3A_368 : i32
        %swap3A_371 = arith.index_cast %add3A_370 : i32 to index
        %swap3A_372 = tpu.vector_load %arg7[%swap3A_371] {strides = array<i32>} : memref<8856xi32, #tpu.memory_space<vmem>>, vector<16xi32>,
        tpu.vector_store %arg7[%swap3A_371], %gather3A_366 {strides = array<i32>} : memref<8856xi32, #tpu.memory_space<vmem>>, vector<16xi32>,
        %broadcast_in_dim3A_373 = arith.constant 7 : i32
        %broadcast_in_dim3A_374 = vector.broadcast %broadcast_in_dim3A_373 : i32 to vector<16xi32>
        %gather3A_375 = tpu.vector_load_idx %run_scoped3A[%add3A_312, %broadcast_in_dim3A_374] : memref<160x9xi32, #tpu.memory_space<vmem>>[vector<16xi32>, vector<16xi32>], vector<16xi32>,
        %mul3A_376 = arith.constant 16 : i32
        %mul3A_377 = arith.muli %scan3A_308, %mul3A_376 : i32
        %add3A_378 = arith.constant 5088 : i32
        %add3A_379 = arith.addi %add3A_378, %mul3A_377 : i32
        %swap3A_380 = arith.index_cast %add3A_379 : i32 to index
        %swap3A_381 = tpu.vector_load %arg7[%swap3A_380] {strides = array<i32>} : memref<8856xi32, #tpu.memory_space<vmem>>, vector<16xi32>,
        tpu.vector_store %arg7[%swap3A_380], %gather3A_375 {strides = array<i32>} : memref<8856xi32, #tpu.memory_space<vmem>>, vector<16xi32>,
        %broadcast_in_dim3A_382 = arith.constant 8 : i32
        %broadcast_in_dim3A_383 = vector.broadcast %broadcast_in_dim3A_382 : i32 to vector<16xi32>
        %gather3A_384 = tpu.vector_load_idx %run_scoped3A[%add3A_312, %broadcast_in_dim3A_383] : memref<160x9xi32, #tpu.memory_space<vmem>>[vector<16xi32>, vector<16xi32>], vector<16xi32>,
        %mul3A_385 = arith.constant 16 : i32
        %mul3A_386 = arith.muli %scan3A_308, %mul3A_385 : i32
        %add3A_387 = arith.constant 5416 : i32
        %add3A_388 = arith.addi %add3A_387, %mul3A_386 : i32
        %swap3A_389 = arith.index_cast %add3A_388 : i32 to index
        %swap3A_390 = tpu.vector_load %arg7[%swap3A_389] {strides = array<i32>} : memref<8856xi32, #tpu.memory_space<vmem>>, vector<16xi32>,
        tpu.vector_store %arg7[%swap3A_389], %gather3A_384 {strides = array<i32>} : memref<8856xi32, #tpu.memory_space<vmem>>, vector<16xi32>,
      }
      %scan3A_307 = arith.constant 10 : i32
      tpu.yield
    }) : () -> ()
    %dma_wait3A = arith.constant 0 : i32
    %dma_wait3A_7 = tpu.memref_slice %arg7[%dma_wait3A] : memref<8856xi32, #tpu.memory_space<vmem>> -> memref<328xi32, #tpu.memory_space<vmem>>
    %dma_wait3A_8 = arith.constant 0 : i32
    %dma_wait3A_9 = arith.constant 0 : i32
    %dma_wait3A_10 = tpu.memref_slice %arg2[%dma_wait3A_8, %dma_wait3A_9] : memref<110000x128xf32, #tpu.memory_space<hbm>> -> memref<110000x128xf32, #tpu.memory_space<hbm>>
    tpu.wait_indirect_dma semaphore(%arg10 : memref<!tpu.dma_semaphore, #tpu.memory_space<semaphore_mem>>) src(%dma_wait3A_10 : memref<110000x128xf32, #tpu.memory_space<hbm>>) dst(%arg8 : memref<328x128xf32, #tpu.memory_space<vmem>>)
    %dma_start3A_11 = arith.constant 2624 : i32
    %dma_start3A_12 = tpu.memref_slice %arg7[%dma_start3A_11] : memref<8856xi32, #tpu.memory_space<vmem>> -> memref<328xi32, #tpu.memory_space<vmem>>
    %dma_start3A_13 = arith.constant 0 : i32
    %dma_start3A_14 = arith.constant 0 : i32
    %dma_start3A_15 = tpu.memref_slice %arg2[%dma_start3A_13, %dma_start3A_14] : memref<110000x128xf32, #tpu.memory_space<hbm>> -> memref<110000x128xf32, #tpu.memory_space<hbm>>
    tpu.enqueue_indirect_dma source(%dma_start3A_15 : memref<110000x128xf32, #tpu.memory_space<hbm>>) target(%arg9 : memref<328x128xf32, #tpu.memory_space<vmem>>) offsets(%dma_start3A_12 : memref<328xi32, #tpu.memory_space<vmem>>) semaphore(%arg11 : memref<!tpu.dma_semaphore, #tpu.memory_space<semaphore_mem>>)
    %dma_start3A_16 = arith.constant 328 : i32
    %dma_start3A_17 = tpu.memref_slice %arg7[%dma_start3A_16] : memref<8856xi32, #tpu.memory_space<vmem>> -> memref<328xi32, #tpu.memory_space<vmem>>
    %dma_start3A_18 = arith.constant 0 : i32
    %dma_start3A_19 = arith.constant 0 : i32
    %dma_start3A_20 = tpu.memref_slice %arg2[%dma_start3A_18, %dma_start3A_19] : memref<110000x128xf32, #tpu.memory_space<hbm>> -> memref<110000x128xf32, #tpu.memory_space<hbm>>
    tpu.enqueue_indirect_dma source(%dma_start3A_20 : memref<110000x128xf32, #tpu.memory_space<hbm>>) target(%arg8 : memref<328x128xf32, #tpu.memory_space<vmem>>) offsets(%dma_start3A_17 : memref<328xi32, #tpu.memory_space<vmem>>) semaphore(%arg12 : memref<!tpu.dma_semaphore, #tpu.memory_space<semaphore_mem>>) {add = true}
    %dma_start3A_21 = arith.constant 656 : i32
    %dma_start3A_22 = tpu.memref_slice %arg7[%dma_start3A_21] : memref<8856xi32, #tpu.memory_space<vmem>> -> memref<328xi32, #tpu.memory_space<vmem>>
    %dma_start3A_23 = arith.constant 0 : i32
    %dma_start3A_24 = arith.constant 0 : i32
    %dma_start3A_25 = tpu.memref_slice %arg2[%dma_start3A_23, %dma_start3A_24] : memref<110000x128xf32, #tpu.memory_space<hbm>> -> memref<110000x128xf32, #tpu.memory_space<hbm>>
    tpu.enqueue_indirect_dma source(%dma_start3A_25 : memref<110000x128xf32, #tpu.memory_space<hbm>>) target(%arg8 : memref<328x128xf32, #tpu.memory_space<vmem>>) offsets(%dma_start3A_22 : memref<328xi32, #tpu.memory_space<vmem>>) semaphore(%arg12 : memref<!tpu.dma_semaphore, #tpu.memory_space<semaphore_mem>>) {add = true}
    %dma_start3A_26 = arith.constant 984 : i32
    %dma_start3A_27 = tpu.memref_slice %arg7[%dma_start3A_26] : memref<8856xi32, #tpu.memory_space<vmem>> -> memref<328xi32, #tpu.memory_space<vmem>>
    %dma_start3A_28 = arith.constant 0 : i32
    %dma_start3A_29 = arith.constant 0 : i32
    %dma_start3A_30 = tpu.memref_slice %arg2[%dma_start3A_28, %dma_start3A_29] : memref<110000x128xf32, #tpu.memory_space<hbm>> -> memref<110000x128xf32, #tpu.memory_space<hbm>>
    tpu.enqueue_indirect_dma source(%dma_start3A_30 : memref<110000x128xf32, #tpu.memory_space<hbm>>) target(%arg8 : memref<328x128xf32, #tpu.memory_space<vmem>>) offsets(%dma_start3A_27 : memref<328xi32, #tpu.memory_space<vmem>>) semaphore(%arg12 : memref<!tpu.dma_semaphore, #tpu.memory_space<semaphore_mem>>) {add = true}
    %dma_start3A_31 = arith.constant 1312 : i32
    %dma_start3A_32 = tpu.memref_slice %arg7[%dma_start3A_31] : memref<8856xi32, #tpu.memory_space<vmem>> -> memref<328xi32, #tpu.memory_space<vmem>>
    %dma_start3A_33 = arith.constant 0 : i32
    %dma_start3A_34 = arith.constant 0 : i32
    %dma_start3A_35 = tpu.memref_slice %arg2[%dma_start3A_33, %dma_start3A_34] : memref<110000x128xf32, #tpu.memory_space<hbm>> -> memref<110000x128xf32, #tpu.memory_space<hbm>>
    tpu.enqueue_indirect_dma source(%dma_start3A_35 : memref<110000x128xf32, #tpu.memory_space<hbm>>) target(%arg8 : memref<328x128xf32, #tpu.memory_space<vmem>>) offsets(%dma_start3A_32 : memref<328xi32, #tpu.memory_space<vmem>>) semaphore(%arg12 : memref<!tpu.dma_semaphore, #tpu.memory_space<semaphore_mem>>) {add = true}
    %dma_start3A_36 = arith.constant 1640 : i32
    %dma_start3A_37 = tpu.memref_slice %arg7[%dma_start3A_36] : memref<8856xi32, #tpu.memory_space<vmem>> -> memref<328xi32, #tpu.memory_space<vmem>>
    %dma_start3A_38 = arith.constant 0 : i32
    %dma_start3A_39 = arith.constant 0 : i32
    %dma_start3A_40 = tpu.memref_slice %arg2[%dma_start3A_38, %dma_start3A_39] : memref<110000x128xf32, #tpu.memory_space<hbm>> -> memref<110000x128xf32, #tpu.memory_space<hbm>>
    tpu.enqueue_indirect_dma source(%dma_start3A_40 : memref<110000x128xf32, #tpu.memory_space<hbm>>) target(%arg8 : memref<328x128xf32, #tpu.memory_space<vmem>>) offsets(%dma_start3A_37 : memref<328xi32, #tpu.memory_space<vmem>>) semaphore(%arg12 : memref<!tpu.dma_semaphore, #tpu.memory_space<semaphore_mem>>) {add = true}
    %dma_start3A_41 = arith.constant 1968 : i32
    %dma_start3A_42 = tpu.memref_slice %arg7[%dma_start3A_41] : memref<8856xi32, #tpu.memory_space<vmem>> -> memref<328xi32, #tpu.memory_space<vmem>>
    %dma_start3A_43 = arith.constant 0 : i32
    %dma_start3A_44 = arith.constant 0 : i32
    %dma_start3A_45 = tpu.memref_slice %arg2[%dma_start3A_43, %dma_start3A_44] : memref<110000x128xf32, #tpu.memory_space<hbm>> -> memref<110000x128xf32, #tpu.memory_space<hbm>>
    tpu.enqueue_indirect_dma source(%dma_start3A_45 : memref<110000x128xf32, #tpu.memory_space<hbm>>) target(%arg8 : memref<328x128xf32, #tpu.memory_space<vmem>>) offsets(%dma_start3A_42 : memref<328xi32, #tpu.memory_space<vmem>>) semaphore(%arg12 : memref<!tpu.dma_semaphore, #tpu.memory_space<semaphore_mem>>) {add = true}
    %dma_start3A_46 = arith.constant 2296 : i32
    %dma_start3A_47 = tpu.memref_slice %arg7[%dma_start3A_46] : memref<8856xi32, #tpu.memory_space<vmem>> -> memref<328xi32, #tpu.memory_space<vmem>>
    %dma_start3A_48 = arith.constant 0 : i32
    %dma_start3A_49 = arith.constant 0 : i32
    %dma_start3A_50 = tpu.memref_slice %arg2[%dma_start3A_48, %dma_start3A_49] : memref<110000x128xf32, #tpu.memory_space<hbm>> -> memref<110000x128xf32, #tpu.memory_space<hbm>>
    tpu.enqueue_indirect_dma source(%dma_start3A_50 : memref<110000x128xf32, #tpu.memory_space<hbm>>) target(%arg8 : memref<328x128xf32, #tpu.memory_space<vmem>>) offsets(%dma_start3A_47 : memref<328xi32, #tpu.memory_space<vmem>>) semaphore(%arg12 : memref<!tpu.dma_semaphore, #tpu.memory_space<semaphore_mem>>) {add = true}
    "tpu.region"() ({
      %run_scoped3A = memref.alloca() : memref<168x10xi32, #tpu.memory_space<vmem>>
      %add3A_301 = arith.constant 0 : i32
      %add3A_302 = arith.addi %mul3A_2, %add3A_301 : i32
      "tpu.region"() ({
        %run_scoped3A_373 = tpu.sem_alloc : memref<!tpu.dma_semaphore, #tpu.memory_space<semaphore_mem>>
        %dma_start3A_374 = arith.constant 0 : i32
        %dma_start3A_375 = tpu.memref_slice %arg5[%add3A_302, %dma_start3A_374] : memref<10000x10xi32, #tpu.memory_space<hbm>> -> memref<168x10xi32, #tpu.memory_space<hbm>>
        %dma_start3A_376 = arith.constant 0 : i32
        %dma_start3A_377 = tpu.memref_slice %arg5[%add3A_302, %dma_start3A_376] : memref<10000x10xi32, #tpu.memory_space<hbm>> -> memref<168x10xi32, #tpu.memory_space<hbm>>
        tpu.enqueue_dma source(%dma_start3A_377 : memref<168x10xi32, #tpu.memory_space<hbm>>) target(%run_scoped3A : memref<168x10xi32, #tpu.memory_space<vmem>>) target_semaphore(%run_scoped3A_373 : memref<!tpu.dma_semaphore, #tpu.memory_space<semaphore_mem>>)
        %dma_wait3A_378 = arith.constant 0 : i32
        %dma_wait3A_379 = tpu.memref_slice %arg5[%add3A_302, %dma_wait3A_378] : memref<10000x10xi32, #tpu.memory_space<hbm>> -> memref<168x10xi32, #tpu.memory_space<hbm>>
        %dma_wait3A_380 = arith.constant 0 : i32
        %dma_wait3A_381 = tpu.memref_slice %arg5[%add3A_302, %dma_wait3A_380] : memref<10000x10xi32, #tpu.memory_space<hbm>> -> memref<168x10xi32, #tpu.memory_space<hbm>>
        tpu.wait_dma2 semaphore(%run_scoped3A_373 : memref<!tpu.dma_semaphore, #tpu.memory_space<semaphore_mem>>) src(%dma_wait3A_381 : memref<168x10xi32, #tpu.memory_space<hbm>>) dst(%run_scoped3A : memref<168x10xi32, #tpu.memory_space<vmem>>)
        tpu.yield
      }) : () -> ()
      %scan3A = arith.constant 0 : i32
      %scan3A_303 = arith.constant 0 : i32
      %scan3A_304 = arith.constant 10 : i32
      %scan3A_305 = arith.addi %scan3A_303, %scan3A_304 : i32
      %scan3A_306 = arith.constant 1 : i32
      scf.for %scan3A_373 = %scan3A_303 to %scan3A_305 step %scan3A_306  : i32 {
        %mul3A_374 = arith.constant 16 : i32
        %mul3A_375 = arith.muli %scan3A_373, %mul3A_374 : i32
        %add3A_376 = vector.broadcast %mul3A_375 : i32 to vector<16xi32>
        %add3A_377 = arith.addi %iota3A, %add3A_376 : vector<16xi32>
        %broadcast_in_dim3A_378 = arith.constant 0 : i32
        %broadcast_in_dim3A_379 = vector.broadcast %broadcast_in_dim3A_378 : i32 to vector<16xi32>
        %gather3A_380 = tpu.vector_load_idx %run_scoped3A[%add3A_377, %broadcast_in_dim3A_379] : memref<168x10xi32, #tpu.memory_space<vmem>>[vector<16xi32>, vector<16xi32>], vector<16xi32>,
        %mul3A_381 = arith.constant 16 : i32
        %mul3A_382 = arith.muli %scan3A_373, %mul3A_381 : i32
        %add3A_383 = arith.constant 5576 : i32
        %add3A_384 = arith.addi %add3A_383, %mul3A_382 : i32
        %swap3A = arith.index_cast %add3A_384 : i32 to index
        %swap3A_385 = tpu.vector_load %arg7[%swap3A] {strides = array<i32>} : memref<8856xi32, #tpu.memory_space<vmem>>, vector<16xi32>,
        tpu.vector_store %arg7[%swap3A], %gather3A_380 {strides = array<i32>} : memref<8856xi32, #tpu.memory_space<vmem>>, vector<16xi32>,
        %broadcast_in_dim3A_386 = arith.constant 1 : i32
        %broadcast_in_dim3A_387 = vector.broadcast %broadcast_in_dim3A_386 : i32 to vector<16xi32>
        %gather3A_388 = tpu.vector_load_idx %run_scoped3A[%add3A_377, %broadcast_in_dim3A_387] : memref<168x10xi32, #tpu.memory_space<vmem>>[vector<16xi32>, vector<16xi32>], vector<16xi32>,
        %mul3A_389 = arith.constant 16 : i32
        %mul3A_390 = arith.muli %scan3A_373, %mul3A_389 : i32
        %add3A_391 = arith.constant 5904 : i32
        %add3A_392 = arith.addi %add3A_391, %mul3A_390 : i32
        %swap3A_393 = arith.index_cast %add3A_392 : i32 to index
        %swap3A_394 = tpu.vector_load %arg7[%swap3A_393] {strides = array<i32>} : memref<8856xi32, #tpu.memory_space<vmem>>, vector<16xi32>,
        tpu.vector_store %arg7[%swap3A_393], %gather3A_388 {strides = array<i32>} : memref<8856xi32, #tpu.memory_space<vmem>>, vector<16xi32>,
        %broadcast_in_dim3A_395 = arith.constant 2 : i32
        %broadcast_in_dim3A_396 = vector.broadcast %broadcast_in_dim3A_395 : i32 to vector<16xi32>
        %gather3A_397 = tpu.vector_load_idx %run_scoped3A[%add3A_377, %broadcast_in_dim3A_396] : memref<168x10xi32, #tpu.memory_space<vmem>>[vector<16xi32>, vector<16xi32>], vector<16xi32>,
        %mul3A_398 = arith.constant 16 : i32
        %mul3A_399 = arith.muli %scan3A_373, %mul3A_398 : i32
        %add3A_400 = arith.constant 6232 : i32
        %add3A_401 = arith.addi %add3A_400, %mul3A_399 : i32
        %swap3A_402 = arith.index_cast %add3A_401 : i32 to index
        %swap3A_403 = tpu.vector_load %arg7[%swap3A_402] {strides = array<i32>} : memref<8856xi32, #tpu.memory_space<vmem>>, vector<16xi32>,
        tpu.vector_store %arg7[%swap3A_402], %gather3A_397 {strides = array<i32>} : memref<8856xi32, #tpu.memory_space<vmem>>, vector<16xi32>,
        %broadcast_in_dim3A_404 = arith.constant 3 : i32
        %broadcast_in_dim3A_405 = vector.broadcast %broadcast_in_dim3A_404 : i32 to vector<16xi32>
        %gather3A_406 = tpu.vector_load_idx %run_scoped3A[%add3A_377, %broadcast_in_dim3A_405] : memref<168x10xi32, #tpu.memory_space<vmem>>[vector<16xi32>, vector<16xi32>], vector<16xi32>,
        %mul3A_407 = arith.constant 16 : i32
        %mul3A_408 = arith.muli %scan3A_373, %mul3A_407 : i32
        %add3A_409 = arith.constant 6560 : i32
        %add3A_410 = arith.addi %add3A_409, %mul3A_408 : i32
        %swap3A_411 = arith.index_cast %add3A_410 : i32 to index
        %swap3A_412 = tpu.vector_load %arg7[%swap3A_411] {strides = array<i32>} : memref<8856xi32, #tpu.memory_space<vmem>>, vector<16xi32>,
        tpu.vector_store %arg7[%swap3A_411], %gather3A_406 {strides = array<i32>} : memref<8856xi32, #tpu.memory_space<vmem>>, vector<16xi32>,
        %broadcast_in_dim3A_413 = arith.constant 4 : i32
        %broadcast_in_dim3A_414 = vector.broadcast %broadcast_in_dim3A_413 : i32 to vector<16xi32>
        %gather3A_415 = tpu.vector_load_idx %run_scoped3A[%add3A_377, %broadcast_in_dim3A_414] : memref<168x10xi32, #tpu.memory_space<vmem>>[vector<16xi32>, vector<16xi32>], vector<16xi32>,
        %mul3A_416 = arith.constant 16 : i32
        %mul3A_417 = arith.muli %scan3A_373, %mul3A_416 : i32
        %add3A_418 = arith.constant 6888 : i32
        %add3A_419 = arith.addi %add3A_418, %mul3A_417 : i32
        %swap3A_420 = arith.index_cast %add3A_419 : i32 to index
        %swap3A_421 = tpu.vector_load %arg7[%swap3A_420] {strides = array<i32>} : memref<8856xi32, #tpu.memory_space<vmem>>, vector<16xi32>,
        tpu.vector_store %arg7[%swap3A_420], %gather3A_415 {strides = array<i32>} : memref<8856xi32, #tpu.memory_space<vmem>>, vector<16xi32>,
        %broadcast_in_dim3A_422 = arith.constant 5 : i32
        %broadcast_in_dim3A_423 = vector.broadcast %broadcast_in_dim3A_422 : i32 to vector<16xi32>
        %gather3A_424 = tpu.vector_load_idx %run_scoped3A[%add3A_377, %broadcast_in_dim3A_423] : memref<168x10xi32, #tpu.memory_space<vmem>>[vector<16xi32>, vector<16xi32>], vector<16xi32>,
        %mul3A_425 = arith.constant 16 : i32
        %mul3A_426 = arith.muli %scan3A_373, %mul3A_425 : i32
        %add3A_427 = arith.constant 7216 : i32
        %add3A_428 = arith.addi %add3A_427, %mul3A_426 : i32
        %swap3A_429 = arith.index_cast %add3A_428 : i32 to index
        %swap3A_430 = tpu.vector_load %arg7[%swap3A_429] {strides = array<i32>} : memref<8856xi32, #tpu.memory_space<vmem>>, vector<16xi32>,
        tpu.vector_store %arg7[%swap3A_429], %gather3A_424 {strides = array<i32>} : memref<8856xi32, #tpu.memory_space<vmem>>, vector<16xi32>,
        %broadcast_in_dim3A_431 = arith.constant 6 : i32
        %broadcast_in_dim3A_432 = vector.broadcast %broadcast_in_dim3A_431 : i32 to vector<16xi32>
        %gather3A_433 = tpu.vector_load_idx %run_scoped3A[%add3A_377, %broadcast_in_dim3A_432] : memref<168x10xi32, #tpu.memory_space<vmem>>[vector<16xi32>, vector<16xi32>], vector<16xi32>,
        %mul3A_434 = arith.constant 16 : i32
        %mul3A_435 = arith.muli %scan3A_373, %mul3A_434 : i32
        %add3A_436 = arith.constant 7544 : i32
        %add3A_437 = arith.addi %add3A_436, %mul3A_435 : i32
        %swap3A_438 = arith.index_cast %add3A_437 : i32 to index
        %swap3A_439 = tpu.vector_load %arg7[%swap3A_438] {strides = array<i32>} : memref<8856xi32, #tpu.memory_space<vmem>>, vector<16xi32>,
        tpu.vector_store %arg7[%swap3A_438], %gather3A_433 {strides = array<i32>} : memref<8856xi32, #tpu.memory_space<vmem>>, vector<16xi32>,
        %broadcast_in_dim3A_440 = arith.constant 7 : i32
        %broadcast_in_dim3A_441 = vector.broadcast %broadcast_in_dim3A_440 : i32 to vector<16xi32>
        %gather3A_442 = tpu.vector_load_idx %run_scoped3A[%add3A_377, %broadcast_in_dim3A_441] : memref<168x10xi32, #tpu.memory_space<vmem>>[vector<16xi32>, vector<16xi32>], vector<16xi32>,
        %mul3A_443 = arith.constant 16 : i32
        %mul3A_444 = arith.muli %scan3A_373, %mul3A_443 : i32
        %add3A_445 = arith.constant 7872 : i32
        %add3A_446 = arith.addi %add3A_445, %mul3A_444 : i32
        %swap3A_447 = arith.index_cast %add3A_446 : i32 to index
        %swap3A_448 = tpu.vector_load %arg7[%swap3A_447] {strides = array<i32>} : memref<8856xi32, #tpu.memory_space<vmem>>, vector<16xi32>,
        tpu.vector_store %arg7[%swap3A_447], %gather3A_442 {strides = array<i32>} : memref<8856xi32, #tpu.memory_space<vmem>>, vector<16xi32>,
        %broadcast_in_dim3A_449 = arith.constant 8 : i32
        %broadcast_in_dim3A_450 = vector.broadcast %broadcast_in_dim3A_449 : i32 to vector<16xi32>
        %gather3A_451 = tpu.vector_load_idx %run_scoped3A[%add3A_377, %broadcast_in_dim3A_450] : memref<168x10xi32, #tpu.memory_space<vmem>>[vector<16xi32>, vector<16xi32>], vector<16xi32>,
        %mul3A_452 = arith.constant 16 : i32
        %mul3A_453 = arith.muli %scan3A_373, %mul3A_452 : i32
        %add3A_454 = arith.constant 8200 : i32
        %add3A_455 = arith.addi %add3A_454, %mul3A_453 : i32
        %swap3A_456 = arith.index_cast %add3A_455 : i32 to index
        %swap3A_457 = tpu.vector_load %arg7[%swap3A_456] {strides = array<i32>} : memref<8856xi32, #tpu.memory_space<vmem>>, vector<16xi32>,
        tpu.vector_store %arg7[%swap3A_456], %gather3A_451 {strides = array<i32>} : memref<8856xi32, #tpu.memory_space<vmem>>, vector<16xi32>,
        %broadcast_in_dim3A_458 = arith.constant 9 : i32
        %broadcast_in_dim3A_459 = vector.broadcast %broadcast_in_dim3A_458 : i32 to vector<16xi32>
        %gather3A_460 = tpu.vector_load_idx %run_scoped3A[%add3A_377, %broadcast_in_dim3A_459] : memref<168x10xi32, #tpu.memory_space<vmem>>[vector<16xi32>, vector<16xi32>], vector<16xi32>,
        %mul3A_461 = arith.constant 16 : i32
        %mul3A_462 = arith.muli %scan3A_373, %mul3A_461 : i32
        %add3A_463 = arith.constant 8528 : i32
        %add3A_464 = arith.addi %add3A_463, %mul3A_462 : i32
        %swap3A_465 = arith.index_cast %add3A_464 : i32 to index
        %swap3A_466 = tpu.vector_load %arg7[%swap3A_465] {strides = array<i32>} : memref<8856xi32, #tpu.memory_space<vmem>>, vector<16xi32>,
        tpu.vector_store %arg7[%swap3A_465], %gather3A_460 {strides = array<i32>} : memref<8856xi32, #tpu.memory_space<vmem>>, vector<16xi32>,
      }
      %scan3A_307 = arith.constant 10 : i32
      %lt3A = arith.constant 8 : i32
      %lt3A_308 = vector.broadcast %lt3A : i32 to vector<16xi32>
      %lt3A_309 = arith.cmpi slt, %iota3A, %lt3A_308 : vector<16xi32>
      %add3A_310 = arith.constant 160 : i32
      %add3A_311 = vector.broadcast %add3A_310 : i32 to vector<16xi32>
      %add3A_312 = arith.addi %iota3A, %add3A_311 : vector<16xi32>
      %min3A = arith.constant 167 : i32
      %min3A_313 = vector.broadcast %min3A : i32 to vector<16xi32>
      %min3A_314 = arith.minsi %add3A_312, %min3A_313 : vector<16xi32>
      %broadcast_in_dim3A = arith.constant 0 : i32
      %broadcast_in_dim3A_315 = vector.broadcast %broadcast_in_dim3A : i32 to vector<16xi32>
      %gather3A = tpu.vector_load_idx %run_scoped3A[%min3A_314, %broadcast_in_dim3A_315] masked %lt3A_309 : memref<168x10xi32, #tpu.memory_space<vmem>>[vector<16xi32>, vector<16xi32>], vector<16xi32>, vector<16xi1>
      %add3A_316 = arith.constant 5736 : i32
      %add3A_317 = vector.broadcast %add3A_316 : i32 to vector<16xi32>
      %add3A_318 = arith.addi %iota3A, %add3A_317 : vector<16xi32>
      tpu.vector_store_idx %arg7[%add3A_318], %gather3A masked %lt3A_309 : memref<8856xi32, #tpu.memory_space<vmem>>[vector<16xi32>], vector<16xi32>, vector<16xi1>
      %broadcast_in_dim3A_319 = arith.constant 1 : i32
      %broadcast_in_dim3A_320 = vector.broadcast %broadcast_in_dim3A_319 : i32 to vector<16xi32>
      %gather3A_321 = tpu.vector_load_idx %run_scoped3A[%min3A_314, %broadcast_in_dim3A_320] masked %lt3A_309 : memref<168x10xi32, #tpu.memory_space<vmem>>[vector<16xi32>, vector<16xi32>], vector<16xi32>, vector<16xi1>
      %add3A_322 = arith.constant 6064 : i32
      %add3A_323 = vector.broadcast %add3A_322 : i32 to vector<16xi32>
      %add3A_324 = arith.addi %iota3A, %add3A_323 : vector<16xi32>
      tpu.vector_store_idx %arg7[%add3A_324], %gather3A_321 masked %lt3A_309 : memref<8856xi32, #tpu.memory_space<vmem>>[vector<16xi32>], vector<16xi32>, vector<16xi1>
      %broadcast_in_dim3A_325 = arith.constant 2 : i32
      %broadcast_in_dim3A_326 = vector.broadcast %broadcast_in_dim3A_325 : i32 to vector<16xi32>
      %gather3A_327 = tpu.vector_load_idx %run_scoped3A[%min3A_314, %broadcast_in_dim3A_326] masked %lt3A_309 : memref<168x10xi32, #tpu.memory_space<vmem>>[vector<16xi32>, vector<16xi32>], vector<16xi32>, vector<16xi1>
      %add3A_328 = arith.constant 6392 : i32
      %add3A_329 = vector.broadcast %add3A_328 : i32 to vector<16xi32>
      %add3A_330 = arith.addi %iota3A, %add3A_329 : vector<16xi32>
      tpu.vector_store_idx %arg7[%add3A_330], %gather3A_327 masked %lt3A_309 : memref<8856xi32, #tpu.memory_space<vmem>>[vector<16xi32>], vector<16xi32>, vector<16xi1>
      %broadcast_in_dim3A_331 = arith.constant 3 : i32
      %broadcast_in_dim3A_332 = vector.broadcast %broadcast_in_dim3A_331 : i32 to vector<16xi32>
      %gather3A_333 = tpu.vector_load_idx %run_scoped3A[%min3A_314, %broadcast_in_dim3A_332] masked %lt3A_309 : memref<168x10xi32, #tpu.memory_space<vmem>>[vector<16xi32>, vector<16xi32>], vector<16xi32>, vector<16xi1>
      %add3A_334 = arith.constant 6720 : i32
      %add3A_335 = vector.broadcast %add3A_334 : i32 to vector<16xi32>
      %add3A_336 = arith.addi %iota3A, %add3A_335 : vector<16xi32>
      tpu.vector_store_idx %arg7[%add3A_336], %gather3A_333 masked %lt3A_309 : memref<8856xi32, #tpu.memory_space<vmem>>[vector<16xi32>], vector<16xi32>, vector<16xi1>
      %broadcast_in_dim3A_337 = arith.constant 4 : i32
      %broadcast_in_dim3A_338 = vector.broadcast %broadcast_in_dim3A_337 : i32 to vector<16xi32>
      %gather3A_339 = tpu.vector_load_idx %run_scoped3A[%min3A_314, %broadcast_in_dim3A_338] masked %lt3A_309 : memref<168x10xi32, #tpu.memory_space<vmem>>[vector<16xi32>, vector<16xi32>], vector<16xi32>, vector<16xi1>
      %add3A_340 = arith.constant 7048 : i32
      %add3A_341 = vector.broadcast %add3A_340 : i32 to vector<16xi32>
      %add3A_342 = arith.addi %iota3A, %add3A_341 : vector<16xi32>
      tpu.vector_store_idx %arg7[%add3A_342], %gather3A_339 masked %lt3A_309 : memref<8856xi32, #tpu.memory_space<vmem>>[vector<16xi32>], vector<16xi32>, vector<16xi1>
      %broadcast_in_dim3A_343 = arith.constant 5 : i32
      %broadcast_in_dim3A_344 = vector.broadcast %broadcast_in_dim3A_343 : i32 to vector<16xi32>
      %gather3A_345 = tpu.vector_load_idx %run_scoped3A[%min3A_314, %broadcast_in_dim3A_344] masked %lt3A_309 : memref<168x10xi32, #tpu.memory_space<vmem>>[vector<16xi32>, vector<16xi32>], vector<16xi32>, vector<16xi1>
      %add3A_346 = arith.constant 7376 : i32
      %add3A_347 = vector.broadcast %add3A_346 : i32 to vector<16xi32>
      %add3A_348 = arith.addi %iota3A, %add3A_347 : vector<16xi32>
      tpu.vector_store_idx %arg7[%add3A_348], %gather3A_345 masked %lt3A_309 : memref<8856xi32, #tpu.memory_space<vmem>>[vector<16xi32>], vector<16xi32>, vector<16xi1>
      %broadcast_in_dim3A_349 = arith.constant 6 : i32
      %broadcast_in_dim3A_350 = vector.broadcast %broadcast_in_dim3A_349 : i32 to vector<16xi32>
      %gather3A_351 = tpu.vector_load_idx %run_scoped3A[%min3A_314, %broadcast_in_dim3A_350] masked %lt3A_309 : memref<168x10xi32, #tpu.memory_space<vmem>>[vector<16xi32>, vector<16xi32>], vector<16xi32>, vector<16xi1>
      %add3A_352 = arith.constant 7704 : i32
      %add3A_353 = vector.broadcast %add3A_352 : i32 to vector<16xi32>
      %add3A_354 = arith.addi %iota3A, %add3A_353 : vector<16xi32>
      tpu.vector_store_idx %arg7[%add3A_354], %gather3A_351 masked %lt3A_309 : memref<8856xi32, #tpu.memory_space<vmem>>[vector<16xi32>], vector<16xi32>, vector<16xi1>
      %broadcast_in_dim3A_355 = arith.constant 7 : i32
      %broadcast_in_dim3A_356 = vector.broadcast %broadcast_in_dim3A_355 : i32 to vector<16xi32>
      %gather3A_357 = tpu.vector_load_idx %run_scoped3A[%min3A_314, %broadcast_in_dim3A_356] masked %lt3A_309 : memref<168x10xi32, #tpu.memory_space<vmem>>[vector<16xi32>, vector<16xi32>], vector<16xi32>, vector<16xi1>
      %add3A_358 = arith.constant 8032 : i32
      %add3A_359 = vector.broadcast %add3A_358 : i32 to vector<16xi32>
      %add3A_360 = arith.addi %iota3A, %add3A_359 : vector<16xi32>
      tpu.vector_store_idx %arg7[%add3A_360], %gather3A_357 masked %lt3A_309 : memref<8856xi32, #tpu.memory_space<vmem>>[vector<16xi32>], vector<16xi32>, vector<16xi1>
      %broadcast_in_dim3A_361 = arith.constant 8 : i32
      %broadcast_in_dim3A_362 = vector.broadcast %broadcast_in_dim3A_361 : i32 to vector<16xi32>
      %gather3A_363 = tpu.vector_load_idx %run_scoped3A[%min3A_314, %broadcast_in_dim3A_362] masked %lt3A_309 : memref<168x10xi32, #tpu.memory_space<vmem>>[vector<16xi32>, vector<16xi32>], vector<16xi32>, vector<16xi1>
      %add3A_364 = arith.constant 8360 : i32
      %add3A_365 = vector.broadcast %add3A_364 : i32 to vector<16xi32>
      %add3A_366 = arith.addi %iota3A, %add3A_365 : vector<16xi32>
      tpu.vector_store_idx %arg7[%add3A_366], %gather3A_363 masked %lt3A_309 : memref<8856xi32, #tpu.memory_space<vmem>>[vector<16xi32>], vector<16xi32>, vector<16xi1>
      %broadcast_in_dim3A_367 = arith.constant 9 : i32
      %broadcast_in_dim3A_368 = vector.broadcast %broadcast_in_dim3A_367 : i32 to vector<16xi32>
      %gather3A_369 = tpu.vector_load_idx %run_scoped3A[%min3A_314, %broadcast_in_dim3A_368] masked %lt3A_309 : memref<168x10xi32, #tpu.memory_space<vmem>>[vector<16xi32>, vector<16xi32>], vector<16xi32>, vector<16xi1>
      %add3A_370 = arith.constant 8688 : i32
      %add3A_371 = vector.broadcast %add3A_370 : i32 to vector<16xi32>
      %add3A_372 = arith.addi %iota3A, %add3A_371 : vector<16xi32>
      tpu.vector_store_idx %arg7[%add3A_372], %gather3A_369 masked %lt3A_309 : memref<8856xi32, #tpu.memory_space<vmem>>[vector<16xi32>], vector<16xi32>, vector<16xi1>
      tpu.yield
    }) : () -> ()
    "tpu.region"() ({
      %run_scoped3A = memref.alloca() : memref<160x10xi32, #tpu.memory_space<vmem>>
      %add3A_301 = arith.constant 168 : i32
      %add3A_302 = arith.addi %mul3A_2, %add3A_301 : i32
      "tpu.region"() ({
        %run_scoped3A_308 = tpu.sem_alloc : memref<!tpu.dma_semaphore, #tpu.memory_space<semaphore_mem>>
        %dma_start3A_309 = arith.constant 0 : i32
        %dma_start3A_310 = tpu.memref_slice %arg5[%add3A_302, %dma_start3A_309] : memref<10000x10xi32, #tpu.memory_space<hbm>> -> memref<160x10xi32, #tpu.memory_space<hbm>>
        %dma_start3A_311 = arith.constant 0 : i32
        %dma_start3A_312 = tpu.memref_slice %arg5[%add3A_302, %dma_start3A_311] : memref<10000x10xi32, #tpu.memory_space<hbm>> -> memref<160x10xi32, #tpu.memory_space<hbm>>
        tpu.enqueue_dma source(%dma_start3A_312 : memref<160x10xi32, #tpu.memory_space<hbm>>) target(%run_scoped3A : memref<160x10xi32, #tpu.memory_space<vmem>>) target_semaphore(%run_scoped3A_308 : memref<!tpu.dma_semaphore, #tpu.memory_space<semaphore_mem>>)
        %dma_wait3A_313 = arith.constant 0 : i32
        %dma_wait3A_314 = tpu.memref_slice %arg5[%add3A_302, %dma_wait3A_313] : memref<10000x10xi32, #tpu.memory_space<hbm>> -> memref<160x10xi32, #tpu.memory_space<hbm>>
        %dma_wait3A_315 = arith.constant 0 : i32
        %dma_wait3A_316 = tpu.memref_slice %arg5[%add3A_302, %dma_wait3A_315] : memref<10000x10xi32, #tpu.memory_space<hbm>> -> memref<160x10xi32, #tpu.memory_space<hbm>>
        tpu.wait_dma2 semaphore(%run_scoped3A_308 : memref<!tpu.dma_semaphore, #tpu.memory_space<semaphore_mem>>) src(%dma_wait3A_316 : memref<160x10xi32, #tpu.memory_space<hbm>>) dst(%run_scoped3A : memref<160x10xi32, #tpu.memory_space<vmem>>)
        tpu.yield
      }) : () -> ()
      %scan3A = arith.constant 0 : i32
      %scan3A_303 = arith.constant 0 : i32
      %scan3A_304 = arith.constant 10 : i32
      %scan3A_305 = arith.addi %scan3A_303, %scan3A_304 : i32
      %scan3A_306 = arith.constant 1 : i32
      scf.for %scan3A_308 = %scan3A_303 to %scan3A_305 step %scan3A_306  : i32 {
        %mul3A_309 = arith.constant 16 : i32
        %mul3A_310 = arith.muli %scan3A_308, %mul3A_309 : i32
        %add3A_311 = vector.broadcast %mul3A_310 : i32 to vector<16xi32>
        %add3A_312 = arith.addi %iota3A, %add3A_311 : vector<16xi32>
        %broadcast_in_dim3A = arith.constant 0 : i32
        %broadcast_in_dim3A_313 = vector.broadcast %broadcast_in_dim3A : i32 to vector<16xi32>
        %gather3A = tpu.vector_load_idx %run_scoped3A[%add3A_312, %broadcast_in_dim3A_313] : memref<160x10xi32, #tpu.memory_space<vmem>>[vector<16xi32>, vector<16xi32>], vector<16xi32>,
        %mul3A_314 = arith.constant 16 : i32
        %mul3A_315 = arith.muli %scan3A_308, %mul3A_314 : i32
        %add3A_316 = arith.constant 5744 : i32
        %add3A_317 = arith.addi %add3A_316, %mul3A_315 : i32
        %swap3A = arith.index_cast %add3A_317 : i32 to index
        %swap3A_318 = tpu.vector_load %arg7[%swap3A] {strides = array<i32>} : memref<8856xi32, #tpu.memory_space<vmem>>, vector<16xi32>,
        tpu.vector_store %arg7[%swap3A], %gather3A {strides = array<i32>} : memref<8856xi32, #tpu.memory_space<vmem>>, vector<16xi32>,
        %broadcast_in_dim3A_319 = arith.constant 1 : i32
        %broadcast_in_dim3A_320 = vector.broadcast %broadcast_in_dim3A_319 : i32 to vector<16xi32>
        %gather3A_321 = tpu.vector_load_idx %run_scoped3A[%add3A_312, %broadcast_in_dim3A_320] : memref<160x10xi32, #tpu.memory_space<vmem>>[vector<16xi32>, vector<16xi32>], vector<16xi32>,
        %mul3A_322 = arith.constant 16 : i32
        %mul3A_323 = arith.muli %scan3A_308, %mul3A_322 : i32
        %add3A_324 = arith.constant 6072 : i32
        %add3A_325 = arith.addi %add3A_324, %mul3A_323 : i32
        %swap3A_326 = arith.index_cast %add3A_325 : i32 to index
        %swap3A_327 = tpu.vector_load %arg7[%swap3A_326] {strides = array<i32>} : memref<8856xi32, #tpu.memory_space<vmem>>, vector<16xi32>,
        tpu.vector_store %arg7[%swap3A_326], %gather3A_321 {strides = array<i32>} : memref<8856xi32, #tpu.memory_space<vmem>>, vector<16xi32>,
        %broadcast_in_dim3A_328 = arith.constant 2 : i32
        %broadcast_in_dim3A_329 = vector.broadcast %broadcast_in_dim3A_328 : i32 to vector<16xi32>
        %gather3A_330 = tpu.vector_load_idx %run_scoped3A[%add3A_312, %broadcast_in_dim3A_329] : memref<160x10xi32, #tpu.memory_space<vmem>>[vector<16xi32>, vector<16xi32>], vector<16xi32>,
        %mul3A_331 = arith.constant 16 : i32
        %mul3A_332 = arith.muli %scan3A_308, %mul3A_331 : i32
        %add3A_333 = arith.constant 6400 : i32
        %add3A_334 = arith.addi %add3A_333, %mul3A_332 : i32
        %swap3A_335 = arith.index_cast %add3A_334 : i32 to index
        %swap3A_336 = tpu.vector_load %arg7[%swap3A_335] {strides = array<i32>} : memref<8856xi32, #tpu.memory_space<vmem>>, vector<16xi32>,
        tpu.vector_store %arg7[%swap3A_335], %gather3A_330 {strides = array<i32>} : memref<8856xi32, #tpu.memory_space<vmem>>, vector<16xi32>,
        %broadcast_in_dim3A_337 = arith.constant 3 : i32
        %broadcast_in_dim3A_338 = vector.broadcast %broadcast_in_dim3A_337 : i32 to vector<16xi32>
        %gather3A_339 = tpu.vector_load_idx %run_scoped3A[%add3A_312, %broadcast_in_dim3A_338] : memref<160x10xi32, #tpu.memory_space<vmem>>[vector<16xi32>, vector<16xi32>], vector<16xi32>,
        %mul3A_340 = arith.constant 16 : i32
        %mul3A_341 = arith.muli %scan3A_308, %mul3A_340 : i32
        %add3A_342 = arith.constant 6728 : i32
        %add3A_343 = arith.addi %add3A_342, %mul3A_341 : i32
        %swap3A_344 = arith.index_cast %add3A_343 : i32 to index
        %swap3A_345 = tpu.vector_load %arg7[%swap3A_344] {strides = array<i32>} : memref<8856xi32, #tpu.memory_space<vmem>>, vector<16xi32>,
        tpu.vector_store %arg7[%swap3A_344], %gather3A_339 {strides = array<i32>} : memref<8856xi32, #tpu.memory_space<vmem>>, vector<16xi32>,
        %broadcast_in_dim3A_346 = arith.constant 4 : i32
        %broadcast_in_dim3A_347 = vector.broadcast %broadcast_in_dim3A_346 : i32 to vector<16xi32>
        %gather3A_348 = tpu.vector_load_idx %run_scoped3A[%add3A_312, %broadcast_in_dim3A_347] : memref<160x10xi32, #tpu.memory_space<vmem>>[vector<16xi32>, vector<16xi32>], vector<16xi32>,
        %mul3A_349 = arith.constant 16 : i32
        %mul3A_350 = arith.muli %scan3A_308, %mul3A_349 : i32
        %add3A_351 = arith.constant 7056 : i32
        %add3A_352 = arith.addi %add3A_351, %mul3A_350 : i32
        %swap3A_353 = arith.index_cast %add3A_352 : i32 to index
        %swap3A_354 = tpu.vector_load %arg7[%swap3A_353] {strides = array<i32>} : memref<8856xi32, #tpu.memory_space<vmem>>, vector<16xi32>,
        tpu.vector_store %arg7[%swap3A_353], %gather3A_348 {strides = array<i32>} : memref<8856xi32, #tpu.memory_space<vmem>>, vector<16xi32>,
        %broadcast_in_dim3A_355 = arith.constant 5 : i32
        %broadcast_in_dim3A_356 = vector.broadcast %broadcast_in_dim3A_355 : i32 to vector<16xi32>
        %gather3A_357 = tpu.vector_load_idx %run_scoped3A[%add3A_312, %broadcast_in_dim3A_356] : memref<160x10xi32, #tpu.memory_space<vmem>>[vector<16xi32>, vector<16xi32>], vector<16xi32>,
        %mul3A_358 = arith.constant 16 : i32
        %mul3A_359 = arith.muli %scan3A_308, %mul3A_358 : i32
        %add3A_360 = arith.constant 7384 : i32
        %add3A_361 = arith.addi %add3A_360, %mul3A_359 : i32
        %swap3A_362 = arith.index_cast %add3A_361 : i32 to index
        %swap3A_363 = tpu.vector_load %arg7[%swap3A_362] {strides = array<i32>} : memref<8856xi32, #tpu.memory_space<vmem>>, vector<16xi32>,
        tpu.vector_store %arg7[%swap3A_362], %gather3A_357 {strides = array<i32>} : memref<8856xi32, #tpu.memory_space<vmem>>, vector<16xi32>,
        %broadcast_in_dim3A_364 = arith.constant 6 : i32
        %broadcast_in_dim3A_365 = vector.broadcast %broadcast_in_dim3A_364 : i32 to vector<16xi32>
        %gather3A_366 = tpu.vector_load_idx %run_scoped3A[%add3A_312, %broadcast_in_dim3A_365] : memref<160x10xi32, #tpu.memory_space<vmem>>[vector<16xi32>, vector<16xi32>], vector<16xi32>,
        %mul3A_367 = arith.constant 16 : i32
        %mul3A_368 = arith.muli %scan3A_308, %mul3A_367 : i32
        %add3A_369 = arith.constant 7712 : i32
        %add3A_370 = arith.addi %add3A_369, %mul3A_368 : i32
        %swap3A_371 = arith.index_cast %add3A_370 : i32 to index
        %swap3A_372 = tpu.vector_load %arg7[%swap3A_371] {strides = array<i32>} : memref<8856xi32, #tpu.memory_space<vmem>>, vector<16xi32>,
        tpu.vector_store %arg7[%swap3A_371], %gather3A_366 {strides = array<i32>} : memref<8856xi32, #tpu.memory_space<vmem>>, vector<16xi32>,
        %broadcast_in_dim3A_373 = arith.constant 7 : i32
        %broadcast_in_dim3A_374 = vector.broadcast %broadcast_in_dim3A_373 : i32 to vector<16xi32>
        %gather3A_375 = tpu.vector_load_idx %run_scoped3A[%add3A_312, %broadcast_in_dim3A_374] : memref<160x10xi32, #tpu.memory_space<vmem>>[vector<16xi32>, vector<16xi32>], vector<16xi32>,
        %mul3A_376 = arith.constant 16 : i32
        %mul3A_377 = arith.muli %scan3A_308, %mul3A_376 : i32
        %add3A_378 = arith.constant 8040 : i32
        %add3A_379 = arith.addi %add3A_378, %mul3A_377 : i32
        %swap3A_380 = arith.index_cast %add3A_379 : i32 to index
        %swap3A_381 = tpu.vector_load %arg7[%swap3A_380] {strides = array<i32>} : memref<8856xi32, #tpu.memory_space<vmem>>, vector<16xi32>,
        tpu.vector_store %arg7[%swap3A_380], %gather3A_375 {strides = array<i32>} : memref<8856xi32, #tpu.memory_space<vmem>>, vector<16xi32>,
        %broadcast_in_dim3A_382 = arith.constant 8 : i32
        %broadcast_in_dim3A_383 = vector.broadcast %broadcast_in_dim3A_382 : i32 to vector<16xi32>
        %gather3A_384 = tpu.vector_load_idx %run_scoped3A[%add3A_312, %broadcast_in_dim3A_383] : memref<160x10xi32, #tpu.memory_space<vmem>>[vector<16xi32>, vector<16xi32>], vector<16xi32>,
        %mul3A_385 = arith.constant 16 : i32
        %mul3A_386 = arith.muli %scan3A_308, %mul3A_385 : i32
        %add3A_387 = arith.constant 8368 : i32
        %add3A_388 = arith.addi %add3A_387, %mul3A_386 : i32
        %swap3A_389 = arith.index_cast %add3A_388 : i32 to index
        %swap3A_390 = tpu.vector_load %arg7[%swap3A_389] {strides = array<i32>} : memref<8856xi32, #tpu.memory_space<vmem>>, vector<16xi32>,
        tpu.vector_store %arg7[%swap3A_389], %gather3A_384 {strides = array<i32>} : memref<8856xi32, #tpu.memory_space<vmem>>, vector<16xi32>,
        %broadcast_in_dim3A_391 = arith.constant 9 : i32
        %broadcast_in_dim3A_392 = vector.broadcast %broadcast_in_dim3A_391 : i32 to vector<16xi32>
        %gather3A_393 = tpu.vector_load_idx %run_scoped3A[%add3A_312, %broadcast_in_dim3A_392] : memref<160x10xi32, #tpu.memory_space<vmem>>[vector<16xi32>, vector<16xi32>], vector<16xi32>,
        %mul3A_394 = arith.constant 16 : i32
        %mul3A_395 = arith.muli %scan3A_308, %mul3A_394 : i32
        %add3A_396 = arith.constant 8696 : i32
        %add3A_397 = arith.addi %add3A_396, %mul3A_395 : i32
        %swap3A_398 = arith.index_cast %add3A_397 : i32 to index
        %swap3A_399 = tpu.vector_load %arg7[%swap3A_398] {strides = array<i32>} : memref<8856xi32, #tpu.memory_space<vmem>>, vector<16xi32>,
        tpu.vector_store %arg7[%swap3A_398], %gather3A_393 {strides = array<i32>} : memref<8856xi32, #tpu.memory_space<vmem>>, vector<16xi32>,
      }
      %scan3A_307 = arith.constant 10 : i32
      tpu.yield
    }) : () -> ()
    %dma_wait3A_51 = arith.constant 328 : i32
    %dma_wait3A_52 = tpu.memref_slice %arg7[%dma_wait3A_51] : memref<8856xi32, #tpu.memory_space<vmem>> -> memref<328xi32, #tpu.memory_space<vmem>>
    %dma_wait3A_53 = arith.constant 0 : i32
    %dma_wait3A_54 = arith.constant 0 : i32
    %dma_wait3A_55 = tpu.memref_slice %arg2[%dma_wait3A_53, %dma_wait3A_54] : memref<110000x128xf32, #tpu.memory_space<hbm>> -> memref<110000x128xf32, #tpu.memory_space<hbm>>
    tpu.wait_indirect_dma semaphore(%arg12 : memref<!tpu.dma_semaphore, #tpu.memory_space<semaphore_mem>>) src(%dma_wait3A_55 : memref<110000x128xf32, #tpu.memory_space<hbm>>) dst(%arg8 : memref<328x128xf32, #tpu.memory_space<vmem>>)
    %dma_wait3A_56 = arith.constant 656 : i32
    %dma_wait3A_57 = tpu.memref_slice %arg7[%dma_wait3A_56] : memref<8856xi32, #tpu.memory_space<vmem>> -> memref<328xi32, #tpu.memory_space<vmem>>
    %dma_wait3A_58 = arith.constant 0 : i32
    %dma_wait3A_59 = arith.constant 0 : i32
    %dma_wait3A_60 = tpu.memref_slice %arg2[%dma_wait3A_58, %dma_wait3A_59] : memref<110000x128xf32, #tpu.memory_space<hbm>> -> memref<110000x128xf32, #tpu.memory_space<hbm>>
    tpu.wait_indirect_dma semaphore(%arg12 : memref<!tpu.dma_semaphore, #tpu.memory_space<semaphore_mem>>) src(%dma_wait3A_60 : memref<110000x128xf32, #tpu.memory_space<hbm>>) dst(%arg8 : memref<328x128xf32, #tpu.memory_space<vmem>>)
    %dma_wait3A_61 = arith.constant 984 : i32
    %dma_wait3A_62 = tpu.memref_slice %arg7[%dma_wait3A_61] : memref<8856xi32, #tpu.memory_space<vmem>> -> memref<328xi32, #tpu.memory_space<vmem>>
    %dma_wait3A_63 = arith.constant 0 : i32
    %dma_wait3A_64 = arith.constant 0 : i32
    %dma_wait3A_65 = tpu.memref_slice %arg2[%dma_wait3A_63, %dma_wait3A_64] : memref<110000x128xf32, #tpu.memory_space<hbm>> -> memref<110000x128xf32, #tpu.memory_space<hbm>>
    tpu.wait_indirect_dma semaphore(%arg12 : memref<!tpu.dma_semaphore, #tpu.memory_space<semaphore_mem>>) src(%dma_wait3A_65 : memref<110000x128xf32, #tpu.memory_space<hbm>>) dst(%arg8 : memref<328x128xf32, #tpu.memory_space<vmem>>)
    %dma_wait3A_66 = arith.constant 1312 : i32
    %dma_wait3A_67 = tpu.memref_slice %arg7[%dma_wait3A_66] : memref<8856xi32, #tpu.memory_space<vmem>> -> memref<328xi32, #tpu.memory_space<vmem>>
    %dma_wait3A_68 = arith.constant 0 : i32
    %dma_wait3A_69 = arith.constant 0 : i32
    %dma_wait3A_70 = tpu.memref_slice %arg2[%dma_wait3A_68, %dma_wait3A_69] : memref<110000x128xf32, #tpu.memory_space<hbm>> -> memref<110000x128xf32, #tpu.memory_space<hbm>>
    tpu.wait_indirect_dma semaphore(%arg12 : memref<!tpu.dma_semaphore, #tpu.memory_space<semaphore_mem>>) src(%dma_wait3A_70 : memref<110000x128xf32, #tpu.memory_space<hbm>>) dst(%arg8 : memref<328x128xf32, #tpu.memory_space<vmem>>)
    %dma_wait3A_71 = arith.constant 1640 : i32
    %dma_wait3A_72 = tpu.memref_slice %arg7[%dma_wait3A_71] : memref<8856xi32, #tpu.memory_space<vmem>> -> memref<328xi32, #tpu.memory_space<vmem>>
    %dma_wait3A_73 = arith.constant 0 : i32
    %dma_wait3A_74 = arith.constant 0 : i32
    %dma_wait3A_75 = tpu.memref_slice %arg2[%dma_wait3A_73, %dma_wait3A_74] : memref<110000x128xf32, #tpu.memory_space<hbm>> -> memref<110000x128xf32, #tpu.memory_space<hbm>>
    tpu.wait_indirect_dma semaphore(%arg12 : memref<!tpu.dma_semaphore, #tpu.memory_space<semaphore_mem>>) src(%dma_wait3A_75 : memref<110000x128xf32, #tpu.memory_space<hbm>>) dst(%arg8 : memref<328x128xf32, #tpu.memory_space<vmem>>)
    %dma_wait3A_76 = arith.constant 1968 : i32
    %dma_wait3A_77 = tpu.memref_slice %arg7[%dma_wait3A_76] : memref<8856xi32, #tpu.memory_space<vmem>> -> memref<328xi32, #tpu.memory_space<vmem>>
    %dma_wait3A_78 = arith.constant 0 : i32
    %dma_wait3A_79 = arith.constant 0 : i32
    %dma_wait3A_80 = tpu.memref_slice %arg2[%dma_wait3A_78, %dma_wait3A_79] : memref<110000x128xf32, #tpu.memory_space<hbm>> -> memref<110000x128xf32, #tpu.memory_space<hbm>>
    tpu.wait_indirect_dma semaphore(%arg12 : memref<!tpu.dma_semaphore, #tpu.memory_space<semaphore_mem>>) src(%dma_wait3A_80 : memref<110000x128xf32, #tpu.memory_space<hbm>>) dst(%arg8 : memref<328x128xf32, #tpu.memory_space<vmem>>)
    %dma_wait3A_81 = arith.constant 2296 : i32
    %dma_wait3A_82 = tpu.memref_slice %arg7[%dma_wait3A_81] : memref<8856xi32, #tpu.memory_space<vmem>> -> memref<328xi32, #tpu.memory_space<vmem>>
    %dma_wait3A_83 = arith.constant 0 : i32
    %dma_wait3A_84 = arith.constant 0 : i32
    %dma_wait3A_85 = tpu.memref_slice %arg2[%dma_wait3A_83, %dma_wait3A_84] : memref<110000x128xf32, #tpu.memory_space<hbm>> -> memref<110000x128xf32, #tpu.memory_space<hbm>>
    tpu.wait_indirect_dma semaphore(%arg12 : memref<!tpu.dma_semaphore, #tpu.memory_space<semaphore_mem>>) src(%dma_wait3A_85 : memref<110000x128xf32, #tpu.memory_space<hbm>>) dst(%arg8 : memref<328x128xf32, #tpu.memory_space<vmem>>)
    %add3A_86 = arith.constant 0 : i32
    %add3A_87 = arith.addi %add3A_86, %mul3A_2 : i32
    %dma_start3A_88 = arith.constant 0 : i32
    %dma_start3A_89 = tpu.memref_slice %arg6[%add3A_87, %dma_start3A_88] : memref<30000x128xf32, #tpu.memory_space<hbm>> -> memref<328x128xf32, #tpu.memory_space<hbm>>
    %dma_start3A_90 = arith.constant 0 : i32
    %dma_start3A_91 = tpu.memref_slice %arg6[%add3A_87, %dma_start3A_90] : memref<30000x128xf32, #tpu.memory_space<hbm>> -> memref<328x128xf32, #tpu.memory_space<hbm>>
    tpu.enqueue_dma source(%arg8 : memref<328x128xf32, #tpu.memory_space<vmem>>) target(%dma_start3A_91 : memref<328x128xf32, #tpu.memory_space<hbm>>) target_semaphore(%arg14 : memref<!tpu.dma_semaphore, #tpu.memory_space<semaphore_mem>>)
    %dma_wait3A_92 = arith.constant 2624 : i32
    %dma_wait3A_93 = tpu.memref_slice %arg7[%dma_wait3A_92] : memref<8856xi32, #tpu.memory_space<vmem>> -> memref<328xi32, #tpu.memory_space<vmem>>
    %dma_wait3A_94 = arith.constant 0 : i32
    %dma_wait3A_95 = arith.constant 0 : i32
    %dma_wait3A_96 = tpu.memref_slice %arg2[%dma_wait3A_94, %dma_wait3A_95] : memref<110000x128xf32, #tpu.memory_space<hbm>> -> memref<110000x128xf32, #tpu.memory_space<hbm>>
    tpu.wait_indirect_dma semaphore(%arg11 : memref<!tpu.dma_semaphore, #tpu.memory_space<semaphore_mem>>) src(%dma_wait3A_96 : memref<110000x128xf32, #tpu.memory_space<hbm>>) dst(%arg9 : memref<328x128xf32, #tpu.memory_space<vmem>>)
    %dma_wait3A_97 = arith.constant 0 : i32
    %dma_wait3A_98 = tpu.memref_slice %arg6[%add3A_87, %dma_wait3A_97] : memref<30000x128xf32, #tpu.memory_space<hbm>> -> memref<328x128xf32, #tpu.memory_space<hbm>>
    %dma_wait3A_99 = arith.constant 0 : i32
    %dma_wait3A_100 = tpu.memref_slice %arg6[%add3A_87, %dma_wait3A_99] : memref<30000x128xf32, #tpu.memory_space<hbm>> -> memref<328x128xf32, #tpu.memory_space<hbm>>
    tpu.wait_dma2 semaphore(%arg14 : memref<!tpu.dma_semaphore, #tpu.memory_space<semaphore_mem>>) src(%arg8 : memref<328x128xf32, #tpu.memory_space<vmem>>) dst(%dma_wait3A_100 : memref<328x128xf32, #tpu.memory_space<hbm>>)
    %dma_start3A_101 = arith.constant 5576 : i32
    %dma_start3A_102 = tpu.memref_slice %arg7[%dma_start3A_101] : memref<8856xi32, #tpu.memory_space<vmem>> -> memref<328xi32, #tpu.memory_space<vmem>>
    %dma_start3A_103 = arith.constant 0 : i32
    %dma_start3A_104 = arith.constant 0 : i32
    %dma_start3A_105 = tpu.memref_slice %arg2[%dma_start3A_103, %dma_start3A_104] : memref<110000x128xf32, #tpu.memory_space<hbm>> -> memref<110000x128xf32, #tpu.memory_space<hbm>>
    tpu.enqueue_indirect_dma source(%dma_start3A_105 : memref<110000x128xf32, #tpu.memory_space<hbm>>) target(%arg8 : memref<328x128xf32, #tpu.memory_space<vmem>>) offsets(%dma_start3A_102 : memref<328xi32, #tpu.memory_space<vmem>>) semaphore(%arg10 : memref<!tpu.dma_semaphore, #tpu.memory_space<semaphore_mem>>)
    %dma_start3A_106 = arith.constant 2952 : i32
    %dma_start3A_107 = tpu.memref_slice %arg7[%dma_start3A_106] : memref<8856xi32, #tpu.memory_space<vmem>> -> memref<328xi32, #tpu.memory_space<vmem>>
    %dma_start3A_108 = arith.constant 0 : i32
    %dma_start3A_109 = arith.constant 0 : i32
    %dma_start3A_110 = tpu.memref_slice %arg2[%dma_start3A_108, %dma_start3A_109] : memref<110000x128xf32, #tpu.memory_space<hbm>> -> memref<110000x128xf32, #tpu.memory_space<hbm>>
    tpu.enqueue_indirect_dma source(%dma_start3A_110 : memref<110000x128xf32, #tpu.memory_space<hbm>>) target(%arg9 : memref<328x128xf32, #tpu.memory_space<vmem>>) offsets(%dma_start3A_107 : memref<328xi32, #tpu.memory_space<vmem>>) semaphore(%arg13 : memref<!tpu.dma_semaphore, #tpu.memory_space<semaphore_mem>>) {add = true}
    %dma_start3A_111 = arith.constant 3280 : i32
    %dma_start3A_112 = tpu.memref_slice %arg7[%dma_start3A_111] : memref<8856xi32, #tpu.memory_space<vmem>> -> memref<328xi32, #tpu.memory_space<vmem>>
    %dma_start3A_113 = arith.constant 0 : i32
    %dma_start3A_114 = arith.constant 0 : i32
    %dma_start3A_115 = tpu.memref_slice %arg2[%dma_start3A_113, %dma_start3A_114] : memref<110000x128xf32, #tpu.memory_space<hbm>> -> memref<110000x128xf32, #tpu.memory_space<hbm>>
    tpu.enqueue_indirect_dma source(%dma_start3A_115 : memref<110000x128xf32, #tpu.memory_space<hbm>>) target(%arg9 : memref<328x128xf32, #tpu.memory_space<vmem>>) offsets(%dma_start3A_112 : memref<328xi32, #tpu.memory_space<vmem>>) semaphore(%arg13 : memref<!tpu.dma_semaphore, #tpu.memory_space<semaphore_mem>>) {add = true}
    %dma_start3A_116 = arith.constant 3608 : i32
    %dma_start3A_117 = tpu.memref_slice %arg7[%dma_start3A_116] : memref<8856xi32, #tpu.memory_space<vmem>> -> memref<328xi32, #tpu.memory_space<vmem>>
    %dma_start3A_118 = arith.constant 0 : i32
    %dma_start3A_119 = arith.constant 0 : i32
    %dma_start3A_120 = tpu.memref_slice %arg2[%dma_start3A_118, %dma_start3A_119] : memref<110000x128xf32, #tpu.memory_space<hbm>> -> memref<110000x128xf32, #tpu.memory_space<hbm>>
    tpu.enqueue_indirect_dma source(%dma_start3A_120 : memref<110000x128xf32, #tpu.memory_space<hbm>>) target(%arg9 : memref<328x128xf32, #tpu.memory_space<vmem>>) offsets(%dma_start3A_117 : memref<328xi32, #tpu.memory_space<vmem>>) semaphore(%arg13 : memref<!tpu.dma_semaphore, #tpu.memory_space<semaphore_mem>>) {add = true}
    %dma_start3A_121 = arith.constant 3936 : i32
    %dma_start3A_122 = tpu.memref_slice %arg7[%dma_start3A_121] : memref<8856xi32, #tpu.memory_space<vmem>> -> memref<328xi32, #tpu.memory_space<vmem>>
    %dma_start3A_123 = arith.constant 0 : i32
    %dma_start3A_124 = arith.constant 0 : i32
    %dma_start3A_125 = tpu.memref_slice %arg2[%dma_start3A_123, %dma_start3A_124] : memref<110000x128xf32, #tpu.memory_space<hbm>> -> memref<110000x128xf32, #tpu.memory_space<hbm>>
    tpu.enqueue_indirect_dma source(%dma_start3A_125 : memref<110000x128xf32, #tpu.memory_space<hbm>>) target(%arg9 : memref<328x128xf32, #tpu.memory_space<vmem>>) offsets(%dma_start3A_122 : memref<328xi32, #tpu.memory_space<vmem>>) semaphore(%arg13 : memref<!tpu.dma_semaphore, #tpu.memory_space<semaphore_mem>>) {add = true}
    %dma_start3A_126 = arith.constant 4264 : i32
    %dma_start3A_127 = tpu.memref_slice %arg7[%dma_start3A_126] : memref<8856xi32, #tpu.memory_space<vmem>> -> memref<328xi32, #tpu.memory_space<vmem>>
    %dma_start3A_128 = arith.constant 0 : i32
    %dma_start3A_129 = arith.constant 0 : i32
    %dma_start3A_130 = tpu.memref_slice %arg2[%dma_start3A_128, %dma_start3A_129] : memref<110000x128xf32, #tpu.memory_space<hbm>> -> memref<110000x128xf32, #tpu.memory_space<hbm>>
    tpu.enqueue_indirect_dma source(%dma_start3A_130 : memref<110000x128xf32, #tpu.memory_space<hbm>>) target(%arg9 : memref<328x128xf32, #tpu.memory_space<vmem>>) offsets(%dma_start3A_127 : memref<328xi32, #tpu.memory_space<vmem>>) semaphore(%arg13 : memref<!tpu.dma_semaphore, #tpu.memory_space<semaphore_mem>>) {add = true}
    %dma_start3A_131 = arith.constant 4592 : i32
    %dma_start3A_132 = tpu.memref_slice %arg7[%dma_start3A_131] : memref<8856xi32, #tpu.memory_space<vmem>> -> memref<328xi32, #tpu.memory_space<vmem>>
    %dma_start3A_133 = arith.constant 0 : i32
    %dma_start3A_134 = arith.constant 0 : i32
    %dma_start3A_135 = tpu.memref_slice %arg2[%dma_start3A_133, %dma_start3A_134] : memref<110000x128xf32, #tpu.memory_space<hbm>> -> memref<110000x128xf32, #tpu.memory_space<hbm>>
    tpu.enqueue_indirect_dma source(%dma_start3A_135 : memref<110000x128xf32, #tpu.memory_space<hbm>>) target(%arg9 : memref<328x128xf32, #tpu.memory_space<vmem>>) offsets(%dma_start3A_132 : memref<328xi32, #tpu.memory_space<vmem>>) semaphore(%arg13 : memref<!tpu.dma_semaphore, #tpu.memory_space<semaphore_mem>>) {add = true}
    %dma_start3A_136 = arith.constant 4920 : i32
    %dma_start3A_137 = tpu.memref_slice %arg7[%dma_start3A_136] : memref<8856xi32, #tpu.memory_space<vmem>> -> memref<328xi32, #tpu.memory_space<vmem>>
    %dma_start3A_138 = arith.constant 0 : i32
    %dma_start3A_139 = arith.constant 0 : i32
    %dma_start3A_140 = tpu.memref_slice %arg2[%dma_start3A_138, %dma_start3A_139] : memref<110000x128xf32, #tpu.memory_space<hbm>> -> memref<110000x128xf32, #tpu.memory_space<hbm>>
    tpu.enqueue_indirect_dma source(%dma_start3A_140 : memref<110000x128xf32, #tpu.memory_space<hbm>>) target(%arg9 : memref<328x128xf32, #tpu.memory_space<vmem>>) offsets(%dma_start3A_137 : memref<328xi32, #tpu.memory_space<vmem>>) semaphore(%arg13 : memref<!tpu.dma_semaphore, #tpu.memory_space<semaphore_mem>>) {add = true}
    %dma_start3A_141 = arith.constant 5248 : i32
    %dma_start3A_142 = tpu.memref_slice %arg7[%dma_start3A_141] : memref<8856xi32, #tpu.memory_space<vmem>> -> memref<328xi32, #tpu.memory_space<vmem>>
    %dma_start3A_143 = arith.constant 0 : i32
    %dma_start3A_144 = arith.constant 0 : i32
    %dma_start3A_145 = tpu.memref_slice %arg2[%dma_start3A_143, %dma_start3A_144] : memref<110000x128xf32, #tpu.memory_space<hbm>> -> memref<110000x128xf32, #tpu.memory_space<hbm>>
    tpu.enqueue_indirect_dma source(%dma_start3A_145 : memref<110000x128xf32, #tpu.memory_space<hbm>>) target(%arg9 : memref<328x128xf32, #tpu.memory_space<vmem>>) offsets(%dma_start3A_142 : memref<328xi32, #tpu.memory_space<vmem>>) semaphore(%arg13 : memref<!tpu.dma_semaphore, #tpu.memory_space<semaphore_mem>>) {add = true}
    %dma_wait3A_146 = arith.constant 2952 : i32
    %dma_wait3A_147 = tpu.memref_slice %arg7[%dma_wait3A_146] : memref<8856xi32, #tpu.memory_space<vmem>> -> memref<328xi32, #tpu.memory_space<vmem>>
    %dma_wait3A_148 = arith.constant 0 : i32
    %dma_wait3A_149 = arith.constant 0 : i32
    %dma_wait3A_150 = tpu.memref_slice %arg2[%dma_wait3A_148, %dma_wait3A_149] : memref<110000x128xf32, #tpu.memory_space<hbm>> -> memref<110000x128xf32, #tpu.memory_space<hbm>>
    tpu.wait_indirect_dma semaphore(%arg13 : memref<!tpu.dma_semaphore, #tpu.memory_space<semaphore_mem>>) src(%dma_wait3A_150 : memref<110000x128xf32, #tpu.memory_space<hbm>>) dst(%arg9 : memref<328x128xf32, #tpu.memory_space<vmem>>)
    %dma_wait3A_151 = arith.constant 3280 : i32
    %dma_wait3A_152 = tpu.memref_slice %arg7[%dma_wait3A_151] : memref<8856xi32, #tpu.memory_space<vmem>> -> memref<328xi32, #tpu.memory_space<vmem>>
    %dma_wait3A_153 = arith.constant 0 : i32
    %dma_wait3A_154 = arith.constant 0 : i32
    %dma_wait3A_155 = tpu.memref_slice %arg2[%dma_wait3A_153, %dma_wait3A_154] : memref<110000x128xf32, #tpu.memory_space<hbm>> -> memref<110000x128xf32, #tpu.memory_space<hbm>>
    tpu.wait_indirect_dma semaphore(%arg13 : memref<!tpu.dma_semaphore, #tpu.memory_space<semaphore_mem>>) src(%dma_wait3A_155 : memref<110000x128xf32, #tpu.memory_space<hbm>>) dst(%arg9 : memref<328x128xf32, #tpu.memory_space<vmem>>)
    %dma_wait3A_156 = arith.constant 3608 : i32
    %dma_wait3A_157 = tpu.memref_slice %arg7[%dma_wait3A_156] : memref<8856xi32, #tpu.memory_space<vmem>> -> memref<328xi32, #tpu.memory_space<vmem>>
    %dma_wait3A_158 = arith.constant 0 : i32
    %dma_wait3A_159 = arith.constant 0 : i32
    %dma_wait3A_160 = tpu.memref_slice %arg2[%dma_wait3A_158, %dma_wait3A_159] : memref<110000x128xf32, #tpu.memory_space<hbm>> -> memref<110000x128xf32, #tpu.memory_space<hbm>>
    tpu.wait_indirect_dma semaphore(%arg13 : memref<!tpu.dma_semaphore, #tpu.memory_space<semaphore_mem>>) src(%dma_wait3A_160 : memref<110000x128xf32, #tpu.memory_space<hbm>>) dst(%arg9 : memref<328x128xf32, #tpu.memory_space<vmem>>)
    %dma_wait3A_161 = arith.constant 3936 : i32
    %dma_wait3A_162 = tpu.memref_slice %arg7[%dma_wait3A_161] : memref<8856xi32, #tpu.memory_space<vmem>> -> memref<328xi32, #tpu.memory_space<vmem>>
    %dma_wait3A_163 = arith.constant 0 : i32
    %dma_wait3A_164 = arith.constant 0 : i32
    %dma_wait3A_165 = tpu.memref_slice %arg2[%dma_wait3A_163, %dma_wait3A_164] : memref<110000x128xf32, #tpu.memory_space<hbm>> -> memref<110000x128xf32, #tpu.memory_space<hbm>>
    tpu.wait_indirect_dma semaphore(%arg13 : memref<!tpu.dma_semaphore, #tpu.memory_space<semaphore_mem>>) src(%dma_wait3A_165 : memref<110000x128xf32, #tpu.memory_space<hbm>>) dst(%arg9 : memref<328x128xf32, #tpu.memory_space<vmem>>)
    %dma_wait3A_166 = arith.constant 4264 : i32
    %dma_wait3A_167 = tpu.memref_slice %arg7[%dma_wait3A_166] : memref<8856xi32, #tpu.memory_space<vmem>> -> memref<328xi32, #tpu.memory_space<vmem>>
    %dma_wait3A_168 = arith.constant 0 : i32
    %dma_wait3A_169 = arith.constant 0 : i32
    %dma_wait3A_170 = tpu.memref_slice %arg2[%dma_wait3A_168, %dma_wait3A_169] : memref<110000x128xf32, #tpu.memory_space<hbm>> -> memref<110000x128xf32, #tpu.memory_space<hbm>>
    tpu.wait_indirect_dma semaphore(%arg13 : memref<!tpu.dma_semaphore, #tpu.memory_space<semaphore_mem>>) src(%dma_wait3A_170 : memref<110000x128xf32, #tpu.memory_space<hbm>>) dst(%arg9 : memref<328x128xf32, #tpu.memory_space<vmem>>)
    %dma_wait3A_171 = arith.constant 4592 : i32
    %dma_wait3A_172 = tpu.memref_slice %arg7[%dma_wait3A_171] : memref<8856xi32, #tpu.memory_space<vmem>> -> memref<328xi32, #tpu.memory_space<vmem>>
    %dma_wait3A_173 = arith.constant 0 : i32
    %dma_wait3A_174 = arith.constant 0 : i32
    %dma_wait3A_175 = tpu.memref_slice %arg2[%dma_wait3A_173, %dma_wait3A_174] : memref<110000x128xf32, #tpu.memory_space<hbm>> -> memref<110000x128xf32, #tpu.memory_space<hbm>>
    tpu.wait_indirect_dma semaphore(%arg13 : memref<!tpu.dma_semaphore, #tpu.memory_space<semaphore_mem>>) src(%dma_wait3A_175 : memref<110000x128xf32, #tpu.memory_space<hbm>>) dst(%arg9 : memref<328x128xf32, #tpu.memory_space<vmem>>)
    %dma_wait3A_176 = arith.constant 4920 : i32
    %dma_wait3A_177 = tpu.memref_slice %arg7[%dma_wait3A_176] : memref<8856xi32, #tpu.memory_space<vmem>> -> memref<328xi32, #tpu.memory_space<vmem>>
    %dma_wait3A_178 = arith.constant 0 : i32
    %dma_wait3A_179 = arith.constant 0 : i32
    %dma_wait3A_180 = tpu.memref_slice %arg2[%dma_wait3A_178, %dma_wait3A_179] : memref<110000x128xf32, #tpu.memory_space<hbm>> -> memref<110000x128xf32, #tpu.memory_space<hbm>>
    tpu.wait_indirect_dma semaphore(%arg13 : memref<!tpu.dma_semaphore, #tpu.memory_space<semaphore_mem>>) src(%dma_wait3A_180 : memref<110000x128xf32, #tpu.memory_space<hbm>>) dst(%arg9 : memref<328x128xf32, #tpu.memory_space<vmem>>)
    %dma_wait3A_181 = arith.constant 5248 : i32
    %dma_wait3A_182 = tpu.memref_slice %arg7[%dma_wait3A_181] : memref<8856xi32, #tpu.memory_space<vmem>> -> memref<328xi32, #tpu.memory_space<vmem>>
    %dma_wait3A_183 = arith.constant 0 : i32
    %dma_wait3A_184 = arith.constant 0 : i32
    %dma_wait3A_185 = tpu.memref_slice %arg2[%dma_wait3A_183, %dma_wait3A_184] : memref<110000x128xf32, #tpu.memory_space<hbm>> -> memref<110000x128xf32, #tpu.memory_space<hbm>>
    tpu.wait_indirect_dma semaphore(%arg13 : memref<!tpu.dma_semaphore, #tpu.memory_space<semaphore_mem>>) src(%dma_wait3A_185 : memref<110000x128xf32, #tpu.memory_space<hbm>>) dst(%arg9 : memref<328x128xf32, #tpu.memory_space<vmem>>)
    %add3A_186 = arith.constant 10000 : i32
    %add3A_187 = arith.addi %add3A_186, %mul3A_2 : i32
    %dma_start3A_188 = arith.constant 0 : i32
    %dma_start3A_189 = tpu.memref_slice %arg6[%add3A_187, %dma_start3A_188] : memref<30000x128xf32, #tpu.memory_space<hbm>> -> memref<328x128xf32, #tpu.memory_space<hbm>>
    %dma_start3A_190 = arith.constant 0 : i32
    %dma_start3A_191 = tpu.memref_slice %arg6[%add3A_187, %dma_start3A_190] : memref<30000x128xf32, #tpu.memory_space<hbm>> -> memref<328x128xf32, #tpu.memory_space<hbm>>
    tpu.enqueue_dma source(%arg9 : memref<328x128xf32, #tpu.memory_space<vmem>>) target(%dma_start3A_191 : memref<328x128xf32, #tpu.memory_space<hbm>>) target_semaphore(%arg15 : memref<!tpu.dma_semaphore, #tpu.memory_space<semaphore_mem>>)
    %dma_wait3A_192 = arith.constant 5576 : i32
    %dma_wait3A_193 = tpu.memref_slice %arg7[%dma_wait3A_192] : memref<8856xi32, #tpu.memory_space<vmem>> -> memref<328xi32, #tpu.memory_space<vmem>>
    %dma_wait3A_194 = arith.constant 0 : i32
    %dma_wait3A_195 = arith.constant 0 : i32
    %dma_wait3A_196 = tpu.memref_slice %arg2[%dma_wait3A_194, %dma_wait3A_195] : memref<110000x128xf32, #tpu.memory_space<hbm>> -> memref<110000x128xf32, #tpu.memory_space<hbm>>
    tpu.wait_indirect_dma semaphore(%arg10 : memref<!tpu.dma_semaphore, #tpu.memory_space<semaphore_mem>>) src(%dma_wait3A_196 : memref<110000x128xf32, #tpu.memory_space<hbm>>) dst(%arg8 : memref<328x128xf32, #tpu.memory_space<vmem>>)
    %dma_start3A_197 = arith.constant 5904 : i32
    %dma_start3A_198 = tpu.memref_slice %arg7[%dma_start3A_197] : memref<8856xi32, #tpu.memory_space<vmem>> -> memref<328xi32, #tpu.memory_space<vmem>>
    %dma_start3A_199 = arith.constant 0 : i32
    %dma_start3A_200 = arith.constant 0 : i32
    %dma_start3A_201 = tpu.memref_slice %arg2[%dma_start3A_199, %dma_start3A_200] : memref<110000x128xf32, #tpu.memory_space<hbm>> -> memref<110000x128xf32, #tpu.memory_space<hbm>>
    tpu.enqueue_indirect_dma source(%dma_start3A_201 : memref<110000x128xf32, #tpu.memory_space<hbm>>) target(%arg8 : memref<328x128xf32, #tpu.memory_space<vmem>>) offsets(%dma_start3A_198 : memref<328xi32, #tpu.memory_space<vmem>>) semaphore(%arg12 : memref<!tpu.dma_semaphore, #tpu.memory_space<semaphore_mem>>) {add = true}
    %dma_start3A_202 = arith.constant 6232 : i32
    %dma_start3A_203 = tpu.memref_slice %arg7[%dma_start3A_202] : memref<8856xi32, #tpu.memory_space<vmem>> -> memref<328xi32, #tpu.memory_space<vmem>>
    %dma_start3A_204 = arith.constant 0 : i32
    %dma_start3A_205 = arith.constant 0 : i32
    %dma_start3A_206 = tpu.memref_slice %arg2[%dma_start3A_204, %dma_start3A_205] : memref<110000x128xf32, #tpu.memory_space<hbm>> -> memref<110000x128xf32, #tpu.memory_space<hbm>>
    tpu.enqueue_indirect_dma source(%dma_start3A_206 : memref<110000x128xf32, #tpu.memory_space<hbm>>) target(%arg8 : memref<328x128xf32, #tpu.memory_space<vmem>>) offsets(%dma_start3A_203 : memref<328xi32, #tpu.memory_space<vmem>>) semaphore(%arg12 : memref<!tpu.dma_semaphore, #tpu.memory_space<semaphore_mem>>) {add = true}
    %dma_start3A_207 = arith.constant 6560 : i32
    %dma_start3A_208 = tpu.memref_slice %arg7[%dma_start3A_207] : memref<8856xi32, #tpu.memory_space<vmem>> -> memref<328xi32, #tpu.memory_space<vmem>>
    %dma_start3A_209 = arith.constant 0 : i32
    %dma_start3A_210 = arith.constant 0 : i32
    %dma_start3A_211 = tpu.memref_slice %arg2[%dma_start3A_209, %dma_start3A_210] : memref<110000x128xf32, #tpu.memory_space<hbm>> -> memref<110000x128xf32, #tpu.memory_space<hbm>>
    tpu.enqueue_indirect_dma source(%dma_start3A_211 : memref<110000x128xf32, #tpu.memory_space<hbm>>) target(%arg8 : memref<328x128xf32, #tpu.memory_space<vmem>>) offsets(%dma_start3A_208 : memref<328xi32, #tpu.memory_space<vmem>>) semaphore(%arg12 : memref<!tpu.dma_semaphore, #tpu.memory_space<semaphore_mem>>) {add = true}
    %dma_start3A_212 = arith.constant 6888 : i32
    %dma_start3A_213 = tpu.memref_slice %arg7[%dma_start3A_212] : memref<8856xi32, #tpu.memory_space<vmem>> -> memref<328xi32, #tpu.memory_space<vmem>>
    %dma_start3A_214 = arith.constant 0 : i32
    %dma_start3A_215 = arith.constant 0 : i32
    %dma_start3A_216 = tpu.memref_slice %arg2[%dma_start3A_214, %dma_start3A_215] : memref<110000x128xf32, #tpu.memory_space<hbm>> -> memref<110000x128xf32, #tpu.memory_space<hbm>>
    tpu.enqueue_indirect_dma source(%dma_start3A_216 : memref<110000x128xf32, #tpu.memory_space<hbm>>) target(%arg8 : memref<328x128xf32, #tpu.memory_space<vmem>>) offsets(%dma_start3A_213 : memref<328xi32, #tpu.memory_space<vmem>>) semaphore(%arg12 : memref<!tpu.dma_semaphore, #tpu.memory_space<semaphore_mem>>) {add = true}
    %dma_start3A_217 = arith.constant 7216 : i32
    %dma_start3A_218 = tpu.memref_slice %arg7[%dma_start3A_217] : memref<8856xi32, #tpu.memory_space<vmem>> -> memref<328xi32, #tpu.memory_space<vmem>>
    %dma_start3A_219 = arith.constant 0 : i32
    %dma_start3A_220 = arith.constant 0 : i32
    %dma_start3A_221 = tpu.memref_slice %arg2[%dma_start3A_219, %dma_start3A_220] : memref<110000x128xf32, #tpu.memory_space<hbm>> -> memref<110000x128xf32, #tpu.memory_space<hbm>>
    tpu.enqueue_indirect_dma source(%dma_start3A_221 : memref<110000x128xf32, #tpu.memory_space<hbm>>) target(%arg8 : memref<328x128xf32, #tpu.memory_space<vmem>>) offsets(%dma_start3A_218 : memref<328xi32, #tpu.memory_space<vmem>>) semaphore(%arg12 : memref<!tpu.dma_semaphore, #tpu.memory_space<semaphore_mem>>) {add = true}
    %dma_start3A_222 = arith.constant 7544 : i32
    %dma_start3A_223 = tpu.memref_slice %arg7[%dma_start3A_222] : memref<8856xi32, #tpu.memory_space<vmem>> -> memref<328xi32, #tpu.memory_space<vmem>>
    %dma_start3A_224 = arith.constant 0 : i32
    %dma_start3A_225 = arith.constant 0 : i32
    %dma_start3A_226 = tpu.memref_slice %arg2[%dma_start3A_224, %dma_start3A_225] : memref<110000x128xf32, #tpu.memory_space<hbm>> -> memref<110000x128xf32, #tpu.memory_space<hbm>>
    tpu.enqueue_indirect_dma source(%dma_start3A_226 : memref<110000x128xf32, #tpu.memory_space<hbm>>) target(%arg8 : memref<328x128xf32, #tpu.memory_space<vmem>>) offsets(%dma_start3A_223 : memref<328xi32, #tpu.memory_space<vmem>>) semaphore(%arg12 : memref<!tpu.dma_semaphore, #tpu.memory_space<semaphore_mem>>) {add = true}
    %dma_start3A_227 = arith.constant 7872 : i32
    %dma_start3A_228 = tpu.memref_slice %arg7[%dma_start3A_227] : memref<8856xi32, #tpu.memory_space<vmem>> -> memref<328xi32, #tpu.memory_space<vmem>>
    %dma_start3A_229 = arith.constant 0 : i32
    %dma_start3A_230 = arith.constant 0 : i32
    %dma_start3A_231 = tpu.memref_slice %arg2[%dma_start3A_229, %dma_start3A_230] : memref<110000x128xf32, #tpu.memory_space<hbm>> -> memref<110000x128xf32, #tpu.memory_space<hbm>>
    tpu.enqueue_indirect_dma source(%dma_start3A_231 : memref<110000x128xf32, #tpu.memory_space<hbm>>) target(%arg8 : memref<328x128xf32, #tpu.memory_space<vmem>>) offsets(%dma_start3A_228 : memref<328xi32, #tpu.memory_space<vmem>>) semaphore(%arg12 : memref<!tpu.dma_semaphore, #tpu.memory_space<semaphore_mem>>) {add = true}
    %dma_start3A_232 = arith.constant 8200 : i32
    %dma_start3A_233 = tpu.memref_slice %arg7[%dma_start3A_232] : memref<8856xi32, #tpu.memory_space<vmem>> -> memref<328xi32, #tpu.memory_space<vmem>>
    %dma_start3A_234 = arith.constant 0 : i32
    %dma_start3A_235 = arith.constant 0 : i32
    %dma_start3A_236 = tpu.memref_slice %arg2[%dma_start3A_234, %dma_start3A_235] : memref<110000x128xf32, #tpu.memory_space<hbm>> -> memref<110000x128xf32, #tpu.memory_space<hbm>>
    tpu.enqueue_indirect_dma source(%dma_start3A_236 : memref<110000x128xf32, #tpu.memory_space<hbm>>) target(%arg8 : memref<328x128xf32, #tpu.memory_space<vmem>>) offsets(%dma_start3A_233 : memref<328xi32, #tpu.memory_space<vmem>>) semaphore(%arg12 : memref<!tpu.dma_semaphore, #tpu.memory_space<semaphore_mem>>) {add = true}
    %dma_start3A_237 = arith.constant 8528 : i32
    %dma_start3A_238 = tpu.memref_slice %arg7[%dma_start3A_237] : memref<8856xi32, #tpu.memory_space<vmem>> -> memref<328xi32, #tpu.memory_space<vmem>>
    %dma_start3A_239 = arith.constant 0 : i32
    %dma_start3A_240 = arith.constant 0 : i32
    %dma_start3A_241 = tpu.memref_slice %arg2[%dma_start3A_239, %dma_start3A_240] : memref<110000x128xf32, #tpu.memory_space<hbm>> -> memref<110000x128xf32, #tpu.memory_space<hbm>>
    tpu.enqueue_indirect_dma source(%dma_start3A_241 : memref<110000x128xf32, #tpu.memory_space<hbm>>) target(%arg8 : memref<328x128xf32, #tpu.memory_space<vmem>>) offsets(%dma_start3A_238 : memref<328xi32, #tpu.memory_space<vmem>>) semaphore(%arg12 : memref<!tpu.dma_semaphore, #tpu.memory_space<semaphore_mem>>) {add = true}
    %dma_wait3A_242 = arith.constant 5904 : i32
    %dma_wait3A_243 = tpu.memref_slice %arg7[%dma_wait3A_242] : memref<8856xi32, #tpu.memory_space<vmem>> -> memref<328xi32, #tpu.memory_space<vmem>>
    %dma_wait3A_244 = arith.constant 0 : i32
    %dma_wait3A_245 = arith.constant 0 : i32
    %dma_wait3A_246 = tpu.memref_slice %arg2[%dma_wait3A_244, %dma_wait3A_245] : memref<110000x128xf32, #tpu.memory_space<hbm>> -> memref<110000x128xf32, #tpu.memory_space<hbm>>
    tpu.wait_indirect_dma semaphore(%arg12 : memref<!tpu.dma_semaphore, #tpu.memory_space<semaphore_mem>>) src(%dma_wait3A_246 : memref<110000x128xf32, #tpu.memory_space<hbm>>) dst(%arg8 : memref<328x128xf32, #tpu.memory_space<vmem>>)
    %dma_wait3A_247 = arith.constant 6232 : i32
    %dma_wait3A_248 = tpu.memref_slice %arg7[%dma_wait3A_247] : memref<8856xi32, #tpu.memory_space<vmem>> -> memref<328xi32, #tpu.memory_space<vmem>>
    %dma_wait3A_249 = arith.constant 0 : i32
    %dma_wait3A_250 = arith.constant 0 : i32
    %dma_wait3A_251 = tpu.memref_slice %arg2[%dma_wait3A_249, %dma_wait3A_250] : memref<110000x128xf32, #tpu.memory_space<hbm>> -> memref<110000x128xf32, #tpu.memory_space<hbm>>
    tpu.wait_indirect_dma semaphore(%arg12 : memref<!tpu.dma_semaphore, #tpu.memory_space<semaphore_mem>>) src(%dma_wait3A_251 : memref<110000x128xf32, #tpu.memory_space<hbm>>) dst(%arg8 : memref<328x128xf32, #tpu.memory_space<vmem>>)
    %dma_wait3A_252 = arith.constant 6560 : i32
    %dma_wait3A_253 = tpu.memref_slice %arg7[%dma_wait3A_252] : memref<8856xi32, #tpu.memory_space<vmem>> -> memref<328xi32, #tpu.memory_space<vmem>>
    %dma_wait3A_254 = arith.constant 0 : i32
    %dma_wait3A_255 = arith.constant 0 : i32
    %dma_wait3A_256 = tpu.memref_slice %arg2[%dma_wait3A_254, %dma_wait3A_255] : memref<110000x128xf32, #tpu.memory_space<hbm>> -> memref<110000x128xf32, #tpu.memory_space<hbm>>
    tpu.wait_indirect_dma semaphore(%arg12 : memref<!tpu.dma_semaphore, #tpu.memory_space<semaphore_mem>>) src(%dma_wait3A_256 : memref<110000x128xf32, #tpu.memory_space<hbm>>) dst(%arg8 : memref<328x128xf32, #tpu.memory_space<vmem>>)
    %dma_wait3A_257 = arith.constant 6888 : i32
    %dma_wait3A_258 = tpu.memref_slice %arg7[%dma_wait3A_257] : memref<8856xi32, #tpu.memory_space<vmem>> -> memref<328xi32, #tpu.memory_space<vmem>>
    %dma_wait3A_259 = arith.constant 0 : i32
    %dma_wait3A_260 = arith.constant 0 : i32
    %dma_wait3A_261 = tpu.memref_slice %arg2[%dma_wait3A_259, %dma_wait3A_260] : memref<110000x128xf32, #tpu.memory_space<hbm>> -> memref<110000x128xf32, #tpu.memory_space<hbm>>
    tpu.wait_indirect_dma semaphore(%arg12 : memref<!tpu.dma_semaphore, #tpu.memory_space<semaphore_mem>>) src(%dma_wait3A_261 : memref<110000x128xf32, #tpu.memory_space<hbm>>) dst(%arg8 : memref<328x128xf32, #tpu.memory_space<vmem>>)
    %dma_wait3A_262 = arith.constant 7216 : i32
    %dma_wait3A_263 = tpu.memref_slice %arg7[%dma_wait3A_262] : memref<8856xi32, #tpu.memory_space<vmem>> -> memref<328xi32, #tpu.memory_space<vmem>>
    %dma_wait3A_264 = arith.constant 0 : i32
    %dma_wait3A_265 = arith.constant 0 : i32
    %dma_wait3A_266 = tpu.memref_slice %arg2[%dma_wait3A_264, %dma_wait3A_265] : memref<110000x128xf32, #tpu.memory_space<hbm>> -> memref<110000x128xf32, #tpu.memory_space<hbm>>
    tpu.wait_indirect_dma semaphore(%arg12 : memref<!tpu.dma_semaphore, #tpu.memory_space<semaphore_mem>>) src(%dma_wait3A_266 : memref<110000x128xf32, #tpu.memory_space<hbm>>) dst(%arg8 : memref<328x128xf32, #tpu.memory_space<vmem>>)
    %dma_wait3A_267 = arith.constant 7544 : i32
    %dma_wait3A_268 = tpu.memref_slice %arg7[%dma_wait3A_267] : memref<8856xi32, #tpu.memory_space<vmem>> -> memref<328xi32, #tpu.memory_space<vmem>>
    %dma_wait3A_269 = arith.constant 0 : i32
    %dma_wait3A_270 = arith.constant 0 : i32
    %dma_wait3A_271 = tpu.memref_slice %arg2[%dma_wait3A_269, %dma_wait3A_270] : memref<110000x128xf32, #tpu.memory_space<hbm>> -> memref<110000x128xf32, #tpu.memory_space<hbm>>
    tpu.wait_indirect_dma semaphore(%arg12 : memref<!tpu.dma_semaphore, #tpu.memory_space<semaphore_mem>>) src(%dma_wait3A_271 : memref<110000x128xf32, #tpu.memory_space<hbm>>) dst(%arg8 : memref<328x128xf32, #tpu.memory_space<vmem>>)
    %dma_wait3A_272 = arith.constant 7872 : i32
    %dma_wait3A_273 = tpu.memref_slice %arg7[%dma_wait3A_272] : memref<8856xi32, #tpu.memory_space<vmem>> -> memref<328xi32, #tpu.memory_space<vmem>>
    %dma_wait3A_274 = arith.constant 0 : i32
    %dma_wait3A_275 = arith.constant 0 : i32
    %dma_wait3A_276 = tpu.memref_slice %arg2[%dma_wait3A_274, %dma_wait3A_275] : memref<110000x128xf32, #tpu.memory_space<hbm>> -> memref<110000x128xf32, #tpu.memory_space<hbm>>
    tpu.wait_indirect_dma semaphore(%arg12 : memref<!tpu.dma_semaphore, #tpu.memory_space<semaphore_mem>>) src(%dma_wait3A_276 : memref<110000x128xf32, #tpu.memory_space<hbm>>) dst(%arg8 : memref<328x128xf32, #tpu.memory_space<vmem>>)
    %dma_wait3A_277 = arith.constant 8200 : i32
    %dma_wait3A_278 = tpu.memref_slice %arg7[%dma_wait3A_277] : memref<8856xi32, #tpu.memory_space<vmem>> -> memref<328xi32, #tpu.memory_space<vmem>>
    %dma_wait3A_279 = arith.constant 0 : i32
    %dma_wait3A_280 = arith.constant 0 : i32
    %dma_wait3A_281 = tpu.memref_slice %arg2[%dma_wait3A_279, %dma_wait3A_280] : memref<110000x128xf32, #tpu.memory_space<hbm>> -> memref<110000x128xf32, #tpu.memory_space<hbm>>
    tpu.wait_indirect_dma semaphore(%arg12 : memref<!tpu.dma_semaphore, #tpu.memory_space<semaphore_mem>>) src(%dma_wait3A_281 : memref<110000x128xf32, #tpu.memory_space<hbm>>) dst(%arg8 : memref<328x128xf32, #tpu.memory_space<vmem>>)
    %dma_wait3A_282 = arith.constant 8528 : i32
    %dma_wait3A_283 = tpu.memref_slice %arg7[%dma_wait3A_282] : memref<8856xi32, #tpu.memory_space<vmem>> -> memref<328xi32, #tpu.memory_space<vmem>>
    %dma_wait3A_284 = arith.constant 0 : i32
    %dma_wait3A_285 = arith.constant 0 : i32
    %dma_wait3A_286 = tpu.memref_slice %arg2[%dma_wait3A_284, %dma_wait3A_285] : memref<110000x128xf32, #tpu.memory_space<hbm>> -> memref<110000x128xf32, #tpu.memory_space<hbm>>
    tpu.wait_indirect_dma semaphore(%arg12 : memref<!tpu.dma_semaphore, #tpu.memory_space<semaphore_mem>>) src(%dma_wait3A_286 : memref<110000x128xf32, #tpu.memory_space<hbm>>) dst(%arg8 : memref<328x128xf32, #tpu.memory_space<vmem>>)
    %add3A_287 = arith.constant 20000 : i32
    %add3A_288 = arith.addi %add3A_287, %mul3A_2 : i32
    %dma_start3A_289 = arith.constant 0 : i32
    %dma_start3A_290 = tpu.memref_slice %arg6[%add3A_288, %dma_start3A_289] : memref<30000x128xf32, #tpu.memory_space<hbm>> -> memref<328x128xf32, #tpu.memory_space<hbm>>
    %dma_start3A_291 = arith.constant 0 : i32
    %dma_start3A_292 = tpu.memref_slice %arg6[%add3A_288, %dma_start3A_291] : memref<30000x128xf32, #tpu.memory_space<hbm>> -> memref<328x128xf32, #tpu.memory_space<hbm>>
    tpu.enqueue_dma source(%arg8 : memref<328x128xf32, #tpu.memory_space<vmem>>) target(%dma_start3A_292 : memref<328x128xf32, #tpu.memory_space<hbm>>) target_semaphore(%arg14 : memref<!tpu.dma_semaphore, #tpu.memory_space<semaphore_mem>>)
    %dma_wait3A_293 = arith.constant 0 : i32
    %dma_wait3A_294 = tpu.memref_slice %arg6[%add3A_187, %dma_wait3A_293] : memref<30000x128xf32, #tpu.memory_space<hbm>> -> memref<328x128xf32, #tpu.memory_space<hbm>>
    %dma_wait3A_295 = arith.constant 0 : i32
    %dma_wait3A_296 = tpu.memref_slice %arg6[%add3A_187, %dma_wait3A_295] : memref<30000x128xf32, #tpu.memory_space<hbm>> -> memref<328x128xf32, #tpu.memory_space<hbm>>
    tpu.wait_dma2 semaphore(%arg15 : memref<!tpu.dma_semaphore, #tpu.memory_space<semaphore_mem>>) src(%arg9 : memref<328x128xf32, #tpu.memory_space<vmem>>) dst(%dma_wait3A_296 : memref<328x128xf32, #tpu.memory_space<hbm>>)
    %dma_wait3A_297 = arith.constant 0 : i32
    %dma_wait3A_298 = tpu.memref_slice %arg6[%add3A_288, %dma_wait3A_297] : memref<30000x128xf32, #tpu.memory_space<hbm>> -> memref<328x128xf32, #tpu.memory_space<hbm>>
    %dma_wait3A_299 = arith.constant 0 : i32
    %dma_wait3A_300 = tpu.memref_slice %arg6[%add3A_288, %dma_wait3A_299] : memref<30000x128xf32, #tpu.memory_space<hbm>> -> memref<328x128xf32, #tpu.memory_space<hbm>>
    tpu.wait_dma2 semaphore(%arg14 : memref<!tpu.dma_semaphore, #tpu.memory_space<semaphore_mem>>) src(%arg8 : memref<328x128xf32, #tpu.memory_space<vmem>>) dst(%dma_wait3A_300 : memref<328x128xf32, #tpu.memory_space<hbm>>)
    return
  }
}

module attributes {stable_mosaic.version = 14 : i64} {
  func.func @body(%arg0: i32, %arg1: memref<2000x128xf32, #tpu.memory_space<vmem>>, %arg2: memref<1x128x128xf32, #tpu.memory_space<vmem>>, %arg3: memref<1x1x128xf32, #tpu.memory_space<vmem>>, %arg4: memref<2000x128xf32, #tpu.memory_space<vmem>>) attributes {dimension_semantics = [#tpu.dimension_semantics<arbitrary>], iteration_bounds = array<i64: 5>, scalar_prefetch = 0 : i64, scratch_operands = 0 : i64, tpu.core_type = #tpu.core_type<tc>, window_params = [{transform_indices = @transform_0, window_bounds = array<i64: 2000, 128>}, {transform_indices = @transform_1, window_bounds = array<i64: 1, 128, 128>}, {transform_indices = @transform_2, window_bounds = array<i64: 1, 1, 128>}, {transform_indices = @transform_3, window_bounds = array<i64: 2000, 128>}]} {
    %get3A = arith.constant 0 : index
    %get3A_0 = arith.constant 0 : index
    %get3A_1 = vector.load %arg1[%get3A, %get3A_0] : memref<2000x128xf32, #tpu.memory_space<vmem>>, vector<2000x128xf32>
    %get3A_2 = arith.constant 0 : index
    %get3A_3 = arith.constant 0 : index
    %get3A_4 = arith.constant 0 : index
    %get3A_5 = vector.load %arg2[%get3A_2, %get3A_3, %get3A_4] : memref<1x128x128xf32, #tpu.memory_space<vmem>>, vector<1x128x128xf32>
    %get3A_6 = vector.shape_cast %get3A_5 : vector<1x128x128xf32> to vector<128x128xf32>
    %dot_general3A = arith.constant dense<0.000000e+00> : vector<2000x128xf32>
    %dot_general3A_7 = tpu.matmul %get3A_1, %get3A_6, %dot_general3A {dimension_numbers = #tpu.dot_dimension_numbers<[1], [0], [0], [1], [0, 0, 1, 1], [], []>, transpose_lhs_hint = false} : vector<2000x128xf32>, vector<128x128xf32>, vector<2000x128xf32> -> vector<2000x128xf32>
    %get3A_8 = arith.constant 0 : index
    %get3A_9 = arith.constant 0 : index
    %get3A_10 = arith.constant 0 : index
    %get3A_11 = vector.load %arg3[%get3A_8, %get3A_9, %get3A_10] : memref<1x1x128xf32, #tpu.memory_space<vmem>>, vector<1x1x128xf32>
    %get3A_12 = vector.shape_cast %get3A_11 : vector<1x1x128xf32> to vector<1x128xf32>
    %add3A = vector.broadcast %get3A_12 : vector<1x128xf32> to vector<2000x128xf32>
    %add3A_13 = arith.addf %dot_general3A_7, %add3A : vector<2000x128xf32>
    %swap3A = arith.constant 0 : index
    %swap3A_14 = arith.constant 0 : index
    %swap3A_15 = vector.load %arg4[%swap3A, %swap3A_14] : memref<2000x128xf32, #tpu.memory_space<vmem>>, vector<2000x128xf32>
    tpu.vector_store %arg4[%swap3A, %swap3A_14], %add3A_13 {strides = array<i32>} : memref<2000x128xf32, #tpu.memory_space<vmem>>, vector<2000x128xf32>,
    return
  }
  func.func @transform_0(%arg0: i32) -> (i32, i32) {
    %c0_i32 = arith.constant 0 : i32
    %c0_i32_0 = arith.constant 0 : i32
    return %arg0, %c0_i32 : i32, i32
  }
  func.func @transform_1(%arg0: i32) -> (i32, i32, i32) {
    %c20_i32 = arith.constant 20 : i32
    %c0_i32 = arith.constant 0 : i32
    %c0_i32_0 = arith.constant 0 : i32
    %c0_i32_1 = arith.constant 0 : i32
    return %c20_i32, %c0_i32, %c0_i32_0 : i32, i32, i32
  }
  func.func @transform_2(%arg0: i32) -> (i32, i32, i32) {
    %c20_i32 = arith.constant 20 : i32
    %c0_i32 = arith.constant 0 : i32
    %c0_i32_0 = arith.constant 0 : i32
    %c0_i32_1 = arith.constant 0 : i32
    return %c20_i32, %c0_i32, %c0_i32_0 : i32, i32, i32
  }
  func.func @transform_3(%arg0: i32) -> (i32, i32) {
    %c0_i32 = arith.constant 0 : i32
    %c0_i32_0 = arith.constant 0 : i32
    return %arg0, %c0_i32 : i32, i32
  }
}

module attributes {stable_mosaic.version = 14 : i64} {
  func.func @body(%arg0: i32, %arg1: i32, %arg2: memref<110000x128xf32, #tpu.memory_space<hbm>>, %arg3: memref<2000x128xf32, #tpu.memory_space<vmem>>, %arg4: memref<2000x128xf32, #tpu.memory_space<vmem>>, %arg5: memref<1x128x128xf32, #tpu.memory_space<vmem>>, %arg6: memref<1x128x128xf32, #tpu.memory_space<vmem>>, %arg7: memref<1x1x128xf32, #tpu.memory_space<vmem>>, %arg8: memref<1x1x128xf32, #tpu.memory_space<vmem>>, %arg9: memref<2000x128xf32, #tpu.memory_space<vmem>>) attributes {dimension_semantics = [#tpu.dimension_semantics<arbitrary>, #tpu.dimension_semantics<arbitrary>], iteration_bounds = array<i64: 7, 5>, scalar_prefetch = 0 : i64, scratch_operands = 0 : i64, tpu.core_type = #tpu.core_type<tc>, window_params = [{}, {transform_indices = @transform_1, window_bounds = array<i64: 2000, 128>}, {transform_indices = @transform_2, window_bounds = array<i64: 2000, 128>}, {transform_indices = @transform_3, window_bounds = array<i64: 1, 128, 128>}, {transform_indices = @transform_4, window_bounds = array<i64: 1, 128, 128>}, {transform_indices = @transform_5, window_bounds = array<i64: 1, 1, 128>}, {transform_indices = @transform_6, window_bounds = array<i64: 1, 1, 128>}, {transform_indices = @transform_7, window_bounds = array<i64: 2000, 128>}]} {
    %add3A = arith.constant 1 : i32
    %add3A_0 = arith.addi %arg0, %add3A : i32
    %convert_element_type3A = arith.sitofp %add3A_0 : i32 to f32
    %div3A = arith.constant 1.000000e+00 : f32
    %div3A_1 = arith.divf %div3A, %convert_element_type3A : f32
    %get3A = arith.constant 0 : index
    %get3A_2 = arith.constant 0 : index
    %get3A_3 = vector.load %arg3[%get3A, %get3A_2] : memref<2000x128xf32, #tpu.memory_space<vmem>>, vector<2000x128xf32>
    %get3A_4 = arith.constant 0 : index
    %get3A_5 = arith.constant 0 : index
    %get3A_6 = arith.constant 0 : index
    %get3A_7 = vector.load %arg5[%get3A_4, %get3A_5, %get3A_6] : memref<1x128x128xf32, #tpu.memory_space<vmem>>, vector<1x128x128xf32>
    %get3A_8 = vector.shape_cast %get3A_7 : vector<1x128x128xf32> to vector<128x128xf32>
    %dot_general3A = arith.constant dense<0.000000e+00> : vector<2000x128xf32>
    %dot_general3A_9 = tpu.matmul %get3A_3, %get3A_8, %dot_general3A {dimension_numbers = #tpu.dot_dimension_numbers<[1], [0], [0], [1], [0, 0, 1, 1], [], []>, transpose_lhs_hint = false} : vector<2000x128xf32>, vector<128x128xf32>, vector<2000x128xf32> -> vector<2000x128xf32>
    %get3A_10 = arith.constant 0 : index
    %get3A_11 = arith.constant 0 : index
    %get3A_12 = vector.load %arg4[%get3A_10, %get3A_11] : memref<2000x128xf32, #tpu.memory_space<vmem>>, vector<2000x128xf32>
    %get3A_13 = arith.constant 0 : index
    %get3A_14 = arith.constant 0 : index
    %get3A_15 = arith.constant 0 : index
    %get3A_16 = vector.load %arg6[%get3A_13, %get3A_14, %get3A_15] : memref<1x128x128xf32, #tpu.memory_space<vmem>>, vector<1x128x128xf32>
    %get3A_17 = vector.shape_cast %get3A_16 : vector<1x128x128xf32> to vector<128x128xf32>
    %dot_general3A_18 = arith.constant dense<0.000000e+00> : vector<2000x128xf32>
    %dot_general3A_19 = tpu.matmul %get3A_12, %get3A_17, %dot_general3A_18 {dimension_numbers = #tpu.dot_dimension_numbers<[1], [0], [0], [1], [0, 0, 1, 1], [], []>, transpose_lhs_hint = false} : vector<2000x128xf32>, vector<128x128xf32>, vector<2000x128xf32> -> vector<2000x128xf32>
    %mul3A = vector.broadcast %div3A_1 : f32 to vector<2000x128xf32>
    %mul3A_20 = arith.mulf %dot_general3A_19, %mul3A : vector<2000x128xf32>
    %add3A_21 = arith.addf %dot_general3A_9, %mul3A_20 : vector<2000x128xf32>
    %get3A_22 = arith.constant 0 : index
    %get3A_23 = arith.constant 0 : index
    %get3A_24 = arith.constant 0 : index
    %get3A_25 = vector.load %arg7[%get3A_22, %get3A_23, %get3A_24] : memref<1x1x128xf32, #tpu.memory_space<vmem>>, vector<1x1x128xf32>
    %get3A_26 = vector.shape_cast %get3A_25 : vector<1x1x128xf32> to vector<1x128xf32>
    %add3A_27 = vector.broadcast %get3A_26 : vector<1x128xf32> to vector<2000x128xf32>
    %add3A_28 = arith.addf %add3A_21, %add3A_27 : vector<2000x128xf32>
    %get3A_29 = arith.constant 0 : index
    %get3A_30 = arith.constant 0 : index
    %get3A_31 = arith.constant 0 : index
    %get3A_32 = vector.load %arg8[%get3A_29, %get3A_30, %get3A_31] : memref<1x1x128xf32, #tpu.memory_space<vmem>>, vector<1x1x128xf32>
    %get3A_33 = vector.shape_cast %get3A_32 : vector<1x1x128xf32> to vector<1x128xf32>
    %add3A_34 = vector.broadcast %get3A_33 : vector<1x128xf32> to vector<2000x128xf32>
    %add3A_35 = arith.addf %add3A_28, %add3A_34 : vector<2000x128xf32>
    %swap3A = arith.constant 0 : index
    %swap3A_36 = arith.constant 0 : index
    %swap3A_37 = vector.load %arg9[%swap3A, %swap3A_36] : memref<2000x128xf32, #tpu.memory_space<vmem>>, vector<2000x128xf32>
    tpu.vector_store %arg9[%swap3A, %swap3A_36], %add3A_35 {strides = array<i32>} : memref<2000x128xf32, #tpu.memory_space<vmem>>, vector<2000x128xf32>,
    return
  }
  func.func @transform_1(%arg0: i32, %arg1: i32) -> (i32, i32) {
    %add3A = arith.constant 1 : i32
    %add3A_0 = arith.addi %add3A, %arg0 : i32
    %mul3A = arith.constant 5 : i32
    %mul3A_1 = arith.muli %add3A_0, %mul3A : i32
    %add3A_2 = arith.addi %mul3A_1, %arg1 : i32
    %c0_i32 = arith.constant 0 : i32
    %c0_i32_3 = arith.constant 0 : i32
    return %add3A_2, %c0_i32 : i32, i32
  }
  func.func @transform_2(%arg0: i32, %arg1: i32) -> (i32, i32) {
    %mul3A = arith.constant 5 : i32
    %mul3A_0 = arith.muli %arg0, %mul3A : i32
    %add3A = arith.addi %mul3A_0, %arg1 : i32
    %c0_i32 = arith.constant 0 : i32
    %c0_i32_1 = arith.constant 0 : i32
    return %add3A, %c0_i32 : i32, i32
  }
  func.func @transform_3(%arg0: i32, %arg1: i32) -> (i32, i32, i32) {
    %add3A = arith.constant 1 : i32
    %add3A_0 = arith.addi %add3A, %arg0 : i32
    %mul3A = arith.constant 2 : i32
    %mul3A_1 = arith.muli %mul3A, %add3A_0 : i32
    %sub3A = arith.constant 1 : i32
    %sub3A_2 = arith.subi %mul3A_1, %sub3A : i32
    %c0_i32 = arith.constant 0 : i32
    %c0_i32_3 = arith.constant 0 : i32
    %c0_i32_4 = arith.constant 0 : i32
    return %sub3A_2, %c0_i32, %c0_i32_3 : i32, i32, i32
  }
  func.func @transform_4(%arg0: i32, %arg1: i32) -> (i32, i32, i32) {
    %add3A = arith.constant 1 : i32
    %add3A_0 = arith.addi %add3A, %arg0 : i32
    %mul3A = arith.constant 2 : i32
    %mul3A_1 = arith.muli %mul3A, %add3A_0 : i32
    %sub3A = arith.constant 2 : i32
    %sub3A_2 = arith.subi %mul3A_1, %sub3A : i32
    %c0_i32 = arith.constant 0 : i32
    %c0_i32_3 = arith.constant 0 : i32
    %c0_i32_4 = arith.constant 0 : i32
    return %sub3A_2, %c0_i32, %c0_i32_3 : i32, i32, i32
  }
  func.func @transform_5(%arg0: i32, %arg1: i32) -> (i32, i32, i32) {
    %add3A = arith.constant 1 : i32
    %add3A_0 = arith.addi %add3A, %arg0 : i32
    %mul3A = arith.constant 2 : i32
    %mul3A_1 = arith.muli %mul3A, %add3A_0 : i32
    %sub3A = arith.constant 1 : i32
    %sub3A_2 = arith.subi %mul3A_1, %sub3A : i32
    %c0_i32 = arith.constant 0 : i32
    %c0_i32_3 = arith.constant 0 : i32
    %c0_i32_4 = arith.constant 0 : i32
    return %sub3A_2, %c0_i32, %c0_i32_3 : i32, i32, i32
  }
  func.func @transform_6(%arg0: i32, %arg1: i32) -> (i32, i32, i32) {
    %add3A = arith.constant 1 : i32
    %add3A_0 = arith.addi %add3A, %arg0 : i32
    %mul3A = arith.constant 2 : i32
    %mul3A_1 = arith.muli %mul3A, %add3A_0 : i32
    %sub3A = arith.constant 2 : i32
    %sub3A_2 = arith.subi %mul3A_1, %sub3A : i32
    %c0_i32 = arith.constant 0 : i32
    %c0_i32_3 = arith.constant 0 : i32
    %c0_i32_4 = arith.constant 0 : i32
    return %sub3A_2, %c0_i32, %c0_i32_3 : i32, i32, i32
  }
  func.func @transform_7(%arg0: i32, %arg1: i32) -> (i32, i32) {
    %add3A = arith.constant 1 : i32
    %add3A_0 = arith.addi %add3A, %arg0 : i32
    %mul3A = arith.constant 5 : i32
    %mul3A_1 = arith.muli %add3A_0, %mul3A : i32
    %add3A_2 = arith.addi %mul3A_1, %arg1 : i32
    %c0_i32 = arith.constant 0 : i32
    %c0_i32_3 = arith.constant 0 : i32
    return %add3A_2, %c0_i32 : i32, i32
  }
}

module attributes {stable_mosaic.version = 14 : i64} {
  func.func @body(%arg0: i32, %arg1: i32, %arg2: memref<110000x128xf32, #tpu.memory_space<hbm>>, %arg3: memref<2000x128xf32, #tpu.memory_space<vmem>>, %arg4: memref<2000x128xf32, #tpu.memory_space<vmem>>, %arg5: memref<1x128x128xf32, #tpu.memory_space<vmem>>, %arg6: memref<1x128x128xf32, #tpu.memory_space<vmem>>, %arg7: memref<1x1x128xf32, #tpu.memory_space<vmem>>, %arg8: memref<1x1x128xf32, #tpu.memory_space<vmem>>, %arg9: memref<2000x128xf32, #tpu.memory_space<vmem>>) attributes {dimension_semantics = [#tpu.dimension_semantics<arbitrary>, #tpu.dimension_semantics<arbitrary>], iteration_bounds = array<i64: 3, 5>, scalar_prefetch = 0 : i64, scratch_operands = 0 : i64, tpu.core_type = #tpu.core_type<tc>, window_params = [{}, {transform_indices = @transform_1, window_bounds = array<i64: 2000, 128>}, {transform_indices = @transform_2, window_bounds = array<i64: 2000, 128>}, {transform_indices = @transform_3, window_bounds = array<i64: 1, 128, 128>}, {transform_indices = @transform_4, window_bounds = array<i64: 1, 128, 128>}, {transform_indices = @transform_5, window_bounds = array<i64: 1, 1, 128>}, {transform_indices = @transform_6, window_bounds = array<i64: 1, 1, 128>}, {transform_indices = @transform_7, window_bounds = array<i64: 2000, 128>}]} {
    %add3A = arith.constant 8 : i32
    %add3A_0 = arith.addi %arg0, %add3A : i32
    %convert_element_type3A = arith.sitofp %add3A_0 : i32 to f32
    %div3A = arith.constant 1.000000e+00 : f32
    %div3A_1 = arith.divf %div3A, %convert_element_type3A : f32
    %get3A = arith.constant 0 : index
    %get3A_2 = arith.constant 0 : index
    %get3A_3 = vector.load %arg3[%get3A, %get3A_2] : memref<2000x128xf32, #tpu.memory_space<vmem>>, vector<2000x128xf32>
    %get3A_4 = arith.constant 0 : index
    %get3A_5 = arith.constant 0 : index
    %get3A_6 = arith.constant 0 : index
    %get3A_7 = vector.load %arg5[%get3A_4, %get3A_5, %get3A_6] : memref<1x128x128xf32, #tpu.memory_space<vmem>>, vector<1x128x128xf32>
    %get3A_8 = vector.shape_cast %get3A_7 : vector<1x128x128xf32> to vector<128x128xf32>
    %dot_general3A = arith.constant dense<0.000000e+00> : vector<2000x128xf32>
    %dot_general3A_9 = tpu.matmul %get3A_3, %get3A_8, %dot_general3A {dimension_numbers = #tpu.dot_dimension_numbers<[1], [0], [0], [1], [0, 0, 1, 1], [], []>, transpose_lhs_hint = false} : vector<2000x128xf32>, vector<128x128xf32>, vector<2000x128xf32> -> vector<2000x128xf32>
    %get3A_10 = arith.constant 0 : index
    %get3A_11 = arith.constant 0 : index
    %get3A_12 = vector.load %arg4[%get3A_10, %get3A_11] : memref<2000x128xf32, #tpu.memory_space<vmem>>, vector<2000x128xf32>
    %get3A_13 = arith.constant 0 : index
    %get3A_14 = arith.constant 0 : index
    %get3A_15 = arith.constant 0 : index
    %get3A_16 = vector.load %arg6[%get3A_13, %get3A_14, %get3A_15] : memref<1x128x128xf32, #tpu.memory_space<vmem>>, vector<1x128x128xf32>
    %get3A_17 = vector.shape_cast %get3A_16 : vector<1x128x128xf32> to vector<128x128xf32>
    %dot_general3A_18 = arith.constant dense<0.000000e+00> : vector<2000x128xf32>
    %dot_general3A_19 = tpu.matmul %get3A_12, %get3A_17, %dot_general3A_18 {dimension_numbers = #tpu.dot_dimension_numbers<[1], [0], [0], [1], [0, 0, 1, 1], [], []>, transpose_lhs_hint = false} : vector<2000x128xf32>, vector<128x128xf32>, vector<2000x128xf32> -> vector<2000x128xf32>
    %mul3A = vector.broadcast %div3A_1 : f32 to vector<2000x128xf32>
    %mul3A_20 = arith.mulf %dot_general3A_19, %mul3A : vector<2000x128xf32>
    %add3A_21 = arith.addf %dot_general3A_9, %mul3A_20 : vector<2000x128xf32>
    %get3A_22 = arith.constant 0 : index
    %get3A_23 = arith.constant 0 : index
    %get3A_24 = arith.constant 0 : index
    %get3A_25 = vector.load %arg7[%get3A_22, %get3A_23, %get3A_24] : memref<1x1x128xf32, #tpu.memory_space<vmem>>, vector<1x1x128xf32>
    %get3A_26 = vector.shape_cast %get3A_25 : vector<1x1x128xf32> to vector<1x128xf32>
    %add3A_27 = vector.broadcast %get3A_26 : vector<1x128xf32> to vector<2000x128xf32>
    %add3A_28 = arith.addf %add3A_21, %add3A_27 : vector<2000x128xf32>
    %get3A_29 = arith.constant 0 : index
    %get3A_30 = arith.constant 0 : index
    %get3A_31 = arith.constant 0 : index
    %get3A_32 = vector.load %arg8[%get3A_29, %get3A_30, %get3A_31] : memref<1x1x128xf32, #tpu.memory_space<vmem>>, vector<1x1x128xf32>
    %get3A_33 = vector.shape_cast %get3A_32 : vector<1x1x128xf32> to vector<1x128xf32>
    %add3A_34 = vector.broadcast %get3A_33 : vector<1x128xf32> to vector<2000x128xf32>
    %add3A_35 = arith.addf %add3A_28, %add3A_34 : vector<2000x128xf32>
    %swap3A = arith.constant 0 : index
    %swap3A_36 = arith.constant 0 : index
    %swap3A_37 = vector.load %arg9[%swap3A, %swap3A_36] : memref<2000x128xf32, #tpu.memory_space<vmem>>, vector<2000x128xf32>
    tpu.vector_store %arg9[%swap3A, %swap3A_36], %add3A_35 {strides = array<i32>} : memref<2000x128xf32, #tpu.memory_space<vmem>>, vector<2000x128xf32>,
    return
  }
  func.func @transform_1(%arg0: i32, %arg1: i32) -> (i32, i32) {
    %add3A = arith.constant 8 : i32
    %add3A_0 = arith.addi %add3A, %arg0 : i32
    %mul3A = arith.constant 5 : i32
    %mul3A_1 = arith.muli %add3A_0, %mul3A : i32
    %add3A_2 = arith.addi %mul3A_1, %arg1 : i32
    %c0_i32 = arith.constant 0 : i32
    %c0_i32_3 = arith.constant 0 : i32
    return %add3A_2, %c0_i32 : i32, i32
  }
  func.func @transform_2(%arg0: i32, %arg1: i32) -> (i32, i32) {
    %mul3A = arith.constant 5 : i32
    %mul3A_0 = arith.muli %arg0, %mul3A : i32
    %add3A = arith.addi %mul3A_0, %arg1 : i32
    %c0_i32 = arith.constant 0 : i32
    %c0_i32_1 = arith.constant 0 : i32
    return %add3A, %c0_i32 : i32, i32
  }
  func.func @transform_3(%arg0: i32, %arg1: i32) -> (i32, i32, i32) {
    %add3A = arith.constant 8 : i32
    %add3A_0 = arith.addi %add3A, %arg0 : i32
    %mul3A = arith.constant 2 : i32
    %mul3A_1 = arith.muli %mul3A, %add3A_0 : i32
    %sub3A = arith.constant 1 : i32
    %sub3A_2 = arith.subi %mul3A_1, %sub3A : i32
    %c0_i32 = arith.constant 0 : i32
    %c0_i32_3 = arith.constant 0 : i32
    %c0_i32_4 = arith.constant 0 : i32
    return %sub3A_2, %c0_i32, %c0_i32_3 : i32, i32, i32
  }
  func.func @transform_4(%arg0: i32, %arg1: i32) -> (i32, i32, i32) {
    %add3A = arith.constant 8 : i32
    %add3A_0 = arith.addi %add3A, %arg0 : i32
    %mul3A = arith.constant 2 : i32
    %mul3A_1 = arith.muli %mul3A, %add3A_0 : i32
    %sub3A = arith.constant 2 : i32
    %sub3A_2 = arith.subi %mul3A_1, %sub3A : i32
    %c0_i32 = arith.constant 0 : i32
    %c0_i32_3 = arith.constant 0 : i32
    %c0_i32_4 = arith.constant 0 : i32
    return %sub3A_2, %c0_i32, %c0_i32_3 : i32, i32, i32
  }
  func.func @transform_5(%arg0: i32, %arg1: i32) -> (i32, i32, i32) {
    %add3A = arith.constant 8 : i32
    %add3A_0 = arith.addi %add3A, %arg0 : i32
    %mul3A = arith.constant 2 : i32
    %mul3A_1 = arith.muli %mul3A, %add3A_0 : i32
    %sub3A = arith.constant 1 : i32
    %sub3A_2 = arith.subi %mul3A_1, %sub3A : i32
    %c0_i32 = arith.constant 0 : i32
    %c0_i32_3 = arith.constant 0 : i32
    %c0_i32_4 = arith.constant 0 : i32
    return %sub3A_2, %c0_i32, %c0_i32_3 : i32, i32, i32
  }
  func.func @transform_6(%arg0: i32, %arg1: i32) -> (i32, i32, i32) {
    %add3A = arith.constant 8 : i32
    %add3A_0 = arith.addi %add3A, %arg0 : i32
    %mul3A = arith.constant 2 : i32
    %mul3A_1 = arith.muli %mul3A, %add3A_0 : i32
    %sub3A = arith.constant 2 : i32
    %sub3A_2 = arith.subi %mul3A_1, %sub3A : i32
    %c0_i32 = arith.constant 0 : i32
    %c0_i32_3 = arith.constant 0 : i32
    %c0_i32_4 = arith.constant 0 : i32
    return %sub3A_2, %c0_i32, %c0_i32_3 : i32, i32, i32
  }
  func.func @transform_7(%arg0: i32, %arg1: i32) -> (i32, i32) {
    %add3A = arith.constant 8 : i32
    %add3A_0 = arith.addi %add3A, %arg0 : i32
    %mul3A = arith.constant 5 : i32
    %mul3A_1 = arith.muli %add3A_0, %mul3A : i32
    %add3A_2 = arith.addi %mul3A_1, %arg1 : i32
    %c0_i32 = arith.constant 0 : i32
    %c0_i32_3 = arith.constant 0 : i32
    return %add3A_2, %c0_i32 : i32, i32
  }
}

</mosaic_0001>

<sc_bundles>
// kernel: kernel.10.cloned.1.call-start
scs
__scs_entry_jumppad:
0x0: {  	(pc) =	sbr.rel $0x88, $3  }
0x1: {  	(tag) =	ssettag $0x0;
	lr =	simm.s32 $0x1  }
0x2: {  	[smem:$0x3F94] =	sst lr;
	_ =	strace $0xD0000000  }
0x3: {  	_ = 	snop  }
0x4: {  	_ = 	snop  }
0x5: {  	_ = 	snop  }
0x6: {  	_ = 	snop  }
0x7: {  	_ = 	snop  }
__scs_overlays_trampoline_lowered:
0x8: {  	[smem:$0x3FA3] =	sst s0  }
0x9: {  	[smem:$0x3FA4] =	sst s1  }
0xa: {  	[smem:$0x3FA5] =	sst s2  }
0xb: {  	[smem:$0x3FA6] =	sst s3  }
0xc: {  	[smem:$0x3FA7] =	sst s4  }
0xd: {  	[smem:$0x3FA8] =	sst s5  }
0xe: {  	[smem:$0x3FA9] =	sst s6  }
0xf: {  	[smem:$0x3FAA] =	sst s7  }
0x10: {  	[smem:$0x3FAB] =	sst s8  }
0x11: {  	[smem:$0x3FAC] =	sst s9;
	s0 =	simm.s32 @!p0 $0x0  }
0x12: {  	s1 =	sld [smem:$0x3F92];
	s0 =	simm.s32 @p0 $0x1  }
0x13: {  	[smem:$0x3FAD] =	sst s0;
	s0 =	simm.s32 @!p1 $0x0  }
0x14: {  	s2 =	sld [smem:$0x3F91];
	s0 =	simm.s32 @p1 $0x1  }
0x15: {  	[smem:$0x3FAE] =	sst s0;
	s0 =	simm.s32 @!p2 $0x0  }
0x16: {  	s3 =	sld [smem:$0x3FDB];
	s0 =	simm.s32 @p2 $0x1  }
0x17: {  	s4 =	simm.s32 $0x1BF5;
	[smem:$0x3FB0] =	sst s0  }
0x18: {  	s0 =	sld [smem:$0x3F93];
	_ =	swait.ge [sflag:s4], $0x0  }
0x19: {  	s7 =	sld [smem:$0x3F94]  }
0x1a: {  	s8 =	sadd.s32 $0xFFFFE003, lr  }
0x1b: {  	s9 =	sadd.s32 $0xFFFFFEF7, lr;
	s5 =	simm.s32 $0xFFFFFFFF;
	p2 =	slt.u32 s8, $0xFFFFF086  }
0x1c: {  	p1 =	slt.u32 s9, $0xF7A;
	s5 =	simm.s32 @!p2 $0x0  }
0x1d: {  	s5 =	simm.s32 @p1 $0x1;
	p0 =	seq.s32 s7, s2  }
0x1e: {  	s7 =	smul.u32 @!p0 $0xF7A, s2;
	p2 =	seq.s32 @!p0 s5, $0x0  }
0x1f: {  	s9 =	smul.u32 $0xF7A, s1;
	s8 =	simm.s32 @!p0 $0x1BF5;
	p2 =	por !p2, p0  }
0x20: {  	[sflag:s8] =	ssyncset.s32 @!p0 $0xFFFFF086;
	s6 =	sadd.s32 @!p0 s3, s7;
	s7 =	simm.s32 @!p0 $0x108  }
0x21: {  	s3 =	sadd.s32 s3, s9;
	s6 =	sadd.s32 @!p0 $0x88, s6;
	s7 =	simm.s32 @p2 $0x1082  }
0x22: {  	[simem:s7], [sflag:s8] =	dma.local @!p0 [hbm:s6], $0xF7A  }
0x23: {  	s9 =	sor.u32 $0xD0000000, s2;
	s6 =	simm.s32 $0x108;
	_ =	swait.ge @!p0 [sflag:s8], $0x0  }
0x24: {  	s3 =	sadd.s32 $0x88, s3;
	s6 =	simm.s32 @!p1 $0x1082;
	[sflag:s4] =	ssyncset.s32 $0xFFFFF086  }
0x25: {  	[simem:s6], [sflag:s4] =	dma.local [hbm:s3], $0xF7A  }
0x26: {  	[smem:$0x3F94] =	sst s1;
	(tag) =	ssettag s2;
	_ =	strace s9  }
0x27: {  	s1 =	sld [smem:$0x3FA4]  }
0x28: {  	s2 =	sld [smem:$0x3FA5]  }
0x29: {  	s4 =	sld [smem:$0x3FA7]  }
0x2a: {  	p0 =	seq.s32 s5, $0x0;
	s5 =	sld [smem:$0x3FA8]  }
0x2b: {  	s6 =	sld [smem:$0x3FA9]  }
0x2c: {  	s7 =	sld [smem:$0x3FAA]  }
0x2d: {  	s3 =	simm.s32 $0x108;
	s8 =	sld [smem:$0x3FAB]  }
0x2e: {  	s3 =	simm.s32 @!p0 $0x1082;
	s9 =	sld [smem:$0x3FAC]  }
0x2f: {  	lr =	sadd.s32 s0, s3;
	s0 =	sld [smem:$0x3FA3]  }
0x30: {  	s3 =	sld [smem:$0x3FA6]  }
0x31: {  	[smem:$0x3FAF] =	sst s10  }
0x32: {  	s10 =	sld [smem:$0x3FAD];
	_ =	sdelay $0x3  }
0x33: {  	p0 =	seq.s32 s10, $0x1;
	s10 =	sld [smem:$0x3FAF];
	_ =	sdelay $0x3  }
0x34: {  	[smem:$0x3FAF] =	sst s10  }
0x35: {  	s10 =	sld [smem:$0x3FAE];
	_ =	sdelay $0x3  }
0x36: {  	p1 =	seq.s32 s10, $0x1;
	s10 =	sld [smem:$0x3FAF];
	_ =	sdelay $0x3  }
0x37: {  	[smem:$0x3FAF] =	sst s10  }
0x38: {  	s10 =	sld [smem:$0x3FB0]  }
0x39: {  	_ = 	snop;
	(pc) =	sbr.ind lr, $3  }
0x3a: {  	_ = 	snop  }
0x3b: {  	_ = 	snop  }
0x3c: {  	p2 =	seq.s32 s10, $0x1;
	s10 =	sld [smem:$0x3FAF]  }
0x3d: {  	_ =	shalt  }
0x3e: {  	_ =	shalt  }
0x3f: {  	_ =	shalt  }
0x40: {  	_ =	shalt  }
0x41: {  	_ =	shalt  }
0x42: {  	_ =	shalt  }
0x43: {  	_ =	shalt  }
0x44: {  	_ =	shalt  }
0x45: {  	_ =	shalt  }
0x46: {  	_ =	shalt  }
0x47: {  	_ =	shalt  }
0x48: {  	_ =	shalt  }
0x49: {  	_ =	shalt  }
0x4a: {  	_ =	shalt  }
0x4b: {  	_ =	shalt  }
0x4c: {  	_ =	shalt  }
0x4d: {  	_ =	shalt  }
0x4e: {  	_ =	shalt  }
0x4f: {  	_ =	shalt  }
0x50: {  	_ =	shalt  }
0x51: {  	_ =	shalt  }
0x52: {  	_ =	shalt  }
0x53: {  	_ =	shalt  }
0x54: {  	_ =	shalt  }
0x55: {  	_ =	shalt  }
0x56: {  	_ =	shalt  }
0x57: {  	_ =	shalt  }
0x58: {  	_ =	shalt  }
0x59: {  	_ =	shalt  }
0x5a: {  	_ =	shalt  }
0x5b: {  	_ =	shalt  }
0x5c: {  	_ =	shalt  }
0x5d: {  	_ =	shalt  }
0x5e: {  	_ =	shalt  }
0x5f: {  	_ =	shalt  }
0x60: {  	_ =	shalt  }
0x61: {  	_ =	shalt  }
0x62: {  	_ =	shalt  }
0x63: {  	_ =	shalt  }
0x64: {  	_ =	shalt  }
0x65: {  	_ =	shalt  }
0x66: {  	_ =	shalt  }
0x67: {  	_ =	shalt  }
0x68: {  	_ =	shalt  }
0x69: {  	_ =	shalt  }
0x6a: {  	_ =	shalt  }
0x6b: {  	_ =	shalt  }
0x6c: {  	_ =	shalt  }
0x6d: {  	_ =	shalt  }
0x6e: {  	_ =	shalt  }
0x6f: {  	_ =	shalt  }
0x70: {  	_ =	shalt  }
0x71: {  	_ =	shalt  }
0x72: {  	_ =	shalt  }
0x73: {  	_ =	shalt  }
0x74: {  	_ =	shalt  }
0x75: {  	_ =	shalt  }
0x76: {  	_ =	shalt  }
0x77: {  	_ =	shalt  }
0x78: {  	_ =	shalt  }
0x79: {  	_ =	shalt  }
0x7a: {  	_ =	shalt  }
0x7b: {  	_ =	shalt  }
0x7c: {  	_ =	shalt  }
0x7d: {  	_ =	shalt  }
0x7e: {  	_ =	shalt  }
0x7f: {  	_ =	shalt  }
0x80: {  	_ =	shalt  }
0x81: {  	_ =	shalt  }
0x82: {  	_ =	shalt  }
0x83: {  	_ =	shalt  }
0x84: {  	_ =	shalt  }
0x85: {  	_ =	shalt  }
0x86: {  	_ =	shalt  }
0x87: {  	_ =	shalt  }
.Lfunc_end0:
.L_simem_size_0:
called_computation.1_lowered:
.L_overlay_start_0:
0x88: {  	s2 =	sld [smem:$0x3FD9]  }
0x89: {  	s3 =	sld [smem:$0x3FFE];
	_ =	sdelay $0x1  }
0x8a: {  	s1 =	srdreg.scid  }
0x8b: {  	s0 =	sand.u32 $0x1, s1  }
0x8c: {  	s17 =	sshll.u32 s0, $0xA;
	s2 =	sadd.s32 s3, s2  }
0x8d: {  	s2 =	sadd.s32 s2, s17  }
0x8e: {  	[smem:$0x3FBB] =	sst s2  }
0x8f: {  	_ = 	snop  }
0x90: {  	s18 =	sld [smem:$0x3FC9];
	(tm) =	ssettm $0x1  }
0x91: {  	s19 =	sld [smem:$0x3FFB];
	_ =	sdelay $0x3  }
0x92: {  	_ =	strace s19  }
0x93: {  	s2 =	sld [smem:$0x3FFC];
	_ =	sdelay $0x3  }
0x94: {  	_ =	strace s2  }
0x95: {  	s2 =	sld [smem:$0x3FFD];
	_ =	sdelay $0x3  }
0x96: {  	_ =	strace s2  }
0x97: {  	_ =	strace $0x8FFFFFFF  }
0x98: {  	s20 =	sld [smem:$0x3FDB];
	_ =	sdelay $0x1  }
0x99: {  	s4 =	simm.s32 $_scs_section_size  }
0x9a: {  	s5 =	simm.s32 $_size__tile_overlayer_lowered;
	s6 =	simm.s32 $_tile_overlayer_lowered  }
0x9b: {  	s7 =	simm.s32 $0x1BFF;
	s21 =	sshll.u32 s6, $0x1;
	s4 =	sadd.s32 s4, s20  }
0x9c: {  	s22 =	simm.s32 $0x0;
	s5 =	sshll.u32 s5, $0x1;
	s6 =	sadd.s32 s21, s4  }
0x9d: {  	[timem:s22], [sflag:s7] =	dma.local [hbm:s6], s5  }
0x9e: {  	_ =	swait.ge [sflag:s7], s5  }
0x9f: {  	s5 =	ssub.s32 $0x0, s5;
	[sflag:s7] =	ssyncset.done $0x0  }
0xa0: {  	[sflag:s7] =	ssyncadd.s32 s5;
	_ =	sdelay $0x1  }
0xa1: {  	s23 =	simm.s32 $0x1B8B  }
0xa2: {  	_ =	swait.ge [sflag:s23], $0x1  }
0xa3: {  	[sflag:s23] =	ssyncset.done $0x0  }
0xa4: {  	[sflag:s23] =	ssyncadd.s32 $0xFFFFFFFF  }
0xa5: {  	s5 =	sld [smem:$0x0]  }
0xa6: {  	s6 =	sand.u32 $0xFFFFFFFE, s1  }
0xa7: {  	p0 =	sne.s32 s1, s6  }
0xa8: {  	s6 =	sshll.u32 @p0 s6, $0xE  }
0xa9: {  	s6 =	sadd.s32 @p0 $0x11B8D, s6;
	s7 =	sshll.u32 @p0 s5, $0x11  }
0xaa: {  	s6 =	sor.u32 @p0 s7, s6  }
0xab: {  	[sflag:s6] =	ssyncadd.remote.s32 @p0 $0x1;
	_ =	sdelay $0x1  }
0xac: {  	s6 =	simm.s32 @p0 $0x1B8D  }
0xad: {  	_ =	swait.eq @p0 [sflag:s6], $0x1  }
0xae: {  	[sflag:s6] =	ssyncadd.s32 @p0 $0xFFFFFFFF  }
0xaf: {  	s7 =	sshll.u32 @!p0 s1, $0xE  }
0xb0: {  	s7 =	sor.u32 @!p0 $0x4000, s7;
	s6 =	simm.s32 @!p0 $0x1B8D  }
0xb1: {  	s5 =	sshll.u32 @!p0 s5, $0x11;
	s7 =	sadd.s32 @!p0 $0x11B8D, s7;
	_ =	swait.eq @!p0 [sflag:s6], $0x1  }
0xb2: {  	s5 =	sor.u32 @!p0 s5, s7;
	[sflag:s6] =	ssyncadd.s32 @!p0 $0xFFFFFFFF  }
0xb3: {  	s25 =	simm.s32 $0x1B8E;
	s24 =	sld [smem:$0x3FFE];
	[sflag:s5] =	ssyncadd.remote.s32 @!p0 $0x1  }
0xb4: {  	s26 =	simm.s32 $execute0_lowered;
	[smem:$0x3FD2] =	sst s25  }
0xb5: {  	s6 =	sshll.u32 s26, $0x1;
	_ =	strace $0x80000049;
	[dreg:$0x1] =	wrdreg $0xFFFFFFFF  }
0xb6: {  	s28 =	simm.s32 $_size_execute0_lowered;
	s4 =	sadd.s32 s4, s6;
	[dreg:$0x0] =	wrdreg $0x0  }
0xb7: {  	s6 =	sshll.u32 s28, $0x1;
	[dreg:$0x2] =	wrdreg s4  }
0xb8: {  	[dreg:$0x3] =	wrdreg s6  }
0xb9: {  	[dreg:$0x4] =	wrdreg $0xC0  }
0xba: {  	_ =	task [dreg:s22], $0x5FFFF  }
0xbb: {  	[dreg:$0x1] =	wrdreg $0xFFFFFFFF  }
0xbc: {  	[dreg:$0x0] =	wrdreg $0x60  }
0xbd: {  	[dreg:$0x2] =	wrdreg s18  }
0xbe: {  	[dreg:$0x3] =	wrdreg s24  }
0xbf: {  	[dreg:$0x4] =	wrdreg $0xA  }
0xc0: {  	_ =	task.clear_ibuf [dreg:s22], $0x5FFFF;
	_ =	strace $0x90000049  }
0xc1: {  	s29 =	simm.s32 $0xA;
	_ =	strace $0x8000004B  }
0xc2: {  	_ =	swait.ge [sflag:s29], $0x1  }
0xc3: {  	[sflag:s29] =	ssyncadd.s32 $0xFFFFFFFF  }
0xc4: {  	_ =	strace $0x9000004B  }
0xc5: {  	_ =	sfence  }
0xc6: {  	s30 =	sld [smem:$0x0];
	_ =	sdelay $0x2  }
0xc7: {  	s31 =	sshll.u32 s1, $0xD;
	s1 =	sshrl.u32 s1, $0x2  }
0xc8: {  	s4 =	sand.u32 $0x4000, s31;
	s1 =	sadd.s32 s1, s30  }
0xc9: {  	s0 =	sor.u32 s4, s0;
	s1 =	sshll.u32 s1, $0x11  }
0xca: {  	s0 =	sor.u32 s1, s0  }
0xcb: {  	s0 =	sadd.s32 $0x8F2B, s0  }
0xcc: {  	[sflag:s0] =	ssyncadd.remote.s32 $0x1  }
0xcd: {  	_ =	sfence.sel $0xFFFF  }
0xce: {  	[dreg:$0x0] =	wrdreg $0xFFFFFFFF;
	(pc) =	sbr.abs _section_cstart, $3  }
0xcf: {  	[dreg:$0x1] =	wrdreg $0xFFFFFFFF  }
0xd0: {  	_ =	task.clear_ibuf [dreg:s22], $0x2FFFF;
	_ =	strace $0x9FFFFFFF  }
0xd1: {  	(tm) =	ssettm $0x7FFFFFFF  }
tec
execute0_lowered:
.L_overlay_start_1:
0x0: {  	(tag) =	ssettag $0x1  }
0x1: {  	v0 =	vimm.s32 $0x5380;
	vm6 =	vcmask $0x300  }
0x2: {  	v37 =	vlaneseq.u32;
	vm5 =	vcmask $0x704;
	vm4 =	vcmask $0xB08  }
0x3: {  	v1 =	vimm.s32 $0x5381;
	vm3 =	vcmask $0xF0C;
	vm2 =	vcmask $0x1310  }
0x4: {  	vm1 =	vcmask $0x1714;
	vm0 =	vcmask $0x1B18;
	v4 =	vimm.s32 $0x5382  }
0x5: {  	v6 =	vimm.s32 $0x5383;
	v7 =	vimm.s32 $0x5384;
	v10 =	vimm.s32 $0x5385  }
0x6: {  	v12 =	vimm.s32 $0x5386;
	v13 =	vimm.s32 $0x5387;
	v17 =	vimm.s32 $0x5388  }
0x7: {  	v26 =	vimm.s32 $0x5389;
	v0 =	vsel vm6, $0x5000, v0;
	v1 =	vsel vm6, $0x5001, v1  }
0x8: {  	v5 =	vsel vm6, $0x5002, v4;
	v4 =	vadd.s32 $0x1E8, v37;
	v6 =	vsel vm6, $0x5003, v6  }
0x9: {  	v7 =	vsel vm6, $0x5004, v7;
	v11 =	vsel vm6, $0x5005, v10;
	v10 =	vor.u32 $0x5C0, v37  }
0xa: {  	v12 =	vsel vm6, $0x5006, v12;
	v13 =	vsel vm6, $0x5007, v13;
	v16 =	vadd.s32 $0x998, v37  }
0xb: {  	v19 =	vsel vm6, $0x5008, v17;
	v17 =	vor.u32 $0xAE0, v37;
	v18 =	vadd.s32 $0xC28, v37  }
0xc: {  	v20 =	vadd.s32 $0xEB8, v37;
	v22 =	vadd.s32 $0x1148, v37;
	v27 =	vsel vm6, $0x5009, v26  }
0xd: {  	v26 =	vor.u32 $0x1520, v37;
	v28 =	vor.u32 $0x17B0, v37;
	v30 =	vor.u32 $0x1A40, v37  }
0xe: {  	v32 =	vor.u32 $0x1CD0, v37;
	v34 =	vor.u32 $0x1F60, v37;
	v0 =	vsel vm5, $0x5080, v0  }
0xf: {  	v1 =	vsel vm5, $0x5081, v1;
	v5 =	vsel vm5, $0x5082, v5;
	v6 =	vsel vm5, $0x5083, v6  }
0x10: {  	v7 =	vsel vm5, $0x5084, v7;
	v11 =	vsel vm5, $0x5085, v11;
	v12 =	vsel vm5, $0x5086, v12  }
0x11: {  	v13 =	vsel vm5, $0x5087, v13;
	v21 =	vsel vm5, $0x5088, v19;
	v19 =	vor.u32 $0xD70, v37  }
0x12: {  	v29 =	vsel vm5, $0x5089, v27;
	v27 =	vadd.s32 $0x1668, v37;
	v0 =	vsel vm4, $0x5100, v0  }
0x13: {  	v1 =	vsel vm4, $0x5101, v1;
	v5 =	vsel vm4, $0x5102, v5;
	v6 =	vsel vm4, $0x5103, v6  }
0x14: {  	v7 =	vsel vm4, $0x5104, v7;
	v11 =	vsel vm4, $0x5105, v11;
	v12 =	vsel vm4, $0x5106, v12  }
0x15: {  	v13 =	vsel vm4, $0x5107, v13;
	v23 =	vsel vm4, $0x5108, v21;
	v21 =	vor.u32 $0x1000, v37  }
0x16: {  	v31 =	vsel vm4, $0x5109, v29;
	v29 =	vadd.s32 $0x18F8, v37;
	v0 =	vsel vm3, $0x5180, v0  }
0x17: {  	v3 =	vsel vm3, $0x5181, v1;
	v5 =	vsel vm3, $0x5182, v5;
	v6 =	vsel vm3, $0x5183, v6  }
0x18: {  	s0 =	rddreg [dreg:$0x0];
	v9 =	vsel vm3, $0x5184, v7;
	v11 =	vsel vm3, $0x5185, v11;
	v12 =	vsel vm3, $0x5186, v12  }
0x19: {  	s1 =	rddreg [dreg:$0x1];
	s2 =	simm.s32 $0x0;
	s3 =	srdreg.scid;
	v15 =	vsel vm3, $0x5187, v13;
	v24 =	vsel vm3, $0x5188, v23;
	v23 =	vor.u32 $0x1290, v37  }
0x1a: {  	s4 =	stileid.u32;
	s14 =	simm.s32 $0x16B00;
	s15 =	simm.s32 $0x7;
	v33 =	vsel vm3, $0x5189, v31;
	v31 =	vadd.s32 $0x1B88, v37;
	v0 =	vsel vm2, $0x5200, v0  }
0x1b: {  	s16 =	simm.s32 $0x148;
	s17 =	simm.s32 $0x2300;
	s18 =	simm.s32 $0x1;
	v3 =	vsel vm2, $0x5201, v3;
	v5 =	vsel vm2, $0x5202, v5;
	v6 =	vsel vm2, $0x5203, v6  }
0x1c: {  	s20 =	simm.s32 $0xC700;
	s23 =	simm.s32 $0x520;
	s28 =	simm.s32 $0x3;
	v9 =	vsel vm2, $0x5204, v9;
	v11 =	vsel vm2, $0x5205, v11;
	v12 =	vsel vm2, $0x5206, v12  }
0x1d: {  	s29 =	simm.s32 $0x2;
	s30 =	simm.s32 $0x5;
	s31 =	simm.s32 $0x4;
	v15 =	vsel vm2, $0x5207, v15;
	v25 =	vsel vm2, $0x5208, v24;
	v24 =	vadd.s32 $0x13D8, v37  }
0x1e: {  	s3 =	sand.u32 $0x1, s3;
	s4 =	sshll.u32 s4, $0x1;
	s5 =	sadd.s32 $0x273A00, s1;
	v35 =	vsel vm2, $0x5209, v33;
	v33 =	vadd.s32 $0x1E18, v37;
	v2 =	vsel vm1, $0x5280, v0  }
0x1f: {  	[smem:$0x7FF] =	sst s2;
	s7 =	sadd.s32 $0x225600, s1;
	s4 =	sor.u32 s3, s4;
	v0 =	vmul.u32 $0x80, v37;
	v3 =	vsel vm1, $0x5281, v3;
	v5 =	vsel vm1, $0x5282, v5  }
0x20: {  	s9 =	sadd.s32 $0x24C800, s1;
	s3 =	ssub.s32 $0x2, s3;
	s6 =	smul.u32 $0x9C00, s4;
	v8 =	vsel vm1, $0x5283, v6;
	v6 =	vor.u32 $0x330, v37;
	v9 =	vsel vm1, $0x5284, v9  }
0x21: {  	s1 =	sadd.s32 $0x29AC00, s1;
	s8 =	sshrl.u32 s3, $0x1;
	s10 =	smul.u32 $0x1380, s4;
	v11 =	vsel vm1, $0x5285, v11;
	v14 =	vsel vm1, $0x5286, v12;
	v12 =	vadd.s32 $0x708, v37  }
0x22: {  	s19 =	simm.s32 $0x0;
	_ =	strace $0x8000004A;
	s3 =	ssub.s32 s3, s8;
	v15 =	vsel vm1, $0x5287, v15;
	v25 =	vsel vm1, $0x5288, v25;
	v36 =	vsel vm1, $0x5289, v35  }
0x23: {  	s11 =	sshrl.u32 s6, $0x3;
	s4 =	sadd.s32 s5, s10;
	s6 =	sadd.s32 s7, s10;
	v35 =	vadd.s32 $0x20A8, v37;
	v1 =	vsel vm0, $0x5300, v2;
	v2 =	vor.u32 $0xA0, v37  }
0x24: {  	s8 =	sadd.s32 s9, s10;
	s10 =	sadd.s32 s1, s10;
	s12 =	sadd.s32 $0xA80, s11;
	v3 =	vsel vm0, $0x5301, v3;
	v5 =	vsel vm0, $0x5302, v5;
	v7 =	vsel vm0, $0x5303, v8  }
0x25: {  	s13 =	sadd.s32 s1, s11;
	s1 =	simm.s32 $0x2150;
	v8 =	vadd.s32 $0x478, v37;
	v9 =	vsel vm0, $0x5304, v9;
	s5 =	sadd.s32 s5, s12;
	v11 =	vsel vm0, $0x5305, v11  }
0x26: {  	s7 =	sadd.s32 s7, s12;
	s9 =	sadd.s32 s9, s12;
	s11 =	sadd.s32 $0x27100, s13;
	v13 =	vsel vm0, $0x5306, v14;
	v14 =	vor.u32 $0x850, v37;
	v15 =	vsel vm0, $0x5307, v15  }
0x27: {  	s12 =	sadd.s32 $0x4E200, s13;
	s13 =	smax.u32 s3, $0x1;
	v25 =	vsel vm0, $0x5308, v25;
	v36 =	vsel vm0, $0x5309, v36;
	v37 =	vor.u32 $0x21F0, v37;
	s3 =	simm.s32 $0x6  }
.LBB2_1:
0x28: {  	v38 =	vmov s2  }
0x29: {  	v38 =	vshll.u32 v38, $0x7  }
0x2a: {  	v38 =	vor.u32 v0, v38  }
0x2b: {  	[tilespmem:s14], [sflag:$0x7] =	stream.linear.gather [hbm4b:s4+s2], $0x5400, $0x38;
	[tilespmem:$0x1BF00] =	vst v63  }
0x2c: {  	_ =	swait.ge [sflag:s15], $0x5400  }
0x2d: {  	[sflag:s15] =	ssyncset.done $0x0  }
0x2e: {  	[sflag:s15] =	ssyncadd.s32 $0xFFFFAC00  }
0x2f: {  	v39 =	vld.idx.msk [tilespmem:v38+s14+$0x0], $0xffff  }
0x30: {  	v40 =	vor.u32 $0x1, v38;
	_ =	sdelay $0x3  }
0x31: {  	[tilespmem:s23+$0xFFFFFAE0] =	vst v39  }
0x32: {  	v39 =	vld.idx.msk [tilespmem:v40+s14+$0x0], $0xffff  }
0x33: {  	v59 =	vor.u32 $0x2, v38;
	_ =	sdelay $0x3  }
0x34: {  	[tilespmem:s23+$0xFFFFFC28] =	vst v39  }
0x35: {  	v39 =	vld.idx.msk [tilespmem:v59+s14+$0x0], $0xffff  }
0x36: {  	v60 =	vor.u32 $0x3, v38;
	_ =	sdelay $0x3  }
0x37: {  	[tilespmem:s23+$0xFFFFFD70] =	vst v39  }
0x38: {  	v39 =	vld.idx.msk [tilespmem:v60+s14+$0x0], $0xffff  }
0x39: {  	v61 =	vor.u32 $0x4, v38;
	_ =	sdelay $0x3  }
0x3a: {  	[tilespmem:s23+$0xFFFFFEB8] =	vst v39  }
0x3b: {  	v39 =	vld.idx.msk [tilespmem:v61+s14+$0x0], $0xffff  }
0x3c: {  	v62 =	vor.u32 $0x5, v38;
	_ =	sdelay $0x3  }
0x3d: {  	[tilespmem:s23+$0x0] =	vst v39  }
0x3e: {  	v39 =	vld.idx.msk [tilespmem:v62+s14+$0x0], $0xffff  }
0x3f: {  	v63 =	vor.u32 $0x6, v38;
	_ =	sdelay $0x3  }
0x40: {  	[tilespmem:s23+$0x148] =	vst v39  }
0x41: {  	v39 =	vld.idx.msk [tilespmem:v63+s14+$0x0], $0xffff  }
0x42: {  	v38 =	vor.u32 $0x7, v38;
	_ =	sdelay $0x3  }
0x43: {  	s21 =	simm.s32 $0x10;
	[tilespmem:s23+$0x290] =	vst v39  }
0x44: {  	s22 =	simm.s32 $0x20;
	v39 =	vmov s21;
	s21 =	simm.s32 $0x520;
	v38 =	vld.idx.msk [tilespmem:v38+s14+$0x0], $0xffff  }
.LBB2_2:
0x45: {  	p0 =	sne.s32 s22, $0x90;
	v39 =	vshll.u32 v39, $0x7  }
0x46: {  	v39 =	vor.u32 v0, v39;
	_ =	sdelay $0x3  }
0x47: {  	[tilespmem:s21+$0x3D8] =	vst v38  }
0x48: {  	v38 =	vld.idx.msk [tilespmem:v39+s14+$0x0], $0xffff;
	_ =	sdelay $0x1  }
0x49: {  	v40 =	vor.u32 $0x1, v39;
	_ =	sdelay $0x2  }
0x4a: {  	s21 =	sadd.s32 $0x10, s21  }
0x4b: {  	[tilespmem:s21+$0xFFFFFAE0] =	vst v38  }
0x4c: {  	v38 =	vld.idx.msk [tilespmem:v40+s14+$0x0], $0xffff;
	_ =	sdelay $0x1  }
0x4d: {  	v40 =	vor.u32 $0x2, v39;
	_ =	sdelay $0x3  }
0x4e: {  	[tilespmem:s21+$0xFFFFFC28] =	vst v38  }
0x4f: {  	v38 =	vld.idx.msk [tilespmem:v40+s14+$0x0], $0xffff;
	_ =	sdelay $0x1  }
0x50: {  	v40 =	vor.u32 $0x3, v39;
	_ =	sdelay $0x3  }
0x51: {  	[tilespmem:s21+$0xFFFFFD70] =	vst v38  }
0x52: {  	v38 =	vld.idx.msk [tilespmem:v40+s14+$0x0], $0xffff;
	_ =	sdelay $0x1  }
0x53: {  	v40 =	vor.u32 $0x4, v39;
	_ =	sdelay $0x3  }
0x54: {  	[tilespmem:s21+$0xFFFFFEB8] =	vst v38  }
0x55: {  	v38 =	vld.idx.msk [tilespmem:v40+s14+$0x0], $0xffff;
	_ =	sdelay $0x1  }
0x56: {  	v40 =	vor.u32 $0x5, v39;
	_ =	sdelay $0x3  }
0x57: {  	[tilespmem:s21+$0x0] =	vst v38  }
0x58: {  	v38 =	vld.idx.msk [tilespmem:v40+s14+$0x0], $0xffff;
	_ =	sdelay $0x1  }
0x59: {  	v40 =	vor.u32 $0x6, v39;
	_ =	sdelay $0x3  }
0x5a: {  	[tilespmem:s21+$0x148] =	vst v38  }
0x5b: {  	v38 =	vld.idx.msk [tilespmem:v40+s14+$0x0], $0xffff;
	_ =	sdelay $0x1  }
0x5c: {  	v40 =	vor.u32 $0x7, v39  }
.Ltmp0:
0x5d: {  	(pc) =	sbr.rel @p0 .LBB2_2-.Ltmp0, $3  }
0x5e: {  	_ =	sdelay $0x1  }
0x5f: {  	[tilespmem:s21+$0x290] =	vst v38  }
0x60: {  	v39 =	vmov s22;
	s22 =	sadd.s32 $0x10, s22;
	v38 =	vld.idx.msk [tilespmem:v40+s14+$0x0], $0xffff  }
0x61: {  	v39 =	vshll.u32 v39, $0x7  }
0x62: {  	v39 =	vor.u32 v0, v39;
	_ =	sdelay $0x3  }
0x63: {  	[tilespmem:s21+$0x3D8] =	vst v38  }
0x64: {  	v38 =	vld.idx.msk [tilespmem:v39+s14+$0x0], $0xffff  }
0x65: {  	v40 =	vor.u32 $0x1, v39;
	_ =	sdelay $0x2  }
0x66: {  	s26 =	sadd.s32 $0x10, s21  }
0x67: {  	[tilespmem:s26+$0xFFFFFAE0] =	vst v38  }
0x68: {  	v38 =	vld.idx.msk [tilespmem:v40+s14+$0x0], $0xffff  }
0x69: {  	v51 =	vor.u32 $0x2, v39;
	_ =	sdelay $0x3  }
0x6a: {  	[tilespmem:s26+$0xFFFFFC28] =	vst v38  }
0x6b: {  	v38 =	vld.idx.msk [tilespmem:v51+s14+$0x0], $0xffff  }
0x6c: {  	v52 =	vor.u32 $0x3, v39;
	_ =	sdelay $0x3  }
0x6d: {  	[tilespmem:s26+$0xFFFFFD70] =	vst v38  }
0x6e: {  	v38 =	vld.idx.msk [tilespmem:v52+s14+$0x0], $0xffff  }
0x6f: {  	v53 =	vor.u32 $0x4, v39;
	_ =	sdelay $0x3  }
0x70: {  	[tilespmem:s26+$0xFFFFFEB8] =	vst v38  }
0x71: {  	v38 =	vld.idx.msk [tilespmem:v53+s14+$0x0], $0xffff  }
0x72: {  	v54 =	vor.u32 $0x5, v39;
	_ =	sdelay $0x3  }
0x73: {  	[tilespmem:s26+$0x0] =	vst v38  }
0x74: {  	v38 =	vld.idx.msk [tilespmem:v54+s14+$0x0], $0xffff  }
0x75: {  	v55 =	vor.u32 $0x6, v39;
	_ =	sdelay $0x3  }
0x76: {  	[tilespmem:s26+$0x148] =	vst v38  }
0x77: {  	v38 =	vld.idx.msk [tilespmem:v55+s14+$0x0], $0xffff  }
0x78: {  	v39 =	vor.u32 $0x7, v39;
	_ =	sdelay $0x3  }
0x79: {  	[tilespmem:s26+$0x290] =	vst v38  }
0x7a: {  	v38 =	vld.idx.msk [tilespmem:v39+s14+$0x0], $0xffff;
	_ =	sdelay $0x4  }
0x7b: {  	[tilespmem:s26+$0x3D8] =	vst v38  }
0x7c: {  	v38 =	vld.idx.msk [tilespmem:v1+s14+$0x0], $0xff;
	_ =	sdelay $0x3  }
0x7d: {  	s22 =	simm.s32 $0x0  }
0x7e: {  	[tilespmem:v2+s22+$0x0] =	vst.idx.msk $0xff, v38  }
0x7f: {  	v38 =	vld.idx.msk [tilespmem:v3+s14+$0x0], $0xff;
	_ =	sdelay $0x4  }
0x80: {  	[tilespmem:v4+s22+$0x0] =	vst.idx.msk $0xff, v38  }
0x81: {  	v38 =	vld.idx.msk [tilespmem:v5+s14+$0x0], $0xff;
	_ =	sdelay $0x4  }
0x82: {  	[tilespmem:v6+s22+$0x0] =	vst.idx.msk $0xff, v38  }
0x83: {  	v38 =	vld.idx.msk [tilespmem:v7+s14+$0x0], $0xff;
	_ =	sdelay $0x4  }
0x84: {  	[tilespmem:v8+s22+$0x0] =	vst.idx.msk $0xff, v38  }
0x85: {  	v38 =	vld.idx.msk [tilespmem:v9+s14+$0x0], $0xff;
	_ =	sdelay $0x4  }
0x86: {  	[tilespmem:v10+s22+$0x0] =	vst.idx.msk $0xff, v38  }
0x87: {  	v38 =	vld.idx.msk [tilespmem:v11+s14+$0x0], $0xff;
	_ =	sdelay $0x4  }
0x88: {  	[tilespmem:v12+s22+$0x0] =	vst.idx.msk $0xff, v38  }
0x89: {  	v38 =	vld.idx.msk [tilespmem:v13+s14+$0x0], $0xff;
	_ =	sdelay $0x4  }
0x8a: {  	[tilespmem:v14+s22+$0x0] =	vst.idx.msk $0xff, v38  }
0x8b: {  	v38 =	vld.idx.msk [tilespmem:v15+s14+$0x0], $0xff;
	_ =	sdelay $0x2  }
0x8c: {  	v56 =	vmov s22  }
0x8d: {  	v39 =	vshll.u32 v56, $0x7  }
0x8e: {  	v57 =	vor.u32 v0, v39;
	[tilespmem:v16+s22+$0x0] =	vst.idx.msk $0xff, v38  }
0x8f: {  	[tilespmem:s14], [sflag:$0x7] =	stream.linear.gather [hbm4b:s5+s22], $0x5000, $0x38;
	[tilespmem:$0x1BF00] =	vst v63  }
0x90: {  	_ =	swait.ge [sflag:s15], $0x5000  }
0x91: {  	[sflag:s15] =	ssyncset.done $0x0  }
0x92: {  	[sflag:s15] =	ssyncadd.s32 $0xFFFFB000  }
0x93: {  	v39 =	vld.idx.msk [tilespmem:v57+s14+$0x0], $0xffff  }
0x94: {  	v58 =	vor.u32 $0x1, v57;
	_ =	sdelay $0x2  }
0x95: {  	s21 =	simm.s32 $0x5C8  }
0x96: {  	[tilespmem:s21+$0xFFFFFAE0] =	vst v39  }
0x97: {  	v39 =	vld.idx.msk [tilespmem:v58+s14+$0x0], $0xffff  }
0x98: {  	v59 =	vor.u32 $0x2, v57;
	_ =	sdelay $0x3  }
0x99: {  	[tilespmem:s21+$0xFFFFFC28] =	vst v39  }
0x9a: {  	v39 =	vld.idx.msk [tilespmem:v59+s14+$0x0], $0xffff  }
0x9b: {  	v60 =	vor.u32 $0x3, v57;
	_ =	sdelay $0x3  }
0x9c: {  	[tilespmem:s21+$0xFFFFFD70] =	vst v39  }
0x9d: {  	v39 =	vld.idx.msk [tilespmem:v60+s14+$0x0], $0xffff  }
0x9e: {  	v61 =	vor.u32 $0x4, v57;
	_ =	sdelay $0x2  }
0x9f: {  	s22 =	sand.u32 $0xF0, s22  }
0xa0: {  	[tilespmem:s22+$0x480] =	vst v39  }
0xa1: {  	v39 =	vld.idx.msk [tilespmem:v61+s14+$0x0], $0xffff  }
0xa2: {  	v62 =	vor.u32 $0x5, v57;
	_ =	sdelay $0x3  }
0xa3: {  	[tilespmem:s21+$0x0] =	vst v39  }
0xa4: {  	v39 =	vld.idx.msk [tilespmem:v62+s14+$0x0], $0xffff  }
0xa5: {  	v63 =	vor.u32 $0x6, v57;
	_ =	sdelay $0x3  }
0xa6: {  	[tilespmem:s21+$0x148] =	vst v39  }
0xa7: {  	v39 =	vld.idx.msk [tilespmem:v63+s14+$0x0], $0xffff  }
0xa8: {  	v38 =	vor.u32 $0x7, v57;
	_ =	sdelay $0x3  }
0xa9: {  	s22 =	simm.s32 $0x10;
	[tilespmem:s21+$0x290] =	vst v39  }
0xaa: {  	s24 =	simm.s32 $0x20;
	v39 =	vmov s22;
	v38 =	vld.idx.msk [tilespmem:v38+s14+$0x0], $0xffff  }
.LBB2_4:
0xab: {  	p0 =	sne.s32 s24, $0x90;
	v39 =	vshll.u32 v39, $0x7  }
0xac: {  	v39 =	vor.u32 v0, v39;
	_ =	sdelay $0x3  }
0xad: {  	[tilespmem:s21+$0x3D8] =	vst v38  }
0xae: {  	v38 =	vld.idx.msk [tilespmem:v39+s14+$0x0], $0xffff;
	_ =	sdelay $0x1  }
0xaf: {  	v40 =	vor.u32 $0x1, v39;
	_ =	sdelay $0x2  }
0xb0: {  	s21 =	sadd.s32 $0x10, s21  }
0xb1: {  	[tilespmem:s21+$0xFFFFFAE0] =	vst v38  }
0xb2: {  	v38 =	vld.idx.msk [tilespmem:v40+s14+$0x0], $0xffff;
	_ =	sdelay $0x1  }
0xb3: {  	v40 =	vor.u32 $0x2, v39;
	_ =	sdelay $0x3  }
0xb4: {  	[tilespmem:s21+$0xFFFFFC28] =	vst v38  }
0xb5: {  	v38 =	vld.idx.msk [tilespmem:v40+s14+$0x0], $0xffff;
	_ =	sdelay $0x1  }
0xb6: {  	v40 =	vor.u32 $0x3, v39;
	_ =	sdelay $0x3  }
0xb7: {  	[tilespmem:s21+$0xFFFFFD70] =	vst v38  }
0xb8: {  	v38 =	vld.idx.msk [tilespmem:v40+s14+$0x0], $0xffff;
	_ =	sdelay $0x1  }
0xb9: {  	v40 =	vor.u32 $0x4, v39;
	_ =	sdelay $0x2  }
0xba: {  	s25 =	sand.u32 $0xF0, s22;
	s22 =	smov.u32 s24  }
0xbb: {  	[tilespmem:s25+$0x480] =	vst v38  }
0xbc: {  	v38 =	vld.idx.msk [tilespmem:v40+s14+$0x0], $0xffff;
	_ =	sdelay $0x1  }
0xbd: {  	v40 =	vor.u32 $0x5, v39;
	_ =	sdelay $0x3  }
0xbe: {  	[tilespmem:s21+$0x0] =	vst v38  }
0xbf: {  	v38 =	vld.idx.msk [tilespmem:v40+s14+$0x0], $0xffff;
	_ =	sdelay $0x1  }
0xc0: {  	v40 =	vor.u32 $0x6, v39;
	_ =	sdelay $0x3  }
0xc1: {  	[tilespmem:s21+$0x148] =	vst v38  }
0xc2: {  	v38 =	vld.idx.msk [tilespmem:v40+s14+$0x0], $0xffff;
	_ =	sdelay $0x1  }
0xc3: {  	v40 =	vor.u32 $0x7, v39  }
.Ltmp1:
0xc4: {  	(pc) =	sbr.rel @p0 .LBB2_4-.Ltmp1, $3  }
0xc5: {  	_ =	sdelay $0x1  }
0xc6: {  	[tilespmem:s21+$0x290] =	vst v38  }
0xc7: {  	s24 =	sadd.s32 $0x10, s24;
	v39 =	vmov s22;
	v38 =	vld.idx.msk [tilespmem:v40+s14+$0x0], $0xffff  }
0xc8: {  	v39 =	vshll.u32 v39, $0x7  }
0xc9: {  	v39 =	vor.u32 v0, v39;
	_ =	sdelay $0x3  }
0xca: {  	[tilespmem:s21+$0x3D8] =	vst v38  }
0xcb: {  	v38 =	vld.idx.msk [tilespmem:v39+s14+$0x0], $0xffff  }
0xcc: {  	v40 =	vor.u32 $0x1, v39;
	_ =	sdelay $0x2  }
0xcd: {  	s24 =	sadd.s32 $0x10, s21  }
0xce: {  	[tilespmem:s24+$0xFFFFFAE0] =	vst v38  }
0xcf: {  	v38 =	vld.idx.msk [tilespmem:v40+s14+$0x0], $0xffff  }
0xd0: {  	v50 =	vor.u32 $0x2, v39;
	_ =	sdelay $0x3  }
0xd1: {  	[tilespmem:s24+$0xFFFFFC28] =	vst v38  }
0xd2: {  	v38 =	vld.idx.msk [tilespmem:v50+s14+$0x0], $0xffff  }
0xd3: {  	v51 =	vor.u32 $0x3, v39;
	_ =	sdelay $0x3  }
0xd4: {  	[tilespmem:s24+$0xFFFFFD70] =	vst v38  }
0xd5: {  	v38 =	vld.idx.msk [tilespmem:v51+s14+$0x0], $0xffff  }
0xd6: {  	v52 =	vor.u32 $0x4, v39;
	_ =	sdelay $0x2  }
0xd7: {  	s26 =	sand.u32 $0xF0, s22  }
0xd8: {  	[tilespmem:s26+$0x480] =	vst v38  }
0xd9: {  	v38 =	vld.idx.msk [tilespmem:v52+s14+$0x0], $0xffff  }
0xda: {  	v53 =	vor.u32 $0x5, v39;
	_ =	sdelay $0x3  }
0xdb: {  	[tilespmem:s24+$0x0] =	vst v38  }
0xdc: {  	v38 =	vld.idx.msk [tilespmem:v53+s14+$0x0], $0xffff  }
0xdd: {  	v54 =	vor.u32 $0x6, v39;
	_ =	sdelay $0x3  }
0xde: {  	[tilespmem:s24+$0x148] =	vst v38  }
0xdf: {  	v38 =	vld.idx.msk [tilespmem:v54+s14+$0x0], $0xffff  }
0xe0: {  	v39 =	vor.u32 $0x7, v39;
	_ =	sdelay $0x3  }
0xe1: {  	[tilespmem:s24+$0x290] =	vst v38  }
0xe2: {  	v38 =	vld.idx.msk [tilespmem:v39+s14+$0x0], $0xffff;
	_ =	sdelay $0x3  }
0xe3: {  	s21 =	simm.s32 $0x0  }
0xe4: {  	v55 =	vmov s21;
	[tilespmem:s24+$0x3D8] =	vst v38  }
0xe5: {  	v38 =	vshll.u32 v55, $0x7;
	[tilespmem:s17], [sflag:$0x1] =	stream.indirect.gather [hbm4b:s0+s16], $0x80, s21, s16, $0xb8;
	[tilespmem:$0x1BF00] =	vst v63  }
0xe6: {  	v38 =	vor.u32 v0, v38  }
0xe7: {  	[tilespmem:s14], [sflag:$0x7] =	stream.linear.gather [hbm4b:s6+s21], $0x5400, $0x38;
	[tilespmem:$0x1BF00] =	vst v63  }
0xe8: {  	_ =	swait.ge [sflag:s15], $0x5400  }
0xe9: {  	[sflag:s15] =	ssyncset.done $0x0  }
0xea: {  	[sflag:s15] =	ssyncadd.s32 $0xFFFFAC00  }
0xeb: {  	v56 =	vld.idx.msk [tilespmem:v38+s14+$0x0], $0xffff  }
0xec: {  	v57 =	vor.u32 $0x1, v38;
	_ =	sdelay $0x2  }
0xed: {  	s24 =	simm.s32 $0xA40  }
0xee: {  	[tilespmem:s24+$0x0] =	vst v56  }
0xef: {  	v39 =	vld.idx.msk [tilespmem:v57+s14+$0x0], $0xffff  }
0xf0: {  	v58 =	vor.u32 $0x2, v38;
	_ =	sdelay $0x3  }
0xf1: {  	[tilespmem:s24+$0x148] =	vst v39  }
0xf2: {  	v39 =	vld.idx.msk [tilespmem:v58+s14+$0x0], $0xffff  }
0xf3: {  	v59 =	vor.u32 $0x3, v38;
	_ =	sdelay $0x3  }
0xf4: {  	[tilespmem:s24+$0x290] =	vst v39  }
0xf5: {  	v39 =	vld.idx.msk [tilespmem:v59+s14+$0x0], $0xffff  }
0xf6: {  	v60 =	vor.u32 $0x4, v38;
	_ =	sdelay $0x3  }
0xf7: {  	[tilespmem:s24+$0x3D8] =	vst v39  }
0xf8: {  	v39 =	vld.idx.msk [tilespmem:v60+s14+$0x0], $0xffff  }
0xf9: {  	v61 =	vor.u32 $0x5, v38;
	_ =	sdelay $0x3  }
0xfa: {  	[tilespmem:s24+$0x520] =	vst v39  }
0xfb: {  	v39 =	vld.idx.msk [tilespmem:v61+s14+$0x0], $0xffff  }
0xfc: {  	v62 =	vor.u32 $0x6, v38;
	_ =	sdelay $0x3  }
0xfd: {  	[tilespmem:s24+$0x668] =	vst v39  }
0xfe: {  	v39 =	vld.idx.msk [tilespmem:v62+s14+$0x0], $0xffff  }
0xff: {  	v63 =	vor.u32 $0x7, v38;
	_ =	sdelay $0x3  }
0x100: {  	[tilespmem:s24+$0x7B0] =	vst v39  }
0x101: {  	v39 =	vld.idx.msk [tilespmem:v63+s14+$0x0], $0xffff  }
0x102: {  	v38 =	vor.u32 $0x8, v38;
	_ =	sdelay $0x3  }
0x103: {  	s22 =	simm.s32 $0x10;
	[tilespmem:s24+$0x8F8] =	vst v39  }
0x104: {  	s25 =	simm.s32 $0x20;
	v39 =	vmov s22;
	v38 =	vld.idx.msk [tilespmem:v38+s14+$0x0], $0xffff  }
.LBB2_6:
0x105: {  	p0 =	sne.s32 s25, $0x90;
	v39 =	vshll.u32 v39, $0x7  }
0x106: {  	v39 =	vor.u32 v0, v39;
	_ =	sdelay $0x2  }
0x107: {  	s26 =	sand.u32 $0xF0, s21;
	s21 =	smov.u32 s22;
	s22 =	smov.u32 s25  }
0x108: {  	[tilespmem:s26+$0x1480] =	vst v38  }
0x109: {  	v38 =	vld.idx.msk [tilespmem:v39+s14+$0x0], $0xffff;
	_ =	sdelay $0x1  }
0x10a: {  	v40 =	vor.u32 $0x1, v39;
	_ =	sdelay $0x2  }
0x10b: {  	s24 =	sadd.s32 $0x10, s24  }
0x10c: {  	[tilespmem:s24+$0x0] =	vst v38  }
0x10d: {  	v38 =	vld.idx.msk [tilespmem:v40+s14+$0x0], $0xffff;
	_ =	sdelay $0x1  }
0x10e: {  	v40 =	vor.u32 $0x2, v39;
	_ =	sdelay $0x3  }
0x10f: {  	[tilespmem:s24+$0x148] =	vst v38  }
0x110: {  	v38 =	vld.idx.msk [tilespmem:v40+s14+$0x0], $0xffff;
	_ =	sdelay $0x1  }
0x111: {  	v40 =	vor.u32 $0x3, v39;
	_ =	sdelay $0x3  }
0x112: {  	[tilespmem:s24+$0x290] =	vst v38  }
0x113: {  	v38 =	vld.idx.msk [tilespmem:v40+s14+$0x0], $0xffff;
	_ =	sdelay $0x1  }
0x114: {  	v40 =	vor.u32 $0x4, v39;
	_ =	sdelay $0x3  }
0x115: {  	[tilespmem:s24+$0x3D8] =	vst v38  }
0x116: {  	v38 =	vld.idx.msk [tilespmem:v40+s14+$0x0], $0xffff;
	_ =	sdelay $0x1  }
0x117: {  	v40 =	vor.u32 $0x5, v39;
	_ =	sdelay $0x3  }
0x118: {  	[tilespmem:s24+$0x520] =	vst v38  }
0x119: {  	v38 =	vld.idx.msk [tilespmem:v40+s14+$0x0], $0xffff;
	_ =	sdelay $0x1  }
0x11a: {  	v40 =	vor.u32 $0x6, v39;
	_ =	sdelay $0x3  }
0x11b: {  	[tilespmem:s24+$0x668] =	vst v38  }
0x11c: {  	v38 =	vld.idx.msk [tilespmem:v40+s14+$0x0], $0xffff;
	_ =	sdelay $0x1  }
0x11d: {  	v40 =	vor.u32 $0x7, v39;
	_ =	sdelay $0x3  }
0x11e: {  	[tilespmem:s24+$0x7B0] =	vst v38  }
0x11f: {  	v38 =	vld.idx.msk [tilespmem:v40+s14+$0x0], $0xffff;
	_ =	sdelay $0x1  }
0x120: {  	v40 =	vor.u32 $0x8, v39  }
.Ltmp2:
0x121: {  	(pc) =	sbr.rel @p0 .LBB2_6-.Ltmp2, $3  }
0x122: {  	_ =	sdelay $0x1  }
0x123: {  	[tilespmem:s24+$0x8F8] =	vst v38  }
0x124: {  	s25 =	sadd.s32 $0x10, s25;
	v39 =	vmov s22;
	v38 =	vld.idx.msk [tilespmem:v40+s14+$0x0], $0xffff  }
0x125: {  	v39 =	vshll.u32 v39, $0x7  }
0x126: {  	v39 =	vor.u32 v0, v39;
	_ =	sdelay $0x2  }
0x127: {  	s21 =	sand.u32 $0xF0, s21  }
0x128: {  	[tilespmem:s21+$0x1480] =	vst v38  }
0x129: {  	v38 =	vld.idx.msk [tilespmem:v39+s14+$0x0], $0xffff  }
0x12a: {  	v40 =	vor.u32 $0x1, v39;
	_ =	sdelay $0x2  }
0x12b: {  	s26 =	sadd.s32 $0x10, s24  }
0x12c: {  	[tilespmem:s26+$0x0] =	vst v38  }
0x12d: {  	v38 =	vld.idx.msk [tilespmem:v40+s14+$0x0], $0xffff  }
0x12e: {  	v49 =	vor.u32 $0x2, v39;
	_ =	sdelay $0x3  }
0x12f: {  	[tilespmem:s26+$0x148] =	vst v38  }
0x130: {  	v38 =	vld.idx.msk [tilespmem:v49+s14+$0x0], $0xffff  }
0x131: {  	v50 =	vor.u32 $0x3, v39;
	_ =	sdelay $0x3  }
0x132: {  	[tilespmem:s26+$0x290] =	vst v38  }
0x133: {  	v38 =	vld.idx.msk [tilespmem:v50+s14+$0x0], $0xffff  }
0x134: {  	v51 =	vor.u32 $0x4, v39;
	_ =	sdelay $0x3  }
0x135: {  	[tilespmem:s26+$0x3D8] =	vst v38  }
0x136: {  	v38 =	vld.idx.msk [tilespmem:v51+s14+$0x0], $0xffff  }
0x137: {  	v52 =	vor.u32 $0x5, v39;
	_ =	sdelay $0x3  }
0x138: {  	[tilespmem:s26+$0x520] =	vst v38  }
0x139: {  	v38 =	vld.idx.msk [tilespmem:v52+s14+$0x0], $0xffff  }
0x13a: {  	v53 =	vor.u32 $0x6, v39;
	_ =	sdelay $0x3  }
0x13b: {  	[tilespmem:s26+$0x668] =	vst v38  }
0x13c: {  	v38 =	vld.idx.msk [tilespmem:v53+s14+$0x0], $0xffff  }
0x13d: {  	v54 =	vor.u32 $0x7, v39;
	_ =	sdelay $0x3  }
0x13e: {  	[tilespmem:s26+$0x7B0] =	vst v38  }
0x13f: {  	v38 =	vld.idx.msk [tilespmem:v54+s14+$0x0], $0xffff  }
0x140: {  	v39 =	vor.u32 $0x8, v39;
	_ =	sdelay $0x3  }
0x141: {  	[tilespmem:s26+$0x8F8] =	vst v38  }
0x142: {  	v38 =	vld.idx.msk [tilespmem:v39+s14+$0x0], $0xffff;
	_ =	sdelay $0x3  }
0x143: {  	s24 =	sand.u32 $0xF0, s22  }
0x144: {  	[tilespmem:s24+$0x1480] =	vst v38  }
0x145: {  	v38 =	vld.idx.msk [tilespmem:v1+s14+$0x0], $0xff;
	_ =	sdelay $0x3  }
0x146: {  	s25 =	simm.s32 $0x0  }
0x147: {  	[tilespmem:v17+s25+$0x0] =	vst.idx.msk $0xff, v38  }
0x148: {  	v38 =	vld.idx.msk [tilespmem:v3+s14+$0x0], $0xff;
	_ =	sdelay $0x4  }
0x149: {  	[tilespmem:v18+s25+$0x0] =	vst.idx.msk $0xff, v38  }
0x14a: {  	v38 =	vld.idx.msk [tilespmem:v5+s14+$0x0], $0xff;
	_ =	sdelay $0x4  }
0x14b: {  	[tilespmem:v19+s25+$0x0] =	vst.idx.msk $0xff, v38  }
0x14c: {  	v38 =	vld.idx.msk [tilespmem:v7+s14+$0x0], $0xff;
	_ =	sdelay $0x4  }
0x14d: {  	[tilespmem:v20+s25+$0x0] =	vst.idx.msk $0xff, v38  }
0x14e: {  	v38 =	vld.idx.msk [tilespmem:v9+s14+$0x0], $0xff;
	_ =	sdelay $0x4  }
0x14f: {  	[tilespmem:v21+s25+$0x0] =	vst.idx.msk $0xff, v38  }
0x150: {  	v38 =	vld.idx.msk [tilespmem:v11+s14+$0x0], $0xff;
	_ =	sdelay $0x4  }
0x151: {  	[tilespmem:v22+s25+$0x0] =	vst.idx.msk $0xff, v38  }
0x152: {  	v38 =	vld.idx.msk [tilespmem:v13+s14+$0x0], $0xff;
	_ =	sdelay $0x4  }
0x153: {  	[tilespmem:v23+s25+$0x0] =	vst.idx.msk $0xff, v38  }
0x154: {  	v38 =	vld.idx.msk [tilespmem:v15+s14+$0x0], $0xff;
	_ =	sdelay $0x4  }
0x155: {  	[tilespmem:v24+s25+$0x0] =	vst.idx.msk $0xff, v38  }
0x156: {  	v38 =	vld.idx.msk [tilespmem:v25+s14+$0x0], $0xff;
	_ =	sdelay $0x2  }
0x157: {  	v55 =	vmov s25  }
0x158: {  	v39 =	vshll.u32 v55, $0x7  }
0x159: {  	v56 =	vor.u32 v0, v39;
	[tilespmem:v26+s25+$0x0] =	vst.idx.msk $0xff, v38  }
0x15a: {  	[tilespmem:s14], [sflag:$0x7] =	stream.linear.gather [hbm4b:s7+s25], $0x5000, $0x38;
	[tilespmem:$0x1BF00] =	vst v63  }
0x15b: {  	_ =	swait.ge [sflag:s15], $0x5000  }
0x15c: {  	[sflag:s15] =	ssyncset.done $0x0  }
0x15d: {  	[sflag:s15] =	ssyncadd.s32 $0xFFFFB000  }
0x15e: {  	v39 =	vld.idx.msk [tilespmem:v56+s14+$0x0], $0xffff  }
0x15f: {  	v57 =	vor.u32 $0x1, v56;
	_ =	sdelay $0x2  }
0x160: {  	s21 =	simm.s32 $0xAE8  }
0x161: {  	[tilespmem:s21+$0x0] =	vst v39  }
0x162: {  	v39 =	vld.idx.msk [tilespmem:v57+s14+$0x0], $0xffff  }
0x163: {  	v58 =	vor.u32 $0x2, v56;
	_ =	sdelay $0x3  }
0x164: {  	[tilespmem:s21+$0x148] =	vst v39  }
0x165: {  	v39 =	vld.idx.msk [tilespmem:v58+s14+$0x0], $0xffff  }
0x166: {  	v59 =	vor.u32 $0x3, v56;
	_ =	sdelay $0x3  }
0x167: {  	[tilespmem:s21+$0x290] =	vst v39  }
0x168: {  	v39 =	vld.idx.msk [tilespmem:v59+s14+$0x0], $0xffff  }
0x169: {  	v60 =	vor.u32 $0x4, v56;
	_ =	sdelay $0x3  }
0x16a: {  	[tilespmem:s21+$0x3D8] =	vst v39  }
0x16b: {  	v39 =	vld.idx.msk [tilespmem:v60+s14+$0x0], $0xffff  }
0x16c: {  	v61 =	vor.u32 $0x5, v56;
	_ =	sdelay $0x3  }
0x16d: {  	[tilespmem:s21+$0x520] =	vst v39  }
0x16e: {  	v39 =	vld.idx.msk [tilespmem:v61+s14+$0x0], $0xffff  }
0x16f: {  	v62 =	vor.u32 $0x6, v56;
	_ =	sdelay $0x3  }
0x170: {  	[tilespmem:s21+$0x668] =	vst v39  }
0x171: {  	v39 =	vld.idx.msk [tilespmem:v62+s14+$0x0], $0xffff  }
0x172: {  	v63 =	vor.u32 $0x7, v56;
	_ =	sdelay $0x3  }
0x173: {  	[tilespmem:s21+$0x7B0] =	vst v39  }
0x174: {  	v39 =	vld.idx.msk [tilespmem:v63+s14+$0x0], $0xffff  }
0x175: {  	v38 =	vor.u32 $0x8, v56;
	_ =	sdelay $0x3  }
0x176: {  	s26 =	simm.s32 $0x10;
	[tilespmem:s21+$0x8F8] =	vst v39  }
0x177: {  	s22 =	simm.s32 $0x20;
	v39 =	vmov s26;
	v38 =	vld.idx.msk [tilespmem:v38+s14+$0x0], $0xffff  }
.LBB2_8:
0x178: {  	p0 =	sne.s32 s22, $0x90;
	v39 =	vshll.u32 v39, $0x7  }
0x179: {  	v39 =	vor.u32 v0, v39;
	_ =	sdelay $0x3  }
0x17a: {  	[tilespmem:s21+$0xA40] =	vst v38  }
0x17b: {  	v38 =	vld.idx.msk [tilespmem:v39+s14+$0x0], $0xffff;
	_ =	sdelay $0x1  }
0x17c: {  	v40 =	vor.u32 $0x1, v39;
	_ =	sdelay $0x2  }
0x17d: {  	s21 =	sadd.s32 $0x10, s21  }
0x17e: {  	[tilespmem:s21+$0x0] =	vst v38  }
0x17f: {  	v38 =	vld.idx.msk [tilespmem:v40+s14+$0x0], $0xffff;
	_ =	sdelay $0x1  }
0x180: {  	v40 =	vor.u32 $0x2, v39;
	_ =	sdelay $0x3  }
0x181: {  	[tilespmem:s21+$0x148] =	vst v38  }
0x182: {  	v38 =	vld.idx.msk [tilespmem:v40+s14+$0x0], $0xffff;
	_ =	sdelay $0x1  }
0x183: {  	v40 =	vor.u32 $0x3, v39;
	_ =	sdelay $0x3  }
0x184: {  	[tilespmem:s21+$0x290] =	vst v38  }
0x185: {  	v38 =	vld.idx.msk [tilespmem:v40+s14+$0x0], $0xffff;
	_ =	sdelay $0x1  }
0x186: {  	v40 =	vor.u32 $0x4, v39;
	_ =	sdelay $0x3  }
0x187: {  	[tilespmem:s21+$0x3D8] =	vst v38  }
0x188: {  	v38 =	vld.idx.msk [tilespmem:v40+s14+$0x0], $0xffff;
	_ =	sdelay $0x1  }
0x189: {  	v40 =	vor.u32 $0x5, v39;
	_ =	sdelay $0x3  }
0x18a: {  	[tilespmem:s21+$0x520] =	vst v38  }
0x18b: {  	v38 =	vld.idx.msk [tilespmem:v40+s14+$0x0], $0xffff;
	_ =	sdelay $0x1  }
0x18c: {  	v40 =	vor.u32 $0x6, v39;
	_ =	sdelay $0x3  }
0x18d: {  	[tilespmem:s21+$0x668] =	vst v38  }
0x18e: {  	v38 =	vld.idx.msk [tilespmem:v40+s14+$0x0], $0xffff;
	_ =	sdelay $0x1  }
0x18f: {  	v40 =	vor.u32 $0x7, v39;
	_ =	sdelay $0x3  }
0x190: {  	[tilespmem:s21+$0x7B0] =	vst v38  }
0x191: {  	v38 =	vld.idx.msk [tilespmem:v40+s14+$0x0], $0xffff;
	_ =	sdelay $0x1  }
0x192: {  	v40 =	vor.u32 $0x8, v39  }
.Ltmp3:
0x193: {  	(pc) =	sbr.rel @p0 .LBB2_8-.Ltmp3, $3  }
0x194: {  	_ =	sdelay $0x1  }
0x195: {  	[tilespmem:s21+$0x8F8] =	vst v38  }
0x196: {  	v39 =	vmov s22;
	s22 =	sadd.s32 $0x10, s22;
	v38 =	vld.idx.msk [tilespmem:v40+s14+$0x0], $0xffff  }
0x197: {  	v39 =	vshll.u32 v39, $0x7  }
0x198: {  	v39 =	vor.u32 v0, v39;
	_ =	sdelay $0x3  }
0x199: {  	[tilespmem:s21+$0xA40] =	vst v38  }
0x19a: {  	v38 =	vld.idx.msk [tilespmem:v39+s14+$0x0], $0xffff  }
0x19b: {  	v40 =	vor.u32 $0x1, v39;
	_ =	sdelay $0x2  }
0x19c: {  	s22 =	sadd.s32 $0x10, s21  }
0x19d: {  	[tilespmem:s22+$0x0] =	vst v38  }
0x19e: {  	v38 =	vld.idx.msk [tilespmem:v40+s14+$0x0], $0xffff  }
0x19f: {  	v48 =	vor.u32 $0x2, v39;
	_ =	sdelay $0x3  }
0x1a0: {  	[tilespmem:s22+$0x148] =	vst v38  }
0x1a1: {  	v38 =	vld.idx.msk [tilespmem:v48+s14+$0x0], $0xffff  }
0x1a2: {  	v49 =	vor.u32 $0x3, v39;
	_ =	sdelay $0x3  }
0x1a3: {  	[tilespmem:s22+$0x290] =	vst v38  }
0x1a4: {  	v38 =	vld.idx.msk [tilespmem:v49+s14+$0x0], $0xffff  }
0x1a5: {  	v50 =	vor.u32 $0x4, v39;
	_ =	sdelay $0x3  }
0x1a6: {  	[tilespmem:s22+$0x3D8] =	vst v38  }
0x1a7: {  	v38 =	vld.idx.msk [tilespmem:v50+s14+$0x0], $0xffff  }
0x1a8: {  	v51 =	vor.u32 $0x5, v39;
	_ =	sdelay $0x3  }
0x1a9: {  	[tilespmem:s22+$0x520] =	vst v38  }
0x1aa: {  	v38 =	vld.idx.msk [tilespmem:v51+s14+$0x0], $0xffff  }
0x1ab: {  	v52 =	vor.u32 $0x6, v39;
	_ =	sdelay $0x3  }
0x1ac: {  	[tilespmem:s22+$0x668] =	vst v38  }
0x1ad: {  	v38 =	vld.idx.msk [tilespmem:v52+s14+$0x0], $0xffff  }
0x1ae: {  	v53 =	vor.u32 $0x7, v39;
	_ =	sdelay $0x3  }
0x1af: {  	[tilespmem:s22+$0x7B0] =	vst v38  }
0x1b0: {  	v38 =	vld.idx.msk [tilespmem:v53+s14+$0x0], $0xffff  }
0x1b1: {  	v39 =	vor.u32 $0x8, v39;
	_ =	sdelay $0x3  }
0x1b2: {  	[tilespmem:s22+$0x8F8] =	vst v38  }
0x1b3: {  	v38 =	vld.idx.msk [tilespmem:v39+s14+$0x0], $0xffff;
	_ =	sdelay $0x4  }
0x1b4: {  	[tilespmem:s22+$0xA40] =	vst v38  }
0x1b5: {  	_ =	swait.ge [sflag:s18], $0xA400  }
0x1b6: {  	[sflag:s18] =	ssyncset.done $0x0  }
0x1b7: {  	s24 =	simm.s32 $0xA40;
	[sflag:s18] =	ssyncadd.s32 $0xFFFF5C00  }
0x1b8: {  	[tilespmem:s20], [sflag:$0x2] =	stream.indirect.gather [hbm4b:s0+s16], $0x80, s24, s16, $0xb8;
	[tilespmem:$0x1BF00] =	vst v63  }
0x1b9: {  	_ = 	snop  }
0x1ba: {  	[tilespmem:s17], [sflag:$0x3] =	stream.indirect.gather.add.f32 [hbm:s0], $0x80, s16, s16, $0xb8;
	[tilespmem:$0x1BF00] =	vst v63  }
0x1bb: {  	s25 =	simm.s32 $0x290  }
0x1bc: {  	[tilespmem:s17], [sflag:$0x3] =	stream.indirect.gather.add.f32 [hbm:s0], $0x80, s25, s16, $0xb8;
	[tilespmem:$0x1BF00] =	vst v63  }
0x1bd: {  	s26 =	simm.s32 $0x3D8  }
0x1be: {  	[tilespmem:s17], [sflag:$0x3] =	stream.indirect.gather.add.f32 [hbm:s0], $0x80, s26, s16, $0xb8;
	[tilespmem:$0x1BF00] =	vst v63  }
0x1bf: {  	_ = 	snop  }
0x1c0: {  	[tilespmem:s17], [sflag:$0x3] =	stream.indirect.gather.add.f32 [hbm:s0], $0x80, s23, s16, $0xb8;
	[tilespmem:$0x1BF00] =	vst v63  }
0x1c1: {  	s22 =	simm.s32 $0x668  }
0x1c2: {  	[tilespmem:s17], [sflag:$0x3] =	stream.indirect.gather.add.f32 [hbm:s0], $0x80, s22, s16, $0xb8;
	[tilespmem:$0x1BF00] =	vst v63  }
0x1c3: {  	s24 =	simm.s32 $0x7B0;
	s25 =	simm.s32 $0x0  }
0x1c4: {  	[tilespmem:s17], [sflag:$0x3] =	stream.indirect.gather.add.f32 [hbm:s0], $0x80, s24, s16, $0xb8;
	[tilespmem:$0x1BF00] =	vst v63  }
0x1c5: {  	v54 =	vmov s25;
	s22 =	simm.s32 $0x8F8  }
0x1c6: {  	v38 =	vshll.u32 v54, $0x7;
	[tilespmem:s17], [sflag:$0x3] =	stream.indirect.gather.add.f32 [hbm:s0], $0x80, s22, s16, $0xb8;
	[tilespmem:$0x1BF00] =	vst v63  }
0x1c7: {  	v38 =	vor.u32 v0, v38  }
0x1c8: {  	[tilespmem:s14], [sflag:$0x7] =	stream.linear.gather [hbm4b:s8+s25], $0x5400, $0x38;
	[tilespmem:$0x1BF00] =	vst v63  }
0x1c9: {  	_ =	swait.ge [sflag:s15], $0x5400  }
0x1ca: {  	[sflag:s15] =	ssyncset.done $0x0  }
0x1cb: {  	[sflag:s15] =	ssyncadd.s32 $0xFFFFAC00  }
0x1cc: {  	v55 =	vld.idx.msk [tilespmem:v38+s14+$0x0], $0xffff  }
0x1cd: {  	v56 =	vor.u32 $0x1, v38;
	_ =	sdelay $0x2  }
0x1ce: {  	s21 =	simm.s32 $0x15C8  }
0x1cf: {  	[tilespmem:s21+$0x0] =	vst v55  }
0x1d0: {  	v39 =	vld.idx.msk [tilespmem:v56+s14+$0x0], $0xffff  }
0x1d1: {  	v57 =	vor.u32 $0x2, v38;
	_ =	sdelay $0x3  }
0x1d2: {  	[tilespmem:s21+$0x148] =	vst v39  }
0x1d3: {  	v39 =	vld.idx.msk [tilespmem:v57+s14+$0x0], $0xffff  }
0x1d4: {  	v58 =	vor.u32 $0x3, v38;
	_ =	sdelay $0x3  }
0x1d5: {  	[tilespmem:s21+$0x290] =	vst v39  }
0x1d6: {  	v39 =	vld.idx.msk [tilespmem:v58+s14+$0x0], $0xffff  }
0x1d7: {  	v59 =	vor.u32 $0x4, v38;
	_ =	sdelay $0x3  }
0x1d8: {  	[tilespmem:s21+$0x3D8] =	vst v39  }
0x1d9: {  	v39 =	vld.idx.msk [tilespmem:v59+s14+$0x0], $0xffff  }
0x1da: {  	v60 =	vor.u32 $0x5, v38;
	_ =	sdelay $0x3  }
0x1db: {  	[tilespmem:s21+$0x520] =	vst v39  }
0x1dc: {  	v39 =	vld.idx.msk [tilespmem:v60+s14+$0x0], $0xffff  }
0x1dd: {  	v61 =	vor.u32 $0x6, v38;
	_ =	sdelay $0x3  }
0x1de: {  	[tilespmem:s21+$0x668] =	vst v39  }
0x1df: {  	v39 =	vld.idx.msk [tilespmem:v61+s14+$0x0], $0xffff  }
0x1e0: {  	v62 =	vor.u32 $0x7, v38;
	_ =	sdelay $0x3  }
0x1e1: {  	[tilespmem:s21+$0x7B0] =	vst v39  }
0x1e2: {  	v39 =	vld.idx.msk [tilespmem:v62+s14+$0x0], $0xffff  }
0x1e3: {  	v63 =	vor.u32 $0x8, v38;
	_ =	sdelay $0x3  }
0x1e4: {  	[tilespmem:s21+$0x8F8] =	vst v39  }
0x1e5: {  	v39 =	vld.idx.msk [tilespmem:v63+s14+$0x0], $0xffff  }
0x1e6: {  	v38 =	vor.u32 $0x9, v38;
	_ =	sdelay $0x3  }
0x1e7: {  	s26 =	simm.s32 $0x10;
	[tilespmem:s21+$0xA40] =	vst v39  }
0x1e8: {  	s22 =	simm.s32 $0x20;
	v39 =	vmov s26;
	v38 =	vld.idx.msk [tilespmem:v38+s14+$0x0], $0xffff  }
.LBB2_10:
0x1e9: {  	p0 =	sne.s32 s22, $0x90;
	v39 =	vshll.u32 v39, $0x7  }
0x1ea: {  	v39 =	vor.u32 v0, v39;
	_ =	sdelay $0x3  }
0x1eb: {  	[tilespmem:s21+$0xB88] =	vst v38  }
0x1ec: {  	v38 =	vld.idx.msk [tilespmem:v39+s14+$0x0], $0xffff;
	_ =	sdelay $0x1  }
0x1ed: {  	v40 =	vor.u32 $0x1, v39;
	_ =	sdelay $0x2  }
0x1ee: {  	s21 =	sadd.s32 $0x10, s21  }
0x1ef: {  	[tilespmem:s21+$0x0] =	vst v38  }
0x1f0: {  	v38 =	vld.idx.msk [tilespmem:v40+s14+$0x0], $0xffff;
	_ =	sdelay $0x1  }
0x1f1: {  	v40 =	vor.u32 $0x2, v39;
	_ =	sdelay $0x3  }
0x1f2: {  	[tilespmem:s21+$0x148] =	vst v38  }
0x1f3: {  	v38 =	vld.idx.msk [tilespmem:v40+s14+$0x0], $0xffff;
	_ =	sdelay $0x1  }
0x1f4: {  	v40 =	vor.u32 $0x3, v39;
	_ =	sdelay $0x3  }
0x1f5: {  	[tilespmem:s21+$0x290] =	vst v38  }
0x1f6: {  	v38 =	vld.idx.msk [tilespmem:v40+s14+$0x0], $0xffff;
	_ =	sdelay $0x1  }
0x1f7: {  	v40 =	vor.u32 $0x4, v39;
	_ =	sdelay $0x3  }
0x1f8: {  	[tilespmem:s21+$0x3D8] =	vst v38  }
0x1f9: {  	v38 =	vld.idx.msk [tilespmem:v40+s14+$0x0], $0xffff;
	_ =	sdelay $0x1  }
0x1fa: {  	v40 =	vor.u32 $0x5, v39;
	_ =	sdelay $0x3  }
0x1fb: {  	[tilespmem:s21+$0x520] =	vst v38  }
0x1fc: {  	v38 =	vld.idx.msk [tilespmem:v40+s14+$0x0], $0xffff;
	_ =	sdelay $0x1  }
0x1fd: {  	v40 =	vor.u32 $0x6, v39;
	_ =	sdelay $0x3  }
0x1fe: {  	[tilespmem:s21+$0x668] =	vst v38  }
0x1ff: {  	v38 =	vld.idx.msk [tilespmem:v40+s14+$0x0], $0xffff;
	_ =	sdelay $0x1  }
0x200: {  	v40 =	vor.u32 $0x7, v39;
	_ =	sdelay $0x3  }
0x201: {  	[tilespmem:s21+$0x7B0] =	vst v38  }
0x202: {  	v38 =	vld.idx.msk [tilespmem:v40+s14+$0x0], $0xffff;
	_ =	sdelay $0x1  }
0x203: {  	v40 =	vor.u32 $0x8, v39;
	_ =	sdelay $0x3  }
0x204: {  	[tilespmem:s21+$0x8F8] =	vst v38  }
0x205: {  	v38 =	vld.idx.msk [tilespmem:v40+s14+$0x0], $0xffff;
	_ =	sdelay $0x1  }
0x206: {  	v40 =	vor.u32 $0x9, v39  }
.Ltmp4:
0x207: {  	(pc) =	sbr.rel @p0 .LBB2_10-.Ltmp4, $3  }
0x208: {  	_ =	sdelay $0x1  }
0x209: {  	[tilespmem:s21+$0xA40] =	vst v38  }
0x20a: {  	v39 =	vmov s22;
	s22 =	sadd.s32 $0x10, s22;
	v38 =	vld.idx.msk [tilespmem:v40+s14+$0x0], $0xffff  }
0x20b: {  	v39 =	vshll.u32 v39, $0x7  }
0x20c: {  	v39 =	vor.u32 v0, v39;
	_ =	sdelay $0x3  }
0x20d: {  	[tilespmem:s21+$0xB88] =	vst v38  }
0x20e: {  	v38 =	vld.idx.msk [tilespmem:v39+s14+$0x0], $0xffff  }
0x20f: {  	v40 =	vor.u32 $0x1, v39;
	_ =	sdelay $0x2  }
0x210: {  	s26 =	sadd.s32 $0x10, s21  }
0x211: {  	[tilespmem:s26+$0x0] =	vst v38  }
0x212: {  	v38 =	vld.idx.msk [tilespmem:v40+s14+$0x0], $0xffff  }
0x213: {  	v47 =	vor.u32 $0x2, v39;
	_ =	sdelay $0x3  }
0x214: {  	[tilespmem:s26+$0x148] =	vst v38  }
0x215: {  	v38 =	vld.idx.msk [tilespmem:v47+s14+$0x0], $0xffff  }
0x216: {  	v48 =	vor.u32 $0x3, v39;
	_ =	sdelay $0x3  }
0x217: {  	[tilespmem:s26+$0x290] =	vst v38  }
0x218: {  	v38 =	vld.idx.msk [tilespmem:v48+s14+$0x0], $0xffff  }
0x219: {  	v49 =	vor.u32 $0x4, v39;
	_ =	sdelay $0x3  }
0x21a: {  	[tilespmem:s26+$0x3D8] =	vst v38  }
0x21b: {  	v38 =	vld.idx.msk [tilespmem:v49+s14+$0x0], $0xffff  }
0x21c: {  	v50 =	vor.u32 $0x5, v39;
	_ =	sdelay $0x3  }
0x21d: {  	[tilespmem:s26+$0x520] =	vst v38  }
0x21e: {  	v38 =	vld.idx.msk [tilespmem:v50+s14+$0x0], $0xffff  }
0x21f: {  	v51 =	vor.u32 $0x6, v39;
	_ =	sdelay $0x3  }
0x220: {  	[tilespmem:s26+$0x668] =	vst v38  }
0x221: {  	v38 =	vld.idx.msk [tilespmem:v51+s14+$0x0], $0xffff  }
0x222: {  	v52 =	vor.u32 $0x7, v39;
	_ =	sdelay $0x3  }
0x223: {  	[tilespmem:s26+$0x7B0] =	vst v38  }
0x224: {  	v38 =	vld.idx.msk [tilespmem:v52+s14+$0x0], $0xffff  }
0x225: {  	v53 =	vor.u32 $0x8, v39;
	_ =	sdelay $0x3  }
0x226: {  	[tilespmem:s26+$0x8F8] =	vst v38  }
0x227: {  	v38 =	vld.idx.msk [tilespmem:v53+s14+$0x0], $0xffff  }
0x228: {  	v39 =	vor.u32 $0x9, v39;
	_ =	sdelay $0x3  }
0x229: {  	[tilespmem:s26+$0xA40] =	vst v38  }
0x22a: {  	v38 =	vld.idx.msk [tilespmem:v39+s14+$0x0], $0xffff;
	_ =	sdelay $0x4  }
0x22b: {  	[tilespmem:s26+$0xB88] =	vst v38  }
0x22c: {  	v38 =	vld.idx.msk [tilespmem:v1+s14+$0x0], $0xff;
	_ =	sdelay $0x3  }
0x22d: {  	s22 =	simm.s32 $0x0  }
0x22e: {  	[tilespmem:v27+s22+$0x0] =	vst.idx.msk $0xff, v38  }
0x22f: {  	v38 =	vld.idx.msk [tilespmem:v3+s14+$0x0], $0xff;
	_ =	sdelay $0x4  }
0x230: {  	[tilespmem:v28+s22+$0x0] =	vst.idx.msk $0xff, v38  }
0x231: {  	v38 =	vld.idx.msk [tilespmem:v5+s14+$0x0], $0xff;
	_ =	sdelay $0x4  }
0x232: {  	[tilespmem:v29+s22+$0x0] =	vst.idx.msk $0xff, v38  }
0x233: {  	v38 =	vld.idx.msk [tilespmem:v7+s14+$0x0], $0xff;
	_ =	sdelay $0x4  }
0x234: {  	[tilespmem:v30+s22+$0x0] =	vst.idx.msk $0xff, v38  }
0x235: {  	v38 =	vld.idx.msk [tilespmem:v9+s14+$0x0], $0xff;
	_ =	sdelay $0x4  }
0x236: {  	[tilespmem:v31+s22+$0x0] =	vst.idx.msk $0xff, v38  }
0x237: {  	v38 =	vld.idx.msk [tilespmem:v11+s14+$0x0], $0xff;
	_ =	sdelay $0x4  }
0x238: {  	[tilespmem:v32+s22+$0x0] =	vst.idx.msk $0xff, v38  }
0x239: {  	v38 =	vld.idx.msk [tilespmem:v13+s14+$0x0], $0xff;
	_ =	sdelay $0x4  }
0x23a: {  	[tilespmem:v33+s22+$0x0] =	vst.idx.msk $0xff, v38  }
0x23b: {  	v38 =	vld.idx.msk [tilespmem:v15+s14+$0x0], $0xff;
	_ =	sdelay $0x4  }
0x23c: {  	[tilespmem:v34+s22+$0x0] =	vst.idx.msk $0xff, v38  }
0x23d: {  	v38 =	vld.idx.msk [tilespmem:v25+s14+$0x0], $0xff;
	_ =	sdelay $0x4  }
0x23e: {  	[tilespmem:v35+s22+$0x0] =	vst.idx.msk $0xff, v38  }
0x23f: {  	v38 =	vld.idx.msk [tilespmem:v36+s14+$0x0], $0xff;
	_ =	sdelay $0x2  }
0x240: {  	v54 =	vmov s22  }
0x241: {  	v39 =	vshll.u32 v54, $0x7  }
0x242: {  	v55 =	vor.u32 v0, v39;
	[tilespmem:v37+s22+$0x0] =	vst.idx.msk $0xff, v38  }
0x243: {  	[tilespmem:s14], [sflag:$0x7] =	stream.linear.gather [hbm4b:s9+s22], $0x5000, $0x38;
	[tilespmem:$0x1BF00] =	vst v63  }
0x244: {  	_ =	swait.ge [sflag:s15], $0x5000  }
0x245: {  	[sflag:s15] =	ssyncset.done $0x0  }
0x246: {  	[sflag:s15] =	ssyncadd.s32 $0xFFFFB000  }
0x247: {  	v39 =	vld.idx.msk [tilespmem:v55+s14+$0x0], $0xffff  }
0x248: {  	v56 =	vor.u32 $0x1, v55;
	_ =	sdelay $0x2  }
0x249: {  	s21 =	simm.s32 $0x21F8  }
0x24a: {  	[tilespmem:s21+$0xFFFFF478] =	vst v39  }
0x24b: {  	v39 =	vld.idx.msk [tilespmem:v56+s14+$0x0], $0xffff  }
0x24c: {  	v57 =	vor.u32 $0x2, v55;
	_ =	sdelay $0x3  }
0x24d: {  	[tilespmem:s21+$0xFFFFF5C0] =	vst v39  }
0x24e: {  	v39 =	vld.idx.msk [tilespmem:v57+s14+$0x0], $0xffff  }
0x24f: {  	v58 =	vor.u32 $0x3, v55;
	_ =	sdelay $0x2  }
0x250: {  	s22 =	sand.u32 $0xF0, s22  }
0x251: {  	[tilespmem:s22+$0x1900] =	vst v39  }
0x252: {  	v39 =	vld.idx.msk [tilespmem:v58+s14+$0x0], $0xffff  }
0x253: {  	v59 =	vor.u32 $0x4, v55;
	_ =	sdelay $0x3  }
0x254: {  	[tilespmem:s21+$0xFFFFF850] =	vst v39  }
0x255: {  	v39 =	vld.idx.msk [tilespmem:v59+s14+$0x0], $0xffff  }
0x256: {  	v60 =	vor.u32 $0x5, v55;
	_ =	sdelay $0x3  }
0x257: {  	[tilespmem:s21+$0xFFFFF998] =	vst v39  }
0x258: {  	v39 =	vld.idx.msk [tilespmem:v60+s14+$0x0], $0xffff  }
0x259: {  	v61 =	vor.u32 $0x6, v55;
	_ =	sdelay $0x3  }
0x25a: {  	[tilespmem:s21+$0xFFFFFAE0] =	vst v39  }
0x25b: {  	v39 =	vld.idx.msk [tilespmem:v61+s14+$0x0], $0xffff  }
0x25c: {  	v62 =	vor.u32 $0x7, v55;
	_ =	sdelay $0x3  }
0x25d: {  	[tilespmem:s21+$0xFFFFFC28] =	vst v39  }
0x25e: {  	v39 =	vld.idx.msk [tilespmem:v62+s14+$0x0], $0xffff  }
0x25f: {  	v63 =	vor.u32 $0x8, v55;
	_ =	sdelay $0x3  }
0x260: {  	[tilespmem:s21+$0xFFFFFD70] =	vst v39  }
0x261: {  	v39 =	vld.idx.msk [tilespmem:v63+s14+$0x0], $0xffff  }
0x262: {  	v38 =	vor.u32 $0x9, v55;
	_ =	sdelay $0x3  }
0x263: {  	s22 =	simm.s32 $0x10;
	[tilespmem:s21+$0xFFFFFEB8] =	vst v39  }
0x264: {  	s24 =	simm.s32 $0x20;
	v39 =	vmov s22;
	v38 =	vld.idx.msk [tilespmem:v38+s14+$0x0], $0xffff  }
.LBB2_12:
0x265: {  	p0 =	sne.s32 s24, $0x90;
	v39 =	vshll.u32 v39, $0x7  }
0x266: {  	v39 =	vor.u32 v0, v39;
	_ =	sdelay $0x3  }
0x267: {  	[tilespmem:s21+$0x0] =	vst v38  }
0x268: {  	v38 =	vld.idx.msk [tilespmem:v39+s14+$0x0], $0xffff;
	_ =	sdelay $0x1  }
0x269: {  	v40 =	vor.u32 $0x1, v39;
	_ =	sdelay $0x2  }
0x26a: {  	s21 =	sadd.s32 $0x10, s21  }
0x26b: {  	[tilespmem:s21+$0xFFFFF478] =	vst v38  }
0x26c: {  	v38 =	vld.idx.msk [tilespmem:v40+s14+$0x0], $0xffff;
	_ =	sdelay $0x1  }
0x26d: {  	v40 =	vor.u32 $0x2, v39;
	_ =	sdelay $0x3  }
0x26e: {  	[tilespmem:s21+$0xFFFFF5C0] =	vst v38  }
0x26f: {  	v38 =	vld.idx.msk [tilespmem:v40+s14+$0x0], $0xffff;
	_ =	sdelay $0x1  }
0x270: {  	v40 =	vor.u32 $0x3, v39;
	_ =	sdelay $0x2  }
0x271: {  	s25 =	sand.u32 $0xF0, s22;
	s22 =	smov.u32 s24  }
0x272: {  	[tilespmem:s25+$0x1900] =	vst v38  }
0x273: {  	v38 =	vld.idx.msk [tilespmem:v40+s14+$0x0], $0xffff;
	_ =	sdelay $0x1  }
0x274: {  	v40 =	vor.u32 $0x4, v39;
	_ =	sdelay $0x3  }
0x275: {  	[tilespmem:s21+$0xFFFFF850] =	vst v38  }
0x276: {  	v38 =	vld.idx.msk [tilespmem:v40+s14+$0x0], $0xffff;
	_ =	sdelay $0x1  }
0x277: {  	v40 =	vor.u32 $0x5, v39;
	_ =	sdelay $0x3  }
0x278: {  	[tilespmem:s21+$0xFFFFF998] =	vst v38  }
0x279: {  	v38 =	vld.idx.msk [tilespmem:v40+s14+$0x0], $0xffff;
	_ =	sdelay $0x1  }
0x27a: {  	v40 =	vor.u32 $0x6, v39;
	_ =	sdelay $0x3  }
0x27b: {  	[tilespmem:s21+$0xFFFFFAE0] =	vst v38  }
0x27c: {  	v38 =	vld.idx.msk [tilespmem:v40+s14+$0x0], $0xffff;
	_ =	sdelay $0x1  }
0x27d: {  	v40 =	vor.u32 $0x7, v39;
	_ =	sdelay $0x3  }
0x27e: {  	[tilespmem:s21+$0xFFFFFC28] =	vst v38  }
0x27f: {  	v38 =	vld.idx.msk [tilespmem:v40+s14+$0x0], $0xffff;
	_ =	sdelay $0x1  }
0x280: {  	v40 =	vor.u32 $0x8, v39;
	_ =	sdelay $0x3  }
0x281: {  	[tilespmem:s21+$0xFFFFFD70] =	vst v38  }
0x282: {  	v38 =	vld.idx.msk [tilespmem:v40+s14+$0x0], $0xffff;
	_ =	sdelay $0x1  }
0x283: {  	v40 =	vor.u32 $0x9, v39  }
.Ltmp5:
0x284: {  	(pc) =	sbr.rel @p0 .LBB2_12-.Ltmp5, $3  }
0x285: {  	_ =	sdelay $0x1  }
0x286: {  	[tilespmem:s21+$0xFFFFFEB8] =	vst v38  }
0x287: {  	s24 =	sadd.s32 $0x10, s24;
	v39 =	vmov s22;
	v38 =	vld.idx.msk [tilespmem:v40+s14+$0x0], $0xffff  }
0x288: {  	v39 =	vshll.u32 v39, $0x7  }
0x289: {  	v39 =	vor.u32 v0, v39;
	_ =	sdelay $0x3  }
0x28a: {  	[tilespmem:s21+$0x0] =	vst v38  }
0x28b: {  	v38 =	vld.idx.msk [tilespmem:v39+s14+$0x0], $0xffff  }
0x28c: {  	v40 =	vor.u32 $0x1, v39;
	_ =	sdelay $0x2  }
0x28d: {  	s25 =	sadd.s32 $0x10, s21  }
0x28e: {  	[tilespmem:s25+$0xFFFFF478] =	vst v38  }
0x28f: {  	v38 =	vld.idx.msk [tilespmem:v40+s14+$0x0], $0xffff  }
0x290: {  	v57 =	vor.u32 $0x2, v39;
	_ =	sdelay $0x3  }
0x291: {  	[tilespmem:s25+$0xFFFFF5C0] =	vst v38  }
0x292: {  	v38 =	vld.idx.msk [tilespmem:v57+s14+$0x0], $0xffff  }
0x293: {  	v58 =	vor.u32 $0x3, v39;
	_ =	sdelay $0x2  }
0x294: {  	s22 =	sand.u32 $0xF0, s22  }
0x295: {  	[tilespmem:s22+$0x1900] =	vst v38  }
0x296: {  	v38 =	vld.idx.msk [tilespmem:v58+s14+$0x0], $0xffff  }
0x297: {  	v59 =	vor.u32 $0x4, v39;
	_ =	sdelay $0x3  }
0x298: {  	[tilespmem:s25+$0xFFFFF850] =	vst v38  }
0x299: {  	v38 =	vld.idx.msk [tilespmem:v59+s14+$0x0], $0xffff  }
0x29a: {  	v60 =	vor.u32 $0x5, v39;
	_ =	sdelay $0x3  }
0x29b: {  	[tilespmem:s25+$0xFFFFF998] =	vst v38  }
0x29c: {  	v38 =	vld.idx.msk [tilespmem:v60+s14+$0x0], $0xffff  }
0x29d: {  	v61 =	vor.u32 $0x6, v39;
	_ =	sdelay $0x3  }
0x29e: {  	[tilespmem:s25+$0xFFFFFAE0] =	vst v38  }
0x29f: {  	v38 =	vld.idx.msk [tilespmem:v61+s14+$0x0], $0xffff  }
0x2a0: {  	v62 =	vor.u32 $0x7, v39;
	_ =	sdelay $0x3  }
0x2a1: {  	[tilespmem:s25+$0xFFFFFC28] =	vst v38  }
0x2a2: {  	v38 =	vld.idx.msk [tilespmem:v62+s14+$0x0], $0xffff  }
0x2a3: {  	v63 =	vor.u32 $0x8, v39;
	_ =	sdelay $0x3  }
0x2a4: {  	[tilespmem:s25+$0xFFFFFD70] =	vst v38  }
0x2a5: {  	v38 =	vld.idx.msk [tilespmem:v63+s14+$0x0], $0xffff  }
0x2a6: {  	v39 =	vor.u32 $0x9, v39;
	_ =	sdelay $0x3  }
0x2a7: {  	[tilespmem:s25+$0xFFFFFEB8] =	vst v38  }
0x2a8: {  	v38 =	vld.idx.msk [tilespmem:v39+s14+$0x0], $0xffff;
	_ =	sdelay $0x4  }
0x2a9: {  	[tilespmem:s25+$0x0] =	vst v38  }
0x2aa: {  	_ =	swait.ge [sflag:s28], $0xA400  }
0x2ab: {  	[sflag:s28] =	ssyncset.done $0x0  }
0x2ac: {  	[sflag:s28] =	ssyncadd.s32 $0xFFFF5C00  }
0x2ad: {  	_ =	swait.ge [sflag:s28], $0xA400  }
0x2ae: {  	[sflag:s28] =	ssyncset.done $0x0  }
0x2af: {  	[sflag:s28] =	ssyncadd.s32 $0xFFFF5C00  }
0x2b0: {  	_ =	swait.ge [sflag:s28], $0xA400  }
0x2b1: {  	[sflag:s28] =	ssyncset.done $0x0  }
0x2b2: {  	[sflag:s28] =	ssyncadd.s32 $0xFFFF5C00  }
0x2b3: {  	_ =	swait.ge [sflag:s28], $0xA400  }
0x2b4: {  	[sflag:s28] =	ssyncset.done $0x0  }
0x2b5: {  	[sflag:s28] =	ssyncadd.s32 $0xFFFF5C00  }
0x2b6: {  	_ =	swait.ge [sflag:s28], $0xA400  }
0x2b7: {  	[sflag:s28] =	ssyncset.done $0x0  }
0x2b8: {  	[sflag:s28] =	ssyncadd.s32 $0xFFFF5C00  }
0x2b9: {  	_ =	swait.ge [sflag:s28], $0xA400  }
0x2ba: {  	[sflag:s28] =	ssyncset.done $0x0  }
0x2bb: {  	[sflag:s28] =	ssyncadd.s32 $0xFFFF5C00  }
0x2bc: {  	_ =	swait.ge [sflag:s28], $0xA400  }
0x2bd: {  	[sflag:s28] =	ssyncset.done $0x0  }
0x2be: {  	[sflag:s28] =	ssyncadd.s32 $0xFFFF5C00  }
0x2bf: {  	[hbm4b:s10+s2] =	stream.linear.scatter [tilespmem:s17], [sflag:$0x5], $0xA400, $0x38;
	[tilespmem:$0x1BF00] =	vst v63  }
0x2c0: {  	_ =	swait.ge [sflag:s29], $0xA400  }
0x2c1: {  	[sflag:s29] =	ssyncset.done $0x0  }
0x2c2: {  	[sflag:s29] =	ssyncadd.s32 $0xFFFF5C00  }
0x2c3: {  	_ =	swait.ge [sflag:s30], $0xA400  }
0x2c4: {  	[sflag:s30] =	ssyncset.done $0x0  }
0x2c5: {  	s26 =	simm.s32 $0x15C8;
	[sflag:s30] =	ssyncadd.s32 $0xFFFF5C00  }
0x2c6: {  	[tilespmem:s17], [sflag:$0x1] =	stream.indirect.gather [hbm4b:s0+s16], $0x80, s26, s16, $0xb8;
	[tilespmem:$0x1BF00] =	vst v63  }
0x2c7: {  	s22 =	simm.s32 $0xB88  }
0x2c8: {  	[tilespmem:s20], [sflag:$0x4] =	stream.indirect.gather.add.f32 [hbm:s0], $0x80, s22, s16, $0xb8;
	[tilespmem:$0x1BF00] =	vst v63  }
0x2c9: {  	s24 =	simm.s32 $0xCD0  }
0x2ca: {  	[tilespmem:s20], [sflag:$0x4] =	stream.indirect.gather.add.f32 [hbm:s0], $0x80, s24, s16, $0xb8;
	[tilespmem:$0x1BF00] =	vst v63  }
0x2cb: {  	s25 =	simm.s32 $0xE18  }
0x2cc: {  	[tilespmem:s20], [sflag:$0x4] =	stream.indirect.gather.add.f32 [hbm:s0], $0x80, s25, s16, $0xb8;
	[tilespmem:$0x1BF00] =	vst v63  }
0x2cd: {  	s26 =	simm.s32 $0xF60  }
0x2ce: {  	[tilespmem:s20], [sflag:$0x4] =	stream.indirect.gather.add.f32 [hbm:s0], $0x80, s26, s16, $0xb8;
	[tilespmem:$0x1BF00] =	vst v63  }
0x2cf: {  	s22 =	simm.s32 $0x10A8  }
0x2d0: {  	[tilespmem:s20], [sflag:$0x4] =	stream.indirect.gather.add.f32 [hbm:s0], $0x80, s22, s16, $0xb8;
	[tilespmem:$0x1BF00] =	vst v63  }
0x2d1: {  	s24 =	simm.s32 $0x11F0  }
0x2d2: {  	[tilespmem:s20], [sflag:$0x4] =	stream.indirect.gather.add.f32 [hbm:s0], $0x80, s24, s16, $0xb8;
	[tilespmem:$0x1BF00] =	vst v63  }
0x2d3: {  	s25 =	simm.s32 $0x1338  }
0x2d4: {  	[tilespmem:s20], [sflag:$0x4] =	stream.indirect.gather.add.f32 [hbm:s0], $0x80, s25, s16, $0xb8;
	[tilespmem:$0x1BF00] =	vst v63  }
0x2d5: {  	s26 =	simm.s32 $0x1480  }
0x2d6: {  	[tilespmem:s20], [sflag:$0x4] =	stream.indirect.gather.add.f32 [hbm:s0], $0x80, s26, s16, $0xb8;
	[tilespmem:$0x1BF00] =	vst v63  }
0x2d7: {  	_ =	swait.ge [sflag:s31], $0xA400  }
0x2d8: {  	[sflag:s31] =	ssyncset.done $0x0  }
0x2d9: {  	[sflag:s31] =	ssyncadd.s32 $0xFFFF5C00  }
0x2da: {  	_ =	swait.ge [sflag:s31], $0xA400  }
0x2db: {  	[sflag:s31] =	ssyncset.done $0x0  }
0x2dc: {  	[sflag:s31] =	ssyncadd.s32 $0xFFFF5C00  }
0x2dd: {  	_ =	swait.ge [sflag:s31], $0xA400  }
0x2de: {  	[sflag:s31] =	ssyncset.done $0x0  }
0x2df: {  	[sflag:s31] =	ssyncadd.s32 $0xFFFF5C00  }
0x2e0: {  	_ =	swait.ge [sflag:s31], $0xA400  }
0x2e1: {  	[sflag:s31] =	ssyncset.done $0x0  }
0x2e2: {  	[sflag:s31] =	ssyncadd.s32 $0xFFFF5C00  }
0x2e3: {  	_ =	swait.ge [sflag:s31], $0xA400  }
0x2e4: {  	[sflag:s31] =	ssyncset.done $0x0  }
0x2e5: {  	[sflag:s31] =	ssyncadd.s32 $0xFFFF5C00  }
0x2e6: {  	_ =	swait.ge [sflag:s31], $0xA400  }
0x2e7: {  	[sflag:s31] =	ssyncset.done $0x0  }
0x2e8: {  	[sflag:s31] =	ssyncadd.s32 $0xFFFF5C00  }
0x2e9: {  	_ =	swait.ge [sflag:s31], $0xA400  }
0x2ea: {  	[sflag:s31] =	ssyncset.done $0x0  }
0x2eb: {  	[sflag:s31] =	ssyncadd.s32 $0xFFFF5C00  }
0x2ec: {  	_ =	swait.ge [sflag:s31], $0xA400  }
0x2ed: {  	[sflag:s31] =	ssyncset.done $0x0  }
0x2ee: {  	[sflag:s31] =	ssyncadd.s32 $0xFFFF5C00  }
0x2ef: {  	[hbm4b:s11+s2] =	stream.linear.scatter [tilespmem:s20], [sflag:$0x6], $0xA400, $0x38;
	[tilespmem:$0x1BF00] =	vst v63  }
0x2f0: {  	_ =	swait.ge [sflag:s18], $0xA400  }
0x2f1: {  	[sflag:s18] =	ssyncset.done $0x0  }
0x2f2: {  	s22 =	simm.s32 $0x1710;
	[sflag:s18] =	ssyncadd.s32 $0xFFFF5C00  }
0x2f3: {  	[tilespmem:s17], [sflag:$0x3] =	stream.indirect.gather.add.f32 [hbm:s0], $0x80, s22, s16, $0xb8;
	[tilespmem:$0x1BF00] =	vst v63  }
0x2f4: {  	s24 =	simm.s32 $0x1858  }
0x2f5: {  	[tilespmem:s17], [sflag:$0x3] =	stream.indirect.gather.add.f32 [hbm:s0], $0x80, s24, s16, $0xb8;
	[tilespmem:$0x1BF00] =	vst v63  }
0x2f6: {  	s25 =	simm.s32 $0x19A0  }
0x2f7: {  	[tilespmem:s17], [sflag:$0x3] =	stream.indirect.gather.add.f32 [hbm:s0], $0x80, s25, s16, $0xb8;
	[tilespmem:$0x1BF00] =	vst v63  }
0x2f8: {  	s26 =	simm.s32 $0x1AE8  }
0x2f9: {  	[tilespmem:s17], [sflag:$0x3] =	stream.indirect.gather.add.f32 [hbm:s0], $0x80, s26, s16, $0xb8;
	[tilespmem:$0x1BF00] =	vst v63  }
0x2fa: {  	s22 =	simm.s32 $0x1C30  }
0x2fb: {  	[tilespmem:s17], [sflag:$0x3] =	stream.indirect.gather.add.f32 [hbm:s0], $0x80, s22, s16, $0xb8;
	[tilespmem:$0x1BF00] =	vst v63  }
0x2fc: {  	s24 =	simm.s32 $0x1D78  }
0x2fd: {  	[tilespmem:s17], [sflag:$0x3] =	stream.indirect.gather.add.f32 [hbm:s0], $0x80, s24, s16, $0xb8;
	[tilespmem:$0x1BF00] =	vst v63  }
0x2fe: {  	s25 =	simm.s32 $0x1EC0  }
0x2ff: {  	[tilespmem:s17], [sflag:$0x3] =	stream.indirect.gather.add.f32 [hbm:s0], $0x80, s25, s16, $0xb8;
	[tilespmem:$0x1BF00] =	vst v63  }
0x300: {  	s26 =	simm.s32 $0x2008  }
0x301: {  	[tilespmem:s17], [sflag:$0x3] =	stream.indirect.gather.add.f32 [hbm:s0], $0x80, s26, s16, $0xb8;
	[tilespmem:$0x1BF00] =	vst v63  }
0x302: {  	_ = 	snop  }
0x303: {  	[tilespmem:s17], [sflag:$0x3] =	stream.indirect.gather.add.f32 [hbm:s0], $0x80, s1, s16, $0xb8;
	[tilespmem:$0x1BF00] =	vst v63  }
0x304: {  	_ =	swait.ge [sflag:s28], $0xA400  }
0x305: {  	[sflag:s28] =	ssyncset.done $0x0  }
0x306: {  	[sflag:s28] =	ssyncadd.s32 $0xFFFF5C00  }
0x307: {  	_ =	swait.ge [sflag:s28], $0xA400  }
0x308: {  	[sflag:s28] =	ssyncset.done $0x0  }
0x309: {  	[sflag:s28] =	ssyncadd.s32 $0xFFFF5C00  }
0x30a: {  	_ =	swait.ge [sflag:s28], $0xA400  }
0x30b: {  	[sflag:s28] =	ssyncset.done $0x0  }
0x30c: {  	[sflag:s28] =	ssyncadd.s32 $0xFFFF5C00  }
0x30d: {  	_ =	swait.ge [sflag:s28], $0xA400  }
0x30e: {  	[sflag:s28] =	ssyncset.done $0x0  }
0x30f: {  	[sflag:s28] =	ssyncadd.s32 $0xFFFF5C00  }
0x310: {  	_ =	swait.ge [sflag:s28], $0xA400  }
0x311: {  	[sflag:s28] =	ssyncset.done $0x0  }
0x312: {  	[sflag:s28] =	ssyncadd.s32 $0xFFFF5C00  }
0x313: {  	_ =	swait.ge [sflag:s28], $0xA400  }
0x314: {  	[sflag:s28] =	ssyncset.done $0x0  }
0x315: {  	[sflag:s28] =	ssyncadd.s32 $0xFFFF5C00  }
0x316: {  	_ =	swait.ge [sflag:s28], $0xA400  }
0x317: {  	[sflag:s28] =	ssyncset.done $0x0  }
0x318: {  	[sflag:s28] =	ssyncadd.s32 $0xFFFF5C00  }
0x319: {  	_ =	swait.ge [sflag:s28], $0xA400  }
0x31a: {  	[sflag:s28] =	ssyncset.done $0x0  }
0x31b: {  	[sflag:s28] =	ssyncadd.s32 $0xFFFF5C00  }
0x31c: {  	_ =	swait.ge [sflag:s28], $0xA400  }
0x31d: {  	[sflag:s28] =	ssyncset.done $0x0  }
0x31e: {  	s19 =	sadd.s32 $0x1, s19;
	[sflag:s28] =	ssyncadd.s32 $0xFFFF5C00  }
0x31f: {  	[hbm4b:s12+s2] =	stream.linear.scatter [tilespmem:s17], [sflag:$0x5], $0xA400, $0x38;
	[tilespmem:$0x1BF00] =	vst v63  }
0x320: {  	p0 =	sne.s32 s19, s13;
	_ =	swait.ge [sflag:s3], $0xA400  }
.Ltmp6:
0x321: {  	[sflag:s3] =	ssyncset.done $0x0;
	(pc) =	sbr.rel @p0 .LBB2_1-.Ltmp6, $4  }
0x322: {  	[sflag:s3] =	ssyncadd.s32 $0xFFFF5C00  }
0x323: {  	_ =	swait.ge [sflag:s30], $0xA400  }
0x324: {  	[sflag:s30] =	ssyncset.done $0x0  }
0x325: {  	[sflag:s30] =	ssyncadd.s32 $0xFFFF5C00  }
0x326: {  	_ =	sfence.sel $0x180000  }
0x327: {  	[bflag:$0x0] =	sbarrier.arrive $0xFFFF  }
0x328: {  	_ =	strace $0x9000004A  }
0x329: {  	s0 =	stileid.u32;
	[bflag:$0x2] =	sbarrier.arrive $0xFFFF  }
0x32a: {  	p0 =	sne.s32 s0, $0x0;
	s0 =	rddreg [dreg:$0x2]  }
0x32b: {  	s0 =	sadd.s32 @!p0 $0x100000, s0  }
0x32c: {  	[sflag:s0] =	ssyncadd.tile.s32 @!p0 $0x1;
	_ =	shalt  }
.Lfunc_end2:
_tile_overlayer_lowered:
.L_overlay_start_2:
0x32d: {  	(tag) =	ssettag $0x2  }
0x32e: {  	s0 =	rddreg [dreg:$0x0];
	s2 =	stileid.u32  }
0x32f: {  	s1 =	rddreg [dreg:$0x1];
	p0 =	sne.s32 s2, $0x0  }
0x330: {  	s3 =	rddreg [dreg:$0x2];
	[bflag:$0x3] =	sbarrier.arrive $0xFFFF;
	s2 =	simm.s32 @!p0 $0x1C07  }
0x331: {  	[timem:s3], [sflag:s2] =	dma.local @!p0 [hbm:s0], s1  }
0x332: {  	s0 =	simm.s32 @!p0 $0x7  }
0x333: {  	_ =	swait.ge @!p0 [sflag:s0], s1  }
0x334: {  	s1 =	ssub.s32 @!p0 $0x0, s1;
	[sflag:s0] =	ssyncset.done @!p0 $0x0  }
0x335: {  	[sflag:s0] =	ssyncadd.s32 @!p0 s1  }
0x336: {  	[bflag:$0x3] =	sbarrier.arrive $0xFFFF  }
0x337: {  	_ =	shalt  }

// kernel: kernel.7.cloned.1.call-start
scs
__scs_entry_jumppad:
0x0: {  	(pc) =	sbr.rel $0x88, $3  }
0x1: {  	(tag) =	ssettag $0x0;
	lr =	simm.s32 $0x1  }
0x2: {  	[smem:$0x3F94] =	sst lr;
	_ =	strace $0xD0000000  }
0x3: {  	_ = 	snop  }
0x4: {  	_ = 	snop  }
0x5: {  	_ = 	snop  }
0x6: {  	_ = 	snop  }
0x7: {  	_ = 	snop  }
__scs_overlays_trampoline_lowered:
0x8: {  	[smem:$0x3FA3] =	sst s0  }
0x9: {  	[smem:$0x3FA4] =	sst s1  }
0xa: {  	[smem:$0x3FA5] =	sst s2  }
0xb: {  	[smem:$0x3FA6] =	sst s3  }
0xc: {  	[smem:$0x3FA7] =	sst s4  }
0xd: {  	[smem:$0x3FA8] =	sst s5  }
0xe: {  	[smem:$0x3FA9] =	sst s6  }
0xf: {  	[smem:$0x3FAA] =	sst s7  }
0x10: {  	[smem:$0x3FAB] =	sst s8  }
0x11: {  	[smem:$0x3FAC] =	sst s9;
	s0 =	simm.s32 @!p0 $0x0  }
0x12: {  	s1 =	sld [smem:$0x3F92];
	s0 =	simm.s32 @p0 $0x1  }
0x13: {  	[smem:$0x3FAD] =	sst s0;
	s0 =	simm.s32 @!p1 $0x0  }
0x14: {  	s2 =	sld [smem:$0x3F91];
	s0 =	simm.s32 @p1 $0x1  }
0x15: {  	[smem:$0x3FAE] =	sst s0;
	s0 =	simm.s32 @!p2 $0x0  }
0x16: {  	s3 =	sld [smem:$0x3FDB];
	s0 =	simm.s32 @p2 $0x1  }
0x17: {  	s4 =	simm.s32 $0x1BF5;
	[smem:$0x3FB0] =	sst s0  }
0x18: {  	s0 =	sld [smem:$0x3F93];
	_ =	swait.ge [sflag:s4], $0x0  }
0x19: {  	s7 =	sld [smem:$0x3F94]  }
0x1a: {  	s8 =	sadd.s32 $0xFFFFE003, lr  }
0x1b: {  	s9 =	sadd.s32 $0xFFFFFEF7, lr;
	s5 =	simm.s32 $0xFFFFFFFF;
	p2 =	slt.u32 s8, $0xFFFFF086  }
0x1c: {  	p1 =	slt.u32 s9, $0xF7A;
	s5 =	simm.s32 @!p2 $0x0  }
0x1d: {  	s5 =	simm.s32 @p1 $0x1;
	p0 =	seq.s32 s7, s2  }
0x1e: {  	s7 =	smul.u32 @!p0 $0xF7A, s2;
	p2 =	seq.s32 @!p0 s5, $0x0  }
0x1f: {  	s9 =	smul.u32 $0xF7A, s1;
	s8 =	simm.s32 @!p0 $0x1BF5;
	p2 =	por !p2, p0  }
0x20: {  	[sflag:s8] =	ssyncset.s32 @!p0 $0xFFFFF086;
	s6 =	sadd.s32 @!p0 s3, s7;
	s7 =	simm.s32 @!p0 $0x108  }
0x21: {  	s3 =	sadd.s32 s3, s9;
	s6 =	sadd.s32 @!p0 $0x88, s6;
	s7 =	simm.s32 @p2 $0x1082  }
0x22: {  	[simem:s7], [sflag:s8] =	dma.local @!p0 [hbm:s6], $0xF7A  }
0x23: {  	s9 =	sor.u32 $0xD0000000, s2;
	s6 =	simm.s32 $0x108;
	_ =	swait.ge @!p0 [sflag:s8], $0x0  }
0x24: {  	s3 =	sadd.s32 $0x88, s3;
	s6 =	simm.s32 @!p1 $0x1082;
	[sflag:s4] =	ssyncset.s32 $0xFFFFF086  }
0x25: {  	[simem:s6], [sflag:s4] =	dma.local [hbm:s3], $0xF7A  }
0x26: {  	[smem:$0x3F94] =	sst s1;
	(tag) =	ssettag s2;
	_ =	strace s9  }
0x27: {  	s1 =	sld [smem:$0x3FA4]  }
0x28: {  	s2 =	sld [smem:$0x3FA5]  }
0x29: {  	s4 =	sld [smem:$0x3FA7]  }
0x2a: {  	p0 =	seq.s32 s5, $0x0;
	s5 =	sld [smem:$0x3FA8]  }
0x2b: {  	s6 =	sld [smem:$0x3FA9]  }
0x2c: {  	s7 =	sld [smem:$0x3FAA]  }
0x2d: {  	s3 =	simm.s32 $0x108;
	s8 =	sld [smem:$0x3FAB]  }
0x2e: {  	s3 =	simm.s32 @!p0 $0x1082;
	s9 =	sld [smem:$0x3FAC]  }
0x2f: {  	lr =	sadd.s32 s0, s3;
	s0 =	sld [smem:$0x3FA3]  }
0x30: {  	s3 =	sld [smem:$0x3FA6]  }
0x31: {  	[smem:$0x3FAF] =	sst s10  }
0x32: {  	s10 =	sld [smem:$0x3FAD];
	_ =	sdelay $0x3  }
0x33: {  	p0 =	seq.s32 s10, $0x1;
	s10 =	sld [smem:$0x3FAF];
	_ =	sdelay $0x3  }
0x34: {  	[smem:$0x3FAF] =	sst s10  }
0x35: {  	s10 =	sld [smem:$0x3FAE];
	_ =	sdelay $0x3  }
0x36: {  	p1 =	seq.s32 s10, $0x1;
	s10 =	sld [smem:$0x3FAF];
	_ =	sdelay $0x3  }
0x37: {  	[smem:$0x3FAF] =	sst s10  }
0x38: {  	s10 =	sld [smem:$0x3FB0]  }
0x39: {  	_ = 	snop;
	(pc) =	sbr.ind lr, $3  }
0x3a: {  	_ = 	snop  }
0x3b: {  	_ = 	snop  }
0x3c: {  	p2 =	seq.s32 s10, $0x1;
	s10 =	sld [smem:$0x3FAF]  }
0x3d: {  	_ =	shalt  }
0x3e: {  	_ =	shalt  }
0x3f: {  	_ =	shalt  }
0x40: {  	_ =	shalt  }
0x41: {  	_ =	shalt  }
0x42: {  	_ =	shalt  }
0x43: {  	_ =	shalt  }
0x44: {  	_ =	shalt  }
0x45: {  	_ =	shalt  }
0x46: {  	_ =	shalt  }
0x47: {  	_ =	shalt  }
0x48: {  	_ =	shalt  }
0x49: {  	_ =	shalt  }
0x4a: {  	_ =	shalt  }
0x4b: {  	_ =	shalt  }
0x4c: {  	_ =	shalt  }
0x4d: {  	_ =	shalt  }
0x4e: {  	_ =	shalt  }
0x4f: {  	_ =	shalt  }
0x50: {  	_ =	shalt  }
0x51: {  	_ =	shalt  }
0x52: {  	_ =	shalt  }
0x53: {  	_ =	shalt  }
0x54: {  	_ =	shalt  }
0x55: {  	_ =	shalt  }
0x56: {  	_ =	shalt  }
0x57: {  	_ =	shalt  }
0x58: {  	_ =	shalt  }
0x59: {  	_ =	shalt  }
0x5a: {  	_ =	shalt  }
0x5b: {  	_ =	shalt  }
0x5c: {  	_ =	shalt  }
0x5d: {  	_ =	shalt  }
0x5e: {  	_ =	shalt  }
0x5f: {  	_ =	shalt  }
0x60: {  	_ =	shalt  }
0x61: {  	_ =	shalt  }
0x62: {  	_ =	shalt  }
0x63: {  	_ =	shalt  }
0x64: {  	_ =	shalt  }
0x65: {  	_ =	shalt  }
0x66: {  	_ =	shalt  }
0x67: {  	_ =	shalt  }
0x68: {  	_ =	shalt  }
0x69: {  	_ =	shalt  }
0x6a: {  	_ =	shalt  }
0x6b: {  	_ =	shalt  }
0x6c: {  	_ =	shalt  }
0x6d: {  	_ =	shalt  }
0x6e: {  	_ =	shalt  }
0x6f: {  	_ =	shalt  }
0x70: {  	_ =	shalt  }
0x71: {  	_ =	shalt  }
0x72: {  	_ =	shalt  }
0x73: {  	_ =	shalt  }
0x74: {  	_ =	shalt  }
0x75: {  	_ =	shalt  }
0x76: {  	_ =	shalt  }
0x77: {  	_ =	shalt  }
0x78: {  	_ =	shalt  }
0x79: {  	_ =	shalt  }
0x7a: {  	_ =	shalt  }
0x7b: {  	_ =	shalt  }
0x7c: {  	_ =	shalt  }
0x7d: {  	_ =	shalt  }
0x7e: {  	_ =	shalt  }
0x7f: {  	_ =	shalt  }
0x80: {  	_ =	shalt  }
0x81: {  	_ =	shalt  }
0x82: {  	_ =	shalt  }
0x83: {  	_ =	shalt  }
0x84: {  	_ =	shalt  }
0x85: {  	_ =	shalt  }
0x86: {  	_ =	shalt  }
0x87: {  	_ =	shalt  }
.Lfunc_end0:
.L_simem_size_0:
called_computation_lowered:
.L_overlay_start_0:
0x88: {  	s2 =	sld [smem:$0x3FD9]  }
0x89: {  	s3 =	sld [smem:$0x3FFE];
	_ =	sdelay $0x1  }
0x8a: {  	s1 =	srdreg.scid  }
0x8b: {  	s0 =	sand.u32 $0x1, s1  }
0x8c: {  	s17 =	sshll.u32 s0, $0xA;
	s2 =	sadd.s32 s3, s2  }
0x8d: {  	s2 =	sadd.s32 s2, s17  }
0x8e: {  	[smem:$0x3FBB] =	sst s2  }
0x8f: {  	_ = 	snop  }
0x90: {  	s2 =	sld [smem:$0x3FC9];
	(tm) =	ssettm $0x1  }
0x91: {  	s18 =	sld [smem:$0x3FFB];
	_ =	sdelay $0x3  }
0x92: {  	_ =	strace s18  }
0x93: {  	s3 =	sld [smem:$0x3FFC];
	_ =	sdelay $0x3  }
0x94: {  	_ =	strace s3  }
0x95: {  	s3 =	sld [smem:$0x3FFD];
	_ =	sdelay $0x3  }
0x96: {  	_ =	strace s3  }
0x97: {  	_ =	strace $0x8FFFFFFF  }
0x98: {  	s19 =	sld [smem:$0x3FDB];
	_ =	sdelay $0x1  }
0x99: {  	s4 =	simm.s32 $_scs_section_size  }
0x9a: {  	s5 =	simm.s32 $_size__tile_overlayer_lowered;
	s6 =	simm.s32 $_tile_overlayer_lowered  }
0x9b: {  	s22 =	simm.s32 $0x1BFF;
	s21 =	sshll.u32 s6, $0x1;
	s3 =	sadd.s32 s4, s19  }
0x9c: {  	s7 =	simm.s32 $0x0;
	s20 =	sshll.u32 s5, $0x1;
	s5 =	sadd.s32 s21, s3  }
0x9d: {  	[timem:s7], [sflag:s22] =	dma.local [hbm:s5], s20  }
0x9e: {  	_ =	swait.ge [sflag:s22], s20  }
0x9f: {  	s4 =	ssub.s32 $0x0, s20;
	[sflag:s22] =	ssyncset.done $0x0  }
0xa0: {  	[sflag:s22] =	ssyncadd.s32 s4;
	_ =	sdelay $0x1  }
0xa1: {  	s23 =	simm.s32 $0x1B8B  }
0xa2: {  	_ =	swait.ge [sflag:s23], $0x1  }
0xa3: {  	[sflag:s23] =	ssyncset.done $0x0  }
0xa4: {  	s25 =	simm.s32 $0x1B8E;
	s24 =	sld [smem:$0x3FFE];
	[sflag:s23] =	ssyncadd.s32 $0xFFFFFFFF  }
0xa5: {  	s26 =	simm.s32 $execute0_lowered;
	[smem:$0x3FD2] =	sst s25  }
0xa6: {  	s5 =	sshll.u32 s26, $0x1;
	_ =	strace $0x80000046;
	[dreg:$0x1] =	wrdreg $0xFFFFFFFF  }
0xa7: {  	s28 =	simm.s32 $_size_execute0_lowered;
	s3 =	sadd.s32 s3, s5;
	[dreg:$0x0] =	wrdreg $0x0  }
0xa8: {  	s5 =	sshll.u32 s28, $0x1;
	[dreg:$0x2] =	wrdreg s3  }
0xa9: {  	[dreg:$0x3] =	wrdreg s5  }
0xaa: {  	[dreg:$0x4] =	wrdreg $0xC0  }
0xab: {  	_ =	task [dreg:s7], $0x5FFFF  }
0xac: {  	[dreg:$0x1] =	wrdreg $0xFFFFFFFF  }
0xad: {  	[dreg:$0x0] =	wrdreg $0x60  }
0xae: {  	[dreg:$0x2] =	wrdreg s2  }
0xaf: {  	[dreg:$0x3] =	wrdreg s24  }
0xb0: {  	[dreg:$0x4] =	wrdreg $0x9  }
0xb1: {  	_ =	task.clear_ibuf [dreg:s7], $0x5FFFF;
	_ =	strace $0x90000046  }
0xb2: {  	s29 =	simm.s32 $0x9;
	_ =	strace $0x80000048  }
0xb3: {  	_ =	swait.ge [sflag:s29], $0x1  }
0xb4: {  	[sflag:s29] =	ssyncadd.s32 $0xFFFFFFFF  }
0xb5: {  	_ =	strace $0x90000048  }
0xb6: {  	_ =	sfence  }
0xb7: {  	s30 =	sld [smem:$0x0];
	_ =	sdelay $0x2  }
0xb8: {  	s31 =	sshll.u32 s1, $0xD;
	s1 =	sshrl.u32 s1, $0x2  }
0xb9: {  	s3 =	sand.u32 $0x4000, s31;
	s1 =	sadd.s32 s1, s30  }
0xba: {  	s0 =	sor.u32 s3, s0;
	s1 =	sshll.u32 s1, $0x11  }
0xbb: {  	s0 =	sor.u32 s1, s0  }
0xbc: {  	s0 =	sadd.s32 $0x8F2B, s0  }
0xbd: {  	[sflag:s0] =	ssyncadd.remote.s32 $0x1  }
0xbe: {  	_ =	sfence.sel $0xFFFF  }
0xbf: {  	[dreg:$0x0] =	wrdreg $0xFFFFFFFF;
	(pc) =	sbr.abs _section_cstart, $3  }
0xc0: {  	[dreg:$0x1] =	wrdreg $0xFFFFFFFF  }
0xc1: {  	_ =	task.clear_ibuf [dreg:s7], $0x2FFFF;
	_ =	strace $0x9FFFFFFF  }
0xc2: {  	(tm) =	ssettm $0x7FFFFFFF  }
0xc3: {  	_ =	shalt  }
tec
execute0_lowered:
.L_overlay_start_1:
0x0: {  	(tag) =	ssettag $0x1  }
0x1: {  	v0 =	vimm.s32 $0x5380;
	vm6 =	vcmask $0x300;
	vm5 =	vcmask $0x704  }
0x2: {  	vm3 =	vcmask $0xB08;
	v35 =	vlaneseq.u32;
	vm2 =	vcmask $0xF0C  }
0x3: {  	vm0 =	vcmask $0x1310;
	v1 =	vimm.s32 $0x5381;
	vm1 =	vcmask $0x1714  }
0x4: {  	vm4 =	vcmask $0x1B18;
	v4 =	vimm.s32 $0x5382;
	v7 =	vimm.s32 $0x5383  }
0x5: {  	v12 =	vimm.s32 $0x5384;
	v19 =	vimm.s32 $0x5385;
	v25 =	vimm.s32 $0x5386  }
0x6: {  	v0 =	vsel vm6, $0x5000, v0;
	v1 =	vsel vm6, $0x5001, v1;
	v4 =	vsel vm6, $0x5002, v4  }
0x7: {  	v7 =	vsel vm6, $0x5003, v7;
	v12 =	vsel vm6, $0x5004, v12;
	v15 =	vor.u32 $0xD70, v35  }
0x8: {  	s1 =	rddreg [dreg:$0x0];
	v21 =	vsel vm6, $0x5005, v19;
	v25 =	vsel vm6, $0x5006, v25;
	v28 =	vadd.s32 $0x1B88, v35  }
0x9: {  	s0 =	rddreg [dreg:$0x1];
	s2 =	simm.s32 $0x0;
	v30 =	vadd.s32 $0x1E18, v35;
	v32 =	vadd.s32 $0x20A8, v35;
	v0 =	vsel vm5, $0x5080, v0  }
0xa: {  	s4 =	srdreg.scid;
	s6 =	stileid.u32;
	s28 =	simm.s32 $0x7;
	v1 =	vsel vm5, $0x5081, v1;
	v4 =	vsel vm5, $0x5082, v4;
	v9 =	vsel vm5, $0x5083, v7  }
0xb: {  	s29 =	simm.s32 $0x148;
	s30 =	simm.s32 $0x2400;
	s31 =	simm.s32 $0x1;
	v7 =	vor.u32 $0x5C0, v35;
	v14 =	vsel vm5, $0x5084, v12;
	v12 =	vor.u32 $0xAE0, v35  }
0xc: {  	[smem:$0x7FF] =	sst s2;
	s4 =	sand.u32 $0x1, s4;
	s6 =	sshll.u32 s6, $0x1;
	v22 =	vsel vm5, $0x5085, v21;
	v21 =	vadd.s32 $0x13D8, v35;
	v27 =	vsel vm5, $0x5086, v25  }
0xd: {  	s3 =	sadd.s32 $0x2000, s0;
	s5 =	sadd.s32 $0x29200, s0;
	s6 =	sor.u32 s4, s6;
	v25 =	vadd.s32 $0x18F8, v35;
	v0 =	vsel vm3, $0x5100, v0;
	v3 =	vsel vm3, $0x5101, v1  }
0xe: {  	s7 =	sadd.s32 $0x50400, s0;
	s8 =	sadd.s32 $0x77600, s0;
	s11 =	smul.u32 $0x9C00, s6;
	v6 =	vsel vm3, $0x5102, v4;
	v10 =	vsel vm3, $0x5103, v9;
	v9 =	vadd.s32 $0x708, v35  }
0xf: {  	s9 =	sadd.s32 $0x9E800, s0;
	s10 =	sadd.s32 $0xC5A00, s0;
	s6 =	smul.u32 $0x1380, s6;
	v16 =	vsel vm3, $0x5104, v14;
	v14 =	vadd.s32 $0xC28, v35;
	v23 =	vsel vm3, $0x5105, v22  }
0x10: {  	s21 =	sadd.s32 $0xECC00, s0;
	s0 =	sadd.s32 $0x113E00, s0;
	s4 =	ssub.s32 $0x2, s4;
	v22 =	vor.u32 $0x1520, v35;
	v29 =	vsel vm3, $0x5106, v27;
	v27 =	vor.u32 $0x1A40, v35  }
0x11: {  	_ =	strace $0x80000047;
	s12 =	sshrl.u32 s4, $0x1;
	v0 =	vsel vm2, $0x5180, v0;
	v3 =	vsel vm2, $0x5181, v3;
	v6 =	vsel vm2, $0x5182, v6;
	s17 =	sadd.s32 s3, s6  }
0x12: {  	s4 =	ssub.s32 s4, s12;
	v11 =	vsel vm2, $0x5183, v10;
	v10 =	vor.u32 $0x850, v35;
	v17 =	vsel vm2, $0x5184, v16;
	s18 =	sadd.s32 s5, s6;
	[dreg:$0x3] =	wrdreg s17  }
0x13: {  	v16 =	vadd.s32 $0xEB8, v35;
	v24 =	vsel vm2, $0x5185, v23;
	v23 =	vadd.s32 $0x1668, v35;
	s11 =	sshrl.u32 s11, $0x3;
	s20 =	sadd.s32 s7, s6;
	[dreg:$0x5] =	wrdreg s18  }
0x14: {  	v31 =	vsel vm2, $0x5186, v29;
	v29 =	vor.u32 $0x1CD0, v35;
	v2 =	vsel vm0, $0x5200, v0;
	s24 =	sadd.s32 s0, s6;
	s25 =	sadd.s32 s8, s6;
	[dreg:$0x7] =	wrdreg s20  }
0x15: {  	v0 =	vmul.u32 $0x80, v35;
	v5 =	vsel vm0, $0x5201, v3;
	v3 =	vadd.s32 $0x1E8, v35;
	s14 =	sadd.s32 s9, s6;
	s22 =	sadd.s32 $0xA80, s11;
	[dreg:$0x9] =	wrdreg s24  }
0x16: {  	v8 =	vsel vm0, $0x5202, v6;
	v6 =	vadd.s32 $0x478, v35;
	v13 =	vsel vm0, $0x5203, v11;
	[dreg:$0xa] =	wrdreg s25;
	s0 =	sadd.s32 s0, s11;
	s17 =	sadd.s32 s10, s6  }
0x17: {  	v11 =	vadd.s32 $0x998, v35;
	v18 =	vsel vm0, $0x5204, v17;
	v17 =	vor.u32 $0x1000, v35;
	s20 =	sadd.s32 s21, s6;
	s25 =	smax.u32 s4, $0x1;
	s4 =	simm.s32 $0x5  }
0x18: {  	v26 =	vsel vm0, $0x5205, v24;
	v24 =	vor.u32 $0x17B0, v35;
	v33 =	vsel vm0, $0x5206, v31;
	s6 =	simm.s32 $0x6;
	s3 =	sadd.s32 s3, s22;
	s19 =	sadd.s32 s5, s22  }
0x19: {  	v31 =	vor.u32 $0x1F60, v35;
	v2 =	vsel vm1, $0x5280, v2;
	v5 =	vsel vm1, $0x5281, v5;
	s23 =	sadd.s32 s7, s22;
	s26 =	sadd.s32 s8, s22;
	s13 =	sadd.s32 $0x27100, s0  }
0x1a: {  	v8 =	vsel vm1, $0x5282, v8;
	v13 =	vsel vm1, $0x5283, v13;
	v20 =	vsel vm1, $0x5284, v18;
	s15 =	sadd.s32 s9, s22;
	s16 =	sadd.s32 $0x4E200, s0;
	s18 =	sadd.s32 s10, s22  }
0x1b: {  	v18 =	vadd.s32 $0x1148, v35;
	v26 =	vsel vm1, $0x5285, v26;
	v34 =	vsel vm1, $0x5286, v33;
	s21 =	sadd.s32 s21, s22;
	s22 =	sadd.s32 $0x9C400, s0;
	[dreg:$0x4] =	wrdreg s3  }
0x1c: {  	v33 =	vor.u32 $0x21F0, v35;
	v1 =	vsel vm4, $0x5300, v2;
	v2 =	vor.u32 $0xA0, v35;
	s24 =	sadd.s32 $0xEA600, s0;
	s5 =	simm.s32 $0x4;
	[dreg:$0x6] =	wrdreg s19  }
0x1d: {  	v4 =	vsel vm4, $0x5301, v5;
	v5 =	vor.u32 $0x330, v35;
	v8 =	vsel vm4, $0x5302, v8;
	s7 =	simm.s32 $0x3;
	s8 =	simm.s32 $0x0;
	[dreg:$0x8] =	wrdreg s23  }
0x1e: {  	v13 =	vsel vm4, $0x5303, v13;
	v19 =	vsel vm4, $0x5304, v20;
	v20 =	vor.u32 $0x1290, v35;
	[dreg:$0xb] =	wrdreg s26;
	s19 =	sadd.s32 $0x75300, s0;
	s23 =	sadd.s32 $0xC3500, s0  }
0x1f: {  	v26 =	vsel vm4, $0x5305, v26;
	v34 =	vsel vm4, $0x5306, v34;
	v35 =	vadd.s32 $0x2338, v35;
	s26 =	simm.s32 $0x16C00;
	s0 =	simm.s32 $0xC800;
	s3 =	simm.s32 $0x2  }
.LBB2_1:
0x20: {  	v36 =	vmov s2  }
0x21: {  	v36 =	vshll.u32 v36, $0x7  }
0x22: {  	s9 =	rddreg [dreg:$0x3];
	v36 =	vor.u32 v0, v36  }
0x23: {  	[tilespmem:s26], [sflag:$0x7] =	stream.linear.gather [hbm4b:s9+s2], $0x5400, $0x38;
	[tilespmem:$0x1C000] =	vst v63  }
0x24: {  	_ =	swait.ge [sflag:s28], $0x5400  }
0x25: {  	s11 =	simm.s32 $0x10;
	[sflag:s28] =	ssyncset.done $0x0  }
0x26: {  	v37 =	vmov s11;
	[sflag:s28] =	ssyncadd.s32 $0xFFFFAC00  }
0x27: {  	v37 =	vshll.u32 v37, $0x7;
	v36 =	vld.idx.msk [tilespmem:v36+s26+$0x0], $0xffff  }
0x28: {  	v38 =	vor.u32 v0, v37;
	_ =	sdelay $0x3  }
0x29: {  	s12 =	simm.s32 $0x20;
	[tilespmem:s2+$0x0] =	vst v36  }
0x2a: {  	s10 =	simm.s32 $0x30;
	s9 =	simm.s32 $0x0;
	v37 =	vmov s12;
	v36 =	vld.idx.msk [tilespmem:v38+s26+$0x0], $0xffff  }
.LBB2_2:
0x2b: {  	p0 =	sne.s32 s10, $0x90;
	v37 =	vshll.u32 v37, $0x7  }
0x2c: {  	v38 =	vor.u32 v0, v37  }
.Ltmp0:
0x2d: {  	(pc) =	sbr.rel @p0 .LBB2_2-.Ltmp0, $4  }
0x2e: {  	_ = 	snop  }
0x2f: {  	s9 =	sadd.s32 $0x10, s9  }
0x30: {  	[tilespmem:s9+$0x0] =	vst v36  }
0x31: {  	v37 =	vmov s10;
	s10 =	sadd.s32 $0x10, s10;
	v36 =	vld.idx.msk [tilespmem:v38+s26+$0x0], $0xffff  }
0x32: {  	v37 =	vshll.u32 v37, $0x7  }
0x33: {  	v37 =	vor.u32 v0, v37;
	_ =	sdelay $0x2  }
0x34: {  	s9 =	sadd.s32 $0x10, s9  }
0x35: {  	[tilespmem:s9+$0x0] =	vst v36  }
0x36: {  	v36 =	vld.idx.msk [tilespmem:v37+s26+$0x0], $0xffff;
	_ =	sdelay $0x3  }
0x37: {  	s9 =	sadd.s32 $0x10, s9  }
0x38: {  	[tilespmem:s9+$0x0] =	vst v36  }
0x39: {  	v36 =	vld.idx.msk [tilespmem:v1+s26+$0x0], $0xff;
	_ =	sdelay $0x1  }
0x3a: {  	s12 =	simm.s32 $0x0  }
0x3b: {  	v61 =	vmov s12  }
0x3c: {  	v37 =	vshll.u32 v61, $0x7  }
0x3d: {  	s10 =	rddreg [dreg:$0x4];
	v62 =	vor.u32 v0, v37;
	[tilespmem:v2+s12+$0x0] =	vst.idx.msk $0xff, v36  }
0x3e: {  	[tilespmem:s26], [sflag:$0x7] =	stream.linear.gather [hbm4b:s10+s12], $0x5000, $0x38;
	[tilespmem:$0x1C000] =	vst v63  }
0x3f: {  	_ =	swait.ge [sflag:s28], $0x5000  }
0x40: {  	s11 =	simm.s32 $0x10;
	[sflag:s28] =	ssyncset.done $0x0  }
0x41: {  	v63 =	vmov s11;
	[sflag:s28] =	ssyncadd.s32 $0xFFFFB000  }
0x42: {  	v37 =	vshll.u32 v63, $0x7;
	v36 =	vld.idx.msk [tilespmem:v62+s26+$0x0], $0xffff  }
0x43: {  	v38 =	vor.u32 v0, v37;
	_ =	sdelay $0x2  }
0x44: {  	s9 =	simm.s32 $0xA8  }
0x45: {  	s12 =	simm.s32 $0x20;
	[tilespmem:s9+$0x0] =	vst v36  }
0x46: {  	s10 =	simm.s32 $0x30;
	v37 =	vmov s12;
	v36 =	vld.idx.msk [tilespmem:v38+s26+$0x0], $0xffff  }
.LBB2_4:
0x47: {  	p0 =	sne.s32 s10, $0x90;
	v37 =	vshll.u32 v37, $0x7  }
0x48: {  	v38 =	vor.u32 v0, v37  }
.Ltmp1:
0x49: {  	(pc) =	sbr.rel @p0 .LBB2_4-.Ltmp1, $4  }
0x4a: {  	_ = 	snop  }
0x4b: {  	s9 =	sadd.s32 $0x10, s9  }
0x4c: {  	[tilespmem:s9+$0x0] =	vst v36  }
0x4d: {  	v37 =	vmov s10;
	s10 =	sadd.s32 $0x10, s10;
	v36 =	vld.idx.msk [tilespmem:v38+s26+$0x0], $0xffff  }
0x4e: {  	v37 =	vshll.u32 v37, $0x7  }
0x4f: {  	v37 =	vor.u32 v0, v37;
	_ =	sdelay $0x2  }
0x50: {  	s9 =	sadd.s32 $0x10, s9  }
0x51: {  	[tilespmem:s9+$0x0] =	vst v36  }
0x52: {  	v36 =	vld.idx.msk [tilespmem:v37+s26+$0x0], $0xffff;
	_ =	sdelay $0x3  }
0x53: {  	s10 =	simm.s32 $0x0;
	s9 =	sadd.s32 $0x10, s9  }
0x54: {  	v62 =	vmov s10;
	[tilespmem:s9+$0x0] =	vst v36  }
0x55: {  	v36 =	vshll.u32 v62, $0x7;
	[tilespmem:s30], [sflag:$0x1] =	stream.indirect.gather [hbm4b:s1+s29], $0x80, s10, s29, $0xb8;
	[tilespmem:$0x1C000] =	vst v63  }
0x56: {  	s11 =	rddreg [dreg:$0x5];
	v36 =	vor.u32 v0, v36  }
0x57: {  	[tilespmem:s26], [sflag:$0x7] =	stream.linear.gather [hbm4b:s11+s10], $0x5400, $0x38;
	[tilespmem:$0x1C000] =	vst v63  }
0x58: {  	_ =	swait.ge [sflag:s28], $0x5400  }
0x59: {  	[sflag:s28] =	ssyncset.done $0x0  }
0x5a: {  	[sflag:s28] =	ssyncadd.s32 $0xFFFFAC00  }
0x5b: {  	v63 =	vld.idx.msk [tilespmem:v36+s26+$0x0], $0xffff  }
0x5c: {  	v36 =	vor.u32 $0x1, v36;
	_ =	sdelay $0x2  }
0x5d: {  	s9 =	simm.s32 $0x290  }
0x5e: {  	s12 =	simm.s32 $0x10;
	[tilespmem:s9+$0xFFFFFEB8] =	vst v63  }
0x5f: {  	v37 =	vmov s12;
	s10 =	simm.s32 $0x20;
	v36 =	vld.idx.msk [tilespmem:v36+s26+$0x0], $0xffff  }
.LBB2_6:
0x60: {  	p0 =	sne.s32 s10, $0x90;
	v37 =	vshll.u32 v37, $0x7  }
0x61: {  	v37 =	vor.u32 v0, v37;
	_ =	sdelay $0x3  }
0x62: {  	[tilespmem:s9+$0x0] =	vst v36  }
0x63: {  	v36 =	vld.idx.msk [tilespmem:v37+s26+$0x0], $0xffff;
	_ =	sdelay $0x1  }
0x64: {  	v38 =	vor.u32 $0x1, v37  }
.Ltmp2:
0x65: {  	(pc) =	sbr.rel @p0 .LBB2_6-.Ltmp2, $4  }
0x66: {  	_ = 	snop  }
0x67: {  	s9 =	sadd.s32 $0x10, s9  }
0x68: {  	[tilespmem:s9+$0xFFFFFEB8] =	vst v36  }
0x69: {  	v37 =	vmov s10;
	s10 =	sadd.s32 $0x10, s10;
	v36 =	vld.idx.msk [tilespmem:v38+s26+$0x0], $0xffff  }
0x6a: {  	v37 =	vshll.u32 v37, $0x7  }
0x6b: {  	v37 =	vor.u32 v0, v37;
	_ =	sdelay $0x3  }
0x6c: {  	[tilespmem:s9+$0x0] =	vst v36  }
0x6d: {  	v36 =	vld.idx.msk [tilespmem:v37+s26+$0x0], $0xffff  }
0x6e: {  	v37 =	vor.u32 $0x1, v37;
	_ =	sdelay $0x2  }
0x6f: {  	s10 =	sadd.s32 $0x10, s9  }
0x70: {  	[tilespmem:s10+$0xFFFFFEB8] =	vst v36  }
0x71: {  	v36 =	vld.idx.msk [tilespmem:v37+s26+$0x0], $0xffff;
	_ =	sdelay $0x4  }
0x72: {  	[tilespmem:s10+$0x0] =	vst v36  }
0x73: {  	v36 =	vld.idx.msk [tilespmem:v1+s26+$0x0], $0xff;
	_ =	sdelay $0x3  }
0x74: {  	s11 =	simm.s32 $0x0  }
0x75: {  	[tilespmem:v3+s11+$0x0] =	vst.idx.msk $0xff, v36  }
0x76: {  	v36 =	vld.idx.msk [tilespmem:v4+s26+$0x0], $0xff;
	_ =	sdelay $0x2  }
0x77: {  	v62 =	vmov s11  }
0x78: {  	v37 =	vshll.u32 v62, $0x7  }
0x79: {  	v63 =	vor.u32 v0, v37;
	s10 =	rddreg [dreg:$0x6];
	[tilespmem:v5+s11+$0x0] =	vst.idx.msk $0xff, v36  }
0x7a: {  	[tilespmem:s26], [sflag:$0x7] =	stream.linear.gather [hbm4b:s10+s11], $0x5000, $0x38;
	[tilespmem:$0x1C000] =	vst v63  }
0x7b: {  	_ =	swait.ge [sflag:s28], $0x5000  }
0x7c: {  	[sflag:s28] =	ssyncset.done $0x0  }
0x7d: {  	[sflag:s28] =	ssyncadd.s32 $0xFFFFB000  }
0x7e: {  	v37 =	vld.idx.msk [tilespmem:v63+s26+$0x0], $0xffff  }
0x7f: {  	v36 =	vor.u32 $0x1, v63;
	_ =	sdelay $0x2  }
0x80: {  	s9 =	simm.s32 $0x338  }
0x81: {  	s12 =	simm.s32 $0x10;
	[tilespmem:s9+$0xFFFFFEB8] =	vst v37  }
0x82: {  	s10 =	simm.s32 $0x20;
	v37 =	vmov s12;
	v36 =	vld.idx.msk [tilespmem:v36+s26+$0x0], $0xffff  }
.LBB2_8:
0x83: {  	p0 =	sne.s32 s10, $0x90;
	v37 =	vshll.u32 v37, $0x7  }
0x84: {  	v37 =	vor.u32 v0, v37;
	_ =	sdelay $0x3  }
0x85: {  	[tilespmem:s9+$0x0] =	vst v36  }
0x86: {  	v36 =	vld.idx.msk [tilespmem:v37+s26+$0x0], $0xffff;
	_ =	sdelay $0x1  }
0x87: {  	v38 =	vor.u32 $0x1, v37  }
.Ltmp3:
0x88: {  	(pc) =	sbr.rel @p0 .LBB2_8-.Ltmp3, $4  }
0x89: {  	_ = 	snop  }
0x8a: {  	s9 =	sadd.s32 $0x10, s9  }
0x8b: {  	[tilespmem:s9+$0xFFFFFEB8] =	vst v36  }
0x8c: {  	v37 =	vmov s10;
	s10 =	sadd.s32 $0x10, s10;
	v36 =	vld.idx.msk [tilespmem:v38+s26+$0x0], $0xffff  }
0x8d: {  	v37 =	vshll.u32 v37, $0x7  }
0x8e: {  	v37 =	vor.u32 v0, v37;
	_ =	sdelay $0x3  }
0x8f: {  	[tilespmem:s9+$0x0] =	vst v36  }
0x90: {  	v36 =	vld.idx.msk [tilespmem:v37+s26+$0x0], $0xffff  }
0x91: {  	v37 =	vor.u32 $0x1, v37;
	_ =	sdelay $0x2  }
0x92: {  	s10 =	sadd.s32 $0x10, s9  }
0x93: {  	[tilespmem:s10+$0xFFFFFEB8] =	vst v36  }
0x94: {  	v36 =	vld.idx.msk [tilespmem:v37+s26+$0x0], $0xffff;
	_ =	sdelay $0x4  }
0x95: {  	[tilespmem:s10+$0x0] =	vst v36  }
0x96: {  	_ =	swait.ge [sflag:s31], $0xA400  }
0x97: {  	s11 =	simm.s32 $0x0;
	[sflag:s31] =	ssyncset.done $0x0  }
0x98: {  	v62 =	vmov s11;
	[sflag:s31] =	ssyncadd.s32 $0xFFFF5C00  }
0x99: {  	v36 =	vshll.u32 v62, $0x7;
	[tilespmem:s0], [sflag:$0x2] =	stream.indirect.gather [hbm4b:s1+s29], $0x80, s29, s29, $0xb8;
	[tilespmem:$0x1C000] =	vst v63  }
0x9a: {  	v36 =	vor.u32 v0, v36;
	s10 =	rddreg [dreg:$0x7]  }
0x9b: {  	[tilespmem:s26], [sflag:$0x7] =	stream.linear.gather [hbm4b:s10+s11], $0x5400, $0x38;
	[tilespmem:$0x1C000] =	vst v63  }
0x9c: {  	_ =	swait.ge [sflag:s28], $0x5400  }
0x9d: {  	[sflag:s28] =	ssyncset.done $0x0  }
0x9e: {  	[sflag:s28] =	ssyncadd.s32 $0xFFFFAC00  }
0x9f: {  	v63 =	vld.idx.msk [tilespmem:v36+s26+$0x0], $0xffff  }
0xa0: {  	v38 =	vor.u32 $0x1, v36;
	_ =	sdelay $0x2  }
0xa1: {  	s9 =	simm.s32 $0x668  }
0xa2: {  	[tilespmem:s9+$0xFFFFFD70] =	vst v63  }
0xa3: {  	v37 =	vld.idx.msk [tilespmem:v38+s26+$0x0], $0xffff  }
0xa4: {  	v36 =	vor.u32 $0x2, v36;
	_ =	sdelay $0x3  }
0xa5: {  	s12 =	simm.s32 $0x10;
	[tilespmem:s9+$0xFFFFFEB8] =	vst v37  }
0xa6: {  	s10 =	simm.s32 $0x20;
	v37 =	vmov s12;
	v36 =	vld.idx.msk [tilespmem:v36+s26+$0x0], $0xffff  }
.LBB2_10:
0xa7: {  	p0 =	sne.s32 s10, $0x90;
	v37 =	vshll.u32 v37, $0x7  }
0xa8: {  	v37 =	vor.u32 v0, v37;
	_ =	sdelay $0x3  }
0xa9: {  	[tilespmem:s9+$0x0] =	vst v36  }
0xaa: {  	v36 =	vld.idx.msk [tilespmem:v37+s26+$0x0], $0xffff;
	_ =	sdelay $0x1  }
0xab: {  	v38 =	vor.u32 $0x1, v37;
	_ =	sdelay $0x2  }
0xac: {  	s9 =	sadd.s32 $0x10, s9  }
0xad: {  	[tilespmem:s9+$0xFFFFFD70] =	vst v36  }
0xae: {  	v36 =	vld.idx.msk [tilespmem:v38+s26+$0x0], $0xffff;
	_ =	sdelay $0x1  }
0xaf: {  	v38 =	vor.u32 $0x2, v37  }
.Ltmp4:
0xb0: {  	(pc) =	sbr.rel @p0 .LBB2_10-.Ltmp4, $3  }
0xb1: {  	_ =	sdelay $0x1  }
0xb2: {  	[tilespmem:s9+$0xFFFFFEB8] =	vst v36  }
0xb3: {  	v37 =	vmov s10;
	s10 =	sadd.s32 $0x10, s10;
	v36 =	vld.idx.msk [tilespmem:v38+s26+$0x0], $0xffff  }
0xb4: {  	v37 =	vshll.u32 v37, $0x7  }
0xb5: {  	v37 =	vor.u32 v0, v37;
	_ =	sdelay $0x3  }
0xb6: {  	[tilespmem:s9+$0x0] =	vst v36  }
0xb7: {  	v36 =	vld.idx.msk [tilespmem:v37+s26+$0x0], $0xffff  }
0xb8: {  	v38 =	vor.u32 $0x1, v37;
	_ =	sdelay $0x2  }
0xb9: {  	s11 =	sadd.s32 $0x10, s9  }
0xba: {  	[tilespmem:s11+$0xFFFFFD70] =	vst v36  }
0xbb: {  	v36 =	vld.idx.msk [tilespmem:v38+s26+$0x0], $0xffff  }
0xbc: {  	v37 =	vor.u32 $0x2, v37;
	_ =	sdelay $0x3  }
0xbd: {  	[tilespmem:s11+$0xFFFFFEB8] =	vst v36  }
0xbe: {  	v36 =	vld.idx.msk [tilespmem:v37+s26+$0x0], $0xffff;
	_ =	sdelay $0x4  }
0xbf: {  	[tilespmem:s11+$0x0] =	vst v36  }
0xc0: {  	v36 =	vld.idx.msk [tilespmem:v1+s26+$0x0], $0xff;
	_ =	sdelay $0x3  }
0xc1: {  	s12 =	simm.s32 $0x0  }
0xc2: {  	[tilespmem:v6+s12+$0x0] =	vst.idx.msk $0xff, v36  }
0xc3: {  	v36 =	vld.idx.msk [tilespmem:v4+s26+$0x0], $0xff;
	_ =	sdelay $0x4  }
0xc4: {  	[tilespmem:v7+s12+$0x0] =	vst.idx.msk $0xff, v36  }
0xc5: {  	v36 =	vld.idx.msk [tilespmem:v8+s26+$0x0], $0xff;
	_ =	sdelay $0x2  }
0xc6: {  	v61 =	vmov s12  }
0xc7: {  	v37 =	vshll.u32 v61, $0x7  }
0xc8: {  	s10 =	rddreg [dreg:$0x8];
	v62 =	vor.u32 v0, v37;
	[tilespmem:v9+s12+$0x0] =	vst.idx.msk $0xff, v36  }
0xc9: {  	[tilespmem:s26], [sflag:$0x7] =	stream.linear.gather [hbm4b:s10+s12], $0x5000, $0x38;
	[tilespmem:$0x1C000] =	vst v63  }
0xca: {  	_ =	swait.ge [sflag:s28], $0x5000  }
0xcb: {  	[sflag:s28] =	ssyncset.done $0x0  }
0xcc: {  	[sflag:s28] =	ssyncadd.s32 $0xFFFFB000  }
0xcd: {  	v37 =	vld.idx.msk [tilespmem:v62+s26+$0x0], $0xffff  }
0xce: {  	v63 =	vor.u32 $0x1, v62;
	_ =	sdelay $0x2  }
0xcf: {  	s9 =	sand.u32 $0xF0, s12  }
0xd0: {  	[tilespmem:s9+$0x480] =	vst v37  }
0xd1: {  	v37 =	vld.idx.msk [tilespmem:v63+s26+$0x0], $0xffff  }
0xd2: {  	v36 =	vor.u32 $0x2, v62;
	_ =	sdelay $0x2  }
0xd3: {  	s9 =	simm.s32 $0x710  }
0xd4: {  	s10 =	simm.s32 $0x10;
	[tilespmem:s9+$0xFFFFFEB8] =	vst v37  }
0xd5: {  	s11 =	simm.s32 $0x20;
	v37 =	vmov s10;
	v36 =	vld.idx.msk [tilespmem:v36+s26+$0x0], $0xffff  }
.LBB2_12:
0xd6: {  	p0 =	sne.s32 s11, $0x90;
	v37 =	vshll.u32 v37, $0x7  }
0xd7: {  	v37 =	vor.u32 v0, v37;
	_ =	sdelay $0x3  }
0xd8: {  	[tilespmem:s9+$0x0] =	vst v36  }
0xd9: {  	v36 =	vld.idx.msk [tilespmem:v37+s26+$0x0], $0xffff;
	_ =	sdelay $0x1  }
0xda: {  	v38 =	vor.u32 $0x1, v37;
	_ =	sdelay $0x2  }
0xdb: {  	s12 =	sand.u32 $0xF0, s10;
	s10 =	smov.u32 s11  }
0xdc: {  	[tilespmem:s12+$0x480] =	vst v36  }
0xdd: {  	v36 =	vld.idx.msk [tilespmem:v38+s26+$0x0], $0xffff;
	_ =	sdelay $0x1  }
0xde: {  	v38 =	vor.u32 $0x2, v37  }
.Ltmp5:
0xdf: {  	(pc) =	sbr.rel @p0 .LBB2_12-.Ltmp5, $4  }
0xe0: {  	_ = 	snop  }
0xe1: {  	s9 =	sadd.s32 $0x10, s9  }
0xe2: {  	[tilespmem:s9+$0xFFFFFEB8] =	vst v36  }
0xe3: {  	s11 =	sadd.s32 $0x10, s11;
	v37 =	vmov s10;
	v36 =	vld.idx.msk [tilespmem:v38+s26+$0x0], $0xffff  }
0xe4: {  	v37 =	vshll.u32 v37, $0x7  }
0xe5: {  	v37 =	vor.u32 v0, v37;
	_ =	sdelay $0x3  }
0xe6: {  	[tilespmem:s9+$0x0] =	vst v36  }
0xe7: {  	v36 =	vld.idx.msk [tilespmem:v37+s26+$0x0], $0xffff  }
0xe8: {  	v38 =	vor.u32 $0x1, v37;
	_ =	sdelay $0x2  }
0xe9: {  	s10 =	sand.u32 $0xF0, s10  }
0xea: {  	[tilespmem:s10+$0x480] =	vst v36  }
0xeb: {  	v36 =	vld.idx.msk [tilespmem:v38+s26+$0x0], $0xffff  }
0xec: {  	v37 =	vor.u32 $0x2, v37;
	_ =	sdelay $0x2  }
0xed: {  	s11 =	sadd.s32 $0x10, s9  }
0xee: {  	[tilespmem:s11+$0xFFFFFEB8] =	vst v36  }
0xef: {  	v36 =	vld.idx.msk [tilespmem:v37+s26+$0x0], $0xffff;
	_ =	sdelay $0x4  }
0xf0: {  	s12 =	rddreg [dreg:$0x9];
	s9 =	simm.s32 $0x0;
	[tilespmem:s11+$0x0] =	vst v36  }
0xf1: {  	[hbm4b:s12+s9] =	stream.linear.scatter [tilespmem:s30], [sflag:$0x5], $0xA400, $0x38;
	[tilespmem:$0x1C000] =	vst v63  }
0xf2: {  	_ =	swait.ge [sflag:s3], $0xA400  }
0xf3: {  	[sflag:s3] =	ssyncset.done $0x0  }
0xf4: {  	[sflag:s3] =	ssyncadd.s32 $0xFFFF5C00  }
0xf5: {  	_ =	swait.ge [sflag:s4], $0xA400  }
0xf6: {  	[sflag:s4] =	ssyncset.done $0x0  }
0xf7: {  	s11 =	simm.s32 $0x3D8;
	[sflag:s4] =	ssyncadd.s32 $0xFFFF5C00  }
0xf8: {  	[tilespmem:s30], [sflag:$0x1] =	stream.indirect.gather [hbm4b:s1+s29], $0x80, s11, s29, $0xb8;
	[tilespmem:$0x1C000] =	vst v63  }
0xf9: {  	v60 =	vmov s9;
	s12 =	simm.s32 $0x290  }
0xfa: {  	v36 =	vshll.u32 v60, $0x7;
	[tilespmem:s0], [sflag:$0x4] =	stream.indirect.gather.add.f32 [hbm:s1], $0x80, s12, s29, $0xb8;
	[tilespmem:$0x1C000] =	vst v63  }
0xfb: {  	v36 =	vor.u32 v0, v36;
	s11 =	rddreg [dreg:$0xa]  }
0xfc: {  	[tilespmem:s26], [sflag:$0x7] =	stream.linear.gather [hbm4b:s11+s9], $0x5400, $0x38;
	[tilespmem:$0x1C000] =	vst v63  }
0xfd: {  	_ =	swait.ge [sflag:s28], $0x5400  }
0xfe: {  	[sflag:s28] =	ssyncset.done $0x0  }
0xff: {  	[sflag:s28] =	ssyncadd.s32 $0xFFFFAC00  }
0x100: {  	v61 =	vld.idx.msk [tilespmem:v36+s26+$0x0], $0xffff  }
0x101: {  	v62 =	vor.u32 $0x1, v36;
	_ =	sdelay $0x2  }
0x102: {  	s9 =	simm.s32 $0x7B0  }
0x103: {  	[tilespmem:s9+$0x0] =	vst v61  }
0x104: {  	v37 =	vld.idx.msk [tilespmem:v62+s26+$0x0], $0xffff  }
0x105: {  	v63 =	vor.u32 $0x2, v36;
	_ =	sdelay $0x3  }
0x106: {  	[tilespmem:s9+$0x148] =	vst v37  }
0x107: {  	v37 =	vld.idx.msk [tilespmem:v63+s26+$0x0], $0xffff  }
0x108: {  	v36 =	vor.u32 $0x3, v36;
	_ =	sdelay $0x3  }
0x109: {  	s12 =	simm.s32 $0x10;
	[tilespmem:s9+$0x290] =	vst v37  }
0x10a: {  	s10 =	simm.s32 $0x20;
	v37 =	vmov s12;
	v36 =	vld.idx.msk [tilespmem:v36+s26+$0x0], $0xffff  }
.LBB2_14:
0x10b: {  	p0 =	sne.s32 s10, $0x90;
	v37 =	vshll.u32 v37, $0x7  }
0x10c: {  	v37 =	vor.u32 v0, v37;
	_ =	sdelay $0x3  }
0x10d: {  	[tilespmem:s9+$0x3D8] =	vst v36  }
0x10e: {  	v36 =	vld.idx.msk [tilespmem:v37+s26+$0x0], $0xffff;
	_ =	sdelay $0x1  }
0x10f: {  	v38 =	vor.u32 $0x1, v37;
	_ =	sdelay $0x2  }
0x110: {  	s9 =	sadd.s32 $0x10, s9  }
0x111: {  	[tilespmem:s9+$0x0] =	vst v36  }
0x112: {  	v36 =	vld.idx.msk [tilespmem:v38+s26+$0x0], $0xffff;
	_ =	sdelay $0x1  }
0x113: {  	v38 =	vor.u32 $0x2, v37;
	_ =	sdelay $0x3  }
0x114: {  	[tilespmem:s9+$0x148] =	vst v36  }
0x115: {  	v36 =	vld.idx.msk [tilespmem:v38+s26+$0x0], $0xffff;
	_ =	sdelay $0x1  }
0x116: {  	v38 =	vor.u32 $0x3, v37  }
.Ltmp6:
0x117: {  	(pc) =	sbr.rel @p0 .LBB2_14-.Ltmp6, $3  }
0x118: {  	_ =	sdelay $0x1  }
0x119: {  	[tilespmem:s9+$0x290] =	vst v36  }
0x11a: {  	v37 =	vmov s10;
	s10 =	sadd.s32 $0x10, s10;
	v36 =	vld.idx.msk [tilespmem:v38+s26+$0x0], $0xffff  }
0x11b: {  	v37 =	vshll.u32 v37, $0x7  }
0x11c: {  	v37 =	vor.u32 v0, v37;
	_ =	sdelay $0x3  }
0x11d: {  	[tilespmem:s9+$0x3D8] =	vst v36  }
0x11e: {  	v36 =	vld.idx.msk [tilespmem:v37+s26+$0x0], $0xffff  }
0x11f: {  	v38 =	vor.u32 $0x1, v37;
	_ =	sdelay $0x2  }
0x120: {  	s10 =	sadd.s32 $0x10, s9  }
0x121: {  	[tilespmem:s10+$0x0] =	vst v36  }
0x122: {  	v36 =	vld.idx.msk [tilespmem:v38+s26+$0x0], $0xffff  }
0x123: {  	v59 =	vor.u32 $0x2, v37;
	_ =	sdelay $0x3  }
0x124: {  	[tilespmem:s10+$0x148] =	vst v36  }
0x125: {  	v36 =	vld.idx.msk [tilespmem:v59+s26+$0x0], $0xffff  }
0x126: {  	v37 =	vor.u32 $0x3, v37;
	_ =	sdelay $0x3  }
0x127: {  	[tilespmem:s10+$0x290] =	vst v36  }
0x128: {  	v36 =	vld.idx.msk [tilespmem:v37+s26+$0x0], $0xffff;
	_ =	sdelay $0x4  }
0x129: {  	[tilespmem:s10+$0x3D8] =	vst v36  }
0x12a: {  	v36 =	vld.idx.msk [tilespmem:v1+s26+$0x0], $0xff;
	_ =	sdelay $0x3  }
0x12b: {  	s11 =	simm.s32 $0x0  }
0x12c: {  	[tilespmem:v10+s11+$0x0] =	vst.idx.msk $0xff, v36  }
0x12d: {  	v36 =	vld.idx.msk [tilespmem:v4+s26+$0x0], $0xff;
	_ =	sdelay $0x4  }
0x12e: {  	[tilespmem:v11+s11+$0x0] =	vst.idx.msk $0xff, v36  }
0x12f: {  	v36 =	vld.idx.msk [tilespmem:v8+s26+$0x0], $0xff;
	_ =	sdelay $0x4  }
0x130: {  	[tilespmem:v12+s11+$0x0] =	vst.idx.msk $0xff, v36  }
0x131: {  	v36 =	vld.idx.msk [tilespmem:v13+s26+$0x0], $0xff;
	_ =	sdelay $0x2  }
0x132: {  	v60 =	vmov s11  }
0x133: {  	v37 =	vshll.u32 v60, $0x7  }
0x134: {  	v61 =	vor.u32 v0, v37;
	s10 =	rddreg [dreg:$0xb];
	[tilespmem:v14+s11+$0x0] =	vst.idx.msk $0xff, v36  }
0x135: {  	[tilespmem:s26], [sflag:$0x7] =	stream.linear.gather [hbm4b:s10+s11], $0x5000, $0x38;
	[tilespmem:$0x1C000] =	vst v63  }
0x136: {  	_ =	swait.ge [sflag:s28], $0x5000  }
0x137: {  	[sflag:s28] =	ssyncset.done $0x0  }
0x138: {  	[sflag:s28] =	ssyncadd.s32 $0xFFFFB000  }
0x139: {  	v37 =	vld.idx.msk [tilespmem:v61+s26+$0x0], $0xffff  }
0x13a: {  	v62 =	vor.u32 $0x1, v61;
	_ =	sdelay $0x2  }
0x13b: {  	s9 =	simm.s32 $0x858  }
0x13c: {  	[tilespmem:s9+$0x0] =	vst v37  }
0x13d: {  	v37 =	vld.idx.msk [tilespmem:v62+s26+$0x0], $0xffff  }
0x13e: {  	v63 =	vor.u32 $0x2, v61;
	_ =	sdelay $0x3  }
0x13f: {  	[tilespmem:s9+$0x148] =	vst v37  }
0x140: {  	v37 =	vld.idx.msk [tilespmem:v63+s26+$0x0], $0xffff  }
0x141: {  	v36 =	vor.u32 $0x3, v61;
	_ =	sdelay $0x3  }
0x142: {  	s12 =	simm.s32 $0x10;
	[tilespmem:s9+$0x290] =	vst v37  }
0x143: {  	s10 =	simm.s32 $0x20;
	v37 =	vmov s12;
	v36 =	vld.idx.msk [tilespmem:v36+s26+$0x0], $0xffff  }
.LBB2_16:
0x144: {  	p0 =	sne.s32 s10, $0x90;
	v37 =	vshll.u32 v37, $0x7  }
0x145: {  	v37 =	vor.u32 v0, v37;
	_ =	sdelay $0x3  }
0x146: {  	[tilespmem:s9+$0x3D8] =	vst v36  }
0x147: {  	v36 =	vld.idx.msk [tilespmem:v37+s26+$0x0], $0xffff;
	_ =	sdelay $0x1  }
0x148: {  	v38 =	vor.u32 $0x1, v37;
	_ =	sdelay $0x2  }
0x149: {  	s9 =	sadd.s32 $0x10, s9  }
0x14a: {  	[tilespmem:s9+$0x0] =	vst v36  }
0x14b: {  	v36 =	vld.idx.msk [tilespmem:v38+s26+$0x0], $0xffff;
	_ =	sdelay $0x1  }
0x14c: {  	v38 =	vor.u32 $0x2, v37;
	_ =	sdelay $0x3  }
0x14d: {  	[tilespmem:s9+$0x148] =	vst v36  }
0x14e: {  	v36 =	vld.idx.msk [tilespmem:v38+s26+$0x0], $0xffff;
	_ =	sdelay $0x1  }
0x14f: {  	v38 =	vor.u32 $0x3, v37  }
.Ltmp7:
0x150: {  	(pc) =	sbr.rel @p0 .LBB2_16-.Ltmp7, $3  }
0x151: {  	_ =	sdelay $0x1  }
0x152: {  	[tilespmem:s9+$0x290] =	vst v36  }
0x153: {  	v37 =	vmov s10;
	s10 =	sadd.s32 $0x10, s10;
	v36 =	vld.idx.msk [tilespmem:v38+s26+$0x0], $0xffff  }
0x154: {  	v37 =	vshll.u32 v37, $0x7  }
0x155: {  	v37 =	vor.u32 v0, v37;
	_ =	sdelay $0x3  }
0x156: {  	[tilespmem:s9+$0x3D8] =	vst v36  }
0x157: {  	v36 =	vld.idx.msk [tilespmem:v37+s26+$0x0], $0xffff  }
0x158: {  	v38 =	vor.u32 $0x1, v37;
	_ =	sdelay $0x2  }
0x159: {  	s11 =	sadd.s32 $0x10, s9  }
0x15a: {  	[tilespmem:s11+$0x0] =	vst v36  }
0x15b: {  	v36 =	vld.idx.msk [tilespmem:v38+s26+$0x0], $0xffff  }
0x15c: {  	v58 =	vor.u32 $0x2, v37;
	_ =	sdelay $0x3  }
0x15d: {  	[tilespmem:s11+$0x148] =	vst v36  }
0x15e: {  	v36 =	vld.idx.msk [tilespmem:v58+s26+$0x0], $0xffff  }
0x15f: {  	v37 =	vor.u32 $0x3, v37;
	_ =	sdelay $0x3  }
0x160: {  	[tilespmem:s11+$0x290] =	vst v36  }
0x161: {  	v36 =	vld.idx.msk [tilespmem:v37+s26+$0x0], $0xffff;
	_ =	sdelay $0x4  }
0x162: {  	[tilespmem:s11+$0x3D8] =	vst v36  }
0x163: {  	_ =	swait.ge [sflag:s5], $0xA400  }
0x164: {  	[sflag:s5] =	ssyncset.done $0x0  }
0x165: {  	s9 =	simm.s32 $0x0;
	[sflag:s5] =	ssyncadd.s32 $0xFFFF5C00  }
0x166: {  	[hbm4b:s13+s9] =	stream.linear.scatter [tilespmem:s0], [sflag:$0x6], $0xA400, $0x38;
	[tilespmem:$0x1C000] =	vst v63  }
0x167: {  	_ =	swait.ge [sflag:s31], $0xA400  }
0x168: {  	[sflag:s31] =	ssyncset.done $0x0  }
0x169: {  	[sflag:s31] =	ssyncadd.s32 $0xFFFF5C00  }
0x16a: {  	_ =	swait.ge [sflag:s6], $0xA400  }
0x16b: {  	[sflag:s6] =	ssyncset.done $0x0  }
0x16c: {  	s10 =	simm.s32 $0x7B0;
	[sflag:s6] =	ssyncadd.s32 $0xFFFF5C00  }
0x16d: {  	[tilespmem:s0], [sflag:$0x2] =	stream.indirect.gather [hbm4b:s1+s29], $0x80, s10, s29, $0xb8;
	[tilespmem:$0x1C000] =	vst v63  }
0x16e: {  	s12 =	simm.s32 $0x520  }
0x16f: {  	[tilespmem:s30], [sflag:$0x3] =	stream.indirect.gather.add.f32 [hbm:s1], $0x80, s12, s29, $0xb8;
	[tilespmem:$0x1C000] =	vst v63  }
0x170: {  	v59 =	vmov s9;
	s11 =	simm.s32 $0x668  }
0x171: {  	v36 =	vshll.u32 v59, $0x7;
	[tilespmem:s30], [sflag:$0x3] =	stream.indirect.gather.add.f32 [hbm:s1], $0x80, s11, s29, $0xb8;
	[tilespmem:$0x1C000] =	vst v63  }
0x172: {  	v36 =	vor.u32 v0, v36  }
0x173: {  	[tilespmem:s26], [sflag:$0x7] =	stream.linear.gather [hbm4b:s14+s9], $0x5400, $0x38;
	[tilespmem:$0x1C000] =	vst v63  }
0x174: {  	_ =	swait.ge [sflag:s28], $0x5400  }
0x175: {  	[sflag:s28] =	ssyncset.done $0x0  }
0x176: {  	[sflag:s28] =	ssyncadd.s32 $0xFFFFAC00  }
0x177: {  	v60 =	vld.idx.msk [tilespmem:v36+s26+$0x0], $0xffff  }
0x178: {  	v61 =	vor.u32 $0x1, v36;
	_ =	sdelay $0x2  }
0x179: {  	s9 =	simm.s32 $0xCD0  }
0x17a: {  	[tilespmem:s9+$0x0] =	vst v60  }
0x17b: {  	v37 =	vld.idx.msk [tilespmem:v61+s26+$0x0], $0xffff  }
0x17c: {  	v62 =	vor.u32 $0x2, v36;
	_ =	sdelay $0x3  }
0x17d: {  	[tilespmem:s9+$0x148] =	vst v37  }
0x17e: {  	v37 =	vld.idx.msk [tilespmem:v62+s26+$0x0], $0xffff  }
0x17f: {  	v63 =	vor.u32 $0x3, v36;
	_ =	sdelay $0x3  }
0x180: {  	[tilespmem:s9+$0x290] =	vst v37  }
0x181: {  	v37 =	vld.idx.msk [tilespmem:v63+s26+$0x0], $0xffff  }
0x182: {  	v36 =	vor.u32 $0x4, v36;
	_ =	sdelay $0x3  }
0x183: {  	s12 =	simm.s32 $0x10;
	[tilespmem:s9+$0x3D8] =	vst v37  }
0x184: {  	s10 =	simm.s32 $0x20;
	v37 =	vmov s12;
	v36 =	vld.idx.msk [tilespmem:v36+s26+$0x0], $0xffff  }
.LBB2_18:
0x185: {  	p0 =	sne.s32 s10, $0x90;
	v37 =	vshll.u32 v37, $0x7  }
0x186: {  	v37 =	vor.u32 v0, v37;
	_ =	sdelay $0x3  }
0x187: {  	[tilespmem:s9+$0x520] =	vst v36  }
0x188: {  	v36 =	vld.idx.msk [tilespmem:v37+s26+$0x0], $0xffff;
	_ =	sdelay $0x1  }
0x189: {  	v38 =	vor.u32 $0x1, v37;
	_ =	sdelay $0x2  }
0x18a: {  	s9 =	sadd.s32 $0x10, s9  }
0x18b: {  	[tilespmem:s9+$0x0] =	vst v36  }
0x18c: {  	v36 =	vld.idx.msk [tilespmem:v38+s26+$0x0], $0xffff;
	_ =	sdelay $0x1  }
0x18d: {  	v38 =	vor.u32 $0x2, v37;
	_ =	sdelay $0x3  }
0x18e: {  	[tilespmem:s9+$0x148] =	vst v36  }
0x18f: {  	v36 =	vld.idx.msk [tilespmem:v38+s26+$0x0], $0xffff;
	_ =	sdelay $0x1  }
0x190: {  	v38 =	vor.u32 $0x3, v37;
	_ =	sdelay $0x3  }
0x191: {  	[tilespmem:s9+$0x290] =	vst v36  }
0x192: {  	v36 =	vld.idx.msk [tilespmem:v38+s26+$0x0], $0xffff;
	_ =	sdelay $0x1  }
0x193: {  	v38 =	vor.u32 $0x4, v37  }
.Ltmp8:
0x194: {  	(pc) =	sbr.rel @p0 .LBB2_18-.Ltmp8, $3  }
0x195: {  	_ =	sdelay $0x1  }
0x196: {  	[tilespmem:s9+$0x3D8] =	vst v36  }
0x197: {  	v37 =	vmov s10;
	s10 =	sadd.s32 $0x10, s10;
	v36 =	vld.idx.msk [tilespmem:v38+s26+$0x0], $0xffff  }
0x198: {  	v37 =	vshll.u32 v37, $0x7  }
0x199: {  	v37 =	vor.u32 v0, v37;
	_ =	sdelay $0x3  }
0x19a: {  	[tilespmem:s9+$0x520] =	vst v36  }
0x19b: {  	v36 =	vld.idx.msk [tilespmem:v37+s26+$0x0], $0xffff  }
0x19c: {  	v38 =	vor.u32 $0x1, v37;
	_ =	sdelay $0x2  }
0x19d: {  	s11 =	sadd.s32 $0x10, s9  }
0x19e: {  	[tilespmem:s11+$0x0] =	vst v36  }
0x19f: {  	v36 =	vld.idx.msk [tilespmem:v38+s26+$0x0], $0xffff  }
0x1a0: {  	v57 =	vor.u32 $0x2, v37;
	_ =	sdelay $0x3  }
0x1a1: {  	[tilespmem:s11+$0x148] =	vst v36  }
0x1a2: {  	v36 =	vld.idx.msk [tilespmem:v57+s26+$0x0], $0xffff  }
0x1a3: {  	v58 =	vor.u32 $0x3, v37;
	_ =	sdelay $0x3  }
0x1a4: {  	[tilespmem:s11+$0x290] =	vst v36  }
0x1a5: {  	v36 =	vld.idx.msk [tilespmem:v58+s26+$0x0], $0xffff  }
0x1a6: {  	v37 =	vor.u32 $0x4, v37;
	_ =	sdelay $0x3  }
0x1a7: {  	[tilespmem:s11+$0x3D8] =	vst v36  }
0x1a8: {  	v36 =	vld.idx.msk [tilespmem:v37+s26+$0x0], $0xffff;
	_ =	sdelay $0x4  }
0x1a9: {  	[tilespmem:s11+$0x520] =	vst v36  }
0x1aa: {  	v36 =	vld.idx.msk [tilespmem:v1+s26+$0x0], $0xff;
	_ =	sdelay $0x3  }
0x1ab: {  	s12 =	simm.s32 $0x0  }
0x1ac: {  	[tilespmem:v15+s12+$0x0] =	vst.idx.msk $0xff, v36  }
0x1ad: {  	v36 =	vld.idx.msk [tilespmem:v4+s26+$0x0], $0xff;
	_ =	sdelay $0x4  }
0x1ae: {  	[tilespmem:v16+s12+$0x0] =	vst.idx.msk $0xff, v36  }
0x1af: {  	v36 =	vld.idx.msk [tilespmem:v8+s26+$0x0], $0xff;
	_ =	sdelay $0x4  }
0x1b0: {  	[tilespmem:v17+s12+$0x0] =	vst.idx.msk $0xff, v36  }
0x1b1: {  	v36 =	vld.idx.msk [tilespmem:v13+s26+$0x0], $0xff;
	_ =	sdelay $0x4  }
0x1b2: {  	[tilespmem:v18+s12+$0x0] =	vst.idx.msk $0xff, v36  }
0x1b3: {  	v36 =	vld.idx.msk [tilespmem:v19+s26+$0x0], $0xff;
	_ =	sdelay $0x2  }
0x1b4: {  	v59 =	vmov s12  }
0x1b5: {  	v37 =	vshll.u32 v59, $0x7  }
0x1b6: {  	v60 =	vor.u32 v0, v37;
	[tilespmem:v20+s12+$0x0] =	vst.idx.msk $0xff, v36  }
0x1b7: {  	[tilespmem:s26], [sflag:$0x7] =	stream.linear.gather [hbm4b:s15+s12], $0x5000, $0x38;
	[tilespmem:$0x1C000] =	vst v63  }
0x1b8: {  	_ =	swait.ge [sflag:s28], $0x5000  }
0x1b9: {  	[sflag:s28] =	ssyncset.done $0x0  }
0x1ba: {  	[sflag:s28] =	ssyncadd.s32 $0xFFFFB000  }
0x1bb: {  	v37 =	vld.idx.msk [tilespmem:v60+s26+$0x0], $0xffff  }
0x1bc: {  	v61 =	vor.u32 $0x1, v60;
	_ =	sdelay $0x2  }
0x1bd: {  	s9 =	simm.s32 $0xD78  }
0x1be: {  	[tilespmem:s9+$0x0] =	vst v37  }
0x1bf: {  	v37 =	vld.idx.msk [tilespmem:v61+s26+$0x0], $0xffff  }
0x1c0: {  	v62 =	vor.u32 $0x2, v60;
	_ =	sdelay $0x3  }
0x1c1: {  	[tilespmem:s9+$0x148] =	vst v37  }
0x1c2: {  	v37 =	vld.idx.msk [tilespmem:v62+s26+$0x0], $0xffff  }
0x1c3: {  	v63 =	vor.u32 $0x3, v60;
	_ =	sdelay $0x3  }
0x1c4: {  	[tilespmem:s9+$0x290] =	vst v37  }
0x1c5: {  	v37 =	vld.idx.msk [tilespmem:v63+s26+$0x0], $0xffff  }
0x1c6: {  	v36 =	vor.u32 $0x4, v60;
	_ =	sdelay $0x3  }
0x1c7: {  	s10 =	simm.s32 $0x10;
	[tilespmem:s9+$0x3D8] =	vst v37  }
0x1c8: {  	v37 =	vmov s10;
	s10 =	simm.s32 $0x20;
	v36 =	vld.idx.msk [tilespmem:v36+s26+$0x0], $0xffff  }
.LBB2_20:
0x1c9: {  	p0 =	sne.s32 s10, $0x90;
	v37 =	vshll.u32 v37, $0x7  }
0x1ca: {  	v37 =	vor.u32 v0, v37;
	_ =	sdelay $0x3  }
0x1cb: {  	[tilespmem:s9+$0x520] =	vst v36  }
0x1cc: {  	v36 =	vld.idx.msk [tilespmem:v37+s26+$0x0], $0xffff;
	_ =	sdelay $0x1  }
0x1cd: {  	v38 =	vor.u32 $0x1, v37;
	_ =	sdelay $0x2  }
0x1ce: {  	s9 =	sadd.s32 $0x10, s9  }
0x1cf: {  	[tilespmem:s9+$0x0] =	vst v36  }
0x1d0: {  	v36 =	vld.idx.msk [tilespmem:v38+s26+$0x0], $0xffff;
	_ =	sdelay $0x1  }
0x1d1: {  	v38 =	vor.u32 $0x2, v37;
	_ =	sdelay $0x3  }
0x1d2: {  	[tilespmem:s9+$0x148] =	vst v36  }
0x1d3: {  	v36 =	vld.idx.msk [tilespmem:v38+s26+$0x0], $0xffff;
	_ =	sdelay $0x1  }
0x1d4: {  	v38 =	vor.u32 $0x3, v37;
	_ =	sdelay $0x3  }
0x1d5: {  	[tilespmem:s9+$0x290] =	vst v36  }
0x1d6: {  	v36 =	vld.idx.msk [tilespmem:v38+s26+$0x0], $0xffff;
	_ =	sdelay $0x1  }
0x1d7: {  	v38 =	vor.u32 $0x4, v37  }
.Ltmp9:
0x1d8: {  	(pc) =	sbr.rel @p0 .LBB2_20-.Ltmp9, $3  }
0x1d9: {  	_ =	sdelay $0x1  }
0x1da: {  	[tilespmem:s9+$0x3D8] =	vst v36  }
0x1db: {  	v37 =	vmov s10;
	s10 =	sadd.s32 $0x10, s10;
	v36 =	vld.idx.msk [tilespmem:v38+s26+$0x0], $0xffff  }
0x1dc: {  	v37 =	vshll.u32 v37, $0x7  }
0x1dd: {  	v37 =	vor.u32 v0, v37;
	_ =	sdelay $0x3  }
0x1de: {  	[tilespmem:s9+$0x520] =	vst v36  }
0x1df: {  	v36 =	vld.idx.msk [tilespmem:v37+s26+$0x0], $0xffff  }
0x1e0: {  	v38 =	vor.u32 $0x1, v37;
	_ =	sdelay $0x2  }
0x1e1: {  	s10 =	sadd.s32 $0x10, s9  }
0x1e2: {  	[tilespmem:s10+$0x0] =	vst v36  }
0x1e3: {  	v36 =	vld.idx.msk [tilespmem:v38+s26+$0x0], $0xffff  }
0x1e4: {  	v56 =	vor.u32 $0x2, v37;
	_ =	sdelay $0x3  }
0x1e5: {  	[tilespmem:s10+$0x148] =	vst v36  }
0x1e6: {  	v36 =	vld.idx.msk [tilespmem:v56+s26+$0x0], $0xffff  }
0x1e7: {  	v57 =	vor.u32 $0x3, v37;
	_ =	sdelay $0x3  }
0x1e8: {  	[tilespmem:s10+$0x290] =	vst v36  }
0x1e9: {  	v36 =	vld.idx.msk [tilespmem:v57+s26+$0x0], $0xffff  }
0x1ea: {  	v37 =	vor.u32 $0x4, v37;
	_ =	sdelay $0x3  }
0x1eb: {  	[tilespmem:s10+$0x3D8] =	vst v36  }
0x1ec: {  	v36 =	vld.idx.msk [tilespmem:v37+s26+$0x0], $0xffff;
	_ =	sdelay $0x4  }
0x1ed: {  	[tilespmem:s10+$0x520] =	vst v36  }
0x1ee: {  	_ =	swait.ge [sflag:s7], $0xA400  }
0x1ef: {  	[sflag:s7] =	ssyncset.done $0x0  }
0x1f0: {  	[sflag:s7] =	ssyncadd.s32 $0xFFFF5C00  }
0x1f1: {  	_ =	swait.ge [sflag:s7], $0xA400  }
0x1f2: {  	[sflag:s7] =	ssyncset.done $0x0  }
0x1f3: {  	s10 =	simm.s32 $0x0;
	[sflag:s7] =	ssyncadd.s32 $0xFFFF5C00  }
0x1f4: {  	[hbm4b:s16+s10] =	stream.linear.scatter [tilespmem:s30], [sflag:$0x5], $0xA400, $0x38;
	[tilespmem:$0x1C000] =	vst v63  }
0x1f5: {  	_ =	swait.ge [sflag:s3], $0xA400  }
0x1f6: {  	[sflag:s3] =	ssyncset.done $0x0  }
0x1f7: {  	[sflag:s3] =	ssyncadd.s32 $0xFFFF5C00  }
0x1f8: {  	_ =	swait.ge [sflag:s4], $0xA400  }
0x1f9: {  	[sflag:s4] =	ssyncset.done $0x0  }
0x1fa: {  	s11 =	simm.s32 $0xCD0;
	[sflag:s4] =	ssyncadd.s32 $0xFFFF5C00  }
0x1fb: {  	[tilespmem:s30], [sflag:$0x1] =	stream.indirect.gather [hbm4b:s1+s29], $0x80, s11, s29, $0xb8;
	[tilespmem:$0x1C000] =	vst v63  }
0x1fc: {  	s12 =	simm.s32 $0x8F8  }
0x1fd: {  	[tilespmem:s0], [sflag:$0x4] =	stream.indirect.gather.add.f32 [hbm:s1], $0x80, s12, s29, $0xb8;
	[tilespmem:$0x1C000] =	vst v63  }
0x1fe: {  	s11 =	simm.s32 $0xA40  }
0x1ff: {  	[tilespmem:s0], [sflag:$0x4] =	stream.indirect.gather.add.f32 [hbm:s1], $0x80, s11, s29, $0xb8;
	[tilespmem:$0x1C000] =	vst v63  }
0x200: {  	v58 =	vmov s10;
	s12 =	simm.s32 $0xB88  }
0x201: {  	v36 =	vshll.u32 v58, $0x7;
	[tilespmem:s0], [sflag:$0x4] =	stream.indirect.gather.add.f32 [hbm:s1], $0x80, s12, s29, $0xb8;
	[tilespmem:$0x1C000] =	vst v63  }
0x202: {  	v36 =	vor.u32 v0, v36  }
0x203: {  	[tilespmem:s26], [sflag:$0x7] =	stream.linear.gather [hbm4b:s17+s10], $0x5400, $0x38;
	[tilespmem:$0x1C000] =	vst v63  }
0x204: {  	_ =	swait.ge [sflag:s28], $0x5400  }
0x205: {  	[sflag:s28] =	ssyncset.done $0x0  }
0x206: {  	[sflag:s28] =	ssyncadd.s32 $0xFFFFAC00  }
0x207: {  	v59 =	vld.idx.msk [tilespmem:v36+s26+$0x0], $0xffff  }
0x208: {  	v60 =	vor.u32 $0x1, v36;
	_ =	sdelay $0x2  }
0x209: {  	s9 =	simm.s32 $0x19A0  }
0x20a: {  	[tilespmem:s9+$0xFFFFF998] =	vst v59  }
0x20b: {  	v37 =	vld.idx.msk [tilespmem:v60+s26+$0x0], $0xffff  }
0x20c: {  	v61 =	vor.u32 $0x2, v36;
	_ =	sdelay $0x2  }
0x20d: {  	s10 =	sand.u32 $0xF0, s10  }
0x20e: {  	[tilespmem:s10+$0x1480] =	vst v37  }
0x20f: {  	v37 =	vld.idx.msk [tilespmem:v61+s26+$0x0], $0xffff  }
0x210: {  	v62 =	vor.u32 $0x3, v36;
	_ =	sdelay $0x3  }
0x211: {  	[tilespmem:s9+$0xFFFFFC28] =	vst v37  }
0x212: {  	v37 =	vld.idx.msk [tilespmem:v62+s26+$0x0], $0xffff  }
0x213: {  	v63 =	vor.u32 $0x4, v36;
	_ =	sdelay $0x3  }
0x214: {  	[tilespmem:s9+$0xFFFFFD70] =	vst v37  }
0x215: {  	v37 =	vld.idx.msk [tilespmem:v63+s26+$0x0], $0xffff  }
0x216: {  	v36 =	vor.u32 $0x5, v36;
	_ =	sdelay $0x3  }
0x217: {  	s10 =	simm.s32 $0x10;
	[tilespmem:s9+$0xFFFFFEB8] =	vst v37  }
0x218: {  	s11 =	simm.s32 $0x20;
	v37 =	vmov s10;
	v36 =	vld.idx.msk [tilespmem:v36+s26+$0x0], $0xffff  }
.LBB2_22:
0x219: {  	p0 =	sne.s32 s11, $0x90;
	v37 =	vshll.u32 v37, $0x7  }
0x21a: {  	v37 =	vor.u32 v0, v37;
	_ =	sdelay $0x3  }
0x21b: {  	[tilespmem:s9+$0x0] =	vst v36  }
0x21c: {  	v36 =	vld.idx.msk [tilespmem:v37+s26+$0x0], $0xffff;
	_ =	sdelay $0x1  }
0x21d: {  	v38 =	vor.u32 $0x1, v37;
	_ =	sdelay $0x2  }
0x21e: {  	s9 =	sadd.s32 $0x10, s9  }
0x21f: {  	[tilespmem:s9+$0xFFFFF998] =	vst v36  }
0x220: {  	v36 =	vld.idx.msk [tilespmem:v38+s26+$0x0], $0xffff;
	_ =	sdelay $0x1  }
0x221: {  	v38 =	vor.u32 $0x2, v37;
	_ =	sdelay $0x2  }
0x222: {  	s12 =	sand.u32 $0xF0, s10;
	s10 =	smov.u32 s11  }
0x223: {  	[tilespmem:s12+$0x1480] =	vst v36  }
0x224: {  	v36 =	vld.idx.msk [tilespmem:v38+s26+$0x0], $0xffff;
	_ =	sdelay $0x1  }
0x225: {  	v38 =	vor.u32 $0x3, v37;
	_ =	sdelay $0x3  }
0x226: {  	[tilespmem:s9+$0xFFFFFC28] =	vst v36  }
0x227: {  	v36 =	vld.idx.msk [tilespmem:v38+s26+$0x0], $0xffff;
	_ =	sdelay $0x1  }
0x228: {  	v38 =	vor.u32 $0x4, v37;
	_ =	sdelay $0x3  }
0x229: {  	[tilespmem:s9+$0xFFFFFD70] =	vst v36  }
0x22a: {  	v36 =	vld.idx.msk [tilespmem:v38+s26+$0x0], $0xffff;
	_ =	sdelay $0x1  }
0x22b: {  	v38 =	vor.u32 $0x5, v37  }
.Ltmp10:
0x22c: {  	(pc) =	sbr.rel @p0 .LBB2_22-.Ltmp10, $3  }
0x22d: {  	_ =	sdelay $0x1  }
0x22e: {  	[tilespmem:s9+$0xFFFFFEB8] =	vst v36  }
0x22f: {  	s11 =	sadd.s32 $0x10, s11;
	v37 =	vmov s10;
	v36 =	vld.idx.msk [tilespmem:v38+s26+$0x0], $0xffff  }
0x230: {  	v37 =	vshll.u32 v37, $0x7  }
0x231: {  	v37 =	vor.u32 v0, v37;
	_ =	sdelay $0x3  }
0x232: {  	[tilespmem:s9+$0x0] =	vst v36  }
0x233: {  	v36 =	vld.idx.msk [tilespmem:v37+s26+$0x0], $0xffff  }
0x234: {  	v38 =	vor.u32 $0x1, v37;
	_ =	sdelay $0x2  }
0x235: {  	s11 =	sadd.s32 $0x10, s9  }
0x236: {  	[tilespmem:s11+$0xFFFFF998] =	vst v36  }
0x237: {  	v36 =	vld.idx.msk [tilespmem:v38+s26+$0x0], $0xffff  }
0x238: {  	v55 =	vor.u32 $0x2, v37;
	_ =	sdelay $0x2  }
0x239: {  	s10 =	sand.u32 $0xF0, s10  }
0x23a: {  	[tilespmem:s10+$0x1480] =	vst v36  }
0x23b: {  	v36 =	vld.idx.msk [tilespmem:v55+s26+$0x0], $0xffff  }
0x23c: {  	v56 =	vor.u32 $0x3, v37;
	_ =	sdelay $0x3  }
0x23d: {  	[tilespmem:s11+$0xFFFFFC28] =	vst v36  }
0x23e: {  	v36 =	vld.idx.msk [tilespmem:v56+s26+$0x0], $0xffff  }
0x23f: {  	v57 =	vor.u32 $0x4, v37;
	_ =	sdelay $0x3  }
0x240: {  	[tilespmem:s11+$0xFFFFFD70] =	vst v36  }
0x241: {  	v36 =	vld.idx.msk [tilespmem:v57+s26+$0x0], $0xffff  }
0x242: {  	v37 =	vor.u32 $0x5, v37;
	_ =	sdelay $0x3  }
0x243: {  	[tilespmem:s11+$0xFFFFFEB8] =	vst v36  }
0x244: {  	v36 =	vld.idx.msk [tilespmem:v37+s26+$0x0], $0xffff;
	_ =	sdelay $0x4  }
0x245: {  	[tilespmem:s11+$0x0] =	vst v36  }
0x246: {  	v36 =	vld.idx.msk [tilespmem:v1+s26+$0x0], $0xff;
	_ =	sdelay $0x3  }
0x247: {  	s12 =	simm.s32 $0x0  }
0x248: {  	[tilespmem:v21+s12+$0x0] =	vst.idx.msk $0xff, v36  }
0x249: {  	v36 =	vld.idx.msk [tilespmem:v4+s26+$0x0], $0xff;
	_ =	sdelay $0x4  }
0x24a: {  	[tilespmem:v22+s12+$0x0] =	vst.idx.msk $0xff, v36  }
0x24b: {  	v36 =	vld.idx.msk [tilespmem:v8+s26+$0x0], $0xff;
	_ =	sdelay $0x4  }
0x24c: {  	[tilespmem:v23+s12+$0x0] =	vst.idx.msk $0xff, v36  }
0x24d: {  	v36 =	vld.idx.msk [tilespmem:v13+s26+$0x0], $0xff;
	_ =	sdelay $0x4  }
0x24e: {  	[tilespmem:v24+s12+$0x0] =	vst.idx.msk $0xff, v36  }
0x24f: {  	v36 =	vld.idx.msk [tilespmem:v19+s26+$0x0], $0xff;
	_ =	sdelay $0x4  }
0x250: {  	[tilespmem:v25+s12+$0x0] =	vst.idx.msk $0xff, v36  }
0x251: {  	v36 =	vld.idx.msk [tilespmem:v26+s26+$0x0], $0xff;
	_ =	sdelay $0x2  }
0x252: {  	v58 =	vmov s12  }
0x253: {  	v37 =	vshll.u32 v58, $0x7  }
0x254: {  	v59 =	vor.u32 v0, v37;
	[tilespmem:v27+s12+$0x0] =	vst.idx.msk $0xff, v36  }
0x255: {  	[tilespmem:s26], [sflag:$0x7] =	stream.linear.gather [hbm4b:s18+s12], $0x5000, $0x38;
	[tilespmem:$0x1C000] =	vst v63  }
0x256: {  	_ =	swait.ge [sflag:s28], $0x5000  }
0x257: {  	[sflag:s28] =	ssyncset.done $0x0  }
0x258: {  	[sflag:s28] =	ssyncadd.s32 $0xFFFFB000  }
0x259: {  	v37 =	vld.idx.msk [tilespmem:v59+s26+$0x0], $0xffff  }
0x25a: {  	v60 =	vor.u32 $0x1, v59;
	_ =	sdelay $0x2  }
0x25b: {  	s9 =	simm.s32 $0x13E0  }
0x25c: {  	[tilespmem:s9+$0x0] =	vst v37  }
0x25d: {  	v37 =	vld.idx.msk [tilespmem:v60+s26+$0x0], $0xffff  }
0x25e: {  	v61 =	vor.u32 $0x2, v59;
	_ =	sdelay $0x3  }
0x25f: {  	[tilespmem:s9+$0x148] =	vst v37  }
0x260: {  	v37 =	vld.idx.msk [tilespmem:v61+s26+$0x0], $0xffff  }
0x261: {  	v62 =	vor.u32 $0x3, v59;
	_ =	sdelay $0x3  }
0x262: {  	[tilespmem:s9+$0x290] =	vst v37  }
0x263: {  	v37 =	vld.idx.msk [tilespmem:v62+s26+$0x0], $0xffff  }
0x264: {  	v63 =	vor.u32 $0x4, v59;
	_ =	sdelay $0x3  }
0x265: {  	[tilespmem:s9+$0x3D8] =	vst v37  }
0x266: {  	v37 =	vld.idx.msk [tilespmem:v63+s26+$0x0], $0xffff  }
0x267: {  	v36 =	vor.u32 $0x5, v59;
	_ =	sdelay $0x2  }
0x268: {  	s11 =	sand.u32 $0xF0, s12  }
0x269: {  	s10 =	simm.s32 $0x10;
	[tilespmem:s11+$0x1900] =	vst v37  }
0x26a: {  	v37 =	vmov s10;
	s11 =	simm.s32 $0x20;
	v36 =	vld.idx.msk [tilespmem:v36+s26+$0x0], $0xffff  }
.LBB2_24:
0x26b: {  	p0 =	sne.s32 s11, $0x90;
	v37 =	vshll.u32 v37, $0x7  }
0x26c: {  	v37 =	vor.u32 v0, v37;
	_ =	sdelay $0x3  }
0x26d: {  	[tilespmem:s9+$0x668] =	vst v36  }
0x26e: {  	v36 =	vld.idx.msk [tilespmem:v37+s26+$0x0], $0xffff;
	_ =	sdelay $0x1  }
0x26f: {  	v38 =	vor.u32 $0x1, v37;
	_ =	sdelay $0x2  }
0x270: {  	s9 =	sadd.s32 $0x10, s9  }
0x271: {  	[tilespmem:s9+$0x0] =	vst v36  }
0x272: {  	v36 =	vld.idx.msk [tilespmem:v38+s26+$0x0], $0xffff;
	_ =	sdelay $0x1  }
0x273: {  	v38 =	vor.u32 $0x2, v37;
	_ =	sdelay $0x3  }
0x274: {  	[tilespmem:s9+$0x148] =	vst v36  }
0x275: {  	v36 =	vld.idx.msk [tilespmem:v38+s26+$0x0], $0xffff;
	_ =	sdelay $0x1  }
0x276: {  	v38 =	vor.u32 $0x3, v37;
	_ =	sdelay $0x3  }
0x277: {  	[tilespmem:s9+$0x290] =	vst v36  }
0x278: {  	v36 =	vld.idx.msk [tilespmem:v38+s26+$0x0], $0xffff;
	_ =	sdelay $0x1  }
0x279: {  	v38 =	vor.u32 $0x4, v37;
	_ =	sdelay $0x3  }
0x27a: {  	[tilespmem:s9+$0x3D8] =	vst v36  }
0x27b: {  	v36 =	vld.idx.msk [tilespmem:v38+s26+$0x0], $0xffff;
	_ =	sdelay $0x1  }
0x27c: {  	v38 =	vor.u32 $0x5, v37  }
.Ltmp11:
0x27d: {  	(pc) =	sbr.rel @p0 .LBB2_24-.Ltmp11, $4  }
0x27e: {  	_ = 	snop  }
0x27f: {  	s12 =	sand.u32 $0xF0, s10;
	s10 =	smov.u32 s11  }
0x280: {  	[tilespmem:s12+$0x1900] =	vst v36  }
0x281: {  	s11 =	sadd.s32 $0x10, s11;
	v37 =	vmov s10;
	v36 =	vld.idx.msk [tilespmem:v38+s26+$0x0], $0xffff  }
0x282: {  	v37 =	vshll.u32 v37, $0x7  }
0x283: {  	v37 =	vor.u32 v0, v37;
	_ =	sdelay $0x3  }
0x284: {  	[tilespmem:s9+$0x668] =	vst v36  }
0x285: {  	v36 =	vld.idx.msk [tilespmem:v37+s26+$0x0], $0xffff  }
0x286: {  	v38 =	vor.u32 $0x1, v37;
	_ =	sdelay $0x2  }
0x287: {  	s12 =	sadd.s32 $0x10, s9  }
0x288: {  	[tilespmem:s12+$0x0] =	vst v36  }
0x289: {  	v36 =	vld.idx.msk [tilespmem:v38+s26+$0x0], $0xffff  }
0x28a: {  	v54 =	vor.u32 $0x2, v37;
	_ =	sdelay $0x3  }
0x28b: {  	[tilespmem:s12+$0x148] =	vst v36  }
0x28c: {  	v36 =	vld.idx.msk [tilespmem:v54+s26+$0x0], $0xffff  }
0x28d: {  	v55 =	vor.u32 $0x3, v37;
	_ =	sdelay $0x3  }
0x28e: {  	[tilespmem:s12+$0x290] =	vst v36  }
0x28f: {  	v36 =	vld.idx.msk [tilespmem:v55+s26+$0x0], $0xffff  }
0x290: {  	v56 =	vor.u32 $0x4, v37;
	_ =	sdelay $0x3  }
0x291: {  	[tilespmem:s12+$0x3D8] =	vst v36  }
0x292: {  	v36 =	vld.idx.msk [tilespmem:v56+s26+$0x0], $0xffff  }
0x293: {  	v37 =	vor.u32 $0x5, v37;
	_ =	sdelay $0x2  }
0x294: {  	s10 =	sand.u32 $0xF0, s10  }
0x295: {  	[tilespmem:s10+$0x1900] =	vst v36  }
0x296: {  	v36 =	vld.idx.msk [tilespmem:v37+s26+$0x0], $0xffff;
	_ =	sdelay $0x4  }
0x297: {  	[tilespmem:s12+$0x668] =	vst v36  }
0x298: {  	_ =	swait.ge [sflag:s5], $0xA400  }
0x299: {  	[sflag:s5] =	ssyncset.done $0x0  }
0x29a: {  	[sflag:s5] =	ssyncadd.s32 $0xFFFF5C00  }
0x29b: {  	_ =	swait.ge [sflag:s5], $0xA400  }
0x29c: {  	[sflag:s5] =	ssyncset.done $0x0  }
0x29d: {  	[sflag:s5] =	ssyncadd.s32 $0xFFFF5C00  }
0x29e: {  	_ =	swait.ge [sflag:s5], $0xA400  }
0x29f: {  	[sflag:s5] =	ssyncset.done $0x0  }
0x2a0: {  	s9 =	simm.s32 $0x0;
	[sflag:s5] =	ssyncadd.s32 $0xFFFF5C00  }
0x2a1: {  	[hbm4b:s19+s9] =	stream.linear.scatter [tilespmem:s0], [sflag:$0x6], $0xA400, $0x38;
	[tilespmem:$0x1C000] =	vst v63  }
0x2a2: {  	_ =	swait.ge [sflag:s31], $0xA400  }
0x2a3: {  	[sflag:s31] =	ssyncset.done $0x0  }
0x2a4: {  	[sflag:s31] =	ssyncadd.s32 $0xFFFF5C00  }
0x2a5: {  	_ =	swait.ge [sflag:s6], $0xA400  }
0x2a6: {  	[sflag:s6] =	ssyncset.done $0x0  }
0x2a7: {  	s11 =	simm.s32 $0x1338;
	[sflag:s6] =	ssyncadd.s32 $0xFFFF5C00  }
0x2a8: {  	[tilespmem:s0], [sflag:$0x2] =	stream.indirect.gather [hbm4b:s1+s29], $0x80, s11, s29, $0xb8;
	[tilespmem:$0x1C000] =	vst v63  }
0x2a9: {  	s12 =	simm.s32 $0xE18  }
0x2aa: {  	[tilespmem:s30], [sflag:$0x3] =	stream.indirect.gather.add.f32 [hbm:s1], $0x80, s12, s29, $0xb8;
	[tilespmem:$0x1C000] =	vst v63  }
0x2ab: {  	s11 =	simm.s32 $0xF60  }
0x2ac: {  	[tilespmem:s30], [sflag:$0x3] =	stream.indirect.gather.add.f32 [hbm:s1], $0x80, s11, s29, $0xb8;
	[tilespmem:$0x1C000] =	vst v63  }
0x2ad: {  	s12 =	simm.s32 $0x10A8  }
0x2ae: {  	[tilespmem:s30], [sflag:$0x3] =	stream.indirect.gather.add.f32 [hbm:s1], $0x80, s12, s29, $0xb8;
	[tilespmem:$0x1C000] =	vst v63  }
0x2af: {  	v57 =	vmov s9;
	s11 =	simm.s32 $0x11F0  }
0x2b0: {  	v36 =	vshll.u32 v57, $0x7;
	[tilespmem:s30], [sflag:$0x3] =	stream.indirect.gather.add.f32 [hbm:s1], $0x80, s11, s29, $0xb8;
	[tilespmem:$0x1C000] =	vst v63  }
0x2b1: {  	v36 =	vor.u32 v0, v36  }
0x2b2: {  	[tilespmem:s26], [sflag:$0x7] =	stream.linear.gather [hbm4b:s20+s9], $0x5400, $0x38;
	[tilespmem:$0x1C000] =	vst v63  }
0x2b3: {  	_ =	swait.ge [sflag:s28], $0x5400  }
0x2b4: {  	[sflag:s28] =	ssyncset.done $0x0  }
0x2b5: {  	[sflag:s28] =	ssyncadd.s32 $0xFFFFAC00  }
0x2b6: {  	v58 =	vld.idx.msk [tilespmem:v36+s26+$0x0], $0xffff  }
0x2b7: {  	v59 =	vor.u32 $0x1, v36;
	_ =	sdelay $0x2  }
0x2b8: {  	s9 =	simm.s32 $0x1AE8  }
0x2b9: {  	[tilespmem:s9+$0x0] =	vst v58  }
0x2ba: {  	v37 =	vld.idx.msk [tilespmem:v59+s26+$0x0], $0xffff  }
0x2bb: {  	v60 =	vor.u32 $0x2, v36;
	_ =	sdelay $0x3  }
0x2bc: {  	[tilespmem:s9+$0x148] =	vst v37  }
0x2bd: {  	v37 =	vld.idx.msk [tilespmem:v60+s26+$0x0], $0xffff  }
0x2be: {  	v61 =	vor.u32 $0x3, v36;
	_ =	sdelay $0x3  }
0x2bf: {  	[tilespmem:s9+$0x290] =	vst v37  }
0x2c0: {  	v37 =	vld.idx.msk [tilespmem:v61+s26+$0x0], $0xffff  }
0x2c1: {  	v62 =	vor.u32 $0x4, v36;
	_ =	sdelay $0x3  }
0x2c2: {  	[tilespmem:s9+$0x3D8] =	vst v37  }
0x2c3: {  	v37 =	vld.idx.msk [tilespmem:v62+s26+$0x0], $0xffff  }
0x2c4: {  	v63 =	vor.u32 $0x5, v36;
	_ =	sdelay $0x3  }
0x2c5: {  	[tilespmem:s9+$0x520] =	vst v37  }
0x2c6: {  	v37 =	vld.idx.msk [tilespmem:v63+s26+$0x0], $0xffff  }
0x2c7: {  	v36 =	vor.u32 $0x6, v36;
	_ =	sdelay $0x3  }
0x2c8: {  	s12 =	simm.s32 $0x10;
	[tilespmem:s9+$0x668] =	vst v37  }
0x2c9: {  	s10 =	simm.s32 $0x20;
	v37 =	vmov s12;
	v36 =	vld.idx.msk [tilespmem:v36+s26+$0x0], $0xffff  }
.LBB2_26:
0x2ca: {  	p0 =	sne.s32 s10, $0x90;
	v37 =	vshll.u32 v37, $0x7  }
0x2cb: {  	v37 =	vor.u32 v0, v37;
	_ =	sdelay $0x3  }
0x2cc: {  	[tilespmem:s9+$0x7B0] =	vst v36  }
0x2cd: {  	v36 =	vld.idx.msk [tilespmem:v37+s26+$0x0], $0xffff;
	_ =	sdelay $0x1  }
0x2ce: {  	v38 =	vor.u32 $0x1, v37;
	_ =	sdelay $0x2  }
0x2cf: {  	s9 =	sadd.s32 $0x10, s9  }
0x2d0: {  	[tilespmem:s9+$0x0] =	vst v36  }
0x2d1: {  	v36 =	vld.idx.msk [tilespmem:v38+s26+$0x0], $0xffff;
	_ =	sdelay $0x1  }
0x2d2: {  	v38 =	vor.u32 $0x2, v37;
	_ =	sdelay $0x3  }
0x2d3: {  	[tilespmem:s9+$0x148] =	vst v36  }
0x2d4: {  	v36 =	vld.idx.msk [tilespmem:v38+s26+$0x0], $0xffff;
	_ =	sdelay $0x1  }
0x2d5: {  	v38 =	vor.u32 $0x3, v37;
	_ =	sdelay $0x3  }
0x2d6: {  	[tilespmem:s9+$0x290] =	vst v36  }
0x2d7: {  	v36 =	vld.idx.msk [tilespmem:v38+s26+$0x0], $0xffff;
	_ =	sdelay $0x1  }
0x2d8: {  	v38 =	vor.u32 $0x4, v37;
	_ =	sdelay $0x3  }
0x2d9: {  	[tilespmem:s9+$0x3D8] =	vst v36  }
0x2da: {  	v36 =	vld.idx.msk [tilespmem:v38+s26+$0x0], $0xffff;
	_ =	sdelay $0x1  }
0x2db: {  	v38 =	vor.u32 $0x5, v37;
	_ =	sdelay $0x3  }
0x2dc: {  	[tilespmem:s9+$0x520] =	vst v36  }
0x2dd: {  	v36 =	vld.idx.msk [tilespmem:v38+s26+$0x0], $0xffff;
	_ =	sdelay $0x1  }
0x2de: {  	v38 =	vor.u32 $0x6, v37  }
.Ltmp12:
0x2df: {  	(pc) =	sbr.rel @p0 .LBB2_26-.Ltmp12, $3  }
0x2e0: {  	_ =	sdelay $0x1  }
0x2e1: {  	[tilespmem:s9+$0x668] =	vst v36  }
0x2e2: {  	v37 =	vmov s10;
	s10 =	sadd.s32 $0x10, s10;
	v36 =	vld.idx.msk [tilespmem:v38+s26+$0x0], $0xffff  }
0x2e3: {  	v37 =	vshll.u32 v37, $0x7  }
0x2e4: {  	v37 =	vor.u32 v0, v37;
	_ =	sdelay $0x3  }
0x2e5: {  	[tilespmem:s9+$0x7B0] =	vst v36  }
0x2e6: {  	v36 =	vld.idx.msk [tilespmem:v37+s26+$0x0], $0xffff  }
0x2e7: {  	v38 =	vor.u32 $0x1, v37;
	_ =	sdelay $0x2  }
0x2e8: {  	s11 =	sadd.s32 $0x10, s9  }
0x2e9: {  	[tilespmem:s11+$0x0] =	vst v36  }
0x2ea: {  	v36 =	vld.idx.msk [tilespmem:v38+s26+$0x0], $0xffff  }
0x2eb: {  	v53 =	vor.u32 $0x2, v37;
	_ =	sdelay $0x3  }
0x2ec: {  	[tilespmem:s11+$0x148] =	vst v36  }
0x2ed: {  	v36 =	vld.idx.msk [tilespmem:v53+s26+$0x0], $0xffff  }
0x2ee: {  	v54 =	vor.u32 $0x3, v37;
	_ =	sdelay $0x3  }
0x2ef: {  	[tilespmem:s11+$0x290] =	vst v36  }
0x2f0: {  	v36 =	vld.idx.msk [tilespmem:v54+s26+$0x0], $0xffff  }
0x2f1: {  	v55 =	vor.u32 $0x4, v37;
	_ =	sdelay $0x3  }
0x2f2: {  	[tilespmem:s11+$0x3D8] =	vst v36  }
0x2f3: {  	v36 =	vld.idx.msk [tilespmem:v55+s26+$0x0], $0xffff  }
0x2f4: {  	v56 =	vor.u32 $0x5, v37;
	_ =	sdelay $0x3  }
0x2f5: {  	[tilespmem:s11+$0x520] =	vst v36  }
0x2f6: {  	v36 =	vld.idx.msk [tilespmem:v56+s26+$0x0], $0xffff  }
0x2f7: {  	v37 =	vor.u32 $0x6, v37;
	_ =	sdelay $0x3  }
0x2f8: {  	[tilespmem:s11+$0x668] =	vst v36  }
0x2f9: {  	v36 =	vld.idx.msk [tilespmem:v37+s26+$0x0], $0xffff;
	_ =	sdelay $0x4  }
0x2fa: {  	[tilespmem:s11+$0x7B0] =	vst v36  }
0x2fb: {  	v36 =	vld.idx.msk [tilespmem:v1+s26+$0x0], $0xff;
	_ =	sdelay $0x3  }
0x2fc: {  	s12 =	simm.s32 $0x0  }
0x2fd: {  	[tilespmem:v28+s12+$0x0] =	vst.idx.msk $0xff, v36  }
0x2fe: {  	v36 =	vld.idx.msk [tilespmem:v4+s26+$0x0], $0xff;
	_ =	sdelay $0x4  }
0x2ff: {  	[tilespmem:v29+s12+$0x0] =	vst.idx.msk $0xff, v36  }
0x300: {  	v36 =	vld.idx.msk [tilespmem:v8+s26+$0x0], $0xff;
	_ =	sdelay $0x4  }
0x301: {  	[tilespmem:v30+s12+$0x0] =	vst.idx.msk $0xff, v36  }
0x302: {  	v36 =	vld.idx.msk [tilespmem:v13+s26+$0x0], $0xff;
	_ =	sdelay $0x4  }
0x303: {  	[tilespmem:v31+s12+$0x0] =	vst.idx.msk $0xff, v36  }
0x304: {  	v36 =	vld.idx.msk [tilespmem:v19+s26+$0x0], $0xff;
	_ =	sdelay $0x4  }
0x305: {  	[tilespmem:v32+s12+$0x0] =	vst.idx.msk $0xff, v36  }
0x306: {  	v36 =	vld.idx.msk [tilespmem:v26+s26+$0x0], $0xff;
	_ =	sdelay $0x4  }
0x307: {  	[tilespmem:v33+s12+$0x0] =	vst.idx.msk $0xff, v36  }
0x308: {  	v36 =	vld.idx.msk [tilespmem:v34+s26+$0x0], $0xff;
	_ =	sdelay $0x2  }
0x309: {  	v57 =	vmov s12  }
0x30a: {  	v37 =	vshll.u32 v57, $0x7  }
0x30b: {  	v58 =	vor.u32 v0, v37;
	[tilespmem:v35+s12+$0x0] =	vst.idx.msk $0xff, v36  }
0x30c: {  	[tilespmem:s26], [sflag:$0x7] =	stream.linear.gather [hbm4b:s21+s12], $0x5000, $0x38;
	[tilespmem:$0x1C000] =	vst v63  }
0x30d: {  	_ =	swait.ge [sflag:s28], $0x5000  }
0x30e: {  	[sflag:s28] =	ssyncset.done $0x0  }
0x30f: {  	[sflag:s28] =	ssyncadd.s32 $0xFFFFB000  }
0x310: {  	v37 =	vld.idx.msk [tilespmem:v58+s26+$0x0], $0xffff  }
0x311: {  	v59 =	vor.u32 $0x1, v58;
	_ =	sdelay $0x2  }
0x312: {  	s9 =	simm.s32 $0x1B90  }
0x313: {  	[tilespmem:s9+$0x0] =	vst v37  }
0x314: {  	v37 =	vld.idx.msk [tilespmem:v59+s26+$0x0], $0xffff  }
0x315: {  	v60 =	vor.u32 $0x2, v58;
	_ =	sdelay $0x3  }
0x316: {  	[tilespmem:s9+$0x148] =	vst v37  }
0x317: {  	v37 =	vld.idx.msk [tilespmem:v60+s26+$0x0], $0xffff  }
0x318: {  	v61 =	vor.u32 $0x3, v58;
	_ =	sdelay $0x3  }
0x319: {  	[tilespmem:s9+$0x290] =	vst v37  }
0x31a: {  	v37 =	vld.idx.msk [tilespmem:v61+s26+$0x0], $0xffff  }
0x31b: {  	v62 =	vor.u32 $0x4, v58;
	_ =	sdelay $0x3  }
0x31c: {  	[tilespmem:s9+$0x3D8] =	vst v37  }
0x31d: {  	v37 =	vld.idx.msk [tilespmem:v62+s26+$0x0], $0xffff  }
0x31e: {  	v63 =	vor.u32 $0x5, v58;
	_ =	sdelay $0x3  }
0x31f: {  	[tilespmem:s9+$0x520] =	vst v37  }
0x320: {  	v37 =	vld.idx.msk [tilespmem:v63+s26+$0x0], $0xffff  }
0x321: {  	v36 =	vor.u32 $0x6, v58;
	_ =	sdelay $0x3  }
0x322: {  	s10 =	simm.s32 $0x10;
	[tilespmem:s9+$0x668] =	vst v37  }
0x323: {  	v37 =	vmov s10;
	s10 =	simm.s32 $0x20;
	v36 =	vld.idx.msk [tilespmem:v36+s26+$0x0], $0xffff  }
.LBB2_28:
0x324: {  	p0 =	sne.s32 s10, $0x90;
	v37 =	vshll.u32 v37, $0x7  }
0x325: {  	v37 =	vor.u32 v0, v37;
	_ =	sdelay $0x3  }
0x326: {  	[tilespmem:s9+$0x7B0] =	vst v36  }
0x327: {  	v36 =	vld.idx.msk [tilespmem:v37+s26+$0x0], $0xffff;
	_ =	sdelay $0x1  }
0x328: {  	v38 =	vor.u32 $0x1, v37;
	_ =	sdelay $0x2  }
0x329: {  	s9 =	sadd.s32 $0x10, s9  }
0x32a: {  	[tilespmem:s9+$0x0] =	vst v36  }
0x32b: {  	v36 =	vld.idx.msk [tilespmem:v38+s26+$0x0], $0xffff;
	_ =	sdelay $0x1  }
0x32c: {  	v38 =	vor.u32 $0x2, v37;
	_ =	sdelay $0x3  }
0x32d: {  	[tilespmem:s9+$0x148] =	vst v36  }
0x32e: {  	v36 =	vld.idx.msk [tilespmem:v38+s26+$0x0], $0xffff;
	_ =	sdelay $0x1  }
0x32f: {  	v38 =	vor.u32 $0x3, v37;
	_ =	sdelay $0x3  }
0x330: {  	[tilespmem:s9+$0x290] =	vst v36  }
0x331: {  	v36 =	vld.idx.msk [tilespmem:v38+s26+$0x0], $0xffff;
	_ =	sdelay $0x1  }
0x332: {  	v38 =	vor.u32 $0x4, v37;
	_ =	sdelay $0x3  }
0x333: {  	[tilespmem:s9+$0x3D8] =	vst v36  }
0x334: {  	v36 =	vld.idx.msk [tilespmem:v38+s26+$0x0], $0xffff;
	_ =	sdelay $0x1  }
0x335: {  	v38 =	vor.u32 $0x5, v37;
	_ =	sdelay $0x3  }
0x336: {  	[tilespmem:s9+$0x520] =	vst v36  }
0x337: {  	v36 =	vld.idx.msk [tilespmem:v38+s26+$0x0], $0xffff;
	_ =	sdelay $0x1  }
0x338: {  	v38 =	vor.u32 $0x6, v37  }
.Ltmp13:
0x339: {  	(pc) =	sbr.rel @p0 .LBB2_28-.Ltmp13, $3  }
0x33a: {  	_ =	sdelay $0x1  }
0x33b: {  	[tilespmem:s9+$0x668] =	vst v36  }
0x33c: {  	v37 =	vmov s10;
	s10 =	sadd.s32 $0x10, s10;
	v36 =	vld.idx.msk [tilespmem:v38+s26+$0x0], $0xffff  }
0x33d: {  	v37 =	vshll.u32 v37, $0x7  }
0x33e: {  	v37 =	vor.u32 v0, v37;
	_ =	sdelay $0x3  }
0x33f: {  	[tilespmem:s9+$0x7B0] =	vst v36  }
0x340: {  	v36 =	vld.idx.msk [tilespmem:v37+s26+$0x0], $0xffff  }
0x341: {  	v38 =	vor.u32 $0x1, v37;
	_ =	sdelay $0x2  }
0x342: {  	s12 =	sadd.s32 $0x10, s9  }
0x343: {  	[tilespmem:s12+$0x0] =	vst v36  }
0x344: {  	v36 =	vld.idx.msk [tilespmem:v38+s26+$0x0], $0xffff  }
0x345: {  	v60 =	vor.u32 $0x2, v37;
	_ =	sdelay $0x3  }
0x346: {  	[tilespmem:s12+$0x148] =	vst v36  }
0x347: {  	v36 =	vld.idx.msk [tilespmem:v60+s26+$0x0], $0xffff  }
0x348: {  	v61 =	vor.u32 $0x3, v37;
	_ =	sdelay $0x3  }
0x349: {  	[tilespmem:s12+$0x290] =	vst v36  }
0x34a: {  	v36 =	vld.idx.msk [tilespmem:v61+s26+$0x0], $0xffff  }
0x34b: {  	v62 =	vor.u32 $0x4, v37;
	_ =	sdelay $0x3  }
0x34c: {  	[tilespmem:s12+$0x3D8] =	vst v36  }
0x34d: {  	v36 =	vld.idx.msk [tilespmem:v62+s26+$0x0], $0xffff  }
0x34e: {  	v63 =	vor.u32 $0x5, v37;
	_ =	sdelay $0x3  }
0x34f: {  	[tilespmem:s12+$0x520] =	vst v36  }
0x350: {  	v36 =	vld.idx.msk [tilespmem:v63+s26+$0x0], $0xffff  }
0x351: {  	v37 =	vor.u32 $0x6, v37;
	_ =	sdelay $0x3  }
0x352: {  	[tilespmem:s12+$0x668] =	vst v36  }
0x353: {  	v36 =	vld.idx.msk [tilespmem:v37+s26+$0x0], $0xffff;
	_ =	sdelay $0x4  }
0x354: {  	[tilespmem:s12+$0x7B0] =	vst v36  }
0x355: {  	_ =	swait.ge [sflag:s7], $0xA400  }
0x356: {  	[sflag:s7] =	ssyncset.done $0x0  }
0x357: {  	[sflag:s7] =	ssyncadd.s32 $0xFFFF5C00  }
0x358: {  	_ =	swait.ge [sflag:s7], $0xA400  }
0x359: {  	[sflag:s7] =	ssyncset.done $0x0  }
0x35a: {  	[sflag:s7] =	ssyncadd.s32 $0xFFFF5C00  }
0x35b: {  	_ =	swait.ge [sflag:s7], $0xA400  }
0x35c: {  	[sflag:s7] =	ssyncset.done $0x0  }
0x35d: {  	[sflag:s7] =	ssyncadd.s32 $0xFFFF5C00  }
0x35e: {  	_ =	swait.ge [sflag:s7], $0xA400  }
0x35f: {  	[sflag:s7] =	ssyncset.done $0x0  }
0x360: {  	[sflag:s7] =	ssyncadd.s32 $0xFFFF5C00  }
0x361: {  	[hbm4b:s22+s2] =	stream.linear.scatter [tilespmem:s30], [sflag:$0x5], $0xA400, $0x38;
	[tilespmem:$0x1C000] =	vst v63  }
0x362: {  	_ =	swait.ge [sflag:s3], $0xA400  }
0x363: {  	[sflag:s3] =	ssyncset.done $0x0  }
0x364: {  	[sflag:s3] =	ssyncadd.s32 $0xFFFF5C00  }
0x365: {  	_ =	swait.ge [sflag:s4], $0xA400  }
0x366: {  	[sflag:s4] =	ssyncset.done $0x0  }
0x367: {  	s10 =	simm.s32 $0x1AE8;
	[sflag:s4] =	ssyncadd.s32 $0xFFFF5C00  }
0x368: {  	[tilespmem:s30], [sflag:$0x1] =	stream.indirect.gather [hbm4b:s1+s29], $0x80, s10, s29, $0xb8;
	[tilespmem:$0x1C000] =	vst v63  }
0x369: {  	s11 =	simm.s32 $0x1480  }
0x36a: {  	[tilespmem:s0], [sflag:$0x4] =	stream.indirect.gather.add.f32 [hbm:s1], $0x80, s11, s29, $0xb8;
	[tilespmem:$0x1C000] =	vst v63  }
0x36b: {  	s12 =	simm.s32 $0x15C8  }
0x36c: {  	[tilespmem:s0], [sflag:$0x4] =	stream.indirect.gather.add.f32 [hbm:s1], $0x80, s12, s29, $0xb8;
	[tilespmem:$0x1C000] =	vst v63  }
0x36d: {  	s10 =	simm.s32 $0x1710  }
0x36e: {  	[tilespmem:s0], [sflag:$0x4] =	stream.indirect.gather.add.f32 [hbm:s1], $0x80, s10, s29, $0xb8;
	[tilespmem:$0x1C000] =	vst v63  }
0x36f: {  	s11 =	simm.s32 $0x1858  }
0x370: {  	[tilespmem:s0], [sflag:$0x4] =	stream.indirect.gather.add.f32 [hbm:s1], $0x80, s11, s29, $0xb8;
	[tilespmem:$0x1C000] =	vst v63  }
0x371: {  	s12 =	simm.s32 $0x19A0  }
0x372: {  	[tilespmem:s0], [sflag:$0x4] =	stream.indirect.gather.add.f32 [hbm:s1], $0x80, s12, s29, $0xb8;
	[tilespmem:$0x1C000] =	vst v63  }
0x373: {  	_ =	swait.ge [sflag:s5], $0xA400  }
0x374: {  	[sflag:s5] =	ssyncset.done $0x0  }
0x375: {  	[sflag:s5] =	ssyncadd.s32 $0xFFFF5C00  }
0x376: {  	_ =	swait.ge [sflag:s5], $0xA400  }
0x377: {  	[sflag:s5] =	ssyncset.done $0x0  }
0x378: {  	[sflag:s5] =	ssyncadd.s32 $0xFFFF5C00  }
0x379: {  	_ =	swait.ge [sflag:s5], $0xA400  }
0x37a: {  	[sflag:s5] =	ssyncset.done $0x0  }
0x37b: {  	[sflag:s5] =	ssyncadd.s32 $0xFFFF5C00  }
0x37c: {  	_ =	swait.ge [sflag:s5], $0xA400  }
0x37d: {  	[sflag:s5] =	ssyncset.done $0x0  }
0x37e: {  	[sflag:s5] =	ssyncadd.s32 $0xFFFF5C00  }
0x37f: {  	_ =	swait.ge [sflag:s5], $0xA400  }
0x380: {  	[sflag:s5] =	ssyncset.done $0x0  }
0x381: {  	[sflag:s5] =	ssyncadd.s32 $0xFFFF5C00  }
0x382: {  	[hbm4b:s23+s2] =	stream.linear.scatter [tilespmem:s0], [sflag:$0x6], $0xA400, $0x38;
	[tilespmem:$0x1C000] =	vst v63  }
0x383: {  	_ =	swait.ge [sflag:s31], $0xA400  }
0x384: {  	[sflag:s31] =	ssyncset.done $0x0  }
0x385: {  	s10 =	simm.s32 $0x1C30;
	[sflag:s31] =	ssyncadd.s32 $0xFFFF5C00  }
0x386: {  	[tilespmem:s30], [sflag:$0x3] =	stream.indirect.gather.add.f32 [hbm:s1], $0x80, s10, s29, $0xb8;
	[tilespmem:$0x1C000] =	vst v63  }
0x387: {  	s11 =	simm.s32 $0x1D78  }
0x388: {  	[tilespmem:s30], [sflag:$0x3] =	stream.indirect.gather.add.f32 [hbm:s1], $0x80, s11, s29, $0xb8;
	[tilespmem:$0x1C000] =	vst v63  }
0x389: {  	s12 =	simm.s32 $0x1EC0  }
0x38a: {  	[tilespmem:s30], [sflag:$0x3] =	stream.indirect.gather.add.f32 [hbm:s1], $0x80, s12, s29, $0xb8;
	[tilespmem:$0x1C000] =	vst v63  }
0x38b: {  	s10 =	simm.s32 $0x2008  }
0x38c: {  	[tilespmem:s30], [sflag:$0x3] =	stream.indirect.gather.add.f32 [hbm:s1], $0x80, s10, s29, $0xb8;
	[tilespmem:$0x1C000] =	vst v63  }
0x38d: {  	s11 =	simm.s32 $0x2150  }
0x38e: {  	[tilespmem:s30], [sflag:$0x3] =	stream.indirect.gather.add.f32 [hbm:s1], $0x80, s11, s29, $0xb8;
	[tilespmem:$0x1C000] =	vst v63  }
0x38f: {  	s12 =	simm.s32 $0x2298  }
0x390: {  	[tilespmem:s30], [sflag:$0x3] =	stream.indirect.gather.add.f32 [hbm:s1], $0x80, s12, s29, $0xb8;
	[tilespmem:$0x1C000] =	vst v63  }
0x391: {  	_ =	swait.ge [sflag:s7], $0xA400  }
0x392: {  	[sflag:s7] =	ssyncset.done $0x0  }
0x393: {  	[sflag:s7] =	ssyncadd.s32 $0xFFFF5C00  }
0x394: {  	_ =	swait.ge [sflag:s7], $0xA400  }
0x395: {  	[sflag:s7] =	ssyncset.done $0x0  }
0x396: {  	[sflag:s7] =	ssyncadd.s32 $0xFFFF5C00  }
0x397: {  	_ =	swait.ge [sflag:s7], $0xA400  }
0x398: {  	[sflag:s7] =	ssyncset.done $0x0  }
0x399: {  	[sflag:s7] =	ssyncadd.s32 $0xFFFF5C00  }
0x39a: {  	_ =	swait.ge [sflag:s7], $0xA400  }
0x39b: {  	[sflag:s7] =	ssyncset.done $0x0  }
0x39c: {  	[sflag:s7] =	ssyncadd.s32 $0xFFFF5C00  }
0x39d: {  	_ =	swait.ge [sflag:s7], $0xA400  }
0x39e: {  	[sflag:s7] =	ssyncset.done $0x0  }
0x39f: {  	[sflag:s7] =	ssyncadd.s32 $0xFFFF5C00  }
0x3a0: {  	_ =	swait.ge [sflag:s7], $0xA400  }
0x3a1: {  	[sflag:s7] =	ssyncset.done $0x0  }
0x3a2: {  	s8 =	sadd.s32 $0x1, s8;
	[sflag:s7] =	ssyncadd.s32 $0xFFFF5C00  }
0x3a3: {  	[hbm4b:s24+s2] =	stream.linear.scatter [tilespmem:s30], [sflag:$0x5], $0xA400, $0x38;
	[tilespmem:$0x1C000] =	vst v63  }
0x3a4: {  	p0 =	sne.s32 s8, s25;
	_ =	swait.ge [sflag:s6], $0xA400  }
.Ltmp14:
0x3a5: {  	[sflag:s6] =	ssyncset.done $0x0;
	(pc) =	sbr.rel @p0 .LBB2_1-.Ltmp14, $4  }
0x3a6: {  	[sflag:s6] =	ssyncadd.s32 $0xFFFF5C00  }
0x3a7: {  	_ =	swait.ge [sflag:s4], $0xA400  }
0x3a8: {  	[sflag:s4] =	ssyncset.done $0x0  }
0x3a9: {  	[sflag:s4] =	ssyncadd.s32 $0xFFFF5C00  }
0x3aa: {  	_ =	sfence.sel $0x180000  }
0x3ab: {  	[bflag:$0x0] =	sbarrier.arrive $0xFFFF  }
0x3ac: {  	_ =	strace $0x90000047  }
0x3ad: {  	s0 =	stileid.u32;
	[bflag:$0x2] =	sbarrier.arrive $0xFFFF  }
0x3ae: {  	p0 =	sne.s32 s0, $0x0;
	s0 =	rddreg [dreg:$0x2]  }
0x3af: {  	s0 =	sadd.s32 @!p0 $0x100000, s0  }
0x3b0: {  	[sflag:s0] =	ssyncadd.tile.s32 @!p0 $0x1;
	_ =	shalt  }
.Lfunc_end2:
_tile_overlayer_lowered:
.L_overlay_start_2:
0x3b1: {  	(tag) =	ssettag $0x2  }
0x3b2: {  	s0 =	rddreg [dreg:$0x0];
	s2 =	stileid.u32  }
0x3b3: {  	s1 =	rddreg [dreg:$0x1];
	p0 =	sne.s32 s2, $0x0  }
0x3b4: {  	s3 =	rddreg [dreg:$0x2];
	[bflag:$0x3] =	sbarrier.arrive $0xFFFF;
	s2 =	simm.s32 @!p0 $0x1C07  }
0x3b5: {  	[timem:s3], [sflag:s2] =	dma.local @!p0 [hbm:s0], s1  }
0x3b6: {  	s0 =	simm.s32 @!p0 $0x7  }
0x3b7: {  	_ =	swait.ge @!p0 [sflag:s0], s1  }
0x3b8: {  	s1 =	ssub.s32 @!p0 $0x0, s1;
	[sflag:s0] =	ssyncset.done @!p0 $0x0  }
0x3b9: {  	[sflag:s0] =	ssyncadd.s32 @!p0 s1  }
0x3ba: {  	[bflag:$0x3] =	sbarrier.arrive $0xFFFF  }
0x3bb: {  	_ =	shalt  }

</sc_bundles>
